<compile_context>
chip_gen: v7x
topology: tpu7x:2x2x1
jax: 0.10.2.dev20260603
libtpu: 0.0.44.dev20260713+nightly
codegen_flags: <defaults>
</compile_context>

<pallas_src>
import functools

import jax
import jax.numpy as jnp
import numpy as np
from jax import lax
from jax.experimental import pallas as pl
from jax.experimental.pallas import tpu as pltpu
from jax.experimental.pallas import tpu_sc as plsc

NN = 100000
EE = 1600000
NSC = 100352
EP = 1638400
CB = 128
NCH = 400
TROWS = NSC // 16
HH = 16
RMAX = 5.0
PP = 6.0
PREF = float(np.sqrt(2.0 / RMAX))
C1 = (PP + 1.0) * (PP + 2.0) / 2.0
C2 = PP * (PP + 2.0)
C3 = PP * (PP + 1.0) / 2.0
BE = 2048
BN = 512

_MESH = plsc.VectorSubcoreMesh(core_axis_name="c", subcore_axis_name="s")
_f32 = jnp.float32



def _worker(c, s):
    return s * 2 + c


@functools.partial(
    pl.kernel, mesh=_MESH,
    compiler_params=pltpu.CompilerParams(use_tc_tiling_on_sc=False),
    out_type=jax.ShapeDtypeStruct((EP, 16), _f32),
    scratch_types=[
        pltpu.VMEM((CB,), jnp.int32), pltpu.VMEM((CB,), jnp.int32),
        pltpu.VMEM((CB, 16), _f32), pltpu.VMEM((CB, 16), _f32),
        pltpu.VMEM((CB, 16), _f32),
        pltpu.SemaphoreType.DMA, pltpu.SemaphoreType.DMA,
    ],
)
def _sc_edge_vec(pos16, srcE, dstE, out, si, di, ps, pd, dv, sem1, sem2):
    w = _worker(lax.axis_index("c"), lax.axis_index("s"))
    base = w * (NCH * CB)

    def chunk(g, _):
        o = base + g * CB
        pltpu.sync_copy(srcE.at[pl.ds(o, CB)], si)
        pltpu.sync_copy(dstE.at[pl.ds(o, CB)], di)
        cp1 = pltpu.async_copy(pos16.at[si], ps, sem1)
        cp2 = pltpu.async_copy(pos16.at[di], pd, sem2)
        cp1.wait()
        cp2.wait()

        def sub(t, _):
            for k in range(8):
                i = t * 8 + k
                dv[i, :] = pd[i, :] - ps[i, :]
            return 0

        lax.fori_loop(0, CB // 8, sub, 0)
        pltpu.sync_copy(dv, out.at[pl.ds(o, CB)])
        return 0

    lax.fori_loop(0, NCH, chunk, 0)


def _zero_spmem(zb, spm, s):
    def zrow(t, _):
        for k in range(8):
            zb[t * 8 + k, :] = jnp.zeros((16,), _f32)
        return 0

    lax.fori_loop(0, CB // 8, zrow, 0)

    def zslice(k, _):
        pltpu.sync_copy(zb, spm.at[pl.ds(s * TROWS + k * CB, CB)])
        return 0

    lax.fori_loop(0, TROWS // CB, zslice, 0)


def _writeout(spm, out, c, s):
    def wr(k, _):
        r0 = s * TROWS + k * CB
        pltpu.sync_copy(spm.at[pl.ds(r0, CB)], out.at[c, pl.ds(r0, CB)])
        return 0

    lax.fori_loop(0, TROWS // CB, wr, 0)


@functools.partial(
    pl.kernel, mesh=_MESH,
    compiler_params=pltpu.CompilerParams(use_tc_tiling_on_sc=False),
    out_type=jax.ShapeDtypeStruct((2, NSC, 16), _f32),
    scratch_types=[
        pltpu.VMEM((CB,), jnp.int32), pltpu.VMEM((CB,), jnp.int32),
        pltpu.VMEM((CB, 16), _f32), pltpu.VMEM((CB, 16), _f32),
        pltpu.VMEM((CB, 16), _f32), pltpu.VMEM((CB, 16), _f32),
        pltpu.VMEM_SHARED((NSC, 16), _f32),
        pltpu.SemaphoreType.DMA,
    ],
)
def _sc_msg_agg(filt2, h2, srcE, dstE, out,
                si, di, hg, ft, ms, zb, spm, sem1):
    c = lax.axis_index("c")
    s = lax.axis_index("s")
    w = _worker(c, s)
    _zero_spmem(zb, spm, s)
    plsc.subcore_barrier()
    base = w * (NCH * CB)

    def chunk(g, _):
        o = base + g * CB
        pltpu.sync_copy(srcE.at[pl.ds(o, CB)], si)
        pltpu.sync_copy(dstE.at[pl.ds(o, CB)], di)
        pltpu.async_copy(h2.at[c].at[si], hg, sem1).wait()
        pltpu.sync_copy(filt2.at[c, pl.ds(o, CB)], ft)

        def mul(t, _):
            for k in range(8):
                i = t * 8 + k
                ms[i, :] = hg[i, :] * ft[i, :]
            return 0

        lax.fori_loop(0, CB // 8, mul, 0)
        pltpu.sync_copy(ms, spm.at[di], add=True)
        return 0

    lax.fori_loop(0, NCH, chunk, 0)
    plsc.subcore_barrier()
    _writeout(spm, out, c, s)


def _sc_edge_bwd_body(with_scatter, filt2, dg2, h2, srcE, dstE,
                      outs, scratch):
    if with_scatter:
        (dhc_out, df_out) = outs
        (si, di, dm, hg, ft, dh, df, zb, spm, sem1, sem2) = scratch
    else:
        (df_out,) = outs
        (si, di, dm, hg, ft, df, sem1, sem2) = scratch
    c = lax.axis_index("c")
    s = lax.axis_index("s")
    w = _worker(c, s)
    if with_scatter:
        _zero_spmem(zb, spm, s)
        plsc.subcore_barrier()
    base = w * (NCH * CB)

    def chunk(g, _):
        o = base + g * CB
        pltpu.sync_copy(srcE.at[pl.ds(o, CB)], si)
        pltpu.sync_copy(dstE.at[pl.ds(o, CB)], di)
        cp1 = pltpu.async_copy(dg2.at[c].at[di], dm, sem1)
        cp2 = pltpu.async_copy(h2.at[c].at[si], hg, sem2)
        cp1.wait()
        cp2.wait()
        pltpu.sync_copy(filt2.at[c, pl.ds(o, CB)], ft)

        if with_scatter:
            def mul(t, _):
                for k in range(8):
                    i = t * 8 + k
                    dh[i, :] = dm[i, :] * ft[i, :]
                    df[i, :] = dm[i, :] * hg[i, :]
                return 0
        else:
            def mul(t, _):
                for k in range(8):
                    i = t * 8 + k
                    df[i, :] = dm[i, :] * hg[i, :]
                return 0

        lax.fori_loop(0, CB // 8, mul, 0)
        if with_scatter:
            pltpu.sync_copy(dh, spm.at[si], add=True)
        pltpu.sync_copy(df, df_out.at[c, pl.ds(o, CB)])
        return 0

    lax.fori_loop(0, NCH, chunk, 0)
    if with_scatter:
        plsc.subcore_barrier()
        _writeout(spm, dhc_out, c, s)


@functools.partial(
    pl.kernel, mesh=_MESH,
    compiler_params=pltpu.CompilerParams(use_tc_tiling_on_sc=False),
    out_type=(jax.ShapeDtypeStruct((2, NSC, 16), _f32),
              jax.ShapeDtypeStruct((2, EP, 16), _f32)),
    scratch_types=[
        pltpu.VMEM((CB,), jnp.int32), pltpu.VMEM((CB,), jnp.int32),
        pltpu.VMEM((CB, 16), _f32), pltpu.VMEM((CB, 16), _f32),
        pltpu.VMEM((CB, 16), _f32), pltpu.VMEM((CB, 16), _f32),
        pltpu.VMEM((CB, 16), _f32), pltpu.VMEM((CB, 16), _f32),
        pltpu.VMEM_SHARED((NSC, 16), _f32),
        pltpu.SemaphoreType.DMA, pltpu.SemaphoreType.DMA,
    ],
)
def _sc_edge_bwd2(filt2, dg2, h2, srcE, dstE, dhc_out, df_out,
                  si, di, dm, hg, ft, dh, df, zb, spm, sem1, sem2):
    _sc_edge_bwd_body(True, filt2, dg2, h2, srcE, dstE, (dhc_out, df_out),
                      (si, di, dm, hg, ft, dh, df, zb, spm, sem1, sem2))


@functools.partial(
    pl.kernel, mesh=_MESH,
    compiler_params=pltpu.CompilerParams(use_tc_tiling_on_sc=False),
    out_type=jax.ShapeDtypeStruct((2, EP, 16), _f32),
    scratch_types=[
        pltpu.VMEM((CB,), jnp.int32), pltpu.VMEM((CB,), jnp.int32),
        pltpu.VMEM((CB, 16), _f32), pltpu.VMEM((CB, 16), _f32),
        pltpu.VMEM((CB, 16), _f32), pltpu.VMEM((CB, 16), _f32),
        pltpu.SemaphoreType.DMA, pltpu.SemaphoreType.DMA,
    ],
)
def _sc_edge_bwd1(filt2, dg2, h2, srcE, dstE, df_out,
                  si, di, dm, hg, ft, df, sem1, sem2):
    _sc_edge_bwd_body(False, filt2, dg2, h2, srcE, dstE, (df_out,),
                      (si, di, dm, hg, ft, df, sem1, sem2))


@functools.partial(
    pl.kernel, mesh=_MESH,
    compiler_params=pltpu.CompilerParams(use_tc_tiling_on_sc=False),
    out_type=jax.ShapeDtypeStruct((2, NSC, 16), _f32),
    scratch_types=[
        pltpu.VMEM((CB,), jnp.int32), pltpu.VMEM((CB,), jnp.int32),
        pltpu.VMEM((CB, 16), _f32), pltpu.VMEM((CB, 16), _f32),
        pltpu.VMEM((CB, 16), _f32),
        pltpu.VMEM_SHARED((NSC, 16), _f32),
    ],
)
def _sc_force_scatter(dvp, dvm, srcE, dstE, out, si, di, bp, bm, zb, spm):
    c = lax.axis_index("c")
    s = lax.axis_index("s")
    w = _worker(c, s)
    _zero_spmem(zb, spm, s)
    plsc.subcore_barrier()
    base = w * (NCH * CB)

    def chunk(g, _):
        o = base + g * CB
        pltpu.sync_copy(srcE.at[pl.ds(o, CB)], si)
        pltpu.sync_copy(dstE.at[pl.ds(o, CB)], di)
        pltpu.sync_copy(dvp.at[pl.ds(o, CB)], bp)
        pltpu.sync_copy(dvm.at[pl.ds(o, CB)], bm)
        pltpu.sync_copy(bp, spm.at[si], add=True)
        pltpu.sync_copy(bm, spm.at[di], add=True)
        return 0

    lax.fori_loop(0, NCH, chunk, 0)
    plsc.subcore_barrier()
    _writeout(spm, out, c, s)



def _radial_parts(v):
    vx = v[0:1, :]
    vy = v[1:2, :]
    vz = v[2:3, :]
    r2 = vx * vx + vy * vy + vz * vz + 1e-12
    r = jnp.sqrt(r2)
    rinv = 1.0 / r
    nrow = lax.broadcasted_iota(jnp.int32, (8, 1), 0).astype(_f32) + 1.0
    a = nrow * (np.pi / RMAX)
    ar = a * r
    sar = jnp.sin(ar)
    x = r * (1.0 / RMAX)
    x2 = x * x
    x4 = x2 * x2
    x5 = x4 * x
    x6 = x5 * x
    x7 = x6 * x
    x8 = x7 * x
    inside = x < 1.0
    env = jnp.where(inside, 1.0 - C1 * x6 + C2 * x7 - C3 * x8, 0.0)
    denv = jnp.where(inside,
                     (-6.0 * C1 * x5 + 7.0 * C2 * x6 - 8.0 * C3 * x7)
                     * (1.0 / RMAX), 0.0)
    b = PREF * sar * rinv
    return v, r, rinv, a, ar, sar, env, denv, b


def _tc_filters_body(vecT_ref, w1t_ref, w2t_ref, f1_ref, f2_ref):
    _, _, rinv, _, _, _, env, _, b = _radial_parts(vecT_ref[...])
    j = pl.program_id(0)
    eids = lax.broadcasted_iota(jnp.int32, (1, BE), 1) + j * BE
    valid = jnp.where(eids < EE, 1.0, 0.0).astype(_f32)
    radial = b * env * valid
    f1_ref[...] = jnp.dot(w1t_ref[...], radial, preferred_element_type=_f32)
    f2_ref[...] = jnp.dot(w2t_ref[...], radial, preferred_element_type=_f32)


_tc_filters = pl.pallas_call(
    _tc_filters_body,
    grid=(EP // BE,),
    in_specs=[
        pl.BlockSpec((16, BE), lambda j: (0, j)),
        pl.BlockSpec((32, 8), lambda j: (0, 0)),
        pl.BlockSpec((32, 8), lambda j: (0, 0)),
    ],
    out_specs=[
        pl.BlockSpec((32, BE), lambda j: (0, j)),
        pl.BlockSpec((32, BE), lambda j: (0, j)),
    ],
    out_shape=[
        jax.ShapeDtypeStruct((32, EP), _f32),
        jax.ShapeDtypeStruct((32, EP), _f32),
    ],
)


def _tc_dvec_body(vecT_ref, df1t_ref, df2t_ref, w1_ref, w2_ref,
                  dvp_ref, dvm_ref):
    v, _, rinv, a, ar, sar, env, denv, b = _radial_parts(vecT_ref[...])
    car = jnp.cos(ar)
    db = PREF * (a * car - sar * rinv) * rinv
    ddr = db * env + b * denv
    dr1 = jnp.dot(w1_ref[...], df1t_ref[...], preferred_element_type=_f32)
    dr2 = jnp.dot(w2_ref[...], df2t_ref[...], preferred_element_type=_f32)
    gr = jnp.sum((dr1 + dr2) * ddr, axis=0, keepdims=True)
    sc = gr * rinv
    dv3 = sc * v[0:3, :]
    out = jnp.concatenate([dv3, jnp.zeros((13, BE), _f32)], axis=0)
    dvp_ref[...] = out
    dvm_ref[...] = -out


_tc_dvec = pl.pallas_call(
    _tc_dvec_body,
    grid=(EP // BE,),
    in_specs=[
        pl.BlockSpec((16, BE), lambda j: (0, j)),
        pl.BlockSpec((32, BE), lambda j: (0, j)),
        pl.BlockSpec((32, BE), lambda j: (0, j)),
        pl.BlockSpec((8, 32), lambda j: (0, 0)),
        pl.BlockSpec((8, 32), lambda j: (0, 0)),
    ],
    out_specs=[
        pl.BlockSpec((16, BE), lambda j: (0, j)),
        pl.BlockSpec((16, BE), lambda j: (0, j)),
    ],
    out_shape=[
        jax.ShapeDtypeStruct((16, EP), _f32),
        jax.ShapeDtypeStruct((16, EP), _f32),
    ],
)


def _onehot(z_block):
    cols = lax.broadcasted_iota(jnp.int32, (1, 4), 1)
    return jnp.where(z_block == cols, 1.0, 0.0).astype(_f32)


def _tc_h0_body(z_ref, tt_ref, lo_ref, hi_ref):
    oh = _onehot(z_ref[...])
    h0 = jnp.dot(oh, tt_ref[...], preferred_element_type=_f32)
    lo_ref[...] = h0[:, :16]
    hi_ref[...] = h0[:, 16:]


_tc_h0 = pl.pallas_call(
    _tc_h0_body,
    grid=(NSC // BN,),
    in_specs=[
        pl.BlockSpec((BN, 1), lambda i: (i, 0)),
        pl.BlockSpec((4, 32), lambda i: (0, 0)),
    ],
    out_specs=[
        pl.BlockSpec((BN, 16), lambda i: (i, 0)),
        pl.BlockSpec((BN, 16), lambda i: (i, 0)),
    ],
    out_shape=[
        jax.ShapeDtypeStruct((NSC, 16), _f32),
        jax.ShapeDtypeStruct((NSC, 16), _f32),
    ],
)


def _silu_and_grad(pre):
    sg = jax.nn.sigmoid(pre)
    return pre * sg, sg * (1.0 + pre * (1.0 - sg))


def _tc_node_fwd_body(alo_ref, ahi_ref, hlo_ref, hhi_ref, ws_ref, wk_ref,
                      h1lo_ref, h1hi_ref, pre_ref):
    agg = jnp.concatenate([alo_ref[...], ahi_ref[...]], axis=1)
    h = jnp.concatenate([hlo_ref[...], hhi_ref[...]], axis=1)
    pre = (jnp.dot(agg, ws_ref[...], preferred_element_type=_f32)
           + jnp.dot(h, wk_ref[...], preferred_element_type=_f32))
    h1, _ = _silu_and_grad(pre)
    pre_ref[...] = pre
    h1lo_ref[...] = h1[:, :16]
    h1hi_ref[...] = h1[:, 16:]


_tc_node_fwd = pl.pallas_call(
    _tc_node_fwd_body,
    grid=(NSC // BN,),
    in_specs=[
        pl.BlockSpec((BN, 16), lambda i: (i, 0)),
        pl.BlockSpec((BN, 16), lambda i: (i, 0)),
        pl.BlockSpec((BN, 16), lambda i: (i, 0)),
        pl.BlockSpec((BN, 16), lambda i: (i, 0)),
        pl.BlockSpec((32, 32), lambda i: (0, 0)),
        pl.BlockSpec((32, 32), lambda i: (0, 0)),
    ],
    out_specs=[
        pl.BlockSpec((BN, 16), lambda i: (i, 0)),
        pl.BlockSpec((BN, 16), lambda i: (i, 0)),
        pl.BlockSpec((BN, 32), lambda i: (i, 0)),
    ],
    out_shape=[
        jax.ShapeDtypeStruct((NSC, 16), _f32),
        jax.ShapeDtypeStruct((NSC, 16), _f32),
        jax.ShapeDtypeStruct((NSC, 32), _f32),
    ],
)


def _tc_node_top_body(alo_ref, ahi_ref, hlo_ref, hhi_ref, z_ref,
                      ws_ref, wk_ref, wst_ref, wkt_ref, woutr_ref, sc_ref,
                      dglo_ref, dghi_ref, dhs_ref):
    agg = jnp.concatenate([alo_ref[...], ahi_ref[...]], axis=1)
    h1 = jnp.concatenate([hlo_ref[...], hhi_ref[...]], axis=1)
    pre2 = (jnp.dot(agg, ws_ref[...], preferred_element_type=_f32)
            + jnp.dot(h1, wk_ref[...], preferred_element_type=_f32))
    oh = _onehot(z_ref[...])
    sz = jnp.dot(oh, sc_ref[...], preferred_element_type=_f32)
    g2 = sz * woutr_ref[...]
    _, sg = _silu_and_grad(pre2)
    d2 = g2 * sg
    dagg2 = jnp.dot(d2, wst_ref[...], preferred_element_type=_f32)
    dhs_ref[...] = jnp.dot(d2, wkt_ref[...], preferred_element_type=_f32)
    dglo_ref[...] = dagg2[:, :16]
    dghi_ref[...] = dagg2[:, 16:]


_tc_node_top = pl.pallas_call(
    _tc_node_top_body,
    grid=(NSC // BN,),
    in_specs=[
        pl.BlockSpec((BN, 16), lambda i: (i, 0)),
        pl.BlockSpec((BN, 16), lambda i: (i, 0)),
        pl.BlockSpec((BN, 16), lambda i: (i, 0)),
        pl.BlockSpec((BN, 16), lambda i: (i, 0)),
        pl.BlockSpec((BN, 1), lambda i: (i, 0)),
        pl.BlockSpec((32, 32), lambda i: (0, 0)),
        pl.BlockSpec((32, 32), lambda i: (0, 0)),
        pl.BlockSpec((32, 32), lambda i: (0, 0)),
        pl.BlockSpec((32, 32), lambda i: (0, 0)),
        pl.BlockSpec((1, 32), lambda i: (0, 0)),
        pl.BlockSpec((4, 1), lambda i: (0, 0)),
    ],
    out_specs=[
        pl.BlockSpec((BN, 16), lambda i: (i, 0)),
        pl.BlockSpec((BN, 16), lambda i: (i, 0)),
        pl.BlockSpec((BN, 32), lambda i: (i, 0)),
    ],
    out_shape=[
        jax.ShapeDtypeStruct((NSC, 16), _f32),
        jax.ShapeDtypeStruct((NSC, 16), _f32),
        jax.ShapeDtypeStruct((NSC, 32), _f32),
    ],
)


def _tc_node_bwd1_body(dhs_ref, dclo_ref, dchi_ref, pre_ref, wst_ref,
                       dglo_ref, dghi_ref):
    dh1 = dhs_ref[...] + jnp.concatenate([dclo_ref[...], dchi_ref[...]],
                                         axis=1)
    pre1 = pre_ref[...]
    _, sg = _silu_and_grad(pre1)
    d1 = dh1 * sg
    dagg1 = jnp.dot(d1, wst_ref[...], preferred_element_type=_f32)
    dglo_ref[...] = dagg1[:, :16]
    dghi_ref[...] = dagg1[:, 16:]


_tc_node_bwd1 = pl.pallas_call(
    _tc_node_bwd1_body,
    grid=(NSC // BN,),
    in_specs=[
        pl.BlockSpec((BN, 32), lambda i: (i, 0)),
        pl.BlockSpec((BN, 16), lambda i: (i, 0)),
        pl.BlockSpec((BN, 16), lambda i: (i, 0)),
        pl.BlockSpec((BN, 32), lambda i: (i, 0)),
        pl.BlockSpec((32, 32), lambda i: (0, 0)),
    ],
    out_specs=[
        pl.BlockSpec((BN, 16), lambda i: (i, 0)),
        pl.BlockSpec((BN, 16), lambda i: (i, 0)),
    ],
    out_shape=[
        jax.ShapeDtypeStruct((NSC, 16), _f32),
        jax.ShapeDtypeStruct((NSC, 16), _f32),
    ],
)


def _tc_combine_body(f0_ref, f1_ref, out_ref):
    tot = f0_ref[...] + f1_ref[...]
    out_ref[...] = tot[:, 0:3]


_tc_combine = pl.pallas_call(
    _tc_combine_body,
    grid=(NSC // BN,),
    in_specs=[
        pl.BlockSpec((BN, 16), lambda i: (i, 0)),
        pl.BlockSpec((BN, 16), lambda i: (i, 0)),
    ],
    out_specs=pl.BlockSpec((BN, 3), lambda i: (i, 0)),
    out_shape=jax.ShapeDtypeStruct((NN, 3), _f32),
)



def kernel(pos, atomic_numbers, edge_index, type_table, Wr1, Wself1, Wskip1,
           Wr2, Wself2, Wskip2, Wout, scale, shift):
    pos16 = jnp.pad(pos, ((0, 0), (0, 13)))
    srcE = jnp.pad(edge_index[0], (0, EP - EE))
    dstE = jnp.pad(edge_index[1], (0, EP - EE))
    zi = jnp.pad(atomic_numbers.astype(jnp.int32), (0, NSC - NN))
    zi = zi.reshape(NSC, 1)
    w1t = Wr1.T
    w2t = Wr2.T
    ws1t = Wself1.T
    ws2t = Wself2.T
    wk2t = Wskip2.T
    woutr = Wout[:, 0].reshape(1, 32)
    scol = scale.reshape(4, 1)

    vec16 = _sc_edge_vec(pos16, srcE, dstE)
    vecT = vec16.T

    f1T, f2T = _tc_filters(vecT, w1t, w2t)
    f1s = jnp.stack([f1T[:16, :].T, f1T[16:, :].T])
    f2s = jnp.stack([f2T[:16, :].T, f2T[16:, :].T])

    h0lo, h0hi = _tc_h0(zi, type_table)
    h0s = jnp.stack([h0lo, h0hi])

    agg1 = _sc_msg_agg(f1s, h0s, srcE, dstE)
    h1lo, h1hi, pre1 = _tc_node_fwd(agg1[0], agg1[1], h0lo, h0hi,
                                    Wself1, Wskip1)
    h1s = jnp.stack([h1lo, h1hi])

    agg2 = _sc_msg_agg(f2s, h1s, srcE, dstE)
    dg2lo, dg2hi, dh1s = _tc_node_top(agg2[0], agg2[1], h1lo, h1hi, zi,
                                      Wself2, Wskip2, ws2t, wk2t,
                                      woutr, scol)
    dg2s = jnp.stack([dg2lo, dg2hi])

    dhc, df2 = _sc_edge_bwd2(f2s, dg2s, h1s, srcE, dstE)

    dg1lo, dg1hi = _tc_node_bwd1(dh1s, dhc[0], dhc[1], pre1, ws1t)
    dg1s = jnp.stack([dg1lo, dg1hi])

    df1 = _sc_edge_bwd1(f1s, dg1s, h0s, srcE, dstE)

    df1T = jnp.concatenate([df1[0].T, df1[1].T], axis=0)
    df2T = jnp.concatenate([df2[0].T, df2[1].T], axis=0)
    dvpT, dvmT = _tc_dvec(vecT, df1T, df2T, Wr1, Wr2)

    fparts = _sc_force_scatter(dvpT.T, dvmT.T, srcE, dstE)

    return _tc_combine(fparts[0], fparts[1])

# --- scband reference (transcript-rebuilt; emitter-appended) ---
"""Pipeline reference for scband-score-model-37572373905745 (READ-ONLY COPY).

The authoritative reference and input builder live on the scoring server;
editing this copy changes nothing except your own understanding.
"""

import jax, jax.numpy as jnp
import numpy as np

N = 100000
E = 1600000
H = 32
NB = 8
NT = 4
RMAX = 5.0
P = 6.0


def setup_inputs(seed: int = 0) -> dict:
    key = jax.random.key(seed)
    ks = jax.random.split(key, 12)
    pos = jax.random.uniform(ks[0], (N, 3), dtype=jnp.float32) * 6.0
    atomic_numbers = jax.random.randint(ks[1], (N,), 0, NT)
    edge_index = jax.random.randint(ks[2], (2, E), 0, N)
    type_table = jax.random.normal(ks[3], (NT, H), jnp.float32) * 0.1
    Wr1 = jax.random.normal(ks[4], (NB, H), jnp.float32) * 0.1
    Wself1 = jax.random.normal(ks[5], (H, H), jnp.float32) / np.sqrt(H)
    Wskip1 = jax.random.normal(ks[6], (H, H), jnp.float32) / np.sqrt(H)
    Wr2 = jax.random.normal(ks[7], (NB, H), jnp.float32) * 0.1
    Wself2 = jax.random.normal(ks[8], (H, H), jnp.float32) / np.sqrt(H)
    Wskip2 = jax.random.normal(ks[9], (H, H), jnp.float32) / np.sqrt(H)
    Wout = jax.random.normal(ks[10], (H, 1), jnp.float32) * 0.1
    scale = jnp.ones((NT,), jnp.float32)
    shift = jnp.zeros((NT,), jnp.float32)
    return {"pos": pos, "atomic_numbers": atomic_numbers, "edge_index": edge_index,
            "type_table": type_table, "Wr1": Wr1, "Wself1": Wself1, "Wskip1": Wskip1,
            "Wr2": Wr2, "Wself2": Wself2, "Wskip2": Wskip2, "Wout": Wout,
            "scale": scale, "shift": shift}


def _bessel_env(r):
    n = jnp.arange(1, NB + 1, dtype=jnp.float32)
    rr = jnp.clip(r[:, None], 1e-6, None)
    b = jnp.sqrt(2.0 / RMAX) * jnp.sin(n[None, :] * jnp.pi * rr / RMAX) / rr
    x = r / RMAX
    env = (1.0 - ((P + 1.0) * (P + 2.0) / 2.0) * x ** P
           + P * (P + 2.0) * x ** (P + 1.0)
           - (P * (P + 1.0) / 2.0) * x ** (P + 2.0))
    env = jnp.where(x < 1.0, env, 0.0)
    return b * env[:, None]


def _energy(pos, type_table, Wr1, Wself1, Wskip1, Wr2, Wself2, Wskip2, Wout, scale, shift, Z, edge_index):
    src = edge_index[0]
    dst = edge_index[1]
    vec = pos[dst] - pos[src]
    r = jnp.sqrt(jnp.sum(vec * vec, axis=-1) + 1e-12)
    radial = _bessel_env(r)
    h = type_table[Z]
    for (Wr, Ws, Wk) in ((Wr1, Wself1, Wskip1), (Wr2, Wself2, Wskip2)):
        filt = radial @ Wr
        msg = h[src] * filt
        agg = jax.ops.segment_sum(msg, dst, num_segments=N)
        h = jax.nn.silu(agg @ Ws + h @ Wk)
    e_atom = (h @ Wout)[:, 0] * scale[Z] + shift[Z]
    return jnp.sum(e_atom)


def reference(pos, atomic_numbers, edge_index, type_table, Wr1, Wself1, Wskip1, Wr2, Wself2, Wskip2, Wout, scale, shift):
    # NequIP-style score model: per-atom forces = -dE/dpos
    forces = -jax.grad(_energy, argnums=0)(pos, type_table, Wr1, Wself1, Wskip1,
                                           Wr2, Wself2, Wskip2, Wout, scale, shift,
                                           atomic_numbers, edge_index)
    return forces

if __name__ == "__main__":
    import jax
    _d = setup_inputs()
    print(jax.jit(kernel)(*tuple(_d.values())))

</pallas_src>

<mosaic_0001>
#map = affine_map<(d0, d1) -> (0, 0)>
#map1 = affine_map<(d0, d1) -> (0)>
module attributes {stable_mosaic.version = 14 : i64} {
  func.func @_sc_edge_vec(%arg0: i32, %arg1: i32, %arg2: memref<100000x16xf32, #tpu.memory_space<hbm>>, %arg3: memref<1638400xi32, #tpu.memory_space<hbm>>, %arg4: memref<1638400xi32, #tpu.memory_space<hbm>>, %arg5: memref<1638400x16xf32, #tpu.memory_space<hbm>>, %arg6: memref<128xi32, #tpu.memory_space<vmem>>, %arg7: memref<128xi32, #tpu.memory_space<vmem>>, %arg8: memref<128x16xf32, #tpu.memory_space<vmem>>, %arg9: memref<128x16xf32, #tpu.memory_space<vmem>>, %arg10: memref<128x16xf32, #tpu.memory_space<vmem>>, %arg11: memref<!tpu.dma_semaphore, #tpu.memory_space<semaphore_mem>>, %arg12: memref<!tpu.dma_semaphore, #tpu.memory_space<semaphore_mem>>) attributes {dimension_semantics = [#tpu.dimension_semantics<core_parallel>, #tpu.dimension_semantics<subcore_parallel>], iteration_bounds = array<i64: 2, 16>, scalar_prefetch = 0 : i64, scratch_operands = 7 : i64, tpu.core_type = #tpu.core_type<sc_vector_subcore>, window_params = [{transform_indices = #map}, {transform_indices = #map1}, {transform_indices = #map1}, {transform_indices = #map}]} {
    %mul3A = arith.constant 2 : i32
    %mul3A_0 = arith.muli %arg1, %mul3A : i32
    %add3A = arith.addi %mul3A_0, %arg0 : i32
    %mul3A_1 = arith.constant 51200 : i32
    %mul3A_2 = arith.muli %add3A, %mul3A_1 : i32
    %scan3A = arith.constant 0 : i32
    %scan3A_3 = arith.constant 0 : i32
    %scan3A_4 = arith.constant 400 : i32
    %scan3A_5 = arith.addi %scan3A_3, %scan3A_4 : i32
    %scan3A_6 = arith.constant 1 : i32
    %scan3A_7 = scf.for %scan3A_9 = %scan3A_3 to %scan3A_5 step %scan3A_6 iter_args(%scan3A_10 = %scan3A) -> (i32)  : i32 {
      %mul3A_11 = arith.constant 128 : i32
      %mul3A_12 = arith.muli %scan3A_9, %mul3A_11 : i32
      %add3A_13 = arith.addi %mul3A_2, %mul3A_12 : i32
      "tpu.region"() ({
        %run_scoped3A = tpu.sem_alloc : memref<!tpu.dma_semaphore, #tpu.memory_space<semaphore_mem>>
        %dma_start3A_32 = tpu.memref_slice %arg3[%add3A_13] : memref<1638400xi32, #tpu.memory_space<hbm>> -> memref<128xi32, #tpu.memory_space<hbm>>
        %dma_start3A_33 = tpu.memref_slice %arg3[%add3A_13] : memref<1638400xi32, #tpu.memory_space<hbm>> -> memref<128xi32, #tpu.memory_space<hbm>>
        tpu.enqueue_dma source(%dma_start3A_33 : memref<128xi32, #tpu.memory_space<hbm>>) target(%arg6 : memref<128xi32, #tpu.memory_space<vmem>>) target_semaphore(%run_scoped3A : memref<!tpu.dma_semaphore, #tpu.memory_space<semaphore_mem>>)
        %dma_wait3A_34 = tpu.memref_slice %arg3[%add3A_13] : memref<1638400xi32, #tpu.memory_space<hbm>> -> memref<128xi32, #tpu.memory_space<hbm>>
        %dma_wait3A_35 = tpu.memref_slice %arg3[%add3A_13] : memref<1638400xi32, #tpu.memory_space<hbm>> -> memref<128xi32, #tpu.memory_space<hbm>>
        tpu.wait_dma2 semaphore(%run_scoped3A : memref<!tpu.dma_semaphore, #tpu.memory_space<semaphore_mem>>) src(%dma_wait3A_35 : memref<128xi32, #tpu.memory_space<hbm>>) dst(%arg6 : memref<128xi32, #tpu.memory_space<vmem>>)
        tpu.yield
      }) : () -> ()
      "tpu.region"() ({
        %run_scoped3A = tpu.sem_alloc : memref<!tpu.dma_semaphore, #tpu.memory_space<semaphore_mem>>
        %dma_start3A_32 = tpu.memref_slice %arg4[%add3A_13] : memref<1638400xi32, #tpu.memory_space<hbm>> -> memref<128xi32, #tpu.memory_space<hbm>>
        %dma_start3A_33 = tpu.memref_slice %arg4[%add3A_13] : memref<1638400xi32, #tpu.memory_space<hbm>> -> memref<128xi32, #tpu.memory_space<hbm>>
        tpu.enqueue_dma source(%dma_start3A_33 : memref<128xi32, #tpu.memory_space<hbm>>) target(%arg7 : memref<128xi32, #tpu.memory_space<vmem>>) target_semaphore(%run_scoped3A : memref<!tpu.dma_semaphore, #tpu.memory_space<semaphore_mem>>)
        %dma_wait3A_34 = tpu.memref_slice %arg4[%add3A_13] : memref<1638400xi32, #tpu.memory_space<hbm>> -> memref<128xi32, #tpu.memory_space<hbm>>
        %dma_wait3A_35 = tpu.memref_slice %arg4[%add3A_13] : memref<1638400xi32, #tpu.memory_space<hbm>> -> memref<128xi32, #tpu.memory_space<hbm>>
        tpu.wait_dma2 semaphore(%run_scoped3A : memref<!tpu.dma_semaphore, #tpu.memory_space<semaphore_mem>>) src(%dma_wait3A_35 : memref<128xi32, #tpu.memory_space<hbm>>) dst(%arg7 : memref<128xi32, #tpu.memory_space<vmem>>)
        tpu.yield
      }) : () -> ()
      %dma_start3A = arith.constant 0 : i32
      %dma_start3A_14 = arith.constant 0 : i32
      %dma_start3A_15 = tpu.memref_slice %arg2[%dma_start3A, %dma_start3A_14] : memref<100000x16xf32, #tpu.memory_space<hbm>> -> memref<100000x16xf32, #tpu.memory_space<hbm>>
      tpu.enqueue_indirect_dma source(%dma_start3A_15 : memref<100000x16xf32, #tpu.memory_space<hbm>>) target(%arg8 : memref<128x16xf32, #tpu.memory_space<vmem>>) offsets(%arg6 : memref<128xi32, #tpu.memory_space<vmem>>) semaphore(%arg11 : memref<!tpu.dma_semaphore, #tpu.memory_space<semaphore_mem>>)
      %dma_start3A_16 = arith.constant 0 : i32
      %dma_start3A_17 = arith.constant 0 : i32
      %dma_start3A_18 = tpu.memref_slice %arg2[%dma_start3A_16, %dma_start3A_17] : memref<100000x16xf32, #tpu.memory_space<hbm>> -> memref<100000x16xf32, #tpu.memory_space<hbm>>
      tpu.enqueue_indirect_dma source(%dma_start3A_18 : memref<100000x16xf32, #tpu.memory_space<hbm>>) target(%arg9 : memref<128x16xf32, #tpu.memory_space<vmem>>) offsets(%arg7 : memref<128xi32, #tpu.memory_space<vmem>>) semaphore(%arg12 : memref<!tpu.dma_semaphore, #tpu.memory_space<semaphore_mem>>)
      %dma_wait3A = arith.constant 0 : i32
      %dma_wait3A_19 = arith.constant 0 : i32
      %dma_wait3A_20 = tpu.memref_slice %arg2[%dma_wait3A, %dma_wait3A_19] : memref<100000x16xf32, #tpu.memory_space<hbm>> -> memref<100000x16xf32, #tpu.memory_space<hbm>>
      tpu.wait_indirect_dma semaphore(%arg11 : memref<!tpu.dma_semaphore, #tpu.memory_space<semaphore_mem>>) src(%dma_wait3A_20 : memref<100000x16xf32, #tpu.memory_space<hbm>>) dst(%arg8 : memref<128x16xf32, #tpu.memory_space<vmem>>)
      %dma_wait3A_21 = arith.constant 0 : i32
      %dma_wait3A_22 = arith.constant 0 : i32
      %dma_wait3A_23 = tpu.memref_slice %arg2[%dma_wait3A_21, %dma_wait3A_22] : memref<100000x16xf32, #tpu.memory_space<hbm>> -> memref<100000x16xf32, #tpu.memory_space<hbm>>
      tpu.wait_indirect_dma semaphore(%arg12 : memref<!tpu.dma_semaphore, #tpu.memory_space<semaphore_mem>>) src(%dma_wait3A_23 : memref<100000x16xf32, #tpu.memory_space<hbm>>) dst(%arg9 : memref<128x16xf32, #tpu.memory_space<vmem>>)
      %scan3A_24 = arith.constant 0 : i32
      %scan3A_25 = arith.constant 0 : i32
      %scan3A_26 = arith.constant 16 : i32
      %scan3A_27 = arith.addi %scan3A_25, %scan3A_26 : i32
      %scan3A_28 = arith.constant 1 : i32
      %scan3A_29 = scf.for %scan3A_32 = %scan3A_25 to %scan3A_27 step %scan3A_28 iter_args(%scan3A_33 = %scan3A_24) -> (i32)  : i32 {
        %mul3A_34 = arith.constant 8 : i32
        %mul3A_35 = arith.muli %scan3A_32, %mul3A_34 : i32
        %add3A_36 = arith.constant 0 : i32
        %add3A_37 = arith.addi %mul3A_35, %add3A_36 : i32
        %get3A = arith.index_cast %add3A_37 : i32 to index
        %get3A_38 = arith.constant 0 : index
        %get3A_39 = tpu.vector_load %arg9[%get3A, %get3A_38] {strides = array<i32>} : memref<128x16xf32, #tpu.memory_space<vmem>>, vector<1x16xf32>,
        %get3A_40 = vector.shape_cast %get3A_39 : vector<1x16xf32> to vector<16xf32>
        %get3A_41 = arith.index_cast %add3A_37 : i32 to index
        %get3A_42 = arith.constant 0 : index
        %get3A_43 = tpu.vector_load %arg8[%get3A_41, %get3A_42] {strides = array<i32>} : memref<128x16xf32, #tpu.memory_space<vmem>>, vector<1x16xf32>,
        %get3A_44 = vector.shape_cast %get3A_43 : vector<1x16xf32> to vector<16xf32>
        %sub3A = arith.subf %get3A_40, %get3A_44 : vector<16xf32>
        %swap3A = arith.index_cast %add3A_37 : i32 to index
        %swap3A_45 = arith.constant 0 : index
        %swap3A_46 = tpu.vector_load %arg10[%swap3A, %swap3A_45] {strides = array<i32>} : memref<128x16xf32, #tpu.memory_space<vmem>>, vector<1x16xf32>,
        %swap3A_47 = vector.shape_cast %swap3A_46 : vector<1x16xf32> to vector<16xf32>
        %swap3A_48 = vector.shape_cast %sub3A : vector<16xf32> to vector<1x16xf32>
        tpu.vector_store %arg10[%swap3A, %swap3A_45], %swap3A_48 {strides = array<i32>} : memref<128x16xf32, #tpu.memory_space<vmem>>, vector<1x16xf32>,
        %mul3A_49 = arith.constant 8 : i32
        %mul3A_50 = arith.muli %scan3A_32, %mul3A_49 : i32
        %add3A_51 = arith.constant 1 : i32
        %add3A_52 = arith.addi %mul3A_50, %add3A_51 : i32
        %get3A_53 = arith.index_cast %add3A_52 : i32 to index
        %get3A_54 = arith.constant 0 : index
        %get3A_55 = tpu.vector_load %arg9[%get3A_53, %get3A_54] {strides = array<i32>} : memref<128x16xf32, #tpu.memory_space<vmem>>, vector<1x16xf32>,
        %get3A_56 = vector.shape_cast %get3A_55 : vector<1x16xf32> to vector<16xf32>
        %get3A_57 = arith.index_cast %add3A_52 : i32 to index
        %get3A_58 = arith.constant 0 : index
        %get3A_59 = tpu.vector_load %arg8[%get3A_57, %get3A_58] {strides = array<i32>} : memref<128x16xf32, #tpu.memory_space<vmem>>, vector<1x16xf32>,
        %get3A_60 = vector.shape_cast %get3A_59 : vector<1x16xf32> to vector<16xf32>
        %sub3A_61 = arith.subf %get3A_56, %get3A_60 : vector<16xf32>
        %swap3A_62 = arith.index_cast %add3A_52 : i32 to index
        %swap3A_63 = arith.constant 0 : index
        %swap3A_64 = tpu.vector_load %arg10[%swap3A_62, %swap3A_63] {strides = array<i32>} : memref<128x16xf32, #tpu.memory_space<vmem>>, vector<1x16xf32>,
        %swap3A_65 = vector.shape_cast %swap3A_64 : vector<1x16xf32> to vector<16xf32>
        %swap3A_66 = vector.shape_cast %sub3A_61 : vector<16xf32> to vector<1x16xf32>
        tpu.vector_store %arg10[%swap3A_62, %swap3A_63], %swap3A_66 {strides = array<i32>} : memref<128x16xf32, #tpu.memory_space<vmem>>, vector<1x16xf32>,
        %mul3A_67 = arith.constant 8 : i32
        %mul3A_68 = arith.muli %scan3A_32, %mul3A_67 : i32
        %add3A_69 = arith.constant 2 : i32
        %add3A_70 = arith.addi %mul3A_68, %add3A_69 : i32
        %get3A_71 = arith.index_cast %add3A_70 : i32 to index
        %get3A_72 = arith.constant 0 : index
        %get3A_73 = tpu.vector_load %arg9[%get3A_71, %get3A_72] {strides = array<i32>} : memref<128x16xf32, #tpu.memory_space<vmem>>, vector<1x16xf32>,
        %get3A_74 = vector.shape_cast %get3A_73 : vector<1x16xf32> to vector<16xf32>
        %get3A_75 = arith.index_cast %add3A_70 : i32 to index
        %get3A_76 = arith.constant 0 : index
        %get3A_77 = tpu.vector_load %arg8[%get3A_75, %get3A_76] {strides = array<i32>} : memref<128x16xf32, #tpu.memory_space<vmem>>, vector<1x16xf32>,
        %get3A_78 = vector.shape_cast %get3A_77 : vector<1x16xf32> to vector<16xf32>
        %sub3A_79 = arith.subf %get3A_74, %get3A_78 : vector<16xf32>
        %swap3A_80 = arith.index_cast %add3A_70 : i32 to index
        %swap3A_81 = arith.constant 0 : index
        %swap3A_82 = tpu.vector_load %arg10[%swap3A_80, %swap3A_81] {strides = array<i32>} : memref<128x16xf32, #tpu.memory_space<vmem>>, vector<1x16xf32>,
        %swap3A_83 = vector.shape_cast %swap3A_82 : vector<1x16xf32> to vector<16xf32>
        %swap3A_84 = vector.shape_cast %sub3A_79 : vector<16xf32> to vector<1x16xf32>
        tpu.vector_store %arg10[%swap3A_80, %swap3A_81], %swap3A_84 {strides = array<i32>} : memref<128x16xf32, #tpu.memory_space<vmem>>, vector<1x16xf32>,
        %mul3A_85 = arith.constant 8 : i32
        %mul3A_86 = arith.muli %scan3A_32, %mul3A_85 : i32
        %add3A_87 = arith.constant 3 : i32
        %add3A_88 = arith.addi %mul3A_86, %add3A_87 : i32
        %get3A_89 = arith.index_cast %add3A_88 : i32 to index
        %get3A_90 = arith.constant 0 : index
        %get3A_91 = tpu.vector_load %arg9[%get3A_89, %get3A_90] {strides = array<i32>} : memref<128x16xf32, #tpu.memory_space<vmem>>, vector<1x16xf32>,
        %get3A_92 = vector.shape_cast %get3A_91 : vector<1x16xf32> to vector<16xf32>
        %get3A_93 = arith.index_cast %add3A_88 : i32 to index
        %get3A_94 = arith.constant 0 : index
        %get3A_95 = tpu.vector_load %arg8[%get3A_93, %get3A_94] {strides = array<i32>} : memref<128x16xf32, #tpu.memory_space<vmem>>, vector<1x16xf32>,
        %get3A_96 = vector.shape_cast %get3A_95 : vector<1x16xf32> to vector<16xf32>
        %sub3A_97 = arith.subf %get3A_92, %get3A_96 : vector<16xf32>
        %swap3A_98 = arith.index_cast %add3A_88 : i32 to index
        %swap3A_99 = arith.constant 0 : index
        %swap3A_100 = tpu.vector_load %arg10[%swap3A_98, %swap3A_99] {strides = array<i32>} : memref<128x16xf32, #tpu.memory_space<vmem>>, vector<1x16xf32>,
        %swap3A_101 = vector.shape_cast %swap3A_100 : vector<1x16xf32> to vector<16xf32>
        %swap3A_102 = vector.shape_cast %sub3A_97 : vector<16xf32> to vector<1x16xf32>
        tpu.vector_store %arg10[%swap3A_98, %swap3A_99], %swap3A_102 {strides = array<i32>} : memref<128x16xf32, #tpu.memory_space<vmem>>, vector<1x16xf32>,
        %mul3A_103 = arith.constant 8 : i32
        %mul3A_104 = arith.muli %scan3A_32, %mul3A_103 : i32
        %add3A_105 = arith.constant 4 : i32
        %add3A_106 = arith.addi %mul3A_104, %add3A_105 : i32
        %get3A_107 = arith.index_cast %add3A_106 : i32 to index
        %get3A_108 = arith.constant 0 : index
        %get3A_109 = tpu.vector_load %arg9[%get3A_107, %get3A_108] {strides = array<i32>} : memref<128x16xf32, #tpu.memory_space<vmem>>, vector<1x16xf32>,
        %get3A_110 = vector.shape_cast %get3A_109 : vector<1x16xf32> to vector<16xf32>
        %get3A_111 = arith.index_cast %add3A_106 : i32 to index
        %get3A_112 = arith.constant 0 : index
        %get3A_113 = tpu.vector_load %arg8[%get3A_111, %get3A_112] {strides = array<i32>} : memref<128x16xf32, #tpu.memory_space<vmem>>, vector<1x16xf32>,
        %get3A_114 = vector.shape_cast %get3A_113 : vector<1x16xf32> to vector<16xf32>
        %sub3A_115 = arith.subf %get3A_110, %get3A_114 : vector<16xf32>
        %swap3A_116 = arith.index_cast %add3A_106 : i32 to index
        %swap3A_117 = arith.constant 0 : index
        %swap3A_118 = tpu.vector_load %arg10[%swap3A_116, %swap3A_117] {strides = array<i32>} : memref<128x16xf32, #tpu.memory_space<vmem>>, vector<1x16xf32>,
        %swap3A_119 = vector.shape_cast %swap3A_118 : vector<1x16xf32> to vector<16xf32>
        %swap3A_120 = vector.shape_cast %sub3A_115 : vector<16xf32> to vector<1x16xf32>
        tpu.vector_store %arg10[%swap3A_116, %swap3A_117], %swap3A_120 {strides = array<i32>} : memref<128x16xf32, #tpu.memory_space<vmem>>, vector<1x16xf32>,
        %mul3A_121 = arith.constant 8 : i32
        %mul3A_122 = arith.muli %scan3A_32, %mul3A_121 : i32
        %add3A_123 = arith.constant 5 : i32
        %add3A_124 = arith.addi %mul3A_122, %add3A_123 : i32
        %get3A_125 = arith.index_cast %add3A_124 : i32 to index
        %get3A_126 = arith.constant 0 : index
        %get3A_127 = tpu.vector_load %arg9[%get3A_125, %get3A_126] {strides = array<i32>} : memref<128x16xf32, #tpu.memory_space<vmem>>, vector<1x16xf32>,
        %get3A_128 = vector.shape_cast %get3A_127 : vector<1x16xf32> to vector<16xf32>
        %get3A_129 = arith.index_cast %add3A_124 : i32 to index
        %get3A_130 = arith.constant 0 : index
        %get3A_131 = tpu.vector_load %arg8[%get3A_129, %get3A_130] {strides = array<i32>} : memref<128x16xf32, #tpu.memory_space<vmem>>, vector<1x16xf32>,
        %get3A_132 = vector.shape_cast %get3A_131 : vector<1x16xf32> to vector<16xf32>
        %sub3A_133 = arith.subf %get3A_128, %get3A_132 : vector<16xf32>
        %swap3A_134 = arith.index_cast %add3A_124 : i32 to index
        %swap3A_135 = arith.constant 0 : index
        %swap3A_136 = tpu.vector_load %arg10[%swap3A_134, %swap3A_135] {strides = array<i32>} : memref<128x16xf32, #tpu.memory_space<vmem>>, vector<1x16xf32>,
        %swap3A_137 = vector.shape_cast %swap3A_136 : vector<1x16xf32> to vector<16xf32>
        %swap3A_138 = vector.shape_cast %sub3A_133 : vector<16xf32> to vector<1x16xf32>
        tpu.vector_store %arg10[%swap3A_134, %swap3A_135], %swap3A_138 {strides = array<i32>} : memref<128x16xf32, #tpu.memory_space<vmem>>, vector<1x16xf32>,
        %mul3A_139 = arith.constant 8 : i32
        %mul3A_140 = arith.muli %scan3A_32, %mul3A_139 : i32
        %add3A_141 = arith.constant 6 : i32
        %add3A_142 = arith.addi %mul3A_140, %add3A_141 : i32
        %get3A_143 = arith.index_cast %add3A_142 : i32 to index
        %get3A_144 = arith.constant 0 : index
        %get3A_145 = tpu.vector_load %arg9[%get3A_143, %get3A_144] {strides = array<i32>} : memref<128x16xf32, #tpu.memory_space<vmem>>, vector<1x16xf32>,
        %get3A_146 = vector.shape_cast %get3A_145 : vector<1x16xf32> to vector<16xf32>
        %get3A_147 = arith.index_cast %add3A_142 : i32 to index
        %get3A_148 = arith.constant 0 : index
        %get3A_149 = tpu.vector_load %arg8[%get3A_147, %get3A_148] {strides = array<i32>} : memref<128x16xf32, #tpu.memory_space<vmem>>, vector<1x16xf32>,
        %get3A_150 = vector.shape_cast %get3A_149 : vector<1x16xf32> to vector<16xf32>
        %sub3A_151 = arith.subf %get3A_146, %get3A_150 : vector<16xf32>
        %swap3A_152 = arith.index_cast %add3A_142 : i32 to index
        %swap3A_153 = arith.constant 0 : index
        %swap3A_154 = tpu.vector_load %arg10[%swap3A_152, %swap3A_153] {strides = array<i32>} : memref<128x16xf32, #tpu.memory_space<vmem>>, vector<1x16xf32>,
        %swap3A_155 = vector.shape_cast %swap3A_154 : vector<1x16xf32> to vector<16xf32>
        %swap3A_156 = vector.shape_cast %sub3A_151 : vector<16xf32> to vector<1x16xf32>
        tpu.vector_store %arg10[%swap3A_152, %swap3A_153], %swap3A_156 {strides = array<i32>} : memref<128x16xf32, #tpu.memory_space<vmem>>, vector<1x16xf32>,
        %mul3A_157 = arith.constant 8 : i32
        %mul3A_158 = arith.muli %scan3A_32, %mul3A_157 : i32
        %add3A_159 = arith.constant 7 : i32
        %add3A_160 = arith.addi %mul3A_158, %add3A_159 : i32
        %get3A_161 = arith.index_cast %add3A_160 : i32 to index
        %get3A_162 = arith.constant 0 : index
        %get3A_163 = tpu.vector_load %arg9[%get3A_161, %get3A_162] {strides = array<i32>} : memref<128x16xf32, #tpu.memory_space<vmem>>, vector<1x16xf32>,
        %get3A_164 = vector.shape_cast %get3A_163 : vector<1x16xf32> to vector<16xf32>
        %get3A_165 = arith.index_cast %add3A_160 : i32 to index
        %get3A_166 = arith.constant 0 : index
        %get3A_167 = tpu.vector_load %arg8[%get3A_165, %get3A_166] {strides = array<i32>} : memref<128x16xf32, #tpu.memory_space<vmem>>, vector<1x16xf32>,
        %get3A_168 = vector.shape_cast %get3A_167 : vector<1x16xf32> to vector<16xf32>
        %sub3A_169 = arith.subf %get3A_164, %get3A_168 : vector<16xf32>
        %swap3A_170 = arith.index_cast %add3A_160 : i32 to index
        %swap3A_171 = arith.constant 0 : index
        %swap3A_172 = tpu.vector_load %arg10[%swap3A_170, %swap3A_171] {strides = array<i32>} : memref<128x16xf32, #tpu.memory_space<vmem>>, vector<1x16xf32>,
        %swap3A_173 = vector.shape_cast %swap3A_172 : vector<1x16xf32> to vector<16xf32>
        %swap3A_174 = vector.shape_cast %sub3A_169 : vector<16xf32> to vector<1x16xf32>
        tpu.vector_store %arg10[%swap3A_170, %swap3A_171], %swap3A_174 {strides = array<i32>} : memref<128x16xf32, #tpu.memory_space<vmem>>, vector<1x16xf32>,
        %scan3A_175 = arith.constant 0 : i32
        scf.yield %scan3A_175 : i32
      }
      %scan3A_30 = arith.constant 16 : i32
      "tpu.region"() ({
        %run_scoped3A = tpu.sem_alloc : memref<!tpu.dma_semaphore, #tpu.memory_space<semaphore_mem>>
        %dma_start3A_32 = arith.constant 0 : i32
        %dma_start3A_33 = tpu.memref_slice %arg5[%add3A_13, %dma_start3A_32] : memref<1638400x16xf32, #tpu.memory_space<hbm>> -> memref<128x16xf32, #tpu.memory_space<hbm>>
        %dma_start3A_34 = arith.constant 0 : i32
        %dma_start3A_35 = tpu.memref_slice %arg5[%add3A_13, %dma_start3A_34] : memref<1638400x16xf32, #tpu.memory_space<hbm>> -> memref<128x16xf32, #tpu.memory_space<hbm>>
        tpu.enqueue_dma source(%arg10 : memref<128x16xf32, #tpu.memory_space<vmem>>) target(%dma_start3A_35 : memref<128x16xf32, #tpu.memory_space<hbm>>) target_semaphore(%run_scoped3A : memref<!tpu.dma_semaphore, #tpu.memory_space<semaphore_mem>>)
        %dma_wait3A_36 = arith.constant 0 : i32
        %dma_wait3A_37 = tpu.memref_slice %arg5[%add3A_13, %dma_wait3A_36] : memref<1638400x16xf32, #tpu.memory_space<hbm>> -> memref<128x16xf32, #tpu.memory_space<hbm>>
        %dma_wait3A_38 = arith.constant 0 : i32
        %dma_wait3A_39 = tpu.memref_slice %arg5[%add3A_13, %dma_wait3A_38] : memref<1638400x16xf32, #tpu.memory_space<hbm>> -> memref<128x16xf32, #tpu.memory_space<hbm>>
        tpu.wait_dma2 semaphore(%run_scoped3A : memref<!tpu.dma_semaphore, #tpu.memory_space<semaphore_mem>>) src(%arg10 : memref<128x16xf32, #tpu.memory_space<vmem>>) dst(%dma_wait3A_39 : memref<128x16xf32, #tpu.memory_space<hbm>>)
        tpu.yield
      }) : () -> ()
      %scan3A_31 = arith.constant 0 : i32
      scf.yield %scan3A_31 : i32
    }
    %scan3A_8 = arith.constant 400 : i32
    return
  }
}

#map = affine_map<(d0, d1) -> (0, 0, 0)>
#map1 = affine_map<(d0, d1) -> (0)>
module attributes {stable_mosaic.version = 14 : i64} {
  func.func @_sc_msg_agg(%arg0: i32, %arg1: i32, %arg2: memref<2x1638400x16xf32, #tpu.memory_space<hbm>>, %arg3: memref<2x100352x16xf32, #tpu.memory_space<hbm>>, %arg4: memref<1638400xi32, #tpu.memory_space<hbm>>, %arg5: memref<1638400xi32, #tpu.memory_space<hbm>>, %arg6: memref<2x100352x16xf32, #tpu.memory_space<hbm>>, %arg7: memref<128xi32, #tpu.memory_space<vmem>>, %arg8: memref<128xi32, #tpu.memory_space<vmem>>, %arg9: memref<128x16xf32, #tpu.memory_space<vmem>>, %arg10: memref<128x16xf32, #tpu.memory_space<vmem>>, %arg11: memref<128x16xf32, #tpu.memory_space<vmem>>, %arg12: memref<128x16xf32, #tpu.memory_space<vmem>>, %arg13: memref<100352x16xf32, #tpu.memory_space<vmem_shared>>, %arg14: memref<!tpu.dma_semaphore, #tpu.memory_space<semaphore_mem>>) attributes {dimension_semantics = [#tpu.dimension_semantics<core_parallel>, #tpu.dimension_semantics<subcore_parallel>], iteration_bounds = array<i64: 2, 16>, scalar_prefetch = 0 : i64, scratch_operands = 8 : i64, tpu.core_type = #tpu.core_type<sc_vector_subcore>, window_params = [{transform_indices = #map}, {transform_indices = #map}, {transform_indices = #map1}, {transform_indices = #map1}, {transform_indices = #map}]} {
    %mul3A = arith.constant 2 : i32
    %mul3A_0 = arith.muli %arg1, %mul3A : i32
    %add3A = arith.addi %mul3A_0, %arg0 : i32
    %scan3A = arith.constant 0 : i32
    %scan3A_1 = arith.constant 0 : i32
    %scan3A_2 = arith.constant 16 : i32
    %scan3A_3 = arith.addi %scan3A_1, %scan3A_2 : i32
    %scan3A_4 = arith.constant 1 : i32
    %scan3A_5 = scf.for %scan3A_31 = %scan3A_1 to %scan3A_3 step %scan3A_4 iter_args(%scan3A_32 = %scan3A) -> (i32)  : i32 {
      %broadcast_in_dim3A = arith.constant 0.000000e+00 : f32
      %broadcast_in_dim3A_33 = vector.broadcast %broadcast_in_dim3A : f32 to vector<16xf32>
      %mul3A_34 = arith.constant 8 : i32
      %mul3A_35 = arith.muli %scan3A_31, %mul3A_34 : i32
      %add3A_36 = arith.constant 0 : i32
      %add3A_37 = arith.addi %mul3A_35, %add3A_36 : i32
      %swap3A = arith.index_cast %add3A_37 : i32 to index
      %swap3A_38 = arith.constant 0 : index
      %swap3A_39 = tpu.vector_load %arg12[%swap3A, %swap3A_38] {strides = array<i32>} : memref<128x16xf32, #tpu.memory_space<vmem>>, vector<1x16xf32>,
      %swap3A_40 = vector.shape_cast %swap3A_39 : vector<1x16xf32> to vector<16xf32>
      %swap3A_41 = vector.shape_cast %broadcast_in_dim3A_33 : vector<16xf32> to vector<1x16xf32>
      tpu.vector_store %arg12[%swap3A, %swap3A_38], %swap3A_41 {strides = array<i32>} : memref<128x16xf32, #tpu.memory_space<vmem>>, vector<1x16xf32>,
      %broadcast_in_dim3A_42 = arith.constant 0.000000e+00 : f32
      %broadcast_in_dim3A_43 = vector.broadcast %broadcast_in_dim3A_42 : f32 to vector<16xf32>
      %mul3A_44 = arith.constant 8 : i32
      %mul3A_45 = arith.muli %scan3A_31, %mul3A_44 : i32
      %add3A_46 = arith.constant 1 : i32
      %add3A_47 = arith.addi %mul3A_45, %add3A_46 : i32
      %swap3A_48 = arith.index_cast %add3A_47 : i32 to index
      %swap3A_49 = arith.constant 0 : index
      %swap3A_50 = tpu.vector_load %arg12[%swap3A_48, %swap3A_49] {strides = array<i32>} : memref<128x16xf32, #tpu.memory_space<vmem>>, vector<1x16xf32>,
      %swap3A_51 = vector.shape_cast %swap3A_50 : vector<1x16xf32> to vector<16xf32>
      %swap3A_52 = vector.shape_cast %broadcast_in_dim3A_43 : vector<16xf32> to vector<1x16xf32>
      tpu.vector_store %arg12[%swap3A_48, %swap3A_49], %swap3A_52 {strides = array<i32>} : memref<128x16xf32, #tpu.memory_space<vmem>>, vector<1x16xf32>,
      %broadcast_in_dim3A_53 = arith.constant 0.000000e+00 : f32
      %broadcast_in_dim3A_54 = vector.broadcast %broadcast_in_dim3A_53 : f32 to vector<16xf32>
      %mul3A_55 = arith.constant 8 : i32
      %mul3A_56 = arith.muli %scan3A_31, %mul3A_55 : i32
      %add3A_57 = arith.constant 2 : i32
      %add3A_58 = arith.addi %mul3A_56, %add3A_57 : i32
      %swap3A_59 = arith.index_cast %add3A_58 : i32 to index
      %swap3A_60 = arith.constant 0 : index
      %swap3A_61 = tpu.vector_load %arg12[%swap3A_59, %swap3A_60] {strides = array<i32>} : memref<128x16xf32, #tpu.memory_space<vmem>>, vector<1x16xf32>,
      %swap3A_62 = vector.shape_cast %swap3A_61 : vector<1x16xf32> to vector<16xf32>
      %swap3A_63 = vector.shape_cast %broadcast_in_dim3A_54 : vector<16xf32> to vector<1x16xf32>
      tpu.vector_store %arg12[%swap3A_59, %swap3A_60], %swap3A_63 {strides = array<i32>} : memref<128x16xf32, #tpu.memory_space<vmem>>, vector<1x16xf32>,
      %broadcast_in_dim3A_64 = arith.constant 0.000000e+00 : f32
      %broadcast_in_dim3A_65 = vector.broadcast %broadcast_in_dim3A_64 : f32 to vector<16xf32>
      %mul3A_66 = arith.constant 8 : i32
      %mul3A_67 = arith.muli %scan3A_31, %mul3A_66 : i32
      %add3A_68 = arith.constant 3 : i32
      %add3A_69 = arith.addi %mul3A_67, %add3A_68 : i32
      %swap3A_70 = arith.index_cast %add3A_69 : i32 to index
      %swap3A_71 = arith.constant 0 : index
      %swap3A_72 = tpu.vector_load %arg12[%swap3A_70, %swap3A_71] {strides = array<i32>} : memref<128x16xf32, #tpu.memory_space<vmem>>, vector<1x16xf32>,
      %swap3A_73 = vector.shape_cast %swap3A_72 : vector<1x16xf32> to vector<16xf32>
      %swap3A_74 = vector.shape_cast %broadcast_in_dim3A_65 : vector<16xf32> to vector<1x16xf32>
      tpu.vector_store %arg12[%swap3A_70, %swap3A_71], %swap3A_74 {strides = array<i32>} : memref<128x16xf32, #tpu.memory_space<vmem>>, vector<1x16xf32>,
      %broadcast_in_dim3A_75 = arith.constant 0.000000e+00 : f32
      %broadcast_in_dim3A_76 = vector.broadcast %broadcast_in_dim3A_75 : f32 to vector<16xf32>
      %mul3A_77 = arith.constant 8 : i32
      %mul3A_78 = arith.muli %scan3A_31, %mul3A_77 : i32
      %add3A_79 = arith.constant 4 : i32
      %add3A_80 = arith.addi %mul3A_78, %add3A_79 : i32
      %swap3A_81 = arith.index_cast %add3A_80 : i32 to index
      %swap3A_82 = arith.constant 0 : index
      %swap3A_83 = tpu.vector_load %arg12[%swap3A_81, %swap3A_82] {strides = array<i32>} : memref<128x16xf32, #tpu.memory_space<vmem>>, vector<1x16xf32>,
      %swap3A_84 = vector.shape_cast %swap3A_83 : vector<1x16xf32> to vector<16xf32>
      %swap3A_85 = vector.shape_cast %broadcast_in_dim3A_76 : vector<16xf32> to vector<1x16xf32>
      tpu.vector_store %arg12[%swap3A_81, %swap3A_82], %swap3A_85 {strides = array<i32>} : memref<128x16xf32, #tpu.memory_space<vmem>>, vector<1x16xf32>,
      %broadcast_in_dim3A_86 = arith.constant 0.000000e+00 : f32
      %broadcast_in_dim3A_87 = vector.broadcast %broadcast_in_dim3A_86 : f32 to vector<16xf32>
      %mul3A_88 = arith.constant 8 : i32
      %mul3A_89 = arith.muli %scan3A_31, %mul3A_88 : i32
      %add3A_90 = arith.constant 5 : i32
      %add3A_91 = arith.addi %mul3A_89, %add3A_90 : i32
      %swap3A_92 = arith.index_cast %add3A_91 : i32 to index
      %swap3A_93 = arith.constant 0 : index
      %swap3A_94 = tpu.vector_load %arg12[%swap3A_92, %swap3A_93] {strides = array<i32>} : memref<128x16xf32, #tpu.memory_space<vmem>>, vector<1x16xf32>,
      %swap3A_95 = vector.shape_cast %swap3A_94 : vector<1x16xf32> to vector<16xf32>
      %swap3A_96 = vector.shape_cast %broadcast_in_dim3A_87 : vector<16xf32> to vector<1x16xf32>
      tpu.vector_store %arg12[%swap3A_92, %swap3A_93], %swap3A_96 {strides = array<i32>} : memref<128x16xf32, #tpu.memory_space<vmem>>, vector<1x16xf32>,
      %broadcast_in_dim3A_97 = arith.constant 0.000000e+00 : f32
      %broadcast_in_dim3A_98 = vector.broadcast %broadcast_in_dim3A_97 : f32 to vector<16xf32>
      %mul3A_99 = arith.constant 8 : i32
      %mul3A_100 = arith.muli %scan3A_31, %mul3A_99 : i32
      %add3A_101 = arith.constant 6 : i32
      %add3A_102 = arith.addi %mul3A_100, %add3A_101 : i32
      %swap3A_103 = arith.index_cast %add3A_102 : i32 to index
      %swap3A_104 = arith.constant 0 : index
      %swap3A_105 = tpu.vector_load %arg12[%swap3A_103, %swap3A_104] {strides = array<i32>} : memref<128x16xf32, #tpu.memory_space<vmem>>, vector<1x16xf32>,
      %swap3A_106 = vector.shape_cast %swap3A_105 : vector<1x16xf32> to vector<16xf32>
      %swap3A_107 = vector.shape_cast %broadcast_in_dim3A_98 : vector<16xf32> to vector<1x16xf32>
      tpu.vector_store %arg12[%swap3A_103, %swap3A_104], %swap3A_107 {strides = array<i32>} : memref<128x16xf32, #tpu.memory_space<vmem>>, vector<1x16xf32>,
      %broadcast_in_dim3A_108 = arith.constant 0.000000e+00 : f32
      %broadcast_in_dim3A_109 = vector.broadcast %broadcast_in_dim3A_108 : f32 to vector<16xf32>
      %mul3A_110 = arith.constant 8 : i32
      %mul3A_111 = arith.muli %scan3A_31, %mul3A_110 : i32
      %add3A_112 = arith.constant 7 : i32
      %add3A_113 = arith.addi %mul3A_111, %add3A_112 : i32
      %swap3A_114 = arith.index_cast %add3A_113 : i32 to index
      %swap3A_115 = arith.constant 0 : index
      %swap3A_116 = tpu.vector_load %arg12[%swap3A_114, %swap3A_115] {strides = array<i32>} : memref<128x16xf32, #tpu.memory_space<vmem>>, vector<1x16xf32>,
      %swap3A_117 = vector.shape_cast %swap3A_116 : vector<1x16xf32> to vector<16xf32>
      %swap3A_118 = vector.shape_cast %broadcast_in_dim3A_109 : vector<16xf32> to vector<1x16xf32>
      tpu.vector_store %arg12[%swap3A_114, %swap3A_115], %swap3A_118 {strides = array<i32>} : memref<128x16xf32, #tpu.memory_space<vmem>>, vector<1x16xf32>,
      %scan3A_119 = arith.constant 0 : i32
      scf.yield %scan3A_119 : i32
    }
    %scan3A_6 = arith.constant 16 : i32
    %scan3A_7 = arith.constant 0 : i32
    %scan3A_8 = arith.constant 0 : i32
    %scan3A_9 = arith.constant 49 : i32
    %scan3A_10 = arith.addi %scan3A_8, %scan3A_9 : i32
    %scan3A_11 = arith.constant 1 : i32
    %scan3A_12 = scf.for %scan3A_31 = %scan3A_8 to %scan3A_10 step %scan3A_11 iter_args(%scan3A_32 = %scan3A_7) -> (i32)  : i32 {
      %mul3A_33 = arith.constant 6272 : i32
      %mul3A_34 = arith.muli %arg1, %mul3A_33 : i32
      %mul3A_35 = arith.constant 128 : i32
      %mul3A_36 = arith.muli %scan3A_31, %mul3A_35 : i32
      %add3A_37 = arith.addi %mul3A_34, %mul3A_36 : i32
      "tpu.region"() ({
        %run_scoped3A = tpu.sem_alloc : memref<!tpu.dma_semaphore, #tpu.memory_space<semaphore_mem>>
        %dma_start3A = arith.constant 0 : i32
        %dma_start3A_39 = tpu.memref_slice %arg13[%add3A_37, %dma_start3A] : memref<100352x16xf32, #tpu.memory_space<vmem_shared>> -> memref<128x16xf32, #tpu.memory_space<vmem_shared>>
        %dma_start3A_40 = arith.constant 0 : i32
        %dma_start3A_41 = tpu.memref_slice %arg13[%add3A_37, %dma_start3A_40] : memref<100352x16xf32, #tpu.memory_space<vmem_shared>> -> memref<128x16xf32, #tpu.memory_space<vmem_shared>>
        tpu.enqueue_dma source(%arg12 : memref<128x16xf32, #tpu.memory_space<vmem>>) target(%dma_start3A_41 : memref<128x16xf32, #tpu.memory_space<vmem_shared>>) target_semaphore(%run_scoped3A : memref<!tpu.dma_semaphore, #tpu.memory_space<semaphore_mem>>)
        %dma_wait3A = arith.constant 0 : i32
        %dma_wait3A_42 = tpu.memref_slice %arg13[%add3A_37, %dma_wait3A] : memref<100352x16xf32, #tpu.memory_space<vmem_shared>> -> memref<128x16xf32, #tpu.memory_space<vmem_shared>>
        %dma_wait3A_43 = arith.constant 0 : i32
        %dma_wait3A_44 = tpu.memref_slice %arg13[%add3A_37, %dma_wait3A_43] : memref<100352x16xf32, #tpu.memory_space<vmem_shared>> -> memref<128x16xf32, #tpu.memory_space<vmem_shared>>
        tpu.wait_dma2 semaphore(%run_scoped3A : memref<!tpu.dma_semaphore, #tpu.memory_space<semaphore_mem>>) src(%arg12 : memref<128x16xf32, #tpu.memory_space<vmem>>) dst(%dma_wait3A_44 : memref<128x16xf32, #tpu.memory_space<vmem_shared>>)
        tpu.yield
      }) : () -> ()
      %scan3A_38 = arith.constant 0 : i32
      scf.yield %scan3A_38 : i32
    }
    %scan3A_13 = arith.constant 49 : i32
    %barrier3A = arith.constant 0 : index
    tpu.barrier barrier_id(%barrier3A)
    %mul3A_14 = arith.constant 51200 : i32
    %mul3A_15 = arith.muli %add3A, %mul3A_14 : i32
    %scan3A_16 = arith.constant 0 : i32
    %scan3A_17 = arith.constant 0 : i32
    %scan3A_18 = arith.constant 400 : i32
    %scan3A_19 = arith.addi %scan3A_17, %scan3A_18 : i32
    %scan3A_20 = arith.constant 1 : i32
    %scan3A_21 = scf.for %scan3A_31 = %scan3A_17 to %scan3A_19 step %scan3A_20 iter_args(%scan3A_32 = %scan3A_16) -> (i32)  : i32 {
      %mul3A_33 = arith.constant 128 : i32
      %mul3A_34 = arith.muli %scan3A_31, %mul3A_33 : i32
      %add3A_35 = arith.addi %mul3A_15, %mul3A_34 : i32
      "tpu.region"() ({
        %run_scoped3A = tpu.sem_alloc : memref<!tpu.dma_semaphore, #tpu.memory_space<semaphore_mem>>
        %dma_start3A_56 = tpu.memref_slice %arg4[%add3A_35] : memref<1638400xi32, #tpu.memory_space<hbm>> -> memref<128xi32, #tpu.memory_space<hbm>>
        %dma_start3A_57 = tpu.memref_slice %arg4[%add3A_35] : memref<1638400xi32, #tpu.memory_space<hbm>> -> memref<128xi32, #tpu.memory_space<hbm>>
        tpu.enqueue_dma source(%dma_start3A_57 : memref<128xi32, #tpu.memory_space<hbm>>) target(%arg7 : memref<128xi32, #tpu.memory_space<vmem>>) target_semaphore(%run_scoped3A : memref<!tpu.dma_semaphore, #tpu.memory_space<semaphore_mem>>)
        %dma_wait3A_58 = tpu.memref_slice %arg4[%add3A_35] : memref<1638400xi32, #tpu.memory_space<hbm>> -> memref<128xi32, #tpu.memory_space<hbm>>
        %dma_wait3A_59 = tpu.memref_slice %arg4[%add3A_35] : memref<1638400xi32, #tpu.memory_space<hbm>> -> memref<128xi32, #tpu.memory_space<hbm>>
        tpu.wait_dma2 semaphore(%run_scoped3A : memref<!tpu.dma_semaphore, #tpu.memory_space<semaphore_mem>>) src(%dma_wait3A_59 : memref<128xi32, #tpu.memory_space<hbm>>) dst(%arg7 : memref<128xi32, #tpu.memory_space<vmem>>)
        tpu.yield
      }) : () -> ()
      "tpu.region"() ({
        %run_scoped3A = tpu.sem_alloc : memref<!tpu.dma_semaphore, #tpu.memory_space<semaphore_mem>>
        %dma_start3A_56 = tpu.memref_slice %arg5[%add3A_35] : memref<1638400xi32, #tpu.memory_space<hbm>> -> memref<128xi32, #tpu.memory_space<hbm>>
        %dma_start3A_57 = tpu.memref_slice %arg5[%add3A_35] : memref<1638400xi32, #tpu.memory_space<hbm>> -> memref<128xi32, #tpu.memory_space<hbm>>
        tpu.enqueue_dma source(%dma_start3A_57 : memref<128xi32, #tpu.memory_space<hbm>>) target(%arg8 : memref<128xi32, #tpu.memory_space<vmem>>) target_semaphore(%run_scoped3A : memref<!tpu.dma_semaphore, #tpu.memory_space<semaphore_mem>>)
        %dma_wait3A_58 = tpu.memref_slice %arg5[%add3A_35] : memref<1638400xi32, #tpu.memory_space<hbm>> -> memref<128xi32, #tpu.memory_space<hbm>>
        %dma_wait3A_59 = tpu.memref_slice %arg5[%add3A_35] : memref<1638400xi32, #tpu.memory_space<hbm>> -> memref<128xi32, #tpu.memory_space<hbm>>
        tpu.wait_dma2 semaphore(%run_scoped3A : memref<!tpu.dma_semaphore, #tpu.memory_space<semaphore_mem>>) src(%dma_wait3A_59 : memref<128xi32, #tpu.memory_space<hbm>>) dst(%arg8 : memref<128xi32, #tpu.memory_space<vmem>>)
        tpu.yield
      }) : () -> ()
      %dma_start3A = arith.constant 0 : i32
      %dma_start3A_36 = arith.constant 0 : i32
      %dma_start3A_37 = tpu.memref_slice %arg3[%arg0, %dma_start3A, %dma_start3A_36] : memref<2x100352x16xf32, #tpu.memory_space<hbm>> -> memref<1x100352x16xf32, #tpu.memory_space<hbm>>
      %dma_start3A_38 = tpu.memref_squeeze %dma_start3A_37 : memref<1x100352x16xf32, #tpu.memory_space<hbm>> -> memref<100352x16xf32, #tpu.memory_space<hbm>>
      %dma_start3A_39 = arith.constant 0 : i32
      %dma_start3A_40 = arith.constant 0 : i32
      %dma_start3A_41 = tpu.memref_slice %dma_start3A_38[%dma_start3A_39, %dma_start3A_40] : memref<100352x16xf32, #tpu.memory_space<hbm>> -> memref<100352x16xf32, #tpu.memory_space<hbm>>
      tpu.enqueue_indirect_dma source(%dma_start3A_41 : memref<100352x16xf32, #tpu.memory_space<hbm>>) target(%arg9 : memref<128x16xf32, #tpu.memory_space<vmem>>) offsets(%arg7 : memref<128xi32, #tpu.memory_space<vmem>>) semaphore(%arg14 : memref<!tpu.dma_semaphore, #tpu.memory_space<semaphore_mem>>)
      %dma_wait3A = arith.constant 0 : i32
      %dma_wait3A_42 = arith.constant 0 : i32
      %dma_wait3A_43 = tpu.memref_slice %arg3[%arg0, %dma_wait3A, %dma_wait3A_42] : memref<2x100352x16xf32, #tpu.memory_space<hbm>> -> memref<1x100352x16xf32, #tpu.memory_space<hbm>>
      %dma_wait3A_44 = tpu.memref_squeeze %dma_wait3A_43 : memref<1x100352x16xf32, #tpu.memory_space<hbm>> -> memref<100352x16xf32, #tpu.memory_space<hbm>>
      %dma_wait3A_45 = arith.constant 0 : i32
      %dma_wait3A_46 = arith.constant 0 : i32
      %dma_wait3A_47 = tpu.memref_slice %dma_wait3A_44[%dma_wait3A_45, %dma_wait3A_46] : memref<100352x16xf32, #tpu.memory_space<hbm>> -> memref<100352x16xf32, #tpu.memory_space<hbm>>
      tpu.wait_indirect_dma semaphore(%arg14 : memref<!tpu.dma_semaphore, #tpu.memory_space<semaphore_mem>>) src(%dma_wait3A_47 : memref<100352x16xf32, #tpu.memory_space<hbm>>) dst(%arg9 : memref<128x16xf32, #tpu.memory_space<vmem>>)
      "tpu.region"() ({
        %run_scoped3A = tpu.sem_alloc : memref<!tpu.dma_semaphore, #tpu.memory_space<semaphore_mem>>
        %dma_start3A_56 = arith.constant 0 : i32
        %dma_start3A_57 = tpu.memref_slice %arg2[%arg0, %add3A_35, %dma_start3A_56] : memref<2x1638400x16xf32, #tpu.memory_space<hbm>> -> memref<1x128x16xf32, #tpu.memory_space<hbm>>
        %dma_start3A_58 = tpu.memref_squeeze %dma_start3A_57 : memref<1x128x16xf32, #tpu.memory_space<hbm>> -> memref<128x16xf32, #tpu.memory_space<hbm>>
        %dma_start3A_59 = arith.constant 0 : i32
        %dma_start3A_60 = tpu.memref_slice %arg2[%arg0, %add3A_35, %dma_start3A_59] : memref<2x1638400x16xf32, #tpu.memory_space<hbm>> -> memref<1x128x16xf32, #tpu.memory_space<hbm>>
        %dma_start3A_61 = tpu.memref_squeeze %dma_start3A_60 : memref<1x128x16xf32, #tpu.memory_space<hbm>> -> memref<128x16xf32, #tpu.memory_space<hbm>>
        tpu.enqueue_dma source(%dma_start3A_61 : memref<128x16xf32, #tpu.memory_space<hbm>>) target(%arg10 : memref<128x16xf32, #tpu.memory_space<vmem>>) target_semaphore(%run_scoped3A : memref<!tpu.dma_semaphore, #tpu.memory_space<semaphore_mem>>)
        %dma_wait3A_62 = arith.constant 0 : i32
        %dma_wait3A_63 = tpu.memref_slice %arg2[%arg0, %add3A_35, %dma_wait3A_62] : memref<2x1638400x16xf32, #tpu.memory_space<hbm>> -> memref<1x128x16xf32, #tpu.memory_space<hbm>>
        %dma_wait3A_64 = tpu.memref_squeeze %dma_wait3A_63 : memref<1x128x16xf32, #tpu.memory_space<hbm>> -> memref<128x16xf32, #tpu.memory_space<hbm>>
        %dma_wait3A_65 = arith.constant 0 : i32
        %dma_wait3A_66 = tpu.memref_slice %arg2[%arg0, %add3A_35, %dma_wait3A_65] : memref<2x1638400x16xf32, #tpu.memory_space<hbm>> -> memref<1x128x16xf32, #tpu.memory_space<hbm>>
        %dma_wait3A_67 = tpu.memref_squeeze %dma_wait3A_66 : memref<1x128x16xf32, #tpu.memory_space<hbm>> -> memref<128x16xf32, #tpu.memory_space<hbm>>
        tpu.wait_dma2 semaphore(%run_scoped3A : memref<!tpu.dma_semaphore, #tpu.memory_space<semaphore_mem>>) src(%dma_wait3A_67 : memref<128x16xf32, #tpu.memory_space<hbm>>) dst(%arg10 : memref<128x16xf32, #tpu.memory_space<vmem>>)
        tpu.yield
      }) : () -> ()
      %scan3A_48 = arith.constant 0 : i32
      %scan3A_49 = arith.constant 0 : i32
      %scan3A_50 = arith.constant 16 : i32
      %scan3A_51 = arith.addi %scan3A_49, %scan3A_50 : i32
      %scan3A_52 = arith.constant 1 : i32
      %scan3A_53 = scf.for %scan3A_56 = %scan3A_49 to %scan3A_51 step %scan3A_52 iter_args(%scan3A_57 = %scan3A_48) -> (i32)  : i32 {
        %mul3A_58 = arith.constant 8 : i32
        %mul3A_59 = arith.muli %scan3A_56, %mul3A_58 : i32
        %add3A_60 = arith.constant 0 : i32
        %add3A_61 = arith.addi %mul3A_59, %add3A_60 : i32
        %get3A = arith.index_cast %add3A_61 : i32 to index
        %get3A_62 = arith.constant 0 : index
        %get3A_63 = tpu.vector_load %arg9[%get3A, %get3A_62] {strides = array<i32>} : memref<128x16xf32, #tpu.memory_space<vmem>>, vector<1x16xf32>,
        %get3A_64 = vector.shape_cast %get3A_63 : vector<1x16xf32> to vector<16xf32>
        %get3A_65 = arith.index_cast %add3A_61 : i32 to index
        %get3A_66 = arith.constant 0 : index
        %get3A_67 = tpu.vector_load %arg10[%get3A_65, %get3A_66] {strides = array<i32>} : memref<128x16xf32, #tpu.memory_space<vmem>>, vector<1x16xf32>,
        %get3A_68 = vector.shape_cast %get3A_67 : vector<1x16xf32> to vector<16xf32>
        %mul3A_69 = arith.mulf %get3A_64, %get3A_68 : vector<16xf32>
        %swap3A = arith.index_cast %add3A_61 : i32 to index
        %swap3A_70 = arith.constant 0 : index
        %swap3A_71 = tpu.vector_load %arg11[%swap3A, %swap3A_70] {strides = array<i32>} : memref<128x16xf32, #tpu.memory_space<vmem>>, vector<1x16xf32>,
        %swap3A_72 = vector.shape_cast %swap3A_71 : vector<1x16xf32> to vector<16xf32>
        %swap3A_73 = vector.shape_cast %mul3A_69 : vector<16xf32> to vector<1x16xf32>
        tpu.vector_store %arg11[%swap3A, %swap3A_70], %swap3A_73 {strides = array<i32>} : memref<128x16xf32, #tpu.memory_space<vmem>>, vector<1x16xf32>,
        %mul3A_74 = arith.constant 8 : i32
        %mul3A_75 = arith.muli %scan3A_56, %mul3A_74 : i32
        %add3A_76 = arith.constant 1 : i32
        %add3A_77 = arith.addi %mul3A_75, %add3A_76 : i32
        %get3A_78 = arith.index_cast %add3A_77 : i32 to index
        %get3A_79 = arith.constant 0 : index
        %get3A_80 = tpu.vector_load %arg9[%get3A_78, %get3A_79] {strides = array<i32>} : memref<128x16xf32, #tpu.memory_space<vmem>>, vector<1x16xf32>,
        %get3A_81 = vector.shape_cast %get3A_80 : vector<1x16xf32> to vector<16xf32>
        %get3A_82 = arith.index_cast %add3A_77 : i32 to index
        %get3A_83 = arith.constant 0 : index
        %get3A_84 = tpu.vector_load %arg10[%get3A_82, %get3A_83] {strides = array<i32>} : memref<128x16xf32, #tpu.memory_space<vmem>>, vector<1x16xf32>,
        %get3A_85 = vector.shape_cast %get3A_84 : vector<1x16xf32> to vector<16xf32>
        %mul3A_86 = arith.mulf %get3A_81, %get3A_85 : vector<16xf32>
        %swap3A_87 = arith.index_cast %add3A_77 : i32 to index
        %swap3A_88 = arith.constant 0 : index
        %swap3A_89 = tpu.vector_load %arg11[%swap3A_87, %swap3A_88] {strides = array<i32>} : memref<128x16xf32, #tpu.memory_space<vmem>>, vector<1x16xf32>,
        %swap3A_90 = vector.shape_cast %swap3A_89 : vector<1x16xf32> to vector<16xf32>
        %swap3A_91 = vector.shape_cast %mul3A_86 : vector<16xf32> to vector<1x16xf32>
        tpu.vector_store %arg11[%swap3A_87, %swap3A_88], %swap3A_91 {strides = array<i32>} : memref<128x16xf32, #tpu.memory_space<vmem>>, vector<1x16xf32>,
        %mul3A_92 = arith.constant 8 : i32
        %mul3A_93 = arith.muli %scan3A_56, %mul3A_92 : i32
        %add3A_94 = arith.constant 2 : i32
        %add3A_95 = arith.addi %mul3A_93, %add3A_94 : i32
        %get3A_96 = arith.index_cast %add3A_95 : i32 to index
        %get3A_97 = arith.constant 0 : index
        %get3A_98 = tpu.vector_load %arg9[%get3A_96, %get3A_97] {strides = array<i32>} : memref<128x16xf32, #tpu.memory_space<vmem>>, vector<1x16xf32>,
        %get3A_99 = vector.shape_cast %get3A_98 : vector<1x16xf32> to vector<16xf32>
        %get3A_100 = arith.index_cast %add3A_95 : i32 to index
        %get3A_101 = arith.constant 0 : index
        %get3A_102 = tpu.vector_load %arg10[%get3A_100, %get3A_101] {strides = array<i32>} : memref<128x16xf32, #tpu.memory_space<vmem>>, vector<1x16xf32>,
        %get3A_103 = vector.shape_cast %get3A_102 : vector<1x16xf32> to vector<16xf32>
        %mul3A_104 = arith.mulf %get3A_99, %get3A_103 : vector<16xf32>
        %swap3A_105 = arith.index_cast %add3A_95 : i32 to index
        %swap3A_106 = arith.constant 0 : index
        %swap3A_107 = tpu.vector_load %arg11[%swap3A_105, %swap3A_106] {strides = array<i32>} : memref<128x16xf32, #tpu.memory_space<vmem>>, vector<1x16xf32>,
        %swap3A_108 = vector.shape_cast %swap3A_107 : vector<1x16xf32> to vector<16xf32>
        %swap3A_109 = vector.shape_cast %mul3A_104 : vector<16xf32> to vector<1x16xf32>
        tpu.vector_store %arg11[%swap3A_105, %swap3A_106], %swap3A_109 {strides = array<i32>} : memref<128x16xf32, #tpu.memory_space<vmem>>, vector<1x16xf32>,
        %mul3A_110 = arith.constant 8 : i32
        %mul3A_111 = arith.muli %scan3A_56, %mul3A_110 : i32
        %add3A_112 = arith.constant 3 : i32
        %add3A_113 = arith.addi %mul3A_111, %add3A_112 : i32
        %get3A_114 = arith.index_cast %add3A_113 : i32 to index
        %get3A_115 = arith.constant 0 : index
        %get3A_116 = tpu.vector_load %arg9[%get3A_114, %get3A_115] {strides = array<i32>} : memref<128x16xf32, #tpu.memory_space<vmem>>, vector<1x16xf32>,
        %get3A_117 = vector.shape_cast %get3A_116 : vector<1x16xf32> to vector<16xf32>
        %get3A_118 = arith.index_cast %add3A_113 : i32 to index
        %get3A_119 = arith.constant 0 : index
        %get3A_120 = tpu.vector_load %arg10[%get3A_118, %get3A_119] {strides = array<i32>} : memref<128x16xf32, #tpu.memory_space<vmem>>, vector<1x16xf32>,
        %get3A_121 = vector.shape_cast %get3A_120 : vector<1x16xf32> to vector<16xf32>
        %mul3A_122 = arith.mulf %get3A_117, %get3A_121 : vector<16xf32>
        %swap3A_123 = arith.index_cast %add3A_113 : i32 to index
        %swap3A_124 = arith.constant 0 : index
        %swap3A_125 = tpu.vector_load %arg11[%swap3A_123, %swap3A_124] {strides = array<i32>} : memref<128x16xf32, #tpu.memory_space<vmem>>, vector<1x16xf32>,
        %swap3A_126 = vector.shape_cast %swap3A_125 : vector<1x16xf32> to vector<16xf32>
        %swap3A_127 = vector.shape_cast %mul3A_122 : vector<16xf32> to vector<1x16xf32>
        tpu.vector_store %arg11[%swap3A_123, %swap3A_124], %swap3A_127 {strides = array<i32>} : memref<128x16xf32, #tpu.memory_space<vmem>>, vector<1x16xf32>,
        %mul3A_128 = arith.constant 8 : i32
        %mul3A_129 = arith.muli %scan3A_56, %mul3A_128 : i32
        %add3A_130 = arith.constant 4 : i32
        %add3A_131 = arith.addi %mul3A_129, %add3A_130 : i32
        %get3A_132 = arith.index_cast %add3A_131 : i32 to index
        %get3A_133 = arith.constant 0 : index
        %get3A_134 = tpu.vector_load %arg9[%get3A_132, %get3A_133] {strides = array<i32>} : memref<128x16xf32, #tpu.memory_space<vmem>>, vector<1x16xf32>,
        %get3A_135 = vector.shape_cast %get3A_134 : vector<1x16xf32> to vector<16xf32>
        %get3A_136 = arith.index_cast %add3A_131 : i32 to index
        %get3A_137 = arith.constant 0 : index
        %get3A_138 = tpu.vector_load %arg10[%get3A_136, %get3A_137] {strides = array<i32>} : memref<128x16xf32, #tpu.memory_space<vmem>>, vector<1x16xf32>,
        %get3A_139 = vector.shape_cast %get3A_138 : vector<1x16xf32> to vector<16xf32>
        %mul3A_140 = arith.mulf %get3A_135, %get3A_139 : vector<16xf32>
        %swap3A_141 = arith.index_cast %add3A_131 : i32 to index
        %swap3A_142 = arith.constant 0 : index
        %swap3A_143 = tpu.vector_load %arg11[%swap3A_141, %swap3A_142] {strides = array<i32>} : memref<128x16xf32, #tpu.memory_space<vmem>>, vector<1x16xf32>,
        %swap3A_144 = vector.shape_cast %swap3A_143 : vector<1x16xf32> to vector<16xf32>
        %swap3A_145 = vector.shape_cast %mul3A_140 : vector<16xf32> to vector<1x16xf32>
        tpu.vector_store %arg11[%swap3A_141, %swap3A_142], %swap3A_145 {strides = array<i32>} : memref<128x16xf32, #tpu.memory_space<vmem>>, vector<1x16xf32>,
        %mul3A_146 = arith.constant 8 : i32
        %mul3A_147 = arith.muli %scan3A_56, %mul3A_146 : i32
        %add3A_148 = arith.constant 5 : i32
        %add3A_149 = arith.addi %mul3A_147, %add3A_148 : i32
        %get3A_150 = arith.index_cast %add3A_149 : i32 to index
        %get3A_151 = arith.constant 0 : index
        %get3A_152 = tpu.vector_load %arg9[%get3A_150, %get3A_151] {strides = array<i32>} : memref<128x16xf32, #tpu.memory_space<vmem>>, vector<1x16xf32>,
        %get3A_153 = vector.shape_cast %get3A_152 : vector<1x16xf32> to vector<16xf32>
        %get3A_154 = arith.index_cast %add3A_149 : i32 to index
        %get3A_155 = arith.constant 0 : index
        %get3A_156 = tpu.vector_load %arg10[%get3A_154, %get3A_155] {strides = array<i32>} : memref<128x16xf32, #tpu.memory_space<vmem>>, vector<1x16xf32>,
        %get3A_157 = vector.shape_cast %get3A_156 : vector<1x16xf32> to vector<16xf32>
        %mul3A_158 = arith.mulf %get3A_153, %get3A_157 : vector<16xf32>
        %swap3A_159 = arith.index_cast %add3A_149 : i32 to index
        %swap3A_160 = arith.constant 0 : index
        %swap3A_161 = tpu.vector_load %arg11[%swap3A_159, %swap3A_160] {strides = array<i32>} : memref<128x16xf32, #tpu.memory_space<vmem>>, vector<1x16xf32>,
        %swap3A_162 = vector.shape_cast %swap3A_161 : vector<1x16xf32> to vector<16xf32>
        %swap3A_163 = vector.shape_cast %mul3A_158 : vector<16xf32> to vector<1x16xf32>
        tpu.vector_store %arg11[%swap3A_159, %swap3A_160], %swap3A_163 {strides = array<i32>} : memref<128x16xf32, #tpu.memory_space<vmem>>, vector<1x16xf32>,
        %mul3A_164 = arith.constant 8 : i32
        %mul3A_165 = arith.muli %scan3A_56, %mul3A_164 : i32
        %add3A_166 = arith.constant 6 : i32
        %add3A_167 = arith.addi %mul3A_165, %add3A_166 : i32
        %get3A_168 = arith.index_cast %add3A_167 : i32 to index
        %get3A_169 = arith.constant 0 : index
        %get3A_170 = tpu.vector_load %arg9[%get3A_168, %get3A_169] {strides = array<i32>} : memref<128x16xf32, #tpu.memory_space<vmem>>, vector<1x16xf32>,
        %get3A_171 = vector.shape_cast %get3A_170 : vector<1x16xf32> to vector<16xf32>
        %get3A_172 = arith.index_cast %add3A_167 : i32 to index
        %get3A_173 = arith.constant 0 : index
        %get3A_174 = tpu.vector_load %arg10[%get3A_172, %get3A_173] {strides = array<i32>} : memref<128x16xf32, #tpu.memory_space<vmem>>, vector<1x16xf32>,
        %get3A_175 = vector.shape_cast %get3A_174 : vector<1x16xf32> to vector<16xf32>
        %mul3A_176 = arith.mulf %get3A_171, %get3A_175 : vector<16xf32>
        %swap3A_177 = arith.index_cast %add3A_167 : i32 to index
        %swap3A_178 = arith.constant 0 : index
        %swap3A_179 = tpu.vector_load %arg11[%swap3A_177, %swap3A_178] {strides = array<i32>} : memref<128x16xf32, #tpu.memory_space<vmem>>, vector<1x16xf32>,
        %swap3A_180 = vector.shape_cast %swap3A_179 : vector<1x16xf32> to vector<16xf32>
        %swap3A_181 = vector.shape_cast %mul3A_176 : vector<16xf32> to vector<1x16xf32>
        tpu.vector_store %arg11[%swap3A_177, %swap3A_178], %swap3A_181 {strides = array<i32>} : memref<128x16xf32, #tpu.memory_space<vmem>>, vector<1x16xf32>,
        %mul3A_182 = arith.constant 8 : i32
        %mul3A_183 = arith.muli %scan3A_56, %mul3A_182 : i32
        %add3A_184 = arith.constant 7 : i32
        %add3A_185 = arith.addi %mul3A_183, %add3A_184 : i32
        %get3A_186 = arith.index_cast %add3A_185 : i32 to index
        %get3A_187 = arith.constant 0 : index
        %get3A_188 = tpu.vector_load %arg9[%get3A_186, %get3A_187] {strides = array<i32>} : memref<128x16xf32, #tpu.memory_space<vmem>>, vector<1x16xf32>,
        %get3A_189 = vector.shape_cast %get3A_188 : vector<1x16xf32> to vector<16xf32>
        %get3A_190 = arith.index_cast %add3A_185 : i32 to index
        %get3A_191 = arith.constant 0 : index
        %get3A_192 = tpu.vector_load %arg10[%get3A_190, %get3A_191] {strides = array<i32>} : memref<128x16xf32, #tpu.memory_space<vmem>>, vector<1x16xf32>,
        %get3A_193 = vector.shape_cast %get3A_192 : vector<1x16xf32> to vector<16xf32>
        %mul3A_194 = arith.mulf %get3A_189, %get3A_193 : vector<16xf32>
        %swap3A_195 = arith.index_cast %add3A_185 : i32 to index
        %swap3A_196 = arith.constant 0 : index
        %swap3A_197 = tpu.vector_load %arg11[%swap3A_195, %swap3A_196] {strides = array<i32>} : memref<128x16xf32, #tpu.memory_space<vmem>>, vector<1x16xf32>,
        %swap3A_198 = vector.shape_cast %swap3A_197 : vector<1x16xf32> to vector<16xf32>
        %swap3A_199 = vector.shape_cast %mul3A_194 : vector<16xf32> to vector<1x16xf32>
        tpu.vector_store %arg11[%swap3A_195, %swap3A_196], %swap3A_199 {strides = array<i32>} : memref<128x16xf32, #tpu.memory_space<vmem>>, vector<1x16xf32>,
        %scan3A_200 = arith.constant 0 : i32
        scf.yield %scan3A_200 : i32
      }
      %scan3A_54 = arith.constant 16 : i32
      "tpu.region"() ({
        %run_scoped3A = tpu.sem_alloc : memref<!tpu.dma_semaphore, #tpu.memory_space<semaphore_mem>>
        %dma_start3A_56 = arith.constant 0 : i32
        %dma_start3A_57 = arith.constant 0 : i32
        %dma_start3A_58 = tpu.memref_slice %arg13[%dma_start3A_56, %dma_start3A_57] : memref<100352x16xf32, #tpu.memory_space<vmem_shared>> -> memref<100352x16xf32, #tpu.memory_space<vmem_shared>>
        tpu.enqueue_indirect_dma source(%arg11 : memref<128x16xf32, #tpu.memory_space<vmem>>) target(%dma_start3A_58 : memref<100352x16xf32, #tpu.memory_space<vmem_shared>>) offsets(%arg8 : memref<128xi32, #tpu.memory_space<vmem>>) semaphore(%run_scoped3A : memref<!tpu.dma_semaphore, #tpu.memory_space<semaphore_mem>>) {add = true}
        %dma_wait3A_59 = arith.constant 0 : i32
        %dma_wait3A_60 = arith.constant 0 : i32
        %dma_wait3A_61 = tpu.memref_slice %arg13[%dma_wait3A_59, %dma_wait3A_60] : memref<100352x16xf32, #tpu.memory_space<vmem_shared>> -> memref<100352x16xf32, #tpu.memory_space<vmem_shared>>
        tpu.wait_indirect_dma semaphore(%run_scoped3A : memref<!tpu.dma_semaphore, #tpu.memory_space<semaphore_mem>>) src(%arg11 : memref<128x16xf32, #tpu.memory_space<vmem>>) dst(%dma_wait3A_61 : memref<100352x16xf32, #tpu.memory_space<vmem_shared>>)
        tpu.yield
      }) : () -> ()
      %scan3A_55 = arith.constant 0 : i32
      scf.yield %scan3A_55 : i32
    }
    %scan3A_22 = arith.constant 400 : i32
    %barrier3A_23 = arith.constant 0 : index
    tpu.barrier barrier_id(%barrier3A_23)
    %scan3A_24 = arith.constant 0 : i32
    %scan3A_25 = arith.constant 0 : i32
    %scan3A_26 = arith.constant 49 : i32
    %scan3A_27 = arith.addi %scan3A_25, %scan3A_26 : i32
    %scan3A_28 = arith.constant 1 : i32
    %scan3A_29 = scf.for %scan3A_31 = %scan3A_25 to %scan3A_27 step %scan3A_28 iter_args(%scan3A_32 = %scan3A_24) -> (i32)  : i32 {
      %mul3A_33 = arith.constant 6272 : i32
      %mul3A_34 = arith.muli %arg1, %mul3A_33 : i32
      %mul3A_35 = arith.constant 128 : i32
      %mul3A_36 = arith.muli %scan3A_31, %mul3A_35 : i32
      %add3A_37 = arith.addi %mul3A_34, %mul3A_36 : i32
      "tpu.region"() ({
        %run_scoped3A = tpu.sem_alloc : memref<!tpu.dma_semaphore, #tpu.memory_space<semaphore_mem>>
        %dma_start3A = arith.constant 0 : i32
        %dma_start3A_39 = tpu.memref_slice %arg6[%arg0, %add3A_37, %dma_start3A] : memref<2x100352x16xf32, #tpu.memory_space<hbm>> -> memref<1x128x16xf32, #tpu.memory_space<hbm>>
        %dma_start3A_40 = tpu.memref_squeeze %dma_start3A_39 : memref<1x128x16xf32, #tpu.memory_space<hbm>> -> memref<128x16xf32, #tpu.memory_space<hbm>>
        %dma_start3A_41 = arith.constant 0 : i32
        %dma_start3A_42 = tpu.memref_slice %arg13[%add3A_37, %dma_start3A_41] : memref<100352x16xf32, #tpu.memory_space<vmem_shared>> -> memref<128x16xf32, #tpu.memory_space<vmem_shared>>
        tpu.enqueue_dma source(%dma_start3A_42 : memref<128x16xf32, #tpu.memory_space<vmem_shared>>) target(%dma_start3A_40 : memref<128x16xf32, #tpu.memory_space<hbm>>) target_semaphore(%run_scoped3A : memref<!tpu.dma_semaphore, #tpu.memory_space<semaphore_mem>>)
        %dma_wait3A = arith.constant 0 : i32
        %dma_wait3A_43 = tpu.memref_slice %arg6[%arg0, %add3A_37, %dma_wait3A] : memref<2x100352x16xf32, #tpu.memory_space<hbm>> -> memref<1x128x16xf32, #tpu.memory_space<hbm>>
        %dma_wait3A_44 = tpu.memref_squeeze %dma_wait3A_43 : memref<1x128x16xf32, #tpu.memory_space<hbm>> -> memref<128x16xf32, #tpu.memory_space<hbm>>
        %dma_wait3A_45 = arith.constant 0 : i32
        %dma_wait3A_46 = tpu.memref_slice %arg13[%add3A_37, %dma_wait3A_45] : memref<100352x16xf32, #tpu.memory_space<vmem_shared>> -> memref<128x16xf32, #tpu.memory_space<vmem_shared>>
        tpu.wait_dma2 semaphore(%run_scoped3A : memref<!tpu.dma_semaphore, #tpu.memory_space<semaphore_mem>>) src(%dma_wait3A_46 : memref<128x16xf32, #tpu.memory_space<vmem_shared>>) dst(%dma_wait3A_44 : memref<128x16xf32, #tpu.memory_space<hbm>>)
        tpu.yield
      }) : () -> ()
      %scan3A_38 = arith.constant 0 : i32
      scf.yield %scan3A_38 : i32
    }
    %scan3A_30 = arith.constant 49 : i32
    return
  }
}

#map = affine_map<(d0, d1) -> (0, 0, 0)>
#map1 = affine_map<(d0, d1) -> (0)>
module attributes {stable_mosaic.version = 14 : i64} {
  func.func @_sc_msg_agg(%arg0: i32, %arg1: i32, %arg2: memref<2x1638400x16xf32, #tpu.memory_space<hbm>>, %arg3: memref<2x100352x16xf32, #tpu.memory_space<hbm>>, %arg4: memref<1638400xi32, #tpu.memory_space<hbm>>, %arg5: memref<1638400xi32, #tpu.memory_space<hbm>>, %arg6: memref<2x100352x16xf32, #tpu.memory_space<hbm>>, %arg7: memref<128xi32, #tpu.memory_space<vmem>>, %arg8: memref<128xi32, #tpu.memory_space<vmem>>, %arg9: memref<128x16xf32, #tpu.memory_space<vmem>>, %arg10: memref<128x16xf32, #tpu.memory_space<vmem>>, %arg11: memref<128x16xf32, #tpu.memory_space<vmem>>, %arg12: memref<128x16xf32, #tpu.memory_space<vmem>>, %arg13: memref<100352x16xf32, #tpu.memory_space<vmem_shared>>, %arg14: memref<!tpu.dma_semaphore, #tpu.memory_space<semaphore_mem>>) attributes {dimension_semantics = [#tpu.dimension_semantics<core_parallel>, #tpu.dimension_semantics<subcore_parallel>], iteration_bounds = array<i64: 2, 16>, scalar_prefetch = 0 : i64, scratch_operands = 8 : i64, tpu.core_type = #tpu.core_type<sc_vector_subcore>, window_params = [{transform_indices = #map}, {transform_indices = #map}, {transform_indices = #map1}, {transform_indices = #map1}, {transform_indices = #map}]} {
    %mul3A = arith.constant 2 : i32
    %mul3A_0 = arith.muli %arg1, %mul3A : i32
    %add3A = arith.addi %mul3A_0, %arg0 : i32
    %scan3A = arith.constant 0 : i32
    %scan3A_1 = arith.constant 0 : i32
    %scan3A_2 = arith.constant 16 : i32
    %scan3A_3 = arith.addi %scan3A_1, %scan3A_2 : i32
    %scan3A_4 = arith.constant 1 : i32
    %scan3A_5 = scf.for %scan3A_31 = %scan3A_1 to %scan3A_3 step %scan3A_4 iter_args(%scan3A_32 = %scan3A) -> (i32)  : i32 {
      %broadcast_in_dim3A = arith.constant 0.000000e+00 : f32
      %broadcast_in_dim3A_33 = vector.broadcast %broadcast_in_dim3A : f32 to vector<16xf32>
      %mul3A_34 = arith.constant 8 : i32
      %mul3A_35 = arith.muli %scan3A_31, %mul3A_34 : i32
      %add3A_36 = arith.constant 0 : i32
      %add3A_37 = arith.addi %mul3A_35, %add3A_36 : i32
      %swap3A = arith.index_cast %add3A_37 : i32 to index
      %swap3A_38 = arith.constant 0 : index
      %swap3A_39 = tpu.vector_load %arg12[%swap3A, %swap3A_38] {strides = array<i32>} : memref<128x16xf32, #tpu.memory_space<vmem>>, vector<1x16xf32>,
      %swap3A_40 = vector.shape_cast %swap3A_39 : vector<1x16xf32> to vector<16xf32>
      %swap3A_41 = vector.shape_cast %broadcast_in_dim3A_33 : vector<16xf32> to vector<1x16xf32>
      tpu.vector_store %arg12[%swap3A, %swap3A_38], %swap3A_41 {strides = array<i32>} : memref<128x16xf32, #tpu.memory_space<vmem>>, vector<1x16xf32>,
      %broadcast_in_dim3A_42 = arith.constant 0.000000e+00 : f32
      %broadcast_in_dim3A_43 = vector.broadcast %broadcast_in_dim3A_42 : f32 to vector<16xf32>
      %mul3A_44 = arith.constant 8 : i32
      %mul3A_45 = arith.muli %scan3A_31, %mul3A_44 : i32
      %add3A_46 = arith.constant 1 : i32
      %add3A_47 = arith.addi %mul3A_45, %add3A_46 : i32
      %swap3A_48 = arith.index_cast %add3A_47 : i32 to index
      %swap3A_49 = arith.constant 0 : index
      %swap3A_50 = tpu.vector_load %arg12[%swap3A_48, %swap3A_49] {strides = array<i32>} : memref<128x16xf32, #tpu.memory_space<vmem>>, vector<1x16xf32>,
      %swap3A_51 = vector.shape_cast %swap3A_50 : vector<1x16xf32> to vector<16xf32>
      %swap3A_52 = vector.shape_cast %broadcast_in_dim3A_43 : vector<16xf32> to vector<1x16xf32>
      tpu.vector_store %arg12[%swap3A_48, %swap3A_49], %swap3A_52 {strides = array<i32>} : memref<128x16xf32, #tpu.memory_space<vmem>>, vector<1x16xf32>,
      %broadcast_in_dim3A_53 = arith.constant 0.000000e+00 : f32
      %broadcast_in_dim3A_54 = vector.broadcast %broadcast_in_dim3A_53 : f32 to vector<16xf32>
      %mul3A_55 = arith.constant 8 : i32
      %mul3A_56 = arith.muli %scan3A_31, %mul3A_55 : i32
      %add3A_57 = arith.constant 2 : i32
      %add3A_58 = arith.addi %mul3A_56, %add3A_57 : i32
      %swap3A_59 = arith.index_cast %add3A_58 : i32 to index
      %swap3A_60 = arith.constant 0 : index
      %swap3A_61 = tpu.vector_load %arg12[%swap3A_59, %swap3A_60] {strides = array<i32>} : memref<128x16xf32, #tpu.memory_space<vmem>>, vector<1x16xf32>,
      %swap3A_62 = vector.shape_cast %swap3A_61 : vector<1x16xf32> to vector<16xf32>
      %swap3A_63 = vector.shape_cast %broadcast_in_dim3A_54 : vector<16xf32> to vector<1x16xf32>
      tpu.vector_store %arg12[%swap3A_59, %swap3A_60], %swap3A_63 {strides = array<i32>} : memref<128x16xf32, #tpu.memory_space<vmem>>, vector<1x16xf32>,
      %broadcast_in_dim3A_64 = arith.constant 0.000000e+00 : f32
      %broadcast_in_dim3A_65 = vector.broadcast %broadcast_in_dim3A_64 : f32 to vector<16xf32>
      %mul3A_66 = arith.constant 8 : i32
      %mul3A_67 = arith.muli %scan3A_31, %mul3A_66 : i32
      %add3A_68 = arith.constant 3 : i32
      %add3A_69 = arith.addi %mul3A_67, %add3A_68 : i32
      %swap3A_70 = arith.index_cast %add3A_69 : i32 to index
      %swap3A_71 = arith.constant 0 : index
      %swap3A_72 = tpu.vector_load %arg12[%swap3A_70, %swap3A_71] {strides = array<i32>} : memref<128x16xf32, #tpu.memory_space<vmem>>, vector<1x16xf32>,
      %swap3A_73 = vector.shape_cast %swap3A_72 : vector<1x16xf32> to vector<16xf32>
      %swap3A_74 = vector.shape_cast %broadcast_in_dim3A_65 : vector<16xf32> to vector<1x16xf32>
      tpu.vector_store %arg12[%swap3A_70, %swap3A_71], %swap3A_74 {strides = array<i32>} : memref<128x16xf32, #tpu.memory_space<vmem>>, vector<1x16xf32>,
      %broadcast_in_dim3A_75 = arith.constant 0.000000e+00 : f32
      %broadcast_in_dim3A_76 = vector.broadcast %broadcast_in_dim3A_75 : f32 to vector<16xf32>
      %mul3A_77 = arith.constant 8 : i32
      %mul3A_78 = arith.muli %scan3A_31, %mul3A_77 : i32
      %add3A_79 = arith.constant 4 : i32
      %add3A_80 = arith.addi %mul3A_78, %add3A_79 : i32
      %swap3A_81 = arith.index_cast %add3A_80 : i32 to index
      %swap3A_82 = arith.constant 0 : index
      %swap3A_83 = tpu.vector_load %arg12[%swap3A_81, %swap3A_82] {strides = array<i32>} : memref<128x16xf32, #tpu.memory_space<vmem>>, vector<1x16xf32>,
      %swap3A_84 = vector.shape_cast %swap3A_83 : vector<1x16xf32> to vector<16xf32>
      %swap3A_85 = vector.shape_cast %broadcast_in_dim3A_76 : vector<16xf32> to vector<1x16xf32>
      tpu.vector_store %arg12[%swap3A_81, %swap3A_82], %swap3A_85 {strides = array<i32>} : memref<128x16xf32, #tpu.memory_space<vmem>>, vector<1x16xf32>,
      %broadcast_in_dim3A_86 = arith.constant 0.000000e+00 : f32
      %broadcast_in_dim3A_87 = vector.broadcast %broadcast_in_dim3A_86 : f32 to vector<16xf32>
      %mul3A_88 = arith.constant 8 : i32
      %mul3A_89 = arith.muli %scan3A_31, %mul3A_88 : i32
      %add3A_90 = arith.constant 5 : i32
      %add3A_91 = arith.addi %mul3A_89, %add3A_90 : i32
      %swap3A_92 = arith.index_cast %add3A_91 : i32 to index
      %swap3A_93 = arith.constant 0 : index
      %swap3A_94 = tpu.vector_load %arg12[%swap3A_92, %swap3A_93] {strides = array<i32>} : memref<128x16xf32, #tpu.memory_space<vmem>>, vector<1x16xf32>,
      %swap3A_95 = vector.shape_cast %swap3A_94 : vector<1x16xf32> to vector<16xf32>
      %swap3A_96 = vector.shape_cast %broadcast_in_dim3A_87 : vector<16xf32> to vector<1x16xf32>
      tpu.vector_store %arg12[%swap3A_92, %swap3A_93], %swap3A_96 {strides = array<i32>} : memref<128x16xf32, #tpu.memory_space<vmem>>, vector<1x16xf32>,
      %broadcast_in_dim3A_97 = arith.constant 0.000000e+00 : f32
      %broadcast_in_dim3A_98 = vector.broadcast %broadcast_in_dim3A_97 : f32 to vector<16xf32>
      %mul3A_99 = arith.constant 8 : i32
      %mul3A_100 = arith.muli %scan3A_31, %mul3A_99 : i32
      %add3A_101 = arith.constant 6 : i32
      %add3A_102 = arith.addi %mul3A_100, %add3A_101 : i32
      %swap3A_103 = arith.index_cast %add3A_102 : i32 to index
      %swap3A_104 = arith.constant 0 : index
      %swap3A_105 = tpu.vector_load %arg12[%swap3A_103, %swap3A_104] {strides = array<i32>} : memref<128x16xf32, #tpu.memory_space<vmem>>, vector<1x16xf32>,
      %swap3A_106 = vector.shape_cast %swap3A_105 : vector<1x16xf32> to vector<16xf32>
      %swap3A_107 = vector.shape_cast %broadcast_in_dim3A_98 : vector<16xf32> to vector<1x16xf32>
      tpu.vector_store %arg12[%swap3A_103, %swap3A_104], %swap3A_107 {strides = array<i32>} : memref<128x16xf32, #tpu.memory_space<vmem>>, vector<1x16xf32>,
      %broadcast_in_dim3A_108 = arith.constant 0.000000e+00 : f32
      %broadcast_in_dim3A_109 = vector.broadcast %broadcast_in_dim3A_108 : f32 to vector<16xf32>
      %mul3A_110 = arith.constant 8 : i32
      %mul3A_111 = arith.muli %scan3A_31, %mul3A_110 : i32
      %add3A_112 = arith.constant 7 : i32
      %add3A_113 = arith.addi %mul3A_111, %add3A_112 : i32
      %swap3A_114 = arith.index_cast %add3A_113 : i32 to index
      %swap3A_115 = arith.constant 0 : index
      %swap3A_116 = tpu.vector_load %arg12[%swap3A_114, %swap3A_115] {strides = array<i32>} : memref<128x16xf32, #tpu.memory_space<vmem>>, vector<1x16xf32>,
      %swap3A_117 = vector.shape_cast %swap3A_116 : vector<1x16xf32> to vector<16xf32>
      %swap3A_118 = vector.shape_cast %broadcast_in_dim3A_109 : vector<16xf32> to vector<1x16xf32>
      tpu.vector_store %arg12[%swap3A_114, %swap3A_115], %swap3A_118 {strides = array<i32>} : memref<128x16xf32, #tpu.memory_space<vmem>>, vector<1x16xf32>,
      %scan3A_119 = arith.constant 0 : i32
      scf.yield %scan3A_119 : i32
    }
    %scan3A_6 = arith.constant 16 : i32
    %scan3A_7 = arith.constant 0 : i32
    %scan3A_8 = arith.constant 0 : i32
    %scan3A_9 = arith.constant 49 : i32
    %scan3A_10 = arith.addi %scan3A_8, %scan3A_9 : i32
    %scan3A_11 = arith.constant 1 : i32
    %scan3A_12 = scf.for %scan3A_31 = %scan3A_8 to %scan3A_10 step %scan3A_11 iter_args(%scan3A_32 = %scan3A_7) -> (i32)  : i32 {
      %mul3A_33 = arith.constant 6272 : i32
      %mul3A_34 = arith.muli %arg1, %mul3A_33 : i32
      %mul3A_35 = arith.constant 128 : i32
      %mul3A_36 = arith.muli %scan3A_31, %mul3A_35 : i32
      %add3A_37 = arith.addi %mul3A_34, %mul3A_36 : i32
      "tpu.region"() ({
        %run_scoped3A = tpu.sem_alloc : memref<!tpu.dma_semaphore, #tpu.memory_space<semaphore_mem>>
        %dma_start3A = arith.constant 0 : i32
        %dma_start3A_39 = tpu.memref_slice %arg13[%add3A_37, %dma_start3A] : memref<100352x16xf32, #tpu.memory_space<vmem_shared>> -> memref<128x16xf32, #tpu.memory_space<vmem_shared>>
        %dma_start3A_40 = arith.constant 0 : i32
        %dma_start3A_41 = tpu.memref_slice %arg13[%add3A_37, %dma_start3A_40] : memref<100352x16xf32, #tpu.memory_space<vmem_shared>> -> memref<128x16xf32, #tpu.memory_space<vmem_shared>>
        tpu.enqueue_dma source(%arg12 : memref<128x16xf32, #tpu.memory_space<vmem>>) target(%dma_start3A_41 : memref<128x16xf32, #tpu.memory_space<vmem_shared>>) target_semaphore(%run_scoped3A : memref<!tpu.dma_semaphore, #tpu.memory_space<semaphore_mem>>)
        %dma_wait3A = arith.constant 0 : i32
        %dma_wait3A_42 = tpu.memref_slice %arg13[%add3A_37, %dma_wait3A] : memref<100352x16xf32, #tpu.memory_space<vmem_shared>> -> memref<128x16xf32, #tpu.memory_space<vmem_shared>>
        %dma_wait3A_43 = arith.constant 0 : i32
        %dma_wait3A_44 = tpu.memref_slice %arg13[%add3A_37, %dma_wait3A_43] : memref<100352x16xf32, #tpu.memory_space<vmem_shared>> -> memref<128x16xf32, #tpu.memory_space<vmem_shared>>
        tpu.wait_dma2 semaphore(%run_scoped3A : memref<!tpu.dma_semaphore, #tpu.memory_space<semaphore_mem>>) src(%arg12 : memref<128x16xf32, #tpu.memory_space<vmem>>) dst(%dma_wait3A_44 : memref<128x16xf32, #tpu.memory_space<vmem_shared>>)
        tpu.yield
      }) : () -> ()
      %scan3A_38 = arith.constant 0 : i32
      scf.yield %scan3A_38 : i32
    }
    %scan3A_13 = arith.constant 49 : i32
    %barrier3A = arith.constant 0 : index
    tpu.barrier barrier_id(%barrier3A)
    %mul3A_14 = arith.constant 51200 : i32
    %mul3A_15 = arith.muli %add3A, %mul3A_14 : i32
    %scan3A_16 = arith.constant 0 : i32
    %scan3A_17 = arith.constant 0 : i32
    %scan3A_18 = arith.constant 400 : i32
    %scan3A_19 = arith.addi %scan3A_17, %scan3A_18 : i32
    %scan3A_20 = arith.constant 1 : i32
    %scan3A_21 = scf.for %scan3A_31 = %scan3A_17 to %scan3A_19 step %scan3A_20 iter_args(%scan3A_32 = %scan3A_16) -> (i32)  : i32 {
      %mul3A_33 = arith.constant 128 : i32
      %mul3A_34 = arith.muli %scan3A_31, %mul3A_33 : i32
      %add3A_35 = arith.addi %mul3A_15, %mul3A_34 : i32
      "tpu.region"() ({
        %run_scoped3A = tpu.sem_alloc : memref<!tpu.dma_semaphore, #tpu.memory_space<semaphore_mem>>
        %dma_start3A_56 = tpu.memref_slice %arg4[%add3A_35] : memref<1638400xi32, #tpu.memory_space<hbm>> -> memref<128xi32, #tpu.memory_space<hbm>>
        %dma_start3A_57 = tpu.memref_slice %arg4[%add3A_35] : memref<1638400xi32, #tpu.memory_space<hbm>> -> memref<128xi32, #tpu.memory_space<hbm>>
        tpu.enqueue_dma source(%dma_start3A_57 : memref<128xi32, #tpu.memory_space<hbm>>) target(%arg7 : memref<128xi32, #tpu.memory_space<vmem>>) target_semaphore(%run_scoped3A : memref<!tpu.dma_semaphore, #tpu.memory_space<semaphore_mem>>)
        %dma_wait3A_58 = tpu.memref_slice %arg4[%add3A_35] : memref<1638400xi32, #tpu.memory_space<hbm>> -> memref<128xi32, #tpu.memory_space<hbm>>
        %dma_wait3A_59 = tpu.memref_slice %arg4[%add3A_35] : memref<1638400xi32, #tpu.memory_space<hbm>> -> memref<128xi32, #tpu.memory_space<hbm>>
        tpu.wait_dma2 semaphore(%run_scoped3A : memref<!tpu.dma_semaphore, #tpu.memory_space<semaphore_mem>>) src(%dma_wait3A_59 : memref<128xi32, #tpu.memory_space<hbm>>) dst(%arg7 : memref<128xi32, #tpu.memory_space<vmem>>)
        tpu.yield
      }) : () -> ()
      "tpu.region"() ({
        %run_scoped3A = tpu.sem_alloc : memref<!tpu.dma_semaphore, #tpu.memory_space<semaphore_mem>>
        %dma_start3A_56 = tpu.memref_slice %arg5[%add3A_35] : memref<1638400xi32, #tpu.memory_space<hbm>> -> memref<128xi32, #tpu.memory_space<hbm>>
        %dma_start3A_57 = tpu.memref_slice %arg5[%add3A_35] : memref<1638400xi32, #tpu.memory_space<hbm>> -> memref<128xi32, #tpu.memory_space<hbm>>
        tpu.enqueue_dma source(%dma_start3A_57 : memref<128xi32, #tpu.memory_space<hbm>>) target(%arg8 : memref<128xi32, #tpu.memory_space<vmem>>) target_semaphore(%run_scoped3A : memref<!tpu.dma_semaphore, #tpu.memory_space<semaphore_mem>>)
        %dma_wait3A_58 = tpu.memref_slice %arg5[%add3A_35] : memref<1638400xi32, #tpu.memory_space<hbm>> -> memref<128xi32, #tpu.memory_space<hbm>>
        %dma_wait3A_59 = tpu.memref_slice %arg5[%add3A_35] : memref<1638400xi32, #tpu.memory_space<hbm>> -> memref<128xi32, #tpu.memory_space<hbm>>
        tpu.wait_dma2 semaphore(%run_scoped3A : memref<!tpu.dma_semaphore, #tpu.memory_space<semaphore_mem>>) src(%dma_wait3A_59 : memref<128xi32, #tpu.memory_space<hbm>>) dst(%arg8 : memref<128xi32, #tpu.memory_space<vmem>>)
        tpu.yield
      }) : () -> ()
      %dma_start3A = arith.constant 0 : i32
      %dma_start3A_36 = arith.constant 0 : i32
      %dma_start3A_37 = tpu.memref_slice %arg3[%arg0, %dma_start3A, %dma_start3A_36] : memref<2x100352x16xf32, #tpu.memory_space<hbm>> -> memref<1x100352x16xf32, #tpu.memory_space<hbm>>
      %dma_start3A_38 = tpu.memref_squeeze %dma_start3A_37 : memref<1x100352x16xf32, #tpu.memory_space<hbm>> -> memref<100352x16xf32, #tpu.memory_space<hbm>>
      %dma_start3A_39 = arith.constant 0 : i32
      %dma_start3A_40 = arith.constant 0 : i32
      %dma_start3A_41 = tpu.memref_slice %dma_start3A_38[%dma_start3A_39, %dma_start3A_40] : memref<100352x16xf32, #tpu.memory_space<hbm>> -> memref<100352x16xf32, #tpu.memory_space<hbm>>
      tpu.enqueue_indirect_dma source(%dma_start3A_41 : memref<100352x16xf32, #tpu.memory_space<hbm>>) target(%arg9 : memref<128x16xf32, #tpu.memory_space<vmem>>) offsets(%arg7 : memref<128xi32, #tpu.memory_space<vmem>>) semaphore(%arg14 : memref<!tpu.dma_semaphore, #tpu.memory_space<semaphore_mem>>)
      %dma_wait3A = arith.constant 0 : i32
      %dma_wait3A_42 = arith.constant 0 : i32
      %dma_wait3A_43 = tpu.memref_slice %arg3[%arg0, %dma_wait3A, %dma_wait3A_42] : memref<2x100352x16xf32, #tpu.memory_space<hbm>> -> memref<1x100352x16xf32, #tpu.memory_space<hbm>>
      %dma_wait3A_44 = tpu.memref_squeeze %dma_wait3A_43 : memref<1x100352x16xf32, #tpu.memory_space<hbm>> -> memref<100352x16xf32, #tpu.memory_space<hbm>>
      %dma_wait3A_45 = arith.constant 0 : i32
      %dma_wait3A_46 = arith.constant 0 : i32
      %dma_wait3A_47 = tpu.memref_slice %dma_wait3A_44[%dma_wait3A_45, %dma_wait3A_46] : memref<100352x16xf32, #tpu.memory_space<hbm>> -> memref<100352x16xf32, #tpu.memory_space<hbm>>
      tpu.wait_indirect_dma semaphore(%arg14 : memref<!tpu.dma_semaphore, #tpu.memory_space<semaphore_mem>>) src(%dma_wait3A_47 : memref<100352x16xf32, #tpu.memory_space<hbm>>) dst(%arg9 : memref<128x16xf32, #tpu.memory_space<vmem>>)
      "tpu.region"() ({
        %run_scoped3A = tpu.sem_alloc : memref<!tpu.dma_semaphore, #tpu.memory_space<semaphore_mem>>
        %dma_start3A_56 = arith.constant 0 : i32
        %dma_start3A_57 = tpu.memref_slice %arg2[%arg0, %add3A_35, %dma_start3A_56] : memref<2x1638400x16xf32, #tpu.memory_space<hbm>> -> memref<1x128x16xf32, #tpu.memory_space<hbm>>
        %dma_start3A_58 = tpu.memref_squeeze %dma_start3A_57 : memref<1x128x16xf32, #tpu.memory_space<hbm>> -> memref<128x16xf32, #tpu.memory_space<hbm>>
        %dma_start3A_59 = arith.constant 0 : i32
        %dma_start3A_60 = tpu.memref_slice %arg2[%arg0, %add3A_35, %dma_start3A_59] : memref<2x1638400x16xf32, #tpu.memory_space<hbm>> -> memref<1x128x16xf32, #tpu.memory_space<hbm>>
        %dma_start3A_61 = tpu.memref_squeeze %dma_start3A_60 : memref<1x128x16xf32, #tpu.memory_space<hbm>> -> memref<128x16xf32, #tpu.memory_space<hbm>>
        tpu.enqueue_dma source(%dma_start3A_61 : memref<128x16xf32, #tpu.memory_space<hbm>>) target(%arg10 : memref<128x16xf32, #tpu.memory_space<vmem>>) target_semaphore(%run_scoped3A : memref<!tpu.dma_semaphore, #tpu.memory_space<semaphore_mem>>)
        %dma_wait3A_62 = arith.constant 0 : i32
        %dma_wait3A_63 = tpu.memref_slice %arg2[%arg0, %add3A_35, %dma_wait3A_62] : memref<2x1638400x16xf32, #tpu.memory_space<hbm>> -> memref<1x128x16xf32, #tpu.memory_space<hbm>>
        %dma_wait3A_64 = tpu.memref_squeeze %dma_wait3A_63 : memref<1x128x16xf32, #tpu.memory_space<hbm>> -> memref<128x16xf32, #tpu.memory_space<hbm>>
        %dma_wait3A_65 = arith.constant 0 : i32
        %dma_wait3A_66 = tpu.memref_slice %arg2[%arg0, %add3A_35, %dma_wait3A_65] : memref<2x1638400x16xf32, #tpu.memory_space<hbm>> -> memref<1x128x16xf32, #tpu.memory_space<hbm>>
        %dma_wait3A_67 = tpu.memref_squeeze %dma_wait3A_66 : memref<1x128x16xf32, #tpu.memory_space<hbm>> -> memref<128x16xf32, #tpu.memory_space<hbm>>
        tpu.wait_dma2 semaphore(%run_scoped3A : memref<!tpu.dma_semaphore, #tpu.memory_space<semaphore_mem>>) src(%dma_wait3A_67 : memref<128x16xf32, #tpu.memory_space<hbm>>) dst(%arg10 : memref<128x16xf32, #tpu.memory_space<vmem>>)
        tpu.yield
      }) : () -> ()
      %scan3A_48 = arith.constant 0 : i32
      %scan3A_49 = arith.constant 0 : i32
      %scan3A_50 = arith.constant 16 : i32
      %scan3A_51 = arith.addi %scan3A_49, %scan3A_50 : i32
      %scan3A_52 = arith.constant 1 : i32
      %scan3A_53 = scf.for %scan3A_56 = %scan3A_49 to %scan3A_51 step %scan3A_52 iter_args(%scan3A_57 = %scan3A_48) -> (i32)  : i32 {
        %mul3A_58 = arith.constant 8 : i32
        %mul3A_59 = arith.muli %scan3A_56, %mul3A_58 : i32
        %add3A_60 = arith.constant 0 : i32
        %add3A_61 = arith.addi %mul3A_59, %add3A_60 : i32
        %get3A = arith.index_cast %add3A_61 : i32 to index
        %get3A_62 = arith.constant 0 : index
        %get3A_63 = tpu.vector_load %arg9[%get3A, %get3A_62] {strides = array<i32>} : memref<128x16xf32, #tpu.memory_space<vmem>>, vector<1x16xf32>,
        %get3A_64 = vector.shape_cast %get3A_63 : vector<1x16xf32> to vector<16xf32>
        %get3A_65 = arith.index_cast %add3A_61 : i32 to index
        %get3A_66 = arith.constant 0 : index
        %get3A_67 = tpu.vector_load %arg10[%get3A_65, %get3A_66] {strides = array<i32>} : memref<128x16xf32, #tpu.memory_space<vmem>>, vector<1x16xf32>,
        %get3A_68 = vector.shape_cast %get3A_67 : vector<1x16xf32> to vector<16xf32>
        %mul3A_69 = arith.mulf %get3A_64, %get3A_68 : vector<16xf32>
        %swap3A = arith.index_cast %add3A_61 : i32 to index
        %swap3A_70 = arith.constant 0 : index
        %swap3A_71 = tpu.vector_load %arg11[%swap3A, %swap3A_70] {strides = array<i32>} : memref<128x16xf32, #tpu.memory_space<vmem>>, vector<1x16xf32>,
        %swap3A_72 = vector.shape_cast %swap3A_71 : vector<1x16xf32> to vector<16xf32>
        %swap3A_73 = vector.shape_cast %mul3A_69 : vector<16xf32> to vector<1x16xf32>
        tpu.vector_store %arg11[%swap3A, %swap3A_70], %swap3A_73 {strides = array<i32>} : memref<128x16xf32, #tpu.memory_space<vmem>>, vector<1x16xf32>,
        %mul3A_74 = arith.constant 8 : i32
        %mul3A_75 = arith.muli %scan3A_56, %mul3A_74 : i32
        %add3A_76 = arith.constant 1 : i32
        %add3A_77 = arith.addi %mul3A_75, %add3A_76 : i32
        %get3A_78 = arith.index_cast %add3A_77 : i32 to index
        %get3A_79 = arith.constant 0 : index
        %get3A_80 = tpu.vector_load %arg9[%get3A_78, %get3A_79] {strides = array<i32>} : memref<128x16xf32, #tpu.memory_space<vmem>>, vector<1x16xf32>,
        %get3A_81 = vector.shape_cast %get3A_80 : vector<1x16xf32> to vector<16xf32>
        %get3A_82 = arith.index_cast %add3A_77 : i32 to index
        %get3A_83 = arith.constant 0 : index
        %get3A_84 = tpu.vector_load %arg10[%get3A_82, %get3A_83] {strides = array<i32>} : memref<128x16xf32, #tpu.memory_space<vmem>>, vector<1x16xf32>,
        %get3A_85 = vector.shape_cast %get3A_84 : vector<1x16xf32> to vector<16xf32>
        %mul3A_86 = arith.mulf %get3A_81, %get3A_85 : vector<16xf32>
        %swap3A_87 = arith.index_cast %add3A_77 : i32 to index
        %swap3A_88 = arith.constant 0 : index
        %swap3A_89 = tpu.vector_load %arg11[%swap3A_87, %swap3A_88] {strides = array<i32>} : memref<128x16xf32, #tpu.memory_space<vmem>>, vector<1x16xf32>,
        %swap3A_90 = vector.shape_cast %swap3A_89 : vector<1x16xf32> to vector<16xf32>
        %swap3A_91 = vector.shape_cast %mul3A_86 : vector<16xf32> to vector<1x16xf32>
        tpu.vector_store %arg11[%swap3A_87, %swap3A_88], %swap3A_91 {strides = array<i32>} : memref<128x16xf32, #tpu.memory_space<vmem>>, vector<1x16xf32>,
        %mul3A_92 = arith.constant 8 : i32
        %mul3A_93 = arith.muli %scan3A_56, %mul3A_92 : i32
        %add3A_94 = arith.constant 2 : i32
        %add3A_95 = arith.addi %mul3A_93, %add3A_94 : i32
        %get3A_96 = arith.index_cast %add3A_95 : i32 to index
        %get3A_97 = arith.constant 0 : index
        %get3A_98 = tpu.vector_load %arg9[%get3A_96, %get3A_97] {strides = array<i32>} : memref<128x16xf32, #tpu.memory_space<vmem>>, vector<1x16xf32>,
        %get3A_99 = vector.shape_cast %get3A_98 : vector<1x16xf32> to vector<16xf32>
        %get3A_100 = arith.index_cast %add3A_95 : i32 to index
        %get3A_101 = arith.constant 0 : index
        %get3A_102 = tpu.vector_load %arg10[%get3A_100, %get3A_101] {strides = array<i32>} : memref<128x16xf32, #tpu.memory_space<vmem>>, vector<1x16xf32>,
        %get3A_103 = vector.shape_cast %get3A_102 : vector<1x16xf32> to vector<16xf32>
        %mul3A_104 = arith.mulf %get3A_99, %get3A_103 : vector<16xf32>
        %swap3A_105 = arith.index_cast %add3A_95 : i32 to index
        %swap3A_106 = arith.constant 0 : index
        %swap3A_107 = tpu.vector_load %arg11[%swap3A_105, %swap3A_106] {strides = array<i32>} : memref<128x16xf32, #tpu.memory_space<vmem>>, vector<1x16xf32>,
        %swap3A_108 = vector.shape_cast %swap3A_107 : vector<1x16xf32> to vector<16xf32>
        %swap3A_109 = vector.shape_cast %mul3A_104 : vector<16xf32> to vector<1x16xf32>
        tpu.vector_store %arg11[%swap3A_105, %swap3A_106], %swap3A_109 {strides = array<i32>} : memref<128x16xf32, #tpu.memory_space<vmem>>, vector<1x16xf32>,
        %mul3A_110 = arith.constant 8 : i32
        %mul3A_111 = arith.muli %scan3A_56, %mul3A_110 : i32
        %add3A_112 = arith.constant 3 : i32
        %add3A_113 = arith.addi %mul3A_111, %add3A_112 : i32
        %get3A_114 = arith.index_cast %add3A_113 : i32 to index
        %get3A_115 = arith.constant 0 : index
        %get3A_116 = tpu.vector_load %arg9[%get3A_114, %get3A_115] {strides = array<i32>} : memref<128x16xf32, #tpu.memory_space<vmem>>, vector<1x16xf32>,
        %get3A_117 = vector.shape_cast %get3A_116 : vector<1x16xf32> to vector<16xf32>
        %get3A_118 = arith.index_cast %add3A_113 : i32 to index
        %get3A_119 = arith.constant 0 : index
        %get3A_120 = tpu.vector_load %arg10[%get3A_118, %get3A_119] {strides = array<i32>} : memref<128x16xf32, #tpu.memory_space<vmem>>, vector<1x16xf32>,
        %get3A_121 = vector.shape_cast %get3A_120 : vector<1x16xf32> to vector<16xf32>
        %mul3A_122 = arith.mulf %get3A_117, %get3A_121 : vector<16xf32>
        %swap3A_123 = arith.index_cast %add3A_113 : i32 to index
        %swap3A_124 = arith.constant 0 : index
        %swap3A_125 = tpu.vector_load %arg11[%swap3A_123, %swap3A_124] {strides = array<i32>} : memref<128x16xf32, #tpu.memory_space<vmem>>, vector<1x16xf32>,
        %swap3A_126 = vector.shape_cast %swap3A_125 : vector<1x16xf32> to vector<16xf32>
        %swap3A_127 = vector.shape_cast %mul3A_122 : vector<16xf32> to vector<1x16xf32>
        tpu.vector_store %arg11[%swap3A_123, %swap3A_124], %swap3A_127 {strides = array<i32>} : memref<128x16xf32, #tpu.memory_space<vmem>>, vector<1x16xf32>,
        %mul3A_128 = arith.constant 8 : i32
        %mul3A_129 = arith.muli %scan3A_56, %mul3A_128 : i32
        %add3A_130 = arith.constant 4 : i32
        %add3A_131 = arith.addi %mul3A_129, %add3A_130 : i32
        %get3A_132 = arith.index_cast %add3A_131 : i32 to index
        %get3A_133 = arith.constant 0 : index
        %get3A_134 = tpu.vector_load %arg9[%get3A_132, %get3A_133] {strides = array<i32>} : memref<128x16xf32, #tpu.memory_space<vmem>>, vector<1x16xf32>,
        %get3A_135 = vector.shape_cast %get3A_134 : vector<1x16xf32> to vector<16xf32>
        %get3A_136 = arith.index_cast %add3A_131 : i32 to index
        %get3A_137 = arith.constant 0 : index
        %get3A_138 = tpu.vector_load %arg10[%get3A_136, %get3A_137] {strides = array<i32>} : memref<128x16xf32, #tpu.memory_space<vmem>>, vector<1x16xf32>,
        %get3A_139 = vector.shape_cast %get3A_138 : vector<1x16xf32> to vector<16xf32>
        %mul3A_140 = arith.mulf %get3A_135, %get3A_139 : vector<16xf32>
        %swap3A_141 = arith.index_cast %add3A_131 : i32 to index
        %swap3A_142 = arith.constant 0 : index
        %swap3A_143 = tpu.vector_load %arg11[%swap3A_141, %swap3A_142] {strides = array<i32>} : memref<128x16xf32, #tpu.memory_space<vmem>>, vector<1x16xf32>,
        %swap3A_144 = vector.shape_cast %swap3A_143 : vector<1x16xf32> to vector<16xf32>
        %swap3A_145 = vector.shape_cast %mul3A_140 : vector<16xf32> to vector<1x16xf32>
        tpu.vector_store %arg11[%swap3A_141, %swap3A_142], %swap3A_145 {strides = array<i32>} : memref<128x16xf32, #tpu.memory_space<vmem>>, vector<1x16xf32>,
        %mul3A_146 = arith.constant 8 : i32
        %mul3A_147 = arith.muli %scan3A_56, %mul3A_146 : i32
        %add3A_148 = arith.constant 5 : i32
        %add3A_149 = arith.addi %mul3A_147, %add3A_148 : i32
        %get3A_150 = arith.index_cast %add3A_149 : i32 to index
        %get3A_151 = arith.constant 0 : index
        %get3A_152 = tpu.vector_load %arg9[%get3A_150, %get3A_151] {strides = array<i32>} : memref<128x16xf32, #tpu.memory_space<vmem>>, vector<1x16xf32>,
        %get3A_153 = vector.shape_cast %get3A_152 : vector<1x16xf32> to vector<16xf32>
        %get3A_154 = arith.index_cast %add3A_149 : i32 to index
        %get3A_155 = arith.constant 0 : index
        %get3A_156 = tpu.vector_load %arg10[%get3A_154, %get3A_155] {strides = array<i32>} : memref<128x16xf32, #tpu.memory_space<vmem>>, vector<1x16xf32>,
        %get3A_157 = vector.shape_cast %get3A_156 : vector<1x16xf32> to vector<16xf32>
        %mul3A_158 = arith.mulf %get3A_153, %get3A_157 : vector<16xf32>
        %swap3A_159 = arith.index_cast %add3A_149 : i32 to index
        %swap3A_160 = arith.constant 0 : index
        %swap3A_161 = tpu.vector_load %arg11[%swap3A_159, %swap3A_160] {strides = array<i32>} : memref<128x16xf32, #tpu.memory_space<vmem>>, vector<1x16xf32>,
        %swap3A_162 = vector.shape_cast %swap3A_161 : vector<1x16xf32> to vector<16xf32>
        %swap3A_163 = vector.shape_cast %mul3A_158 : vector<16xf32> to vector<1x16xf32>
        tpu.vector_store %arg11[%swap3A_159, %swap3A_160], %swap3A_163 {strides = array<i32>} : memref<128x16xf32, #tpu.memory_space<vmem>>, vector<1x16xf32>,
        %mul3A_164 = arith.constant 8 : i32
        %mul3A_165 = arith.muli %scan3A_56, %mul3A_164 : i32
        %add3A_166 = arith.constant 6 : i32
        %add3A_167 = arith.addi %mul3A_165, %add3A_166 : i32
        %get3A_168 = arith.index_cast %add3A_167 : i32 to index
        %get3A_169 = arith.constant 0 : index
        %get3A_170 = tpu.vector_load %arg9[%get3A_168, %get3A_169] {strides = array<i32>} : memref<128x16xf32, #tpu.memory_space<vmem>>, vector<1x16xf32>,
        %get3A_171 = vector.shape_cast %get3A_170 : vector<1x16xf32> to vector<16xf32>
        %get3A_172 = arith.index_cast %add3A_167 : i32 to index
        %get3A_173 = arith.constant 0 : index
        %get3A_174 = tpu.vector_load %arg10[%get3A_172, %get3A_173] {strides = array<i32>} : memref<128x16xf32, #tpu.memory_space<vmem>>, vector<1x16xf32>,
        %get3A_175 = vector.shape_cast %get3A_174 : vector<1x16xf32> to vector<16xf32>
        %mul3A_176 = arith.mulf %get3A_171, %get3A_175 : vector<16xf32>
        %swap3A_177 = arith.index_cast %add3A_167 : i32 to index
        %swap3A_178 = arith.constant 0 : index
        %swap3A_179 = tpu.vector_load %arg11[%swap3A_177, %swap3A_178] {strides = array<i32>} : memref<128x16xf32, #tpu.memory_space<vmem>>, vector<1x16xf32>,
        %swap3A_180 = vector.shape_cast %swap3A_179 : vector<1x16xf32> to vector<16xf32>
        %swap3A_181 = vector.shape_cast %mul3A_176 : vector<16xf32> to vector<1x16xf32>
        tpu.vector_store %arg11[%swap3A_177, %swap3A_178], %swap3A_181 {strides = array<i32>} : memref<128x16xf32, #tpu.memory_space<vmem>>, vector<1x16xf32>,
        %mul3A_182 = arith.constant 8 : i32
        %mul3A_183 = arith.muli %scan3A_56, %mul3A_182 : i32
        %add3A_184 = arith.constant 7 : i32
        %add3A_185 = arith.addi %mul3A_183, %add3A_184 : i32
        %get3A_186 = arith.index_cast %add3A_185 : i32 to index
        %get3A_187 = arith.constant 0 : index
        %get3A_188 = tpu.vector_load %arg9[%get3A_186, %get3A_187] {strides = array<i32>} : memref<128x16xf32, #tpu.memory_space<vmem>>, vector<1x16xf32>,
        %get3A_189 = vector.shape_cast %get3A_188 : vector<1x16xf32> to vector<16xf32>
        %get3A_190 = arith.index_cast %add3A_185 : i32 to index
        %get3A_191 = arith.constant 0 : index
        %get3A_192 = tpu.vector_load %arg10[%get3A_190, %get3A_191] {strides = array<i32>} : memref<128x16xf32, #tpu.memory_space<vmem>>, vector<1x16xf32>,
        %get3A_193 = vector.shape_cast %get3A_192 : vector<1x16xf32> to vector<16xf32>
        %mul3A_194 = arith.mulf %get3A_189, %get3A_193 : vector<16xf32>
        %swap3A_195 = arith.index_cast %add3A_185 : i32 to index
        %swap3A_196 = arith.constant 0 : index
        %swap3A_197 = tpu.vector_load %arg11[%swap3A_195, %swap3A_196] {strides = array<i32>} : memref<128x16xf32, #tpu.memory_space<vmem>>, vector<1x16xf32>,
        %swap3A_198 = vector.shape_cast %swap3A_197 : vector<1x16xf32> to vector<16xf32>
        %swap3A_199 = vector.shape_cast %mul3A_194 : vector<16xf32> to vector<1x16xf32>
        tpu.vector_store %arg11[%swap3A_195, %swap3A_196], %swap3A_199 {strides = array<i32>} : memref<128x16xf32, #tpu.memory_space<vmem>>, vector<1x16xf32>,
        %scan3A_200 = arith.constant 0 : i32
        scf.yield %scan3A_200 : i32
      }
      %scan3A_54 = arith.constant 16 : i32
      "tpu.region"() ({
        %run_scoped3A = tpu.sem_alloc : memref<!tpu.dma_semaphore, #tpu.memory_space<semaphore_mem>>
        %dma_start3A_56 = arith.constant 0 : i32
        %dma_start3A_57 = arith.constant 0 : i32
        %dma_start3A_58 = tpu.memref_slice %arg13[%dma_start3A_56, %dma_start3A_57] : memref<100352x16xf32, #tpu.memory_space<vmem_shared>> -> memref<100352x16xf32, #tpu.memory_space<vmem_shared>>
        tpu.enqueue_indirect_dma source(%arg11 : memref<128x16xf32, #tpu.memory_space<vmem>>) target(%dma_start3A_58 : memref<100352x16xf32, #tpu.memory_space<vmem_shared>>) offsets(%arg8 : memref<128xi32, #tpu.memory_space<vmem>>) semaphore(%run_scoped3A : memref<!tpu.dma_semaphore, #tpu.memory_space<semaphore_mem>>) {add = true}
        %dma_wait3A_59 = arith.constant 0 : i32
        %dma_wait3A_60 = arith.constant 0 : i32
        %dma_wait3A_61 = tpu.memref_slice %arg13[%dma_wait3A_59, %dma_wait3A_60] : memref<100352x16xf32, #tpu.memory_space<vmem_shared>> -> memref<100352x16xf32, #tpu.memory_space<vmem_shared>>
        tpu.wait_indirect_dma semaphore(%run_scoped3A : memref<!tpu.dma_semaphore, #tpu.memory_space<semaphore_mem>>) src(%arg11 : memref<128x16xf32, #tpu.memory_space<vmem>>) dst(%dma_wait3A_61 : memref<100352x16xf32, #tpu.memory_space<vmem_shared>>)
        tpu.yield
      }) : () -> ()
      %scan3A_55 = arith.constant 0 : i32
      scf.yield %scan3A_55 : i32
    }
    %scan3A_22 = arith.constant 400 : i32
    %barrier3A_23 = arith.constant 0 : index
    tpu.barrier barrier_id(%barrier3A_23)
    %scan3A_24 = arith.constant 0 : i32
    %scan3A_25 = arith.constant 0 : i32
    %scan3A_26 = arith.constant 49 : i32
    %scan3A_27 = arith.addi %scan3A_25, %scan3A_26 : i32
    %scan3A_28 = arith.constant 1 : i32
    %scan3A_29 = scf.for %scan3A_31 = %scan3A_25 to %scan3A_27 step %scan3A_28 iter_args(%scan3A_32 = %scan3A_24) -> (i32)  : i32 {
      %mul3A_33 = arith.constant 6272 : i32
      %mul3A_34 = arith.muli %arg1, %mul3A_33 : i32
      %mul3A_35 = arith.constant 128 : i32
      %mul3A_36 = arith.muli %scan3A_31, %mul3A_35 : i32
      %add3A_37 = arith.addi %mul3A_34, %mul3A_36 : i32
      "tpu.region"() ({
        %run_scoped3A = tpu.sem_alloc : memref<!tpu.dma_semaphore, #tpu.memory_space<semaphore_mem>>
        %dma_start3A = arith.constant 0 : i32
        %dma_start3A_39 = tpu.memref_slice %arg6[%arg0, %add3A_37, %dma_start3A] : memref<2x100352x16xf32, #tpu.memory_space<hbm>> -> memref<1x128x16xf32, #tpu.memory_space<hbm>>
        %dma_start3A_40 = tpu.memref_squeeze %dma_start3A_39 : memref<1x128x16xf32, #tpu.memory_space<hbm>> -> memref<128x16xf32, #tpu.memory_space<hbm>>
        %dma_start3A_41 = arith.constant 0 : i32
        %dma_start3A_42 = tpu.memref_slice %arg13[%add3A_37, %dma_start3A_41] : memref<100352x16xf32, #tpu.memory_space<vmem_shared>> -> memref<128x16xf32, #tpu.memory_space<vmem_shared>>
        tpu.enqueue_dma source(%dma_start3A_42 : memref<128x16xf32, #tpu.memory_space<vmem_shared>>) target(%dma_start3A_40 : memref<128x16xf32, #tpu.memory_space<hbm>>) target_semaphore(%run_scoped3A : memref<!tpu.dma_semaphore, #tpu.memory_space<semaphore_mem>>)
        %dma_wait3A = arith.constant 0 : i32
        %dma_wait3A_43 = tpu.memref_slice %arg6[%arg0, %add3A_37, %dma_wait3A] : memref<2x100352x16xf32, #tpu.memory_space<hbm>> -> memref<1x128x16xf32, #tpu.memory_space<hbm>>
        %dma_wait3A_44 = tpu.memref_squeeze %dma_wait3A_43 : memref<1x128x16xf32, #tpu.memory_space<hbm>> -> memref<128x16xf32, #tpu.memory_space<hbm>>
        %dma_wait3A_45 = arith.constant 0 : i32
        %dma_wait3A_46 = tpu.memref_slice %arg13[%add3A_37, %dma_wait3A_45] : memref<100352x16xf32, #tpu.memory_space<vmem_shared>> -> memref<128x16xf32, #tpu.memory_space<vmem_shared>>
        tpu.wait_dma2 semaphore(%run_scoped3A : memref<!tpu.dma_semaphore, #tpu.memory_space<semaphore_mem>>) src(%dma_wait3A_46 : memref<128x16xf32, #tpu.memory_space<vmem_shared>>) dst(%dma_wait3A_44 : memref<128x16xf32, #tpu.memory_space<hbm>>)
        tpu.yield
      }) : () -> ()
      %scan3A_38 = arith.constant 0 : i32
      scf.yield %scan3A_38 : i32
    }
    %scan3A_30 = arith.constant 49 : i32
    return
  }
}

#map = affine_map<(d0, d1) -> (0, 0, 0)>
#map1 = affine_map<(d0, d1) -> (0)>
module attributes {stable_mosaic.version = 14 : i64} {
  func.func @_sc_edge_bwd1(%arg0: i32, %arg1: i32, %arg2: memref<2x1638400x16xf32, #tpu.memory_space<hbm>>, %arg3: memref<2x100352x16xf32, #tpu.memory_space<hbm>>, %arg4: memref<2x100352x16xf32, #tpu.memory_space<hbm>>, %arg5: memref<1638400xi32, #tpu.memory_space<hbm>>, %arg6: memref<1638400xi32, #tpu.memory_space<hbm>>, %arg7: memref<2x1638400x16xf32, #tpu.memory_space<hbm>>, %arg8: memref<128xi32, #tpu.memory_space<vmem>>, %arg9: memref<128xi32, #tpu.memory_space<vmem>>, %arg10: memref<128x16xf32, #tpu.memory_space<vmem>>, %arg11: memref<128x16xf32, #tpu.memory_space<vmem>>, %arg12: memref<128x16xf32, #tpu.memory_space<vmem>>, %arg13: memref<128x16xf32, #tpu.memory_space<vmem>>, %arg14: memref<!tpu.dma_semaphore, #tpu.memory_space<semaphore_mem>>, %arg15: memref<!tpu.dma_semaphore, #tpu.memory_space<semaphore_mem>>) attributes {dimension_semantics = [#tpu.dimension_semantics<core_parallel>, #tpu.dimension_semantics<subcore_parallel>], iteration_bounds = array<i64: 2, 16>, scalar_prefetch = 0 : i64, scratch_operands = 8 : i64, tpu.core_type = #tpu.core_type<sc_vector_subcore>, window_params = [{transform_indices = #map}, {transform_indices = #map}, {transform_indices = #map}, {transform_indices = #map1}, {transform_indices = #map1}, {transform_indices = #map}]} {
    %mul3A = arith.constant 2 : i32
    %mul3A_0 = arith.muli %arg1, %mul3A : i32
    %add3A = arith.addi %mul3A_0, %arg0 : i32
    %mul3A_1 = arith.constant 51200 : i32
    %mul3A_2 = arith.muli %add3A, %mul3A_1 : i32
    %scan3A = arith.constant 0 : i32
    %scan3A_3 = arith.constant 0 : i32
    %scan3A_4 = arith.constant 400 : i32
    %scan3A_5 = arith.addi %scan3A_3, %scan3A_4 : i32
    %scan3A_6 = arith.constant 1 : i32
    %scan3A_7 = scf.for %scan3A_9 = %scan3A_3 to %scan3A_5 step %scan3A_6 iter_args(%scan3A_10 = %scan3A) -> (i32)  : i32 {
      %mul3A_11 = arith.constant 128 : i32
      %mul3A_12 = arith.muli %scan3A_9, %mul3A_11 : i32
      %add3A_13 = arith.addi %mul3A_2, %mul3A_12 : i32
      "tpu.region"() ({
        %run_scoped3A = tpu.sem_alloc : memref<!tpu.dma_semaphore, #tpu.memory_space<semaphore_mem>>
        %dma_start3A_48 = tpu.memref_slice %arg5[%add3A_13] : memref<1638400xi32, #tpu.memory_space<hbm>> -> memref<128xi32, #tpu.memory_space<hbm>>
        %dma_start3A_49 = tpu.memref_slice %arg5[%add3A_13] : memref<1638400xi32, #tpu.memory_space<hbm>> -> memref<128xi32, #tpu.memory_space<hbm>>
        tpu.enqueue_dma source(%dma_start3A_49 : memref<128xi32, #tpu.memory_space<hbm>>) target(%arg8 : memref<128xi32, #tpu.memory_space<vmem>>) target_semaphore(%run_scoped3A : memref<!tpu.dma_semaphore, #tpu.memory_space<semaphore_mem>>)
        %dma_wait3A_50 = tpu.memref_slice %arg5[%add3A_13] : memref<1638400xi32, #tpu.memory_space<hbm>> -> memref<128xi32, #tpu.memory_space<hbm>>
        %dma_wait3A_51 = tpu.memref_slice %arg5[%add3A_13] : memref<1638400xi32, #tpu.memory_space<hbm>> -> memref<128xi32, #tpu.memory_space<hbm>>
        tpu.wait_dma2 semaphore(%run_scoped3A : memref<!tpu.dma_semaphore, #tpu.memory_space<semaphore_mem>>) src(%dma_wait3A_51 : memref<128xi32, #tpu.memory_space<hbm>>) dst(%arg8 : memref<128xi32, #tpu.memory_space<vmem>>)
        tpu.yield
      }) : () -> ()
      "tpu.region"() ({
        %run_scoped3A = tpu.sem_alloc : memref<!tpu.dma_semaphore, #tpu.memory_space<semaphore_mem>>
        %dma_start3A_48 = tpu.memref_slice %arg6[%add3A_13] : memref<1638400xi32, #tpu.memory_space<hbm>> -> memref<128xi32, #tpu.memory_space<hbm>>
        %dma_start3A_49 = tpu.memref_slice %arg6[%add3A_13] : memref<1638400xi32, #tpu.memory_space<hbm>> -> memref<128xi32, #tpu.memory_space<hbm>>
        tpu.enqueue_dma source(%dma_start3A_49 : memref<128xi32, #tpu.memory_space<hbm>>) target(%arg9 : memref<128xi32, #tpu.memory_space<vmem>>) target_semaphore(%run_scoped3A : memref<!tpu.dma_semaphore, #tpu.memory_space<semaphore_mem>>)
        %dma_wait3A_50 = tpu.memref_slice %arg6[%add3A_13] : memref<1638400xi32, #tpu.memory_space<hbm>> -> memref<128xi32, #tpu.memory_space<hbm>>
        %dma_wait3A_51 = tpu.memref_slice %arg6[%add3A_13] : memref<1638400xi32, #tpu.memory_space<hbm>> -> memref<128xi32, #tpu.memory_space<hbm>>
        tpu.wait_dma2 semaphore(%run_scoped3A : memref<!tpu.dma_semaphore, #tpu.memory_space<semaphore_mem>>) src(%dma_wait3A_51 : memref<128xi32, #tpu.memory_space<hbm>>) dst(%arg9 : memref<128xi32, #tpu.memory_space<vmem>>)
        tpu.yield
      }) : () -> ()
      %dma_start3A = arith.constant 0 : i32
      %dma_start3A_14 = arith.constant 0 : i32
      %dma_start3A_15 = tpu.memref_slice %arg3[%arg0, %dma_start3A, %dma_start3A_14] : memref<2x100352x16xf32, #tpu.memory_space<hbm>> -> memref<1x100352x16xf32, #tpu.memory_space<hbm>>
      %dma_start3A_16 = tpu.memref_squeeze %dma_start3A_15 : memref<1x100352x16xf32, #tpu.memory_space<hbm>> -> memref<100352x16xf32, #tpu.memory_space<hbm>>
      %dma_start3A_17 = arith.constant 0 : i32
      %dma_start3A_18 = arith.constant 0 : i32
      %dma_start3A_19 = tpu.memref_slice %dma_start3A_16[%dma_start3A_17, %dma_start3A_18] : memref<100352x16xf32, #tpu.memory_space<hbm>> -> memref<100352x16xf32, #tpu.memory_space<hbm>>
      tpu.enqueue_indirect_dma source(%dma_start3A_19 : memref<100352x16xf32, #tpu.memory_space<hbm>>) target(%arg10 : memref<128x16xf32, #tpu.memory_space<vmem>>) offsets(%arg9 : memref<128xi32, #tpu.memory_space<vmem>>) semaphore(%arg14 : memref<!tpu.dma_semaphore, #tpu.memory_space<semaphore_mem>>)
      %dma_start3A_20 = arith.constant 0 : i32
      %dma_start3A_21 = arith.constant 0 : i32
      %dma_start3A_22 = tpu.memref_slice %arg4[%arg0, %dma_start3A_20, %dma_start3A_21] : memref<2x100352x16xf32, #tpu.memory_space<hbm>> -> memref<1x100352x16xf32, #tpu.memory_space<hbm>>
      %dma_start3A_23 = tpu.memref_squeeze %dma_start3A_22 : memref<1x100352x16xf32, #tpu.memory_space<hbm>> -> memref<100352x16xf32, #tpu.memory_space<hbm>>
      %dma_start3A_24 = arith.constant 0 : i32
      %dma_start3A_25 = arith.constant 0 : i32
      %dma_start3A_26 = tpu.memref_slice %dma_start3A_23[%dma_start3A_24, %dma_start3A_25] : memref<100352x16xf32, #tpu.memory_space<hbm>> -> memref<100352x16xf32, #tpu.memory_space<hbm>>
      tpu.enqueue_indirect_dma source(%dma_start3A_26 : memref<100352x16xf32, #tpu.memory_space<hbm>>) target(%arg11 : memref<128x16xf32, #tpu.memory_space<vmem>>) offsets(%arg8 : memref<128xi32, #tpu.memory_space<vmem>>) semaphore(%arg15 : memref<!tpu.dma_semaphore, #tpu.memory_space<semaphore_mem>>)
      %dma_wait3A = arith.constant 0 : i32
      %dma_wait3A_27 = arith.constant 0 : i32
      %dma_wait3A_28 = tpu.memref_slice %arg3[%arg0, %dma_wait3A, %dma_wait3A_27] : memref<2x100352x16xf32, #tpu.memory_space<hbm>> -> memref<1x100352x16xf32, #tpu.memory_space<hbm>>
      %dma_wait3A_29 = tpu.memref_squeeze %dma_wait3A_28 : memref<1x100352x16xf32, #tpu.memory_space<hbm>> -> memref<100352x16xf32, #tpu.memory_space<hbm>>
      %dma_wait3A_30 = arith.constant 0 : i32
      %dma_wait3A_31 = arith.constant 0 : i32
      %dma_wait3A_32 = tpu.memref_slice %dma_wait3A_29[%dma_wait3A_30, %dma_wait3A_31] : memref<100352x16xf32, #tpu.memory_space<hbm>> -> memref<100352x16xf32, #tpu.memory_space<hbm>>
      tpu.wait_indirect_dma semaphore(%arg14 : memref<!tpu.dma_semaphore, #tpu.memory_space<semaphore_mem>>) src(%dma_wait3A_32 : memref<100352x16xf32, #tpu.memory_space<hbm>>) dst(%arg10 : memref<128x16xf32, #tpu.memory_space<vmem>>)
      %dma_wait3A_33 = arith.constant 0 : i32
      %dma_wait3A_34 = arith.constant 0 : i32
      %dma_wait3A_35 = tpu.memref_slice %arg4[%arg0, %dma_wait3A_33, %dma_wait3A_34] : memref<2x100352x16xf32, #tpu.memory_space<hbm>> -> memref<1x100352x16xf32, #tpu.memory_space<hbm>>
      %dma_wait3A_36 = tpu.memref_squeeze %dma_wait3A_35 : memref<1x100352x16xf32, #tpu.memory_space<hbm>> -> memref<100352x16xf32, #tpu.memory_space<hbm>>
      %dma_wait3A_37 = arith.constant 0 : i32
      %dma_wait3A_38 = arith.constant 0 : i32
      %dma_wait3A_39 = tpu.memref_slice %dma_wait3A_36[%dma_wait3A_37, %dma_wait3A_38] : memref<100352x16xf32, #tpu.memory_space<hbm>> -> memref<100352x16xf32, #tpu.memory_space<hbm>>
      tpu.wait_indirect_dma semaphore(%arg15 : memref<!tpu.dma_semaphore, #tpu.memory_space<semaphore_mem>>) src(%dma_wait3A_39 : memref<100352x16xf32, #tpu.memory_space<hbm>>) dst(%arg11 : memref<128x16xf32, #tpu.memory_space<vmem>>)
      "tpu.region"() ({
        %run_scoped3A = tpu.sem_alloc : memref<!tpu.dma_semaphore, #tpu.memory_space<semaphore_mem>>
        %dma_start3A_48 = arith.constant 0 : i32
        %dma_start3A_49 = tpu.memref_slice %arg2[%arg0, %add3A_13, %dma_start3A_48] : memref<2x1638400x16xf32, #tpu.memory_space<hbm>> -> memref<1x128x16xf32, #tpu.memory_space<hbm>>
        %dma_start3A_50 = tpu.memref_squeeze %dma_start3A_49 : memref<1x128x16xf32, #tpu.memory_space<hbm>> -> memref<128x16xf32, #tpu.memory_space<hbm>>
        %dma_start3A_51 = arith.constant 0 : i32
        %dma_start3A_52 = tpu.memref_slice %arg2[%arg0, %add3A_13, %dma_start3A_51] : memref<2x1638400x16xf32, #tpu.memory_space<hbm>> -> memref<1x128x16xf32, #tpu.memory_space<hbm>>
        %dma_start3A_53 = tpu.memref_squeeze %dma_start3A_52 : memref<1x128x16xf32, #tpu.memory_space<hbm>> -> memref<128x16xf32, #tpu.memory_space<hbm>>
        tpu.enqueue_dma source(%dma_start3A_53 : memref<128x16xf32, #tpu.memory_space<hbm>>) target(%arg12 : memref<128x16xf32, #tpu.memory_space<vmem>>) target_semaphore(%run_scoped3A : memref<!tpu.dma_semaphore, #tpu.memory_space<semaphore_mem>>)
        %dma_wait3A_54 = arith.constant 0 : i32
        %dma_wait3A_55 = tpu.memref_slice %arg2[%arg0, %add3A_13, %dma_wait3A_54] : memref<2x1638400x16xf32, #tpu.memory_space<hbm>> -> memref<1x128x16xf32, #tpu.memory_space<hbm>>
        %dma_wait3A_56 = tpu.memref_squeeze %dma_wait3A_55 : memref<1x128x16xf32, #tpu.memory_space<hbm>> -> memref<128x16xf32, #tpu.memory_space<hbm>>
        %dma_wait3A_57 = arith.constant 0 : i32
        %dma_wait3A_58 = tpu.memref_slice %arg2[%arg0, %add3A_13, %dma_wait3A_57] : memref<2x1638400x16xf32, #tpu.memory_space<hbm>> -> memref<1x128x16xf32, #tpu.memory_space<hbm>>
        %dma_wait3A_59 = tpu.memref_squeeze %dma_wait3A_58 : memref<1x128x16xf32, #tpu.memory_space<hbm>> -> memref<128x16xf32, #tpu.memory_space<hbm>>
        tpu.wait_dma2 semaphore(%run_scoped3A : memref<!tpu.dma_semaphore, #tpu.memory_space<semaphore_mem>>) src(%dma_wait3A_59 : memref<128x16xf32, #tpu.memory_space<hbm>>) dst(%arg12 : memref<128x16xf32, #tpu.memory_space<vmem>>)
        tpu.yield
      }) : () -> ()
      %scan3A_40 = arith.constant 0 : i32
      %scan3A_41 = arith.constant 0 : i32
      %scan3A_42 = arith.constant 16 : i32
      %scan3A_43 = arith.addi %scan3A_41, %scan3A_42 : i32
      %scan3A_44 = arith.constant 1 : i32
      %scan3A_45 = scf.for %scan3A_48 = %scan3A_41 to %scan3A_43 step %scan3A_44 iter_args(%scan3A_49 = %scan3A_40) -> (i32)  : i32 {
        %mul3A_50 = arith.constant 8 : i32
        %mul3A_51 = arith.muli %scan3A_48, %mul3A_50 : i32
        %add3A_52 = arith.constant 0 : i32
        %add3A_53 = arith.addi %mul3A_51, %add3A_52 : i32
        %get3A = arith.index_cast %add3A_53 : i32 to index
        %get3A_54 = arith.constant 0 : index
        %get3A_55 = tpu.vector_load %arg10[%get3A, %get3A_54] {strides = array<i32>} : memref<128x16xf32, #tpu.memory_space<vmem>>, vector<1x16xf32>,
        %get3A_56 = vector.shape_cast %get3A_55 : vector<1x16xf32> to vector<16xf32>
        %get3A_57 = arith.index_cast %add3A_53 : i32 to index
        %get3A_58 = arith.constant 0 : index
        %get3A_59 = tpu.vector_load %arg11[%get3A_57, %get3A_58] {strides = array<i32>} : memref<128x16xf32, #tpu.memory_space<vmem>>, vector<1x16xf32>,
        %get3A_60 = vector.shape_cast %get3A_59 : vector<1x16xf32> to vector<16xf32>
        %mul3A_61 = arith.mulf %get3A_56, %get3A_60 : vector<16xf32>
        %swap3A = arith.index_cast %add3A_53 : i32 to index
        %swap3A_62 = arith.constant 0 : index
        %swap3A_63 = tpu.vector_load %arg13[%swap3A, %swap3A_62] {strides = array<i32>} : memref<128x16xf32, #tpu.memory_space<vmem>>, vector<1x16xf32>,
        %swap3A_64 = vector.shape_cast %swap3A_63 : vector<1x16xf32> to vector<16xf32>
        %swap3A_65 = vector.shape_cast %mul3A_61 : vector<16xf32> to vector<1x16xf32>
        tpu.vector_store %arg13[%swap3A, %swap3A_62], %swap3A_65 {strides = array<i32>} : memref<128x16xf32, #tpu.memory_space<vmem>>, vector<1x16xf32>,
        %mul3A_66 = arith.constant 8 : i32
        %mul3A_67 = arith.muli %scan3A_48, %mul3A_66 : i32
        %add3A_68 = arith.constant 1 : i32
        %add3A_69 = arith.addi %mul3A_67, %add3A_68 : i32
        %get3A_70 = arith.index_cast %add3A_69 : i32 to index
        %get3A_71 = arith.constant 0 : index
        %get3A_72 = tpu.vector_load %arg10[%get3A_70, %get3A_71] {strides = array<i32>} : memref<128x16xf32, #tpu.memory_space<vmem>>, vector<1x16xf32>,
        %get3A_73 = vector.shape_cast %get3A_72 : vector<1x16xf32> to vector<16xf32>
        %get3A_74 = arith.index_cast %add3A_69 : i32 to index
        %get3A_75 = arith.constant 0 : index
        %get3A_76 = tpu.vector_load %arg11[%get3A_74, %get3A_75] {strides = array<i32>} : memref<128x16xf32, #tpu.memory_space<vmem>>, vector<1x16xf32>,
        %get3A_77 = vector.shape_cast %get3A_76 : vector<1x16xf32> to vector<16xf32>
        %mul3A_78 = arith.mulf %get3A_73, %get3A_77 : vector<16xf32>
        %swap3A_79 = arith.index_cast %add3A_69 : i32 to index
        %swap3A_80 = arith.constant 0 : index
        %swap3A_81 = tpu.vector_load %arg13[%swap3A_79, %swap3A_80] {strides = array<i32>} : memref<128x16xf32, #tpu.memory_space<vmem>>, vector<1x16xf32>,
        %swap3A_82 = vector.shape_cast %swap3A_81 : vector<1x16xf32> to vector<16xf32>
        %swap3A_83 = vector.shape_cast %mul3A_78 : vector<16xf32> to vector<1x16xf32>
        tpu.vector_store %arg13[%swap3A_79, %swap3A_80], %swap3A_83 {strides = array<i32>} : memref<128x16xf32, #tpu.memory_space<vmem>>, vector<1x16xf32>,
        %mul3A_84 = arith.constant 8 : i32
        %mul3A_85 = arith.muli %scan3A_48, %mul3A_84 : i32
        %add3A_86 = arith.constant 2 : i32
        %add3A_87 = arith.addi %mul3A_85, %add3A_86 : i32
        %get3A_88 = arith.index_cast %add3A_87 : i32 to index
        %get3A_89 = arith.constant 0 : index
        %get3A_90 = tpu.vector_load %arg10[%get3A_88, %get3A_89] {strides = array<i32>} : memref<128x16xf32, #tpu.memory_space<vmem>>, vector<1x16xf32>,
        %get3A_91 = vector.shape_cast %get3A_90 : vector<1x16xf32> to vector<16xf32>
        %get3A_92 = arith.index_cast %add3A_87 : i32 to index
        %get3A_93 = arith.constant 0 : index
        %get3A_94 = tpu.vector_load %arg11[%get3A_92, %get3A_93] {strides = array<i32>} : memref<128x16xf32, #tpu.memory_space<vmem>>, vector<1x16xf32>,
        %get3A_95 = vector.shape_cast %get3A_94 : vector<1x16xf32> to vector<16xf32>
        %mul3A_96 = arith.mulf %get3A_91, %get3A_95 : vector<16xf32>
        %swap3A_97 = arith.index_cast %add3A_87 : i32 to index
        %swap3A_98 = arith.constant 0 : index
        %swap3A_99 = tpu.vector_load %arg13[%swap3A_97, %swap3A_98] {strides = array<i32>} : memref<128x16xf32, #tpu.memory_space<vmem>>, vector<1x16xf32>,
        %swap3A_100 = vector.shape_cast %swap3A_99 : vector<1x16xf32> to vector<16xf32>
        %swap3A_101 = vector.shape_cast %mul3A_96 : vector<16xf32> to vector<1x16xf32>
        tpu.vector_store %arg13[%swap3A_97, %swap3A_98], %swap3A_101 {strides = array<i32>} : memref<128x16xf32, #tpu.memory_space<vmem>>, vector<1x16xf32>,
        %mul3A_102 = arith.constant 8 : i32
        %mul3A_103 = arith.muli %scan3A_48, %mul3A_102 : i32
        %add3A_104 = arith.constant 3 : i32
        %add3A_105 = arith.addi %mul3A_103, %add3A_104 : i32
        %get3A_106 = arith.index_cast %add3A_105 : i32 to index
        %get3A_107 = arith.constant 0 : index
        %get3A_108 = tpu.vector_load %arg10[%get3A_106, %get3A_107] {strides = array<i32>} : memref<128x16xf32, #tpu.memory_space<vmem>>, vector<1x16xf32>,
        %get3A_109 = vector.shape_cast %get3A_108 : vector<1x16xf32> to vector<16xf32>
        %get3A_110 = arith.index_cast %add3A_105 : i32 to index
        %get3A_111 = arith.constant 0 : index
        %get3A_112 = tpu.vector_load %arg11[%get3A_110, %get3A_111] {strides = array<i32>} : memref<128x16xf32, #tpu.memory_space<vmem>>, vector<1x16xf32>,
        %get3A_113 = vector.shape_cast %get3A_112 : vector<1x16xf32> to vector<16xf32>
        %mul3A_114 = arith.mulf %get3A_109, %get3A_113 : vector<16xf32>
        %swap3A_115 = arith.index_cast %add3A_105 : i32 to index
        %swap3A_116 = arith.constant 0 : index
        %swap3A_117 = tpu.vector_load %arg13[%swap3A_115, %swap3A_116] {strides = array<i32>} : memref<128x16xf32, #tpu.memory_space<vmem>>, vector<1x16xf32>,
        %swap3A_118 = vector.shape_cast %swap3A_117 : vector<1x16xf32> to vector<16xf32>
        %swap3A_119 = vector.shape_cast %mul3A_114 : vector<16xf32> to vector<1x16xf32>
        tpu.vector_store %arg13[%swap3A_115, %swap3A_116], %swap3A_119 {strides = array<i32>} : memref<128x16xf32, #tpu.memory_space<vmem>>, vector<1x16xf32>,
        %mul3A_120 = arith.constant 8 : i32
        %mul3A_121 = arith.muli %scan3A_48, %mul3A_120 : i32
        %add3A_122 = arith.constant 4 : i32
        %add3A_123 = arith.addi %mul3A_121, %add3A_122 : i32
        %get3A_124 = arith.index_cast %add3A_123 : i32 to index
        %get3A_125 = arith.constant 0 : index
        %get3A_126 = tpu.vector_load %arg10[%get3A_124, %get3A_125] {strides = array<i32>} : memref<128x16xf32, #tpu.memory_space<vmem>>, vector<1x16xf32>,
        %get3A_127 = vector.shape_cast %get3A_126 : vector<1x16xf32> to vector<16xf32>
        %get3A_128 = arith.index_cast %add3A_123 : i32 to index
        %get3A_129 = arith.constant 0 : index
        %get3A_130 = tpu.vector_load %arg11[%get3A_128, %get3A_129] {strides = array<i32>} : memref<128x16xf32, #tpu.memory_space<vmem>>, vector<1x16xf32>,
        %get3A_131 = vector.shape_cast %get3A_130 : vector<1x16xf32> to vector<16xf32>
        %mul3A_132 = arith.mulf %get3A_127, %get3A_131 : vector<16xf32>
        %swap3A_133 = arith.index_cast %add3A_123 : i32 to index
        %swap3A_134 = arith.constant 0 : index
        %swap3A_135 = tpu.vector_load %arg13[%swap3A_133, %swap3A_134] {strides = array<i32>} : memref<128x16xf32, #tpu.memory_space<vmem>>, vector<1x16xf32>,
        %swap3A_136 = vector.shape_cast %swap3A_135 : vector<1x16xf32> to vector<16xf32>
        %swap3A_137 = vector.shape_cast %mul3A_132 : vector<16xf32> to vector<1x16xf32>
        tpu.vector_store %arg13[%swap3A_133, %swap3A_134], %swap3A_137 {strides = array<i32>} : memref<128x16xf32, #tpu.memory_space<vmem>>, vector<1x16xf32>,
        %mul3A_138 = arith.constant 8 : i32
        %mul3A_139 = arith.muli %scan3A_48, %mul3A_138 : i32
        %add3A_140 = arith.constant 5 : i32
        %add3A_141 = arith.addi %mul3A_139, %add3A_140 : i32
        %get3A_142 = arith.index_cast %add3A_141 : i32 to index
        %get3A_143 = arith.constant 0 : index
        %get3A_144 = tpu.vector_load %arg10[%get3A_142, %get3A_143] {strides = array<i32>} : memref<128x16xf32, #tpu.memory_space<vmem>>, vector<1x16xf32>,
        %get3A_145 = vector.shape_cast %get3A_144 : vector<1x16xf32> to vector<16xf32>
        %get3A_146 = arith.index_cast %add3A_141 : i32 to index
        %get3A_147 = arith.constant 0 : index
        %get3A_148 = tpu.vector_load %arg11[%get3A_146, %get3A_147] {strides = array<i32>} : memref<128x16xf32, #tpu.memory_space<vmem>>, vector<1x16xf32>,
        %get3A_149 = vector.shape_cast %get3A_148 : vector<1x16xf32> to vector<16xf32>
        %mul3A_150 = arith.mulf %get3A_145, %get3A_149 : vector<16xf32>
        %swap3A_151 = arith.index_cast %add3A_141 : i32 to index
        %swap3A_152 = arith.constant 0 : index
        %swap3A_153 = tpu.vector_load %arg13[%swap3A_151, %swap3A_152] {strides = array<i32>} : memref<128x16xf32, #tpu.memory_space<vmem>>, vector<1x16xf32>,
        %swap3A_154 = vector.shape_cast %swap3A_153 : vector<1x16xf32> to vector<16xf32>
        %swap3A_155 = vector.shape_cast %mul3A_150 : vector<16xf32> to vector<1x16xf32>
        tpu.vector_store %arg13[%swap3A_151, %swap3A_152], %swap3A_155 {strides = array<i32>} : memref<128x16xf32, #tpu.memory_space<vmem>>, vector<1x16xf32>,
        %mul3A_156 = arith.constant 8 : i32
        %mul3A_157 = arith.muli %scan3A_48, %mul3A_156 : i32
        %add3A_158 = arith.constant 6 : i32
        %add3A_159 = arith.addi %mul3A_157, %add3A_158 : i32
        %get3A_160 = arith.index_cast %add3A_159 : i32 to index
        %get3A_161 = arith.constant 0 : index
        %get3A_162 = tpu.vector_load %arg10[%get3A_160, %get3A_161] {strides = array<i32>} : memref<128x16xf32, #tpu.memory_space<vmem>>, vector<1x16xf32>,
        %get3A_163 = vector.shape_cast %get3A_162 : vector<1x16xf32> to vector<16xf32>
        %get3A_164 = arith.index_cast %add3A_159 : i32 to index
        %get3A_165 = arith.constant 0 : index
        %get3A_166 = tpu.vector_load %arg11[%get3A_164, %get3A_165] {strides = array<i32>} : memref<128x16xf32, #tpu.memory_space<vmem>>, vector<1x16xf32>,
        %get3A_167 = vector.shape_cast %get3A_166 : vector<1x16xf32> to vector<16xf32>
        %mul3A_168 = arith.mulf %get3A_163, %get3A_167 : vector<16xf32>
        %swap3A_169 = arith.index_cast %add3A_159 : i32 to index
        %swap3A_170 = arith.constant 0 : index
        %swap3A_171 = tpu.vector_load %arg13[%swap3A_169, %swap3A_170] {strides = array<i32>} : memref<128x16xf32, #tpu.memory_space<vmem>>, vector<1x16xf32>,
        %swap3A_172 = vector.shape_cast %swap3A_171 : vector<1x16xf32> to vector<16xf32>
        %swap3A_173 = vector.shape_cast %mul3A_168 : vector<16xf32> to vector<1x16xf32>
        tpu.vector_store %arg13[%swap3A_169, %swap3A_170], %swap3A_173 {strides = array<i32>} : memref<128x16xf32, #tpu.memory_space<vmem>>, vector<1x16xf32>,
        %mul3A_174 = arith.constant 8 : i32
        %mul3A_175 = arith.muli %scan3A_48, %mul3A_174 : i32
        %add3A_176 = arith.constant 7 : i32
        %add3A_177 = arith.addi %mul3A_175, %add3A_176 : i32
        %get3A_178 = arith.index_cast %add3A_177 : i32 to index
        %get3A_179 = arith.constant 0 : index
        %get3A_180 = tpu.vector_load %arg10[%get3A_178, %get3A_179] {strides = array<i32>} : memref<128x16xf32, #tpu.memory_space<vmem>>, vector<1x16xf32>,
        %get3A_181 = vector.shape_cast %get3A_180 : vector<1x16xf32> to vector<16xf32>
        %get3A_182 = arith.index_cast %add3A_177 : i32 to index
        %get3A_183 = arith.constant 0 : index
        %get3A_184 = tpu.vector_load %arg11[%get3A_182, %get3A_183] {strides = array<i32>} : memref<128x16xf32, #tpu.memory_space<vmem>>, vector<1x16xf32>,
        %get3A_185 = vector.shape_cast %get3A_184 : vector<1x16xf32> to vector<16xf32>
        %mul3A_186 = arith.mulf %get3A_181, %get3A_185 : vector<16xf32>
        %swap3A_187 = arith.index_cast %add3A_177 : i32 to index
        %swap3A_188 = arith.constant 0 : index
        %swap3A_189 = tpu.vector_load %arg13[%swap3A_187, %swap3A_188] {strides = array<i32>} : memref<128x16xf32, #tpu.memory_space<vmem>>, vector<1x16xf32>,
        %swap3A_190 = vector.shape_cast %swap3A_189 : vector<1x16xf32> to vector<16xf32>
        %swap3A_191 = vector.shape_cast %mul3A_186 : vector<16xf32> to vector<1x16xf32>
        tpu.vector_store %arg13[%swap3A_187, %swap3A_188], %swap3A_191 {strides = array<i32>} : memref<128x16xf32, #tpu.memory_space<vmem>>, vector<1x16xf32>,
        %scan3A_192 = arith.constant 0 : i32
        scf.yield %scan3A_192 : i32
      }
      %scan3A_46 = arith.constant 16 : i32
      "tpu.region"() ({
        %run_scoped3A = tpu.sem_alloc : memref<!tpu.dma_semaphore, #tpu.memory_space<semaphore_mem>>
        %dma_start3A_48 = arith.constant 0 : i32
        %dma_start3A_49 = tpu.memref_slice %arg7[%arg0, %add3A_13, %dma_start3A_48] : memref<2x1638400x16xf32, #tpu.memory_space<hbm>> -> memref<1x128x16xf32, #tpu.memory_space<hbm>>
        %dma_start3A_50 = tpu.memref_squeeze %dma_start3A_49 : memref<1x128x16xf32, #tpu.memory_space<hbm>> -> memref<128x16xf32, #tpu.memory_space<hbm>>
        %dma_start3A_51 = arith.constant 0 : i32
        %dma_start3A_52 = tpu.memref_slice %arg7[%arg0, %add3A_13, %dma_start3A_51] : memref<2x1638400x16xf32, #tpu.memory_space<hbm>> -> memref<1x128x16xf32, #tpu.memory_space<hbm>>
        %dma_start3A_53 = tpu.memref_squeeze %dma_start3A_52 : memref<1x128x16xf32, #tpu.memory_space<hbm>> -> memref<128x16xf32, #tpu.memory_space<hbm>>
        tpu.enqueue_dma source(%arg13 : memref<128x16xf32, #tpu.memory_space<vmem>>) target(%dma_start3A_53 : memref<128x16xf32, #tpu.memory_space<hbm>>) target_semaphore(%run_scoped3A : memref<!tpu.dma_semaphore, #tpu.memory_space<semaphore_mem>>)
        %dma_wait3A_54 = arith.constant 0 : i32
        %dma_wait3A_55 = tpu.memref_slice %arg7[%arg0, %add3A_13, %dma_wait3A_54] : memref<2x1638400x16xf32, #tpu.memory_space<hbm>> -> memref<1x128x16xf32, #tpu.memory_space<hbm>>
        %dma_wait3A_56 = tpu.memref_squeeze %dma_wait3A_55 : memref<1x128x16xf32, #tpu.memory_space<hbm>> -> memref<128x16xf32, #tpu.memory_space<hbm>>
        %dma_wait3A_57 = arith.constant 0 : i32
        %dma_wait3A_58 = tpu.memref_slice %arg7[%arg0, %add3A_13, %dma_wait3A_57] : memref<2x1638400x16xf32, #tpu.memory_space<hbm>> -> memref<1x128x16xf32, #tpu.memory_space<hbm>>
        %dma_wait3A_59 = tpu.memref_squeeze %dma_wait3A_58 : memref<1x128x16xf32, #tpu.memory_space<hbm>> -> memref<128x16xf32, #tpu.memory_space<hbm>>
        tpu.wait_dma2 semaphore(%run_scoped3A : memref<!tpu.dma_semaphore, #tpu.memory_space<semaphore_mem>>) src(%arg13 : memref<128x16xf32, #tpu.memory_space<vmem>>) dst(%dma_wait3A_59 : memref<128x16xf32, #tpu.memory_space<hbm>>)
        tpu.yield
      }) : () -> ()
      %scan3A_47 = arith.constant 0 : i32
      scf.yield %scan3A_47 : i32
    }
    %scan3A_8 = arith.constant 400 : i32
    return
  }
}

#map = affine_map<(d0, d1) -> (0, 0)>
#map1 = affine_map<(d0, d1) -> (0)>
#map2 = affine_map<(d0, d1) -> (0, 0, 0)>
module attributes {stable_mosaic.version = 14 : i64} {
  func.func @_sc_force_scatter(%arg0: i32, %arg1: i32, %arg2: memref<1638400x16xf32, #tpu.memory_space<hbm>>, %arg3: memref<1638400x16xf32, #tpu.memory_space<hbm>>, %arg4: memref<1638400xi32, #tpu.memory_space<hbm>>, %arg5: memref<1638400xi32, #tpu.memory_space<hbm>>, %arg6: memref<2x100352x16xf32, #tpu.memory_space<hbm>>, %arg7: memref<128xi32, #tpu.memory_space<vmem>>, %arg8: memref<128xi32, #tpu.memory_space<vmem>>, %arg9: memref<128x16xf32, #tpu.memory_space<vmem>>, %arg10: memref<128x16xf32, #tpu.memory_space<vmem>>, %arg11: memref<128x16xf32, #tpu.memory_space<vmem>>, %arg12: memref<100352x16xf32, #tpu.memory_space<vmem_shared>>) attributes {dimension_semantics = [#tpu.dimension_semantics<core_parallel>, #tpu.dimension_semantics<subcore_parallel>], iteration_bounds = array<i64: 2, 16>, scalar_prefetch = 0 : i64, scratch_operands = 6 : i64, tpu.core_type = #tpu.core_type<sc_vector_subcore>, window_params = [{transform_indices = #map}, {transform_indices = #map}, {transform_indices = #map1}, {transform_indices = #map1}, {transform_indices = #map2}]} {
    %mul3A = arith.constant 2 : i32
    %mul3A_0 = arith.muli %arg1, %mul3A : i32
    %add3A = arith.addi %mul3A_0, %arg0 : i32
    %scan3A = arith.constant 0 : i32
    %scan3A_1 = arith.constant 0 : i32
    %scan3A_2 = arith.constant 16 : i32
    %scan3A_3 = arith.addi %scan3A_1, %scan3A_2 : i32
    %scan3A_4 = arith.constant 1 : i32
    %scan3A_5 = scf.for %scan3A_31 = %scan3A_1 to %scan3A_3 step %scan3A_4 iter_args(%scan3A_32 = %scan3A) -> (i32)  : i32 {
      %broadcast_in_dim3A = arith.constant 0.000000e+00 : f32
      %broadcast_in_dim3A_33 = vector.broadcast %broadcast_in_dim3A : f32 to vector<16xf32>
      %mul3A_34 = arith.constant 8 : i32
      %mul3A_35 = arith.muli %scan3A_31, %mul3A_34 : i32
      %add3A_36 = arith.constant 0 : i32
      %add3A_37 = arith.addi %mul3A_35, %add3A_36 : i32
      %swap3A = arith.index_cast %add3A_37 : i32 to index
      %swap3A_38 = arith.constant 0 : index
      %swap3A_39 = tpu.vector_load %arg11[%swap3A, %swap3A_38] {strides = array<i32>} : memref<128x16xf32, #tpu.memory_space<vmem>>, vector<1x16xf32>,
      %swap3A_40 = vector.shape_cast %swap3A_39 : vector<1x16xf32> to vector<16xf32>
      %swap3A_41 = vector.shape_cast %broadcast_in_dim3A_33 : vector<16xf32> to vector<1x16xf32>
      tpu.vector_store %arg11[%swap3A, %swap3A_38], %swap3A_41 {strides = array<i32>} : memref<128x16xf32, #tpu.memory_space<vmem>>, vector<1x16xf32>,
      %broadcast_in_dim3A_42 = arith.constant 0.000000e+00 : f32
      %broadcast_in_dim3A_43 = vector.broadcast %broadcast_in_dim3A_42 : f32 to vector<16xf32>
      %mul3A_44 = arith.constant 8 : i32
      %mul3A_45 = arith.muli %scan3A_31, %mul3A_44 : i32
      %add3A_46 = arith.constant 1 : i32
      %add3A_47 = arith.addi %mul3A_45, %add3A_46 : i32
      %swap3A_48 = arith.index_cast %add3A_47 : i32 to index
      %swap3A_49 = arith.constant 0 : index
      %swap3A_50 = tpu.vector_load %arg11[%swap3A_48, %swap3A_49] {strides = array<i32>} : memref<128x16xf32, #tpu.memory_space<vmem>>, vector<1x16xf32>,
      %swap3A_51 = vector.shape_cast %swap3A_50 : vector<1x16xf32> to vector<16xf32>
      %swap3A_52 = vector.shape_cast %broadcast_in_dim3A_43 : vector<16xf32> to vector<1x16xf32>
      tpu.vector_store %arg11[%swap3A_48, %swap3A_49], %swap3A_52 {strides = array<i32>} : memref<128x16xf32, #tpu.memory_space<vmem>>, vector<1x16xf32>,
      %broadcast_in_dim3A_53 = arith.constant 0.000000e+00 : f32
      %broadcast_in_dim3A_54 = vector.broadcast %broadcast_in_dim3A_53 : f32 to vector<16xf32>
      %mul3A_55 = arith.constant 8 : i32
      %mul3A_56 = arith.muli %scan3A_31, %mul3A_55 : i32
      %add3A_57 = arith.constant 2 : i32
      %add3A_58 = arith.addi %mul3A_56, %add3A_57 : i32
      %swap3A_59 = arith.index_cast %add3A_58 : i32 to index
      %swap3A_60 = arith.constant 0 : index
      %swap3A_61 = tpu.vector_load %arg11[%swap3A_59, %swap3A_60] {strides = array<i32>} : memref<128x16xf32, #tpu.memory_space<vmem>>, vector<1x16xf32>,
      %swap3A_62 = vector.shape_cast %swap3A_61 : vector<1x16xf32> to vector<16xf32>
      %swap3A_63 = vector.shape_cast %broadcast_in_dim3A_54 : vector<16xf32> to vector<1x16xf32>
      tpu.vector_store %arg11[%swap3A_59, %swap3A_60], %swap3A_63 {strides = array<i32>} : memref<128x16xf32, #tpu.memory_space<vmem>>, vector<1x16xf32>,
      %broadcast_in_dim3A_64 = arith.constant 0.000000e+00 : f32
      %broadcast_in_dim3A_65 = vector.broadcast %broadcast_in_dim3A_64 : f32 to vector<16xf32>
      %mul3A_66 = arith.constant 8 : i32
      %mul3A_67 = arith.muli %scan3A_31, %mul3A_66 : i32
      %add3A_68 = arith.constant 3 : i32
      %add3A_69 = arith.addi %mul3A_67, %add3A_68 : i32
      %swap3A_70 = arith.index_cast %add3A_69 : i32 to index
      %swap3A_71 = arith.constant 0 : index
      %swap3A_72 = tpu.vector_load %arg11[%swap3A_70, %swap3A_71] {strides = array<i32>} : memref<128x16xf32, #tpu.memory_space<vmem>>, vector<1x16xf32>,
      %swap3A_73 = vector.shape_cast %swap3A_72 : vector<1x16xf32> to vector<16xf32>
      %swap3A_74 = vector.shape_cast %broadcast_in_dim3A_65 : vector<16xf32> to vector<1x16xf32>
      tpu.vector_store %arg11[%swap3A_70, %swap3A_71], %swap3A_74 {strides = array<i32>} : memref<128x16xf32, #tpu.memory_space<vmem>>, vector<1x16xf32>,
      %broadcast_in_dim3A_75 = arith.constant 0.000000e+00 : f32
      %broadcast_in_dim3A_76 = vector.broadcast %broadcast_in_dim3A_75 : f32 to vector<16xf32>
      %mul3A_77 = arith.constant 8 : i32
      %mul3A_78 = arith.muli %scan3A_31, %mul3A_77 : i32
      %add3A_79 = arith.constant 4 : i32
      %add3A_80 = arith.addi %mul3A_78, %add3A_79 : i32
      %swap3A_81 = arith.index_cast %add3A_80 : i32 to index
      %swap3A_82 = arith.constant 0 : index
      %swap3A_83 = tpu.vector_load %arg11[%swap3A_81, %swap3A_82] {strides = array<i32>} : memref<128x16xf32, #tpu.memory_space<vmem>>, vector<1x16xf32>,
      %swap3A_84 = vector.shape_cast %swap3A_83 : vector<1x16xf32> to vector<16xf32>
      %swap3A_85 = vector.shape_cast %broadcast_in_dim3A_76 : vector<16xf32> to vector<1x16xf32>
      tpu.vector_store %arg11[%swap3A_81, %swap3A_82], %swap3A_85 {strides = array<i32>} : memref<128x16xf32, #tpu.memory_space<vmem>>, vector<1x16xf32>,
      %broadcast_in_dim3A_86 = arith.constant 0.000000e+00 : f32
      %broadcast_in_dim3A_87 = vector.broadcast %broadcast_in_dim3A_86 : f32 to vector<16xf32>
      %mul3A_88 = arith.constant 8 : i32
      %mul3A_89 = arith.muli %scan3A_31, %mul3A_88 : i32
      %add3A_90 = arith.constant 5 : i32
      %add3A_91 = arith.addi %mul3A_89, %add3A_90 : i32
      %swap3A_92 = arith.index_cast %add3A_91 : i32 to index
      %swap3A_93 = arith.constant 0 : index
      %swap3A_94 = tpu.vector_load %arg11[%swap3A_92, %swap3A_93] {strides = array<i32>} : memref<128x16xf32, #tpu.memory_space<vmem>>, vector<1x16xf32>,
      %swap3A_95 = vector.shape_cast %swap3A_94 : vector<1x16xf32> to vector<16xf32>
      %swap3A_96 = vector.shape_cast %broadcast_in_dim3A_87 : vector<16xf32> to vector<1x16xf32>
      tpu.vector_store %arg11[%swap3A_92, %swap3A_93], %swap3A_96 {strides = array<i32>} : memref<128x16xf32, #tpu.memory_space<vmem>>, vector<1x16xf32>,
      %broadcast_in_dim3A_97 = arith.constant 0.000000e+00 : f32
      %broadcast_in_dim3A_98 = vector.broadcast %broadcast_in_dim3A_97 : f32 to vector<16xf32>
      %mul3A_99 = arith.constant 8 : i32
      %mul3A_100 = arith.muli %scan3A_31, %mul3A_99 : i32
      %add3A_101 = arith.constant 6 : i32
      %add3A_102 = arith.addi %mul3A_100, %add3A_101 : i32
      %swap3A_103 = arith.index_cast %add3A_102 : i32 to index
      %swap3A_104 = arith.constant 0 : index
      %swap3A_105 = tpu.vector_load %arg11[%swap3A_103, %swap3A_104] {strides = array<i32>} : memref<128x16xf32, #tpu.memory_space<vmem>>, vector<1x16xf32>,
      %swap3A_106 = vector.shape_cast %swap3A_105 : vector<1x16xf32> to vector<16xf32>
      %swap3A_107 = vector.shape_cast %broadcast_in_dim3A_98 : vector<16xf32> to vector<1x16xf32>
      tpu.vector_store %arg11[%swap3A_103, %swap3A_104], %swap3A_107 {strides = array<i32>} : memref<128x16xf32, #tpu.memory_space<vmem>>, vector<1x16xf32>,
      %broadcast_in_dim3A_108 = arith.constant 0.000000e+00 : f32
      %broadcast_in_dim3A_109 = vector.broadcast %broadcast_in_dim3A_108 : f32 to vector<16xf32>
      %mul3A_110 = arith.constant 8 : i32
      %mul3A_111 = arith.muli %scan3A_31, %mul3A_110 : i32
      %add3A_112 = arith.constant 7 : i32
      %add3A_113 = arith.addi %mul3A_111, %add3A_112 : i32
      %swap3A_114 = arith.index_cast %add3A_113 : i32 to index
      %swap3A_115 = arith.constant 0 : index
      %swap3A_116 = tpu.vector_load %arg11[%swap3A_114, %swap3A_115] {strides = array<i32>} : memref<128x16xf32, #tpu.memory_space<vmem>>, vector<1x16xf32>,
      %swap3A_117 = vector.shape_cast %swap3A_116 : vector<1x16xf32> to vector<16xf32>
      %swap3A_118 = vector.shape_cast %broadcast_in_dim3A_109 : vector<16xf32> to vector<1x16xf32>
      tpu.vector_store %arg11[%swap3A_114, %swap3A_115], %swap3A_118 {strides = array<i32>} : memref<128x16xf32, #tpu.memory_space<vmem>>, vector<1x16xf32>,
      %scan3A_119 = arith.constant 0 : i32
      scf.yield %scan3A_119 : i32
    }
    %scan3A_6 = arith.constant 16 : i32
    %scan3A_7 = arith.constant 0 : i32
    %scan3A_8 = arith.constant 0 : i32
    %scan3A_9 = arith.constant 49 : i32
    %scan3A_10 = arith.addi %scan3A_8, %scan3A_9 : i32
    %scan3A_11 = arith.constant 1 : i32
    %scan3A_12 = scf.for %scan3A_31 = %scan3A_8 to %scan3A_10 step %scan3A_11 iter_args(%scan3A_32 = %scan3A_7) -> (i32)  : i32 {
      %mul3A_33 = arith.constant 6272 : i32
      %mul3A_34 = arith.muli %arg1, %mul3A_33 : i32
      %mul3A_35 = arith.constant 128 : i32
      %mul3A_36 = arith.muli %scan3A_31, %mul3A_35 : i32
      %add3A_37 = arith.addi %mul3A_34, %mul3A_36 : i32
      "tpu.region"() ({
        %run_scoped3A = tpu.sem_alloc : memref<!tpu.dma_semaphore, #tpu.memory_space<semaphore_mem>>
        %dma_start3A = arith.constant 0 : i32
        %dma_start3A_39 = tpu.memref_slice %arg12[%add3A_37, %dma_start3A] : memref<100352x16xf32, #tpu.memory_space<vmem_shared>> -> memref<128x16xf32, #tpu.memory_space<vmem_shared>>
        %dma_start3A_40 = arith.constant 0 : i32
        %dma_start3A_41 = tpu.memref_slice %arg12[%add3A_37, %dma_start3A_40] : memref<100352x16xf32, #tpu.memory_space<vmem_shared>> -> memref<128x16xf32, #tpu.memory_space<vmem_shared>>
        tpu.enqueue_dma source(%arg11 : memref<128x16xf32, #tpu.memory_space<vmem>>) target(%dma_start3A_41 : memref<128x16xf32, #tpu.memory_space<vmem_shared>>) target_semaphore(%run_scoped3A : memref<!tpu.dma_semaphore, #tpu.memory_space<semaphore_mem>>)
        %dma_wait3A = arith.constant 0 : i32
        %dma_wait3A_42 = tpu.memref_slice %arg12[%add3A_37, %dma_wait3A] : memref<100352x16xf32, #tpu.memory_space<vmem_shared>> -> memref<128x16xf32, #tpu.memory_space<vmem_shared>>
        %dma_wait3A_43 = arith.constant 0 : i32
        %dma_wait3A_44 = tpu.memref_slice %arg12[%add3A_37, %dma_wait3A_43] : memref<100352x16xf32, #tpu.memory_space<vmem_shared>> -> memref<128x16xf32, #tpu.memory_space<vmem_shared>>
        tpu.wait_dma2 semaphore(%run_scoped3A : memref<!tpu.dma_semaphore, #tpu.memory_space<semaphore_mem>>) src(%arg11 : memref<128x16xf32, #tpu.memory_space<vmem>>) dst(%dma_wait3A_44 : memref<128x16xf32, #tpu.memory_space<vmem_shared>>)
        tpu.yield
      }) : () -> ()
      %scan3A_38 = arith.constant 0 : i32
      scf.yield %scan3A_38 : i32
    }
    %scan3A_13 = arith.constant 49 : i32
    %barrier3A = arith.constant 0 : index
    tpu.barrier barrier_id(%barrier3A)
    %mul3A_14 = arith.constant 51200 : i32
    %mul3A_15 = arith.muli %add3A, %mul3A_14 : i32
    %scan3A_16 = arith.constant 0 : i32
    %scan3A_17 = arith.constant 0 : i32
    %scan3A_18 = arith.constant 400 : i32
    %scan3A_19 = arith.addi %scan3A_17, %scan3A_18 : i32
    %scan3A_20 = arith.constant 1 : i32
    %scan3A_21 = scf.for %scan3A_31 = %scan3A_17 to %scan3A_19 step %scan3A_20 iter_args(%scan3A_32 = %scan3A_16) -> (i32)  : i32 {
      %mul3A_33 = arith.constant 128 : i32
      %mul3A_34 = arith.muli %scan3A_31, %mul3A_33 : i32
      %add3A_35 = arith.addi %mul3A_15, %mul3A_34 : i32
      "tpu.region"() ({
        %run_scoped3A = tpu.sem_alloc : memref<!tpu.dma_semaphore, #tpu.memory_space<semaphore_mem>>
        %dma_start3A = tpu.memref_slice %arg4[%add3A_35] : memref<1638400xi32, #tpu.memory_space<hbm>> -> memref<128xi32, #tpu.memory_space<hbm>>
        %dma_start3A_37 = tpu.memref_slice %arg4[%add3A_35] : memref<1638400xi32, #tpu.memory_space<hbm>> -> memref<128xi32, #tpu.memory_space<hbm>>
        tpu.enqueue_dma source(%dma_start3A_37 : memref<128xi32, #tpu.memory_space<hbm>>) target(%arg7 : memref<128xi32, #tpu.memory_space<vmem>>) target_semaphore(%run_scoped3A : memref<!tpu.dma_semaphore, #tpu.memory_space<semaphore_mem>>)
        %dma_wait3A = tpu.memref_slice %arg4[%add3A_35] : memref<1638400xi32, #tpu.memory_space<hbm>> -> memref<128xi32, #tpu.memory_space<hbm>>
        %dma_wait3A_38 = tpu.memref_slice %arg4[%add3A_35] : memref<1638400xi32, #tpu.memory_space<hbm>> -> memref<128xi32, #tpu.memory_space<hbm>>
        tpu.wait_dma2 semaphore(%run_scoped3A : memref<!tpu.dma_semaphore, #tpu.memory_space<semaphore_mem>>) src(%dma_wait3A_38 : memref<128xi32, #tpu.memory_space<hbm>>) dst(%arg7 : memref<128xi32, #tpu.memory_space<vmem>>)
        tpu.yield
      }) : () -> ()
      "tpu.region"() ({
        %run_scoped3A = tpu.sem_alloc : memref<!tpu.dma_semaphore, #tpu.memory_space<semaphore_mem>>
        %dma_start3A = tpu.memref_slice %arg5[%add3A_35] : memref<1638400xi32, #tpu.memory_space<hbm>> -> memref<128xi32, #tpu.memory_space<hbm>>
        %dma_start3A_37 = tpu.memref_slice %arg5[%add3A_35] : memref<1638400xi32, #tpu.memory_space<hbm>> -> memref<128xi32, #tpu.memory_space<hbm>>
        tpu.enqueue_dma source(%dma_start3A_37 : memref<128xi32, #tpu.memory_space<hbm>>) target(%arg8 : memref<128xi32, #tpu.memory_space<vmem>>) target_semaphore(%run_scoped3A : memref<!tpu.dma_semaphore, #tpu.memory_space<semaphore_mem>>)
        %dma_wait3A = tpu.memref_slice %arg5[%add3A_35] : memref<1638400xi32, #tpu.memory_space<hbm>> -> memref<128xi32, #tpu.memory_space<hbm>>
        %dma_wait3A_38 = tpu.memref_slice %arg5[%add3A_35] : memref<1638400xi32, #tpu.memory_space<hbm>> -> memref<128xi32, #tpu.memory_space<hbm>>
        tpu.wait_dma2 semaphore(%run_scoped3A : memref<!tpu.dma_semaphore, #tpu.memory_space<semaphore_mem>>) src(%dma_wait3A_38 : memref<128xi32, #tpu.memory_space<hbm>>) dst(%arg8 : memref<128xi32, #tpu.memory_space<vmem>>)
        tpu.yield
      }) : () -> ()
      "tpu.region"() ({
        %run_scoped3A = tpu.sem_alloc : memref<!tpu.dma_semaphore, #tpu.memory_space<semaphore_mem>>
        %dma_start3A = arith.constant 0 : i32
        %dma_start3A_37 = tpu.memref_slice %arg2[%add3A_35, %dma_start3A] : memref<1638400x16xf32, #tpu.memory_space<hbm>> -> memref<128x16xf32, #tpu.memory_space<hbm>>
        %dma_start3A_38 = arith.constant 0 : i32
        %dma_start3A_39 = tpu.memref_slice %arg2[%add3A_35, %dma_start3A_38] : memref<1638400x16xf32, #tpu.memory_space<hbm>> -> memref<128x16xf32, #tpu.memory_space<hbm>>
        tpu.enqueue_dma source(%dma_start3A_39 : memref<128x16xf32, #tpu.memory_space<hbm>>) target(%arg9 : memref<128x16xf32, #tpu.memory_space<vmem>>) target_semaphore(%run_scoped3A : memref<!tpu.dma_semaphore, #tpu.memory_space<semaphore_mem>>)
        %dma_wait3A = arith.constant 0 : i32
        %dma_wait3A_40 = tpu.memref_slice %arg2[%add3A_35, %dma_wait3A] : memref<1638400x16xf32, #tpu.memory_space<hbm>> -> memref<128x16xf32, #tpu.memory_space<hbm>>
        %dma_wait3A_41 = arith.constant 0 : i32
        %dma_wait3A_42 = tpu.memref_slice %arg2[%add3A_35, %dma_wait3A_41] : memref<1638400x16xf32, #tpu.memory_space<hbm>> -> memref<128x16xf32, #tpu.memory_space<hbm>>
        tpu.wait_dma2 semaphore(%run_scoped3A : memref<!tpu.dma_semaphore, #tpu.memory_space<semaphore_mem>>) src(%dma_wait3A_42 : memref<128x16xf32, #tpu.memory_space<hbm>>) dst(%arg9 : memref<128x16xf32, #tpu.memory_space<vmem>>)
        tpu.yield
      }) : () -> ()
      "tpu.region"() ({
        %run_scoped3A = tpu.sem_alloc : memref<!tpu.dma_semaphore, #tpu.memory_space<semaphore_mem>>
        %dma_start3A = arith.constant 0 : i32
        %dma_start3A_37 = tpu.memref_slice %arg3[%add3A_35, %dma_start3A] : memref<1638400x16xf32, #tpu.memory_space<hbm>> -> memref<128x16xf32, #tpu.memory_space<hbm>>
        %dma_start3A_38 = arith.constant 0 : i32
        %dma_start3A_39 = tpu.memref_slice %arg3[%add3A_35, %dma_start3A_38] : memref<1638400x16xf32, #tpu.memory_space<hbm>> -> memref<128x16xf32, #tpu.memory_space<hbm>>
        tpu.enqueue_dma source(%dma_start3A_39 : memref<128x16xf32, #tpu.memory_space<hbm>>) target(%arg10 : memref<128x16xf32, #tpu.memory_space<vmem>>) target_semaphore(%run_scoped3A : memref<!tpu.dma_semaphore, #tpu.memory_space<semaphore_mem>>)
        %dma_wait3A = arith.constant 0 : i32
        %dma_wait3A_40 = tpu.memref_slice %arg3[%add3A_35, %dma_wait3A] : memref<1638400x16xf32, #tpu.memory_space<hbm>> -> memref<128x16xf32, #tpu.memory_space<hbm>>
        %dma_wait3A_41 = arith.constant 0 : i32
        %dma_wait3A_42 = tpu.memref_slice %arg3[%add3A_35, %dma_wait3A_41] : memref<1638400x16xf32, #tpu.memory_space<hbm>> -> memref<128x16xf32, #tpu.memory_space<hbm>>
        tpu.wait_dma2 semaphore(%run_scoped3A : memref<!tpu.dma_semaphore, #tpu.memory_space<semaphore_mem>>) src(%dma_wait3A_42 : memref<128x16xf32, #tpu.memory_space<hbm>>) dst(%arg10 : memref<128x16xf32, #tpu.memory_space<vmem>>)
        tpu.yield
      }) : () -> ()
      "tpu.region"() ({
        %run_scoped3A = tpu.sem_alloc : memref<!tpu.dma_semaphore, #tpu.memory_space<semaphore_mem>>
        %dma_start3A = arith.constant 0 : i32
        %dma_start3A_37 = arith.constant 0 : i32
        %dma_start3A_38 = tpu.memref_slice %arg12[%dma_start3A, %dma_start3A_37] : memref<100352x16xf32, #tpu.memory_space<vmem_shared>> -> memref<100352x16xf32, #tpu.memory_space<vmem_shared>>
        tpu.enqueue_indirect_dma source(%arg9 : memref<128x16xf32, #tpu.memory_space<vmem>>) target(%dma_start3A_38 : memref<100352x16xf32, #tpu.memory_space<vmem_shared>>) offsets(%arg7 : memref<128xi32, #tpu.memory_space<vmem>>) semaphore(%run_scoped3A : memref<!tpu.dma_semaphore, #tpu.memory_space<semaphore_mem>>) {add = true}
        %dma_wait3A = arith.constant 0 : i32
        %dma_wait3A_39 = arith.constant 0 : i32
        %dma_wait3A_40 = tpu.memref_slice %arg12[%dma_wait3A, %dma_wait3A_39] : memref<100352x16xf32, #tpu.memory_space<vmem_shared>> -> memref<100352x16xf32, #tpu.memory_space<vmem_shared>>
        tpu.wait_indirect_dma semaphore(%run_scoped3A : memref<!tpu.dma_semaphore, #tpu.memory_space<semaphore_mem>>) src(%arg9 : memref<128x16xf32, #tpu.memory_space<vmem>>) dst(%dma_wait3A_40 : memref<100352x16xf32, #tpu.memory_space<vmem_shared>>)
        tpu.yield
      }) : () -> ()
      "tpu.region"() ({
        %run_scoped3A = tpu.sem_alloc : memref<!tpu.dma_semaphore, #tpu.memory_space<semaphore_mem>>
        %dma_start3A = arith.constant 0 : i32
        %dma_start3A_37 = arith.constant 0 : i32
        %dma_start3A_38 = tpu.memref_slice %arg12[%dma_start3A, %dma_start3A_37] : memref<100352x16xf32, #tpu.memory_space<vmem_shared>> -> memref<100352x16xf32, #tpu.memory_space<vmem_shared>>
        tpu.enqueue_indirect_dma source(%arg10 : memref<128x16xf32, #tpu.memory_space<vmem>>) target(%dma_start3A_38 : memref<100352x16xf32, #tpu.memory_space<vmem_shared>>) offsets(%arg8 : memref<128xi32, #tpu.memory_space<vmem>>) semaphore(%run_scoped3A : memref<!tpu.dma_semaphore, #tpu.memory_space<semaphore_mem>>) {add = true}
        %dma_wait3A = arith.constant 0 : i32
        %dma_wait3A_39 = arith.constant 0 : i32
        %dma_wait3A_40 = tpu.memref_slice %arg12[%dma_wait3A, %dma_wait3A_39] : memref<100352x16xf32, #tpu.memory_space<vmem_shared>> -> memref<100352x16xf32, #tpu.memory_space<vmem_shared>>
        tpu.wait_indirect_dma semaphore(%run_scoped3A : memref<!tpu.dma_semaphore, #tpu.memory_space<semaphore_mem>>) src(%arg10 : memref<128x16xf32, #tpu.memory_space<vmem>>) dst(%dma_wait3A_40 : memref<100352x16xf32, #tpu.memory_space<vmem_shared>>)
        tpu.yield
      }) : () -> ()
      %scan3A_36 = arith.constant 0 : i32
      scf.yield %scan3A_36 : i32
    }
    %scan3A_22 = arith.constant 400 : i32
    %barrier3A_23 = arith.constant 0 : index
    tpu.barrier barrier_id(%barrier3A_23)
    %scan3A_24 = arith.constant 0 : i32
    %scan3A_25 = arith.constant 0 : i32
    %scan3A_26 = arith.constant 49 : i32
    %scan3A_27 = arith.addi %scan3A_25, %scan3A_26 : i32
    %scan3A_28 = arith.constant 1 : i32
    %scan3A_29 = scf.for %scan3A_31 = %scan3A_25 to %scan3A_27 step %scan3A_28 iter_args(%scan3A_32 = %scan3A_24) -> (i32)  : i32 {
      %mul3A_33 = arith.constant 6272 : i32
      %mul3A_34 = arith.muli %arg1, %mul3A_33 : i32
      %mul3A_35 = arith.constant 128 : i32
      %mul3A_36 = arith.muli %scan3A_31, %mul3A_35 : i32
      %add3A_37 = arith.addi %mul3A_34, %mul3A_36 : i32
      "tpu.region"() ({
        %run_scoped3A = tpu.sem_alloc : memref<!tpu.dma_semaphore, #tpu.memory_space<semaphore_mem>>
        %dma_start3A = arith.constant 0 : i32
        %dma_start3A_39 = tpu.memref_slice %arg6[%arg0, %add3A_37, %dma_start3A] : memref<2x100352x16xf32, #tpu.memory_space<hbm>> -> memref<1x128x16xf32, #tpu.memory_space<hbm>>
        %dma_start3A_40 = tpu.memref_squeeze %dma_start3A_39 : memref<1x128x16xf32, #tpu.memory_space<hbm>> -> memref<128x16xf32, #tpu.memory_space<hbm>>
        %dma_start3A_41 = arith.constant 0 : i32
        %dma_start3A_42 = tpu.memref_slice %arg12[%add3A_37, %dma_start3A_41] : memref<100352x16xf32, #tpu.memory_space<vmem_shared>> -> memref<128x16xf32, #tpu.memory_space<vmem_shared>>
        tpu.enqueue_dma source(%dma_start3A_42 : memref<128x16xf32, #tpu.memory_space<vmem_shared>>) target(%dma_start3A_40 : memref<128x16xf32, #tpu.memory_space<hbm>>) target_semaphore(%run_scoped3A : memref<!tpu.dma_semaphore, #tpu.memory_space<semaphore_mem>>)
        %dma_wait3A = arith.constant 0 : i32
        %dma_wait3A_43 = tpu.memref_slice %arg6[%arg0, %add3A_37, %dma_wait3A] : memref<2x100352x16xf32, #tpu.memory_space<hbm>> -> memref<1x128x16xf32, #tpu.memory_space<hbm>>
        %dma_wait3A_44 = tpu.memref_squeeze %dma_wait3A_43 : memref<1x128x16xf32, #tpu.memory_space<hbm>> -> memref<128x16xf32, #tpu.memory_space<hbm>>
        %dma_wait3A_45 = arith.constant 0 : i32
        %dma_wait3A_46 = tpu.memref_slice %arg12[%add3A_37, %dma_wait3A_45] : memref<100352x16xf32, #tpu.memory_space<vmem_shared>> -> memref<128x16xf32, #tpu.memory_space<vmem_shared>>
        tpu.wait_dma2 semaphore(%run_scoped3A : memref<!tpu.dma_semaphore, #tpu.memory_space<semaphore_mem>>) src(%dma_wait3A_46 : memref<128x16xf32, #tpu.memory_space<vmem_shared>>) dst(%dma_wait3A_44 : memref<128x16xf32, #tpu.memory_space<hbm>>)
        tpu.yield
      }) : () -> ()
      %scan3A_38 = arith.constant 0 : i32
      scf.yield %scan3A_38 : i32
    }
    %scan3A_30 = arith.constant 49 : i32
    return
  }
}

#map = affine_map<(d0, d1) -> (0, 0, 0)>
#map1 = affine_map<(d0, d1) -> (0)>
module attributes {stable_mosaic.version = 14 : i64} {
  func.func @_sc_edge_bwd2(%arg0: i32, %arg1: i32, %arg2: memref<2x1638400x16xf32, #tpu.memory_space<hbm>>, %arg3: memref<2x100352x16xf32, #tpu.memory_space<hbm>>, %arg4: memref<2x100352x16xf32, #tpu.memory_space<hbm>>, %arg5: memref<1638400xi32, #tpu.memory_space<hbm>>, %arg6: memref<1638400xi32, #tpu.memory_space<hbm>>, %arg7: memref<2x100352x16xf32, #tpu.memory_space<hbm>>, %arg8: memref<2x1638400x16xf32, #tpu.memory_space<hbm>>, %arg9: memref<128xi32, #tpu.memory_space<vmem>>, %arg10: memref<128xi32, #tpu.memory_space<vmem>>, %arg11: memref<128x16xf32, #tpu.memory_space<vmem>>, %arg12: memref<128x16xf32, #tpu.memory_space<vmem>>, %arg13: memref<128x16xf32, #tpu.memory_space<vmem>>, %arg14: memref<128x16xf32, #tpu.memory_space<vmem>>, %arg15: memref<128x16xf32, #tpu.memory_space<vmem>>, %arg16: memref<128x16xf32, #tpu.memory_space<vmem>>, %arg17: memref<100352x16xf32, #tpu.memory_space<vmem_shared>>, %arg18: memref<!tpu.dma_semaphore, #tpu.memory_space<semaphore_mem>>, %arg19: memref<!tpu.dma_semaphore, #tpu.memory_space<semaphore_mem>>) attributes {dimension_semantics = [#tpu.dimension_semantics<core_parallel>, #tpu.dimension_semantics<subcore_parallel>], iteration_bounds = array<i64: 2, 16>, scalar_prefetch = 0 : i64, scratch_operands = 11 : i64, tpu.core_type = #tpu.core_type<sc_vector_subcore>, window_params = [{transform_indices = #map}, {transform_indices = #map}, {transform_indices = #map}, {transform_indices = #map1}, {transform_indices = #map1}, {transform_indices = #map}, {transform_indices = #map}]} {
    %mul3A = arith.constant 2 : i32
    %mul3A_0 = arith.muli %arg1, %mul3A : i32
    %add3A = arith.addi %mul3A_0, %arg0 : i32
    %scan3A = arith.constant 0 : i32
    %scan3A_1 = arith.constant 0 : i32
    %scan3A_2 = arith.constant 16 : i32
    %scan3A_3 = arith.addi %scan3A_1, %scan3A_2 : i32
    %scan3A_4 = arith.constant 1 : i32
    %scan3A_5 = scf.for %scan3A_31 = %scan3A_1 to %scan3A_3 step %scan3A_4 iter_args(%scan3A_32 = %scan3A) -> (i32)  : i32 {
      %broadcast_in_dim3A = arith.constant 0.000000e+00 : f32
      %broadcast_in_dim3A_33 = vector.broadcast %broadcast_in_dim3A : f32 to vector<16xf32>
      %mul3A_34 = arith.constant 8 : i32
      %mul3A_35 = arith.muli %scan3A_31, %mul3A_34 : i32
      %add3A_36 = arith.constant 0 : i32
      %add3A_37 = arith.addi %mul3A_35, %add3A_36 : i32
      %swap3A = arith.index_cast %add3A_37 : i32 to index
      %swap3A_38 = arith.constant 0 : index
      %swap3A_39 = tpu.vector_load %arg16[%swap3A, %swap3A_38] {strides = array<i32>} : memref<128x16xf32, #tpu.memory_space<vmem>>, vector<1x16xf32>,
      %swap3A_40 = vector.shape_cast %swap3A_39 : vector<1x16xf32> to vector<16xf32>
      %swap3A_41 = vector.shape_cast %broadcast_in_dim3A_33 : vector<16xf32> to vector<1x16xf32>
      tpu.vector_store %arg16[%swap3A, %swap3A_38], %swap3A_41 {strides = array<i32>} : memref<128x16xf32, #tpu.memory_space<vmem>>, vector<1x16xf32>,
      %broadcast_in_dim3A_42 = arith.constant 0.000000e+00 : f32
      %broadcast_in_dim3A_43 = vector.broadcast %broadcast_in_dim3A_42 : f32 to vector<16xf32>
      %mul3A_44 = arith.constant 8 : i32
      %mul3A_45 = arith.muli %scan3A_31, %mul3A_44 : i32
      %add3A_46 = arith.constant 1 : i32
      %add3A_47 = arith.addi %mul3A_45, %add3A_46 : i32
      %swap3A_48 = arith.index_cast %add3A_47 : i32 to index
      %swap3A_49 = arith.constant 0 : index
      %swap3A_50 = tpu.vector_load %arg16[%swap3A_48, %swap3A_49] {strides = array<i32>} : memref<128x16xf32, #tpu.memory_space<vmem>>, vector<1x16xf32>,
      %swap3A_51 = vector.shape_cast %swap3A_50 : vector<1x16xf32> to vector<16xf32>
      %swap3A_52 = vector.shape_cast %broadcast_in_dim3A_43 : vector<16xf32> to vector<1x16xf32>
      tpu.vector_store %arg16[%swap3A_48, %swap3A_49], %swap3A_52 {strides = array<i32>} : memref<128x16xf32, #tpu.memory_space<vmem>>, vector<1x16xf32>,
      %broadcast_in_dim3A_53 = arith.constant 0.000000e+00 : f32
      %broadcast_in_dim3A_54 = vector.broadcast %broadcast_in_dim3A_53 : f32 to vector<16xf32>
      %mul3A_55 = arith.constant 8 : i32
      %mul3A_56 = arith.muli %scan3A_31, %mul3A_55 : i32
      %add3A_57 = arith.constant 2 : i32
      %add3A_58 = arith.addi %mul3A_56, %add3A_57 : i32
      %swap3A_59 = arith.index_cast %add3A_58 : i32 to index
      %swap3A_60 = arith.constant 0 : index
      %swap3A_61 = tpu.vector_load %arg16[%swap3A_59, %swap3A_60] {strides = array<i32>} : memref<128x16xf32, #tpu.memory_space<vmem>>, vector<1x16xf32>,
      %swap3A_62 = vector.shape_cast %swap3A_61 : vector<1x16xf32> to vector<16xf32>
      %swap3A_63 = vector.shape_cast %broadcast_in_dim3A_54 : vector<16xf32> to vector<1x16xf32>
      tpu.vector_store %arg16[%swap3A_59, %swap3A_60], %swap3A_63 {strides = array<i32>} : memref<128x16xf32, #tpu.memory_space<vmem>>, vector<1x16xf32>,
      %broadcast_in_dim3A_64 = arith.constant 0.000000e+00 : f32
      %broadcast_in_dim3A_65 = vector.broadcast %broadcast_in_dim3A_64 : f32 to vector<16xf32>
      %mul3A_66 = arith.constant 8 : i32
      %mul3A_67 = arith.muli %scan3A_31, %mul3A_66 : i32
      %add3A_68 = arith.constant 3 : i32
      %add3A_69 = arith.addi %mul3A_67, %add3A_68 : i32
      %swap3A_70 = arith.index_cast %add3A_69 : i32 to index
      %swap3A_71 = arith.constant 0 : index
      %swap3A_72 = tpu.vector_load %arg16[%swap3A_70, %swap3A_71] {strides = array<i32>} : memref<128x16xf32, #tpu.memory_space<vmem>>, vector<1x16xf32>,
      %swap3A_73 = vector.shape_cast %swap3A_72 : vector<1x16xf32> to vector<16xf32>
      %swap3A_74 = vector.shape_cast %broadcast_in_dim3A_65 : vector<16xf32> to vector<1x16xf32>
      tpu.vector_store %arg16[%swap3A_70, %swap3A_71], %swap3A_74 {strides = array<i32>} : memref<128x16xf32, #tpu.memory_space<vmem>>, vector<1x16xf32>,
      %broadcast_in_dim3A_75 = arith.constant 0.000000e+00 : f32
      %broadcast_in_dim3A_76 = vector.broadcast %broadcast_in_dim3A_75 : f32 to vector<16xf32>
      %mul3A_77 = arith.constant 8 : i32
      %mul3A_78 = arith.muli %scan3A_31, %mul3A_77 : i32
      %add3A_79 = arith.constant 4 : i32
      %add3A_80 = arith.addi %mul3A_78, %add3A_79 : i32
      %swap3A_81 = arith.index_cast %add3A_80 : i32 to index
      %swap3A_82 = arith.constant 0 : index
      %swap3A_83 = tpu.vector_load %arg16[%swap3A_81, %swap3A_82] {strides = array<i32>} : memref<128x16xf32, #tpu.memory_space<vmem>>, vector<1x16xf32>,
      %swap3A_84 = vector.shape_cast %swap3A_83 : vector<1x16xf32> to vector<16xf32>
      %swap3A_85 = vector.shape_cast %broadcast_in_dim3A_76 : vector<16xf32> to vector<1x16xf32>
      tpu.vector_store %arg16[%swap3A_81, %swap3A_82], %swap3A_85 {strides = array<i32>} : memref<128x16xf32, #tpu.memory_space<vmem>>, vector<1x16xf32>,
      %broadcast_in_dim3A_86 = arith.constant 0.000000e+00 : f32
      %broadcast_in_dim3A_87 = vector.broadcast %broadcast_in_dim3A_86 : f32 to vector<16xf32>
      %mul3A_88 = arith.constant 8 : i32
      %mul3A_89 = arith.muli %scan3A_31, %mul3A_88 : i32
      %add3A_90 = arith.constant 5 : i32
      %add3A_91 = arith.addi %mul3A_89, %add3A_90 : i32
      %swap3A_92 = arith.index_cast %add3A_91 : i32 to index
      %swap3A_93 = arith.constant 0 : index
      %swap3A_94 = tpu.vector_load %arg16[%swap3A_92, %swap3A_93] {strides = array<i32>} : memref<128x16xf32, #tpu.memory_space<vmem>>, vector<1x16xf32>,
      %swap3A_95 = vector.shape_cast %swap3A_94 : vector<1x16xf32> to vector<16xf32>
      %swap3A_96 = vector.shape_cast %broadcast_in_dim3A_87 : vector<16xf32> to vector<1x16xf32>
      tpu.vector_store %arg16[%swap3A_92, %swap3A_93], %swap3A_96 {strides = array<i32>} : memref<128x16xf32, #tpu.memory_space<vmem>>, vector<1x16xf32>,
      %broadcast_in_dim3A_97 = arith.constant 0.000000e+00 : f32
      %broadcast_in_dim3A_98 = vector.broadcast %broadcast_in_dim3A_97 : f32 to vector<16xf32>
      %mul3A_99 = arith.constant 8 : i32
      %mul3A_100 = arith.muli %scan3A_31, %mul3A_99 : i32
      %add3A_101 = arith.constant 6 : i32
      %add3A_102 = arith.addi %mul3A_100, %add3A_101 : i32
      %swap3A_103 = arith.index_cast %add3A_102 : i32 to index
      %swap3A_104 = arith.constant 0 : index
      %swap3A_105 = tpu.vector_load %arg16[%swap3A_103, %swap3A_104] {strides = array<i32>} : memref<128x16xf32, #tpu.memory_space<vmem>>, vector<1x16xf32>,
      %swap3A_106 = vector.shape_cast %swap3A_105 : vector<1x16xf32> to vector<16xf32>
      %swap3A_107 = vector.shape_cast %broadcast_in_dim3A_98 : vector<16xf32> to vector<1x16xf32>
      tpu.vector_store %arg16[%swap3A_103, %swap3A_104], %swap3A_107 {strides = array<i32>} : memref<128x16xf32, #tpu.memory_space<vmem>>, vector<1x16xf32>,
      %broadcast_in_dim3A_108 = arith.constant 0.000000e+00 : f32
      %broadcast_in_dim3A_109 = vector.broadcast %broadcast_in_dim3A_108 : f32 to vector<16xf32>
      %mul3A_110 = arith.constant 8 : i32
      %mul3A_111 = arith.muli %scan3A_31, %mul3A_110 : i32
      %add3A_112 = arith.constant 7 : i32
      %add3A_113 = arith.addi %mul3A_111, %add3A_112 : i32
      %swap3A_114 = arith.index_cast %add3A_113 : i32 to index
      %swap3A_115 = arith.constant 0 : index
      %swap3A_116 = tpu.vector_load %arg16[%swap3A_114, %swap3A_115] {strides = array<i32>} : memref<128x16xf32, #tpu.memory_space<vmem>>, vector<1x16xf32>,
      %swap3A_117 = vector.shape_cast %swap3A_116 : vector<1x16xf32> to vector<16xf32>
      %swap3A_118 = vector.shape_cast %broadcast_in_dim3A_109 : vector<16xf32> to vector<1x16xf32>
      tpu.vector_store %arg16[%swap3A_114, %swap3A_115], %swap3A_118 {strides = array<i32>} : memref<128x16xf32, #tpu.memory_space<vmem>>, vector<1x16xf32>,
      %scan3A_119 = arith.constant 0 : i32
      scf.yield %scan3A_119 : i32
    }
    %scan3A_6 = arith.constant 16 : i32
    %scan3A_7 = arith.constant 0 : i32
    %scan3A_8 = arith.constant 0 : i32
    %scan3A_9 = arith.constant 49 : i32
    %scan3A_10 = arith.addi %scan3A_8, %scan3A_9 : i32
    %scan3A_11 = arith.constant 1 : i32
    %scan3A_12 = scf.for %scan3A_31 = %scan3A_8 to %scan3A_10 step %scan3A_11 iter_args(%scan3A_32 = %scan3A_7) -> (i32)  : i32 {
      %mul3A_33 = arith.constant 6272 : i32
      %mul3A_34 = arith.muli %arg1, %mul3A_33 : i32
      %mul3A_35 = arith.constant 128 : i32
      %mul3A_36 = arith.muli %scan3A_31, %mul3A_35 : i32
      %add3A_37 = arith.addi %mul3A_34, %mul3A_36 : i32
      "tpu.region"() ({
        %run_scoped3A = tpu.sem_alloc : memref<!tpu.dma_semaphore, #tpu.memory_space<semaphore_mem>>
        %dma_start3A = arith.constant 0 : i32
        %dma_start3A_39 = tpu.memref_slice %arg17[%add3A_37, %dma_start3A] : memref<100352x16xf32, #tpu.memory_space<vmem_shared>> -> memref<128x16xf32, #tpu.memory_space<vmem_shared>>
        %dma_start3A_40 = arith.constant 0 : i32
        %dma_start3A_41 = tpu.memref_slice %arg17[%add3A_37, %dma_start3A_40] : memref<100352x16xf32, #tpu.memory_space<vmem_shared>> -> memref<128x16xf32, #tpu.memory_space<vmem_shared>>
        tpu.enqueue_dma source(%arg16 : memref<128x16xf32, #tpu.memory_space<vmem>>) target(%dma_start3A_41 : memref<128x16xf32, #tpu.memory_space<vmem_shared>>) target_semaphore(%run_scoped3A : memref<!tpu.dma_semaphore, #tpu.memory_space<semaphore_mem>>)
        %dma_wait3A = arith.constant 0 : i32
        %dma_wait3A_42 = tpu.memref_slice %arg17[%add3A_37, %dma_wait3A] : memref<100352x16xf32, #tpu.memory_space<vmem_shared>> -> memref<128x16xf32, #tpu.memory_space<vmem_shared>>
        %dma_wait3A_43 = arith.constant 0 : i32
        %dma_wait3A_44 = tpu.memref_slice %arg17[%add3A_37, %dma_wait3A_43] : memref<100352x16xf32, #tpu.memory_space<vmem_shared>> -> memref<128x16xf32, #tpu.memory_space<vmem_shared>>
        tpu.wait_dma2 semaphore(%run_scoped3A : memref<!tpu.dma_semaphore, #tpu.memory_space<semaphore_mem>>) src(%arg16 : memref<128x16xf32, #tpu.memory_space<vmem>>) dst(%dma_wait3A_44 : memref<128x16xf32, #tpu.memory_space<vmem_shared>>)
        tpu.yield
      }) : () -> ()
      %scan3A_38 = arith.constant 0 : i32
      scf.yield %scan3A_38 : i32
    }
    %scan3A_13 = arith.constant 49 : i32
    %barrier3A = arith.constant 0 : index
    tpu.barrier barrier_id(%barrier3A)
    %mul3A_14 = arith.constant 51200 : i32
    %mul3A_15 = arith.muli %add3A, %mul3A_14 : i32
    %scan3A_16 = arith.constant 0 : i32
    %scan3A_17 = arith.constant 0 : i32
    %scan3A_18 = arith.constant 400 : i32
    %scan3A_19 = arith.addi %scan3A_17, %scan3A_18 : i32
    %scan3A_20 = arith.constant 1 : i32
    %scan3A_21 = scf.for %scan3A_31 = %scan3A_17 to %scan3A_19 step %scan3A_20 iter_args(%scan3A_32 = %scan3A_16) -> (i32)  : i32 {
      %mul3A_33 = arith.constant 128 : i32
      %mul3A_34 = arith.muli %scan3A_31, %mul3A_33 : i32
      %add3A_35 = arith.addi %mul3A_15, %mul3A_34 : i32
      "tpu.region"() ({
        %run_scoped3A = tpu.sem_alloc : memref<!tpu.dma_semaphore, #tpu.memory_space<semaphore_mem>>
        %dma_start3A_70 = tpu.memref_slice %arg5[%add3A_35] : memref<1638400xi32, #tpu.memory_space<hbm>> -> memref<128xi32, #tpu.memory_space<hbm>>
        %dma_start3A_71 = tpu.memref_slice %arg5[%add3A_35] : memref<1638400xi32, #tpu.memory_space<hbm>> -> memref<128xi32, #tpu.memory_space<hbm>>
        tpu.enqueue_dma source(%dma_start3A_71 : memref<128xi32, #tpu.memory_space<hbm>>) target(%arg9 : memref<128xi32, #tpu.memory_space<vmem>>) target_semaphore(%run_scoped3A : memref<!tpu.dma_semaphore, #tpu.memory_space<semaphore_mem>>)
        %dma_wait3A_72 = tpu.memref_slice %arg5[%add3A_35] : memref<1638400xi32, #tpu.memory_space<hbm>> -> memref<128xi32, #tpu.memory_space<hbm>>
        %dma_wait3A_73 = tpu.memref_slice %arg5[%add3A_35] : memref<1638400xi32, #tpu.memory_space<hbm>> -> memref<128xi32, #tpu.memory_space<hbm>>
        tpu.wait_dma2 semaphore(%run_scoped3A : memref<!tpu.dma_semaphore, #tpu.memory_space<semaphore_mem>>) src(%dma_wait3A_73 : memref<128xi32, #tpu.memory_space<hbm>>) dst(%arg9 : memref<128xi32, #tpu.memory_space<vmem>>)
        tpu.yield
      }) : () -> ()
      "tpu.region"() ({
        %run_scoped3A = tpu.sem_alloc : memref<!tpu.dma_semaphore, #tpu.memory_space<semaphore_mem>>
        %dma_start3A_70 = tpu.memref_slice %arg6[%add3A_35] : memref<1638400xi32, #tpu.memory_space<hbm>> -> memref<128xi32, #tpu.memory_space<hbm>>
        %dma_start3A_71 = tpu.memref_slice %arg6[%add3A_35] : memref<1638400xi32, #tpu.memory_space<hbm>> -> memref<128xi32, #tpu.memory_space<hbm>>
        tpu.enqueue_dma source(%dma_start3A_71 : memref<128xi32, #tpu.memory_space<hbm>>) target(%arg10 : memref<128xi32, #tpu.memory_space<vmem>>) target_semaphore(%run_scoped3A : memref<!tpu.dma_semaphore, #tpu.memory_space<semaphore_mem>>)
        %dma_wait3A_72 = tpu.memref_slice %arg6[%add3A_35] : memref<1638400xi32, #tpu.memory_space<hbm>> -> memref<128xi32, #tpu.memory_space<hbm>>
        %dma_wait3A_73 = tpu.memref_slice %arg6[%add3A_35] : memref<1638400xi32, #tpu.memory_space<hbm>> -> memref<128xi32, #tpu.memory_space<hbm>>
        tpu.wait_dma2 semaphore(%run_scoped3A : memref<!tpu.dma_semaphore, #tpu.memory_space<semaphore_mem>>) src(%dma_wait3A_73 : memref<128xi32, #tpu.memory_space<hbm>>) dst(%arg10 : memref<128xi32, #tpu.memory_space<vmem>>)
        tpu.yield
      }) : () -> ()
      %dma_start3A = arith.constant 0 : i32
      %dma_start3A_36 = arith.constant 0 : i32
      %dma_start3A_37 = tpu.memref_slice %arg3[%arg0, %dma_start3A, %dma_start3A_36] : memref<2x100352x16xf32, #tpu.memory_space<hbm>> -> memref<1x100352x16xf32, #tpu.memory_space<hbm>>
      %dma_start3A_38 = tpu.memref_squeeze %dma_start3A_37 : memref<1x100352x16xf32, #tpu.memory_space<hbm>> -> memref<100352x16xf32, #tpu.memory_space<hbm>>
      %dma_start3A_39 = arith.constant 0 : i32
      %dma_start3A_40 = arith.constant 0 : i32
      %dma_start3A_41 = tpu.memref_slice %dma_start3A_38[%dma_start3A_39, %dma_start3A_40] : memref<100352x16xf32, #tpu.memory_space<hbm>> -> memref<100352x16xf32, #tpu.memory_space<hbm>>
      tpu.enqueue_indirect_dma source(%dma_start3A_41 : memref<100352x16xf32, #tpu.memory_space<hbm>>) target(%arg11 : memref<128x16xf32, #tpu.memory_space<vmem>>) offsets(%arg10 : memref<128xi32, #tpu.memory_space<vmem>>) semaphore(%arg18 : memref<!tpu.dma_semaphore, #tpu.memory_space<semaphore_mem>>)
      %dma_start3A_42 = arith.constant 0 : i32
      %dma_start3A_43 = arith.constant 0 : i32
      %dma_start3A_44 = tpu.memref_slice %arg4[%arg0, %dma_start3A_42, %dma_start3A_43] : memref<2x100352x16xf32, #tpu.memory_space<hbm>> -> memref<1x100352x16xf32, #tpu.memory_space<hbm>>
      %dma_start3A_45 = tpu.memref_squeeze %dma_start3A_44 : memref<1x100352x16xf32, #tpu.memory_space<hbm>> -> memref<100352x16xf32, #tpu.memory_space<hbm>>
      %dma_start3A_46 = arith.constant 0 : i32
      %dma_start3A_47 = arith.constant 0 : i32
      %dma_start3A_48 = tpu.memref_slice %dma_start3A_45[%dma_start3A_46, %dma_start3A_47] : memref<100352x16xf32, #tpu.memory_space<hbm>> -> memref<100352x16xf32, #tpu.memory_space<hbm>>
      tpu.enqueue_indirect_dma source(%dma_start3A_48 : memref<100352x16xf32, #tpu.memory_space<hbm>>) target(%arg12 : memref<128x16xf32, #tpu.memory_space<vmem>>) offsets(%arg9 : memref<128xi32, #tpu.memory_space<vmem>>) semaphore(%arg19 : memref<!tpu.dma_semaphore, #tpu.memory_space<semaphore_mem>>)
      %dma_wait3A = arith.constant 0 : i32
      %dma_wait3A_49 = arith.constant 0 : i32
      %dma_wait3A_50 = tpu.memref_slice %arg3[%arg0, %dma_wait3A, %dma_wait3A_49] : memref<2x100352x16xf32, #tpu.memory_space<hbm>> -> memref<1x100352x16xf32, #tpu.memory_space<hbm>>
      %dma_wait3A_51 = tpu.memref_squeeze %dma_wait3A_50 : memref<1x100352x16xf32, #tpu.memory_space<hbm>> -> memref<100352x16xf32, #tpu.memory_space<hbm>>
      %dma_wait3A_52 = arith.constant 0 : i32
      %dma_wait3A_53 = arith.constant 0 : i32
      %dma_wait3A_54 = tpu.memref_slice %dma_wait3A_51[%dma_wait3A_52, %dma_wait3A_53] : memref<100352x16xf32, #tpu.memory_space<hbm>> -> memref<100352x16xf32, #tpu.memory_space<hbm>>
      tpu.wait_indirect_dma semaphore(%arg18 : memref<!tpu.dma_semaphore, #tpu.memory_space<semaphore_mem>>) src(%dma_wait3A_54 : memref<100352x16xf32, #tpu.memory_space<hbm>>) dst(%arg11 : memref<128x16xf32, #tpu.memory_space<vmem>>)
      %dma_wait3A_55 = arith.constant 0 : i32
      %dma_wait3A_56 = arith.constant 0 : i32
      %dma_wait3A_57 = tpu.memref_slice %arg4[%arg0, %dma_wait3A_55, %dma_wait3A_56] : memref<2x100352x16xf32, #tpu.memory_space<hbm>> -> memref<1x100352x16xf32, #tpu.memory_space<hbm>>
      %dma_wait3A_58 = tpu.memref_squeeze %dma_wait3A_57 : memref<1x100352x16xf32, #tpu.memory_space<hbm>> -> memref<100352x16xf32, #tpu.memory_space<hbm>>
      %dma_wait3A_59 = arith.constant 0 : i32
      %dma_wait3A_60 = arith.constant 0 : i32
      %dma_wait3A_61 = tpu.memref_slice %dma_wait3A_58[%dma_wait3A_59, %dma_wait3A_60] : memref<100352x16xf32, #tpu.memory_space<hbm>> -> memref<100352x16xf32, #tpu.memory_space<hbm>>
      tpu.wait_indirect_dma semaphore(%arg19 : memref<!tpu.dma_semaphore, #tpu.memory_space<semaphore_mem>>) src(%dma_wait3A_61 : memref<100352x16xf32, #tpu.memory_space<hbm>>) dst(%arg12 : memref<128x16xf32, #tpu.memory_space<vmem>>)
      "tpu.region"() ({
        %run_scoped3A = tpu.sem_alloc : memref<!tpu.dma_semaphore, #tpu.memory_space<semaphore_mem>>
        %dma_start3A_70 = arith.constant 0 : i32
        %dma_start3A_71 = tpu.memref_slice %arg2[%arg0, %add3A_35, %dma_start3A_70] : memref<2x1638400x16xf32, #tpu.memory_space<hbm>> -> memref<1x128x16xf32, #tpu.memory_space<hbm>>
        %dma_start3A_72 = tpu.memref_squeeze %dma_start3A_71 : memref<1x128x16xf32, #tpu.memory_space<hbm>> -> memref<128x16xf32, #tpu.memory_space<hbm>>
        %dma_start3A_73 = arith.constant 0 : i32
        %dma_start3A_74 = tpu.memref_slice %arg2[%arg0, %add3A_35, %dma_start3A_73] : memref<2x1638400x16xf32, #tpu.memory_space<hbm>> -> memref<1x128x16xf32, #tpu.memory_space<hbm>>
        %dma_start3A_75 = tpu.memref_squeeze %dma_start3A_74 : memref<1x128x16xf32, #tpu.memory_space<hbm>> -> memref<128x16xf32, #tpu.memory_space<hbm>>
        tpu.enqueue_dma source(%dma_start3A_75 : memref<128x16xf32, #tpu.memory_space<hbm>>) target(%arg13 : memref<128x16xf32, #tpu.memory_space<vmem>>) target_semaphore(%run_scoped3A : memref<!tpu.dma_semaphore, #tpu.memory_space<semaphore_mem>>)
        %dma_wait3A_76 = arith.constant 0 : i32
        %dma_wait3A_77 = tpu.memref_slice %arg2[%arg0, %add3A_35, %dma_wait3A_76] : memref<2x1638400x16xf32, #tpu.memory_space<hbm>> -> memref<1x128x16xf32, #tpu.memory_space<hbm>>
        %dma_wait3A_78 = tpu.memref_squeeze %dma_wait3A_77 : memref<1x128x16xf32, #tpu.memory_space<hbm>> -> memref<128x16xf32, #tpu.memory_space<hbm>>
        %dma_wait3A_79 = arith.constant 0 : i32
        %dma_wait3A_80 = tpu.memref_slice %arg2[%arg0, %add3A_35, %dma_wait3A_79] : memref<2x1638400x16xf32, #tpu.memory_space<hbm>> -> memref<1x128x16xf32, #tpu.memory_space<hbm>>
        %dma_wait3A_81 = tpu.memref_squeeze %dma_wait3A_80 : memref<1x128x16xf32, #tpu.memory_space<hbm>> -> memref<128x16xf32, #tpu.memory_space<hbm>>
        tpu.wait_dma2 semaphore(%run_scoped3A : memref<!tpu.dma_semaphore, #tpu.memory_space<semaphore_mem>>) src(%dma_wait3A_81 : memref<128x16xf32, #tpu.memory_space<hbm>>) dst(%arg13 : memref<128x16xf32, #tpu.memory_space<vmem>>)
        tpu.yield
      }) : () -> ()
      %scan3A_62 = arith.constant 0 : i32
      %scan3A_63 = arith.constant 0 : i32
      %scan3A_64 = arith.constant 16 : i32
      %scan3A_65 = arith.addi %scan3A_63, %scan3A_64 : i32
      %scan3A_66 = arith.constant 1 : i32
      %scan3A_67 = scf.for %scan3A_70 = %scan3A_63 to %scan3A_65 step %scan3A_66 iter_args(%scan3A_71 = %scan3A_62) -> (i32)  : i32 {
        %mul3A_72 = arith.constant 8 : i32
        %mul3A_73 = arith.muli %scan3A_70, %mul3A_72 : i32
        %add3A_74 = arith.constant 0 : i32
        %add3A_75 = arith.addi %mul3A_73, %add3A_74 : i32
        %get3A = arith.index_cast %add3A_75 : i32 to index
        %get3A_76 = arith.constant 0 : index
        %get3A_77 = tpu.vector_load %arg11[%get3A, %get3A_76] {strides = array<i32>} : memref<128x16xf32, #tpu.memory_space<vmem>>, vector<1x16xf32>,
        %get3A_78 = vector.shape_cast %get3A_77 : vector<1x16xf32> to vector<16xf32>
        %get3A_79 = arith.index_cast %add3A_75 : i32 to index
        %get3A_80 = arith.constant 0 : index
        %get3A_81 = tpu.vector_load %arg13[%get3A_79, %get3A_80] {strides = array<i32>} : memref<128x16xf32, #tpu.memory_space<vmem>>, vector<1x16xf32>,
        %get3A_82 = vector.shape_cast %get3A_81 : vector<1x16xf32> to vector<16xf32>
        %mul3A_83 = arith.mulf %get3A_78, %get3A_82 : vector<16xf32>
        %swap3A = arith.index_cast %add3A_75 : i32 to index
        %swap3A_84 = arith.constant 0 : index
        %swap3A_85 = tpu.vector_load %arg14[%swap3A, %swap3A_84] {strides = array<i32>} : memref<128x16xf32, #tpu.memory_space<vmem>>, vector<1x16xf32>,
        %swap3A_86 = vector.shape_cast %swap3A_85 : vector<1x16xf32> to vector<16xf32>
        %swap3A_87 = vector.shape_cast %mul3A_83 : vector<16xf32> to vector<1x16xf32>
        tpu.vector_store %arg14[%swap3A, %swap3A_84], %swap3A_87 {strides = array<i32>} : memref<128x16xf32, #tpu.memory_space<vmem>>, vector<1x16xf32>,
        %get3A_88 = arith.index_cast %add3A_75 : i32 to index
        %get3A_89 = arith.constant 0 : index
        %get3A_90 = tpu.vector_load %arg11[%get3A_88, %get3A_89] {strides = array<i32>} : memref<128x16xf32, #tpu.memory_space<vmem>>, vector<1x16xf32>,
        %get3A_91 = vector.shape_cast %get3A_90 : vector<1x16xf32> to vector<16xf32>
        %get3A_92 = arith.index_cast %add3A_75 : i32 to index
        %get3A_93 = arith.constant 0 : index
        %get3A_94 = tpu.vector_load %arg12[%get3A_92, %get3A_93] {strides = array<i32>} : memref<128x16xf32, #tpu.memory_space<vmem>>, vector<1x16xf32>,
        %get3A_95 = vector.shape_cast %get3A_94 : vector<1x16xf32> to vector<16xf32>
        %mul3A_96 = arith.mulf %get3A_91, %get3A_95 : vector<16xf32>
        %swap3A_97 = arith.index_cast %add3A_75 : i32 to index
        %swap3A_98 = arith.constant 0 : index
        %swap3A_99 = tpu.vector_load %arg15[%swap3A_97, %swap3A_98] {strides = array<i32>} : memref<128x16xf32, #tpu.memory_space<vmem>>, vector<1x16xf32>,
        %swap3A_100 = vector.shape_cast %swap3A_99 : vector<1x16xf32> to vector<16xf32>
        %swap3A_101 = vector.shape_cast %mul3A_96 : vector<16xf32> to vector<1x16xf32>
        tpu.vector_store %arg15[%swap3A_97, %swap3A_98], %swap3A_101 {strides = array<i32>} : memref<128x16xf32, #tpu.memory_space<vmem>>, vector<1x16xf32>,
        %mul3A_102 = arith.constant 8 : i32
        %mul3A_103 = arith.muli %scan3A_70, %mul3A_102 : i32
        %add3A_104 = arith.constant 1 : i32
        %add3A_105 = arith.addi %mul3A_103, %add3A_104 : i32
        %get3A_106 = arith.index_cast %add3A_105 : i32 to index
        %get3A_107 = arith.constant 0 : index
        %get3A_108 = tpu.vector_load %arg11[%get3A_106, %get3A_107] {strides = array<i32>} : memref<128x16xf32, #tpu.memory_space<vmem>>, vector<1x16xf32>,
        %get3A_109 = vector.shape_cast %get3A_108 : vector<1x16xf32> to vector<16xf32>
        %get3A_110 = arith.index_cast %add3A_105 : i32 to index
        %get3A_111 = arith.constant 0 : index
        %get3A_112 = tpu.vector_load %arg13[%get3A_110, %get3A_111] {strides = array<i32>} : memref<128x16xf32, #tpu.memory_space<vmem>>, vector<1x16xf32>,
        %get3A_113 = vector.shape_cast %get3A_112 : vector<1x16xf32> to vector<16xf32>
        %mul3A_114 = arith.mulf %get3A_109, %get3A_113 : vector<16xf32>
        %swap3A_115 = arith.index_cast %add3A_105 : i32 to index
        %swap3A_116 = arith.constant 0 : index
        %swap3A_117 = tpu.vector_load %arg14[%swap3A_115, %swap3A_116] {strides = array<i32>} : memref<128x16xf32, #tpu.memory_space<vmem>>, vector<1x16xf32>,
        %swap3A_118 = vector.shape_cast %swap3A_117 : vector<1x16xf32> to vector<16xf32>
        %swap3A_119 = vector.shape_cast %mul3A_114 : vector<16xf32> to vector<1x16xf32>
        tpu.vector_store %arg14[%swap3A_115, %swap3A_116], %swap3A_119 {strides = array<i32>} : memref<128x16xf32, #tpu.memory_space<vmem>>, vector<1x16xf32>,
        %get3A_120 = arith.index_cast %add3A_105 : i32 to index
        %get3A_121 = arith.constant 0 : index
        %get3A_122 = tpu.vector_load %arg11[%get3A_120, %get3A_121] {strides = array<i32>} : memref<128x16xf32, #tpu.memory_space<vmem>>, vector<1x16xf32>,
        %get3A_123 = vector.shape_cast %get3A_122 : vector<1x16xf32> to vector<16xf32>
        %get3A_124 = arith.index_cast %add3A_105 : i32 to index
        %get3A_125 = arith.constant 0 : index
        %get3A_126 = tpu.vector_load %arg12[%get3A_124, %get3A_125] {strides = array<i32>} : memref<128x16xf32, #tpu.memory_space<vmem>>, vector<1x16xf32>,
        %get3A_127 = vector.shape_cast %get3A_126 : vector<1x16xf32> to vector<16xf32>
        %mul3A_128 = arith.mulf %get3A_123, %get3A_127 : vector<16xf32>
        %swap3A_129 = arith.index_cast %add3A_105 : i32 to index
        %swap3A_130 = arith.constant 0 : index
        %swap3A_131 = tpu.vector_load %arg15[%swap3A_129, %swap3A_130] {strides = array<i32>} : memref<128x16xf32, #tpu.memory_space<vmem>>, vector<1x16xf32>,
        %swap3A_132 = vector.shape_cast %swap3A_131 : vector<1x16xf32> to vector<16xf32>
        %swap3A_133 = vector.shape_cast %mul3A_128 : vector<16xf32> to vector<1x16xf32>
        tpu.vector_store %arg15[%swap3A_129, %swap3A_130], %swap3A_133 {strides = array<i32>} : memref<128x16xf32, #tpu.memory_space<vmem>>, vector<1x16xf32>,
        %mul3A_134 = arith.constant 8 : i32
        %mul3A_135 = arith.muli %scan3A_70, %mul3A_134 : i32
        %add3A_136 = arith.constant 2 : i32
        %add3A_137 = arith.addi %mul3A_135, %add3A_136 : i32
        %get3A_138 = arith.index_cast %add3A_137 : i32 to index
        %get3A_139 = arith.constant 0 : index
        %get3A_140 = tpu.vector_load %arg11[%get3A_138, %get3A_139] {strides = array<i32>} : memref<128x16xf32, #tpu.memory_space<vmem>>, vector<1x16xf32>,
        %get3A_141 = vector.shape_cast %get3A_140 : vector<1x16xf32> to vector<16xf32>
        %get3A_142 = arith.index_cast %add3A_137 : i32 to index
        %get3A_143 = arith.constant 0 : index
        %get3A_144 = tpu.vector_load %arg13[%get3A_142, %get3A_143] {strides = array<i32>} : memref<128x16xf32, #tpu.memory_space<vmem>>, vector<1x16xf32>,
        %get3A_145 = vector.shape_cast %get3A_144 : vector<1x16xf32> to vector<16xf32>
        %mul3A_146 = arith.mulf %get3A_141, %get3A_145 : vector<16xf32>
        %swap3A_147 = arith.index_cast %add3A_137 : i32 to index
        %swap3A_148 = arith.constant 0 : index
        %swap3A_149 = tpu.vector_load %arg14[%swap3A_147, %swap3A_148] {strides = array<i32>} : memref<128x16xf32, #tpu.memory_space<vmem>>, vector<1x16xf32>,
        %swap3A_150 = vector.shape_cast %swap3A_149 : vector<1x16xf32> to vector<16xf32>
        %swap3A_151 = vector.shape_cast %mul3A_146 : vector<16xf32> to vector<1x16xf32>
        tpu.vector_store %arg14[%swap3A_147, %swap3A_148], %swap3A_151 {strides = array<i32>} : memref<128x16xf32, #tpu.memory_space<vmem>>, vector<1x16xf32>,
        %get3A_152 = arith.index_cast %add3A_137 : i32 to index
        %get3A_153 = arith.constant 0 : index
        %get3A_154 = tpu.vector_load %arg11[%get3A_152, %get3A_153] {strides = array<i32>} : memref<128x16xf32, #tpu.memory_space<vmem>>, vector<1x16xf32>,
        %get3A_155 = vector.shape_cast %get3A_154 : vector<1x16xf32> to vector<16xf32>
        %get3A_156 = arith.index_cast %add3A_137 : i32 to index
        %get3A_157 = arith.constant 0 : index
        %get3A_158 = tpu.vector_load %arg12[%get3A_156, %get3A_157] {strides = array<i32>} : memref<128x16xf32, #tpu.memory_space<vmem>>, vector<1x16xf32>,
        %get3A_159 = vector.shape_cast %get3A_158 : vector<1x16xf32> to vector<16xf32>
        %mul3A_160 = arith.mulf %get3A_155, %get3A_159 : vector<16xf32>
        %swap3A_161 = arith.index_cast %add3A_137 : i32 to index
        %swap3A_162 = arith.constant 0 : index
        %swap3A_163 = tpu.vector_load %arg15[%swap3A_161, %swap3A_162] {strides = array<i32>} : memref<128x16xf32, #tpu.memory_space<vmem>>, vector<1x16xf32>,
        %swap3A_164 = vector.shape_cast %swap3A_163 : vector<1x16xf32> to vector<16xf32>
        %swap3A_165 = vector.shape_cast %mul3A_160 : vector<16xf32> to vector<1x16xf32>
        tpu.vector_store %arg15[%swap3A_161, %swap3A_162], %swap3A_165 {strides = array<i32>} : memref<128x16xf32, #tpu.memory_space<vmem>>, vector<1x16xf32>,
        %mul3A_166 = arith.constant 8 : i32
        %mul3A_167 = arith.muli %scan3A_70, %mul3A_166 : i32
        %add3A_168 = arith.constant 3 : i32
        %add3A_169 = arith.addi %mul3A_167, %add3A_168 : i32
        %get3A_170 = arith.index_cast %add3A_169 : i32 to index
        %get3A_171 = arith.constant 0 : index
        %get3A_172 = tpu.vector_load %arg11[%get3A_170, %get3A_171] {strides = array<i32>} : memref<128x16xf32, #tpu.memory_space<vmem>>, vector<1x16xf32>,
        %get3A_173 = vector.shape_cast %get3A_172 : vector<1x16xf32> to vector<16xf32>
        %get3A_174 = arith.index_cast %add3A_169 : i32 to index
        %get3A_175 = arith.constant 0 : index
        %get3A_176 = tpu.vector_load %arg13[%get3A_174, %get3A_175] {strides = array<i32>} : memref<128x16xf32, #tpu.memory_space<vmem>>, vector<1x16xf32>,
        %get3A_177 = vector.shape_cast %get3A_176 : vector<1x16xf32> to vector<16xf32>
        %mul3A_178 = arith.mulf %get3A_173, %get3A_177 : vector<16xf32>
        %swap3A_179 = arith.index_cast %add3A_169 : i32 to index
        %swap3A_180 = arith.constant 0 : index
        %swap3A_181 = tpu.vector_load %arg14[%swap3A_179, %swap3A_180] {strides = array<i32>} : memref<128x16xf32, #tpu.memory_space<vmem>>, vector<1x16xf32>,
        %swap3A_182 = vector.shape_cast %swap3A_181 : vector<1x16xf32> to vector<16xf32>
        %swap3A_183 = vector.shape_cast %mul3A_178 : vector<16xf32> to vector<1x16xf32>
        tpu.vector_store %arg14[%swap3A_179, %swap3A_180], %swap3A_183 {strides = array<i32>} : memref<128x16xf32, #tpu.memory_space<vmem>>, vector<1x16xf32>,
        %get3A_184 = arith.index_cast %add3A_169 : i32 to index
        %get3A_185 = arith.constant 0 : index
        %get3A_186 = tpu.vector_load %arg11[%get3A_184, %get3A_185] {strides = array<i32>} : memref<128x16xf32, #tpu.memory_space<vmem>>, vector<1x16xf32>,
        %get3A_187 = vector.shape_cast %get3A_186 : vector<1x16xf32> to vector<16xf32>
        %get3A_188 = arith.index_cast %add3A_169 : i32 to index
        %get3A_189 = arith.constant 0 : index
        %get3A_190 = tpu.vector_load %arg12[%get3A_188, %get3A_189] {strides = array<i32>} : memref<128x16xf32, #tpu.memory_space<vmem>>, vector<1x16xf32>,
        %get3A_191 = vector.shape_cast %get3A_190 : vector<1x16xf32> to vector<16xf32>
        %mul3A_192 = arith.mulf %get3A_187, %get3A_191 : vector<16xf32>
        %swap3A_193 = arith.index_cast %add3A_169 : i32 to index
        %swap3A_194 = arith.constant 0 : index
        %swap3A_195 = tpu.vector_load %arg15[%swap3A_193, %swap3A_194] {strides = array<i32>} : memref<128x16xf32, #tpu.memory_space<vmem>>, vector<1x16xf32>,
        %swap3A_196 = vector.shape_cast %swap3A_195 : vector<1x16xf32> to vector<16xf32>
        %swap3A_197 = vector.shape_cast %mul3A_192 : vector<16xf32> to vector<1x16xf32>
        tpu.vector_store %arg15[%swap3A_193, %swap3A_194], %swap3A_197 {strides = array<i32>} : memref<128x16xf32, #tpu.memory_space<vmem>>, vector<1x16xf32>,
        %mul3A_198 = arith.constant 8 : i32
        %mul3A_199 = arith.muli %scan3A_70, %mul3A_198 : i32
        %add3A_200 = arith.constant 4 : i32
        %add3A_201 = arith.addi %mul3A_199, %add3A_200 : i32
        %get3A_202 = arith.index_cast %add3A_201 : i32 to index
        %get3A_203 = arith.constant 0 : index
        %get3A_204 = tpu.vector_load %arg11[%get3A_202, %get3A_203] {strides = array<i32>} : memref<128x16xf32, #tpu.memory_space<vmem>>, vector<1x16xf32>,
        %get3A_205 = vector.shape_cast %get3A_204 : vector<1x16xf32> to vector<16xf32>
        %get3A_206 = arith.index_cast %add3A_201 : i32 to index
        %get3A_207 = arith.constant 0 : index
        %get3A_208 = tpu.vector_load %arg13[%get3A_206, %get3A_207] {strides = array<i32>} : memref<128x16xf32, #tpu.memory_space<vmem>>, vector<1x16xf32>,
        %get3A_209 = vector.shape_cast %get3A_208 : vector<1x16xf32> to vector<16xf32>
        %mul3A_210 = arith.mulf %get3A_205, %get3A_209 : vector<16xf32>
        %swap3A_211 = arith.index_cast %add3A_201 : i32 to index
        %swap3A_212 = arith.constant 0 : index
        %swap3A_213 = tpu.vector_load %arg14[%swap3A_211, %swap3A_212] {strides = array<i32>} : memref<128x16xf32, #tpu.memory_space<vmem>>, vector<1x16xf32>,
        %swap3A_214 = vector.shape_cast %swap3A_213 : vector<1x16xf32> to vector<16xf32>
        %swap3A_215 = vector.shape_cast %mul3A_210 : vector<16xf32> to vector<1x16xf32>
        tpu.vector_store %arg14[%swap3A_211, %swap3A_212], %swap3A_215 {strides = array<i32>} : memref<128x16xf32, #tpu.memory_space<vmem>>, vector<1x16xf32>,
        %get3A_216 = arith.index_cast %add3A_201 : i32 to index
        %get3A_217 = arith.constant 0 : index
        %get3A_218 = tpu.vector_load %arg11[%get3A_216, %get3A_217] {strides = array<i32>} : memref<128x16xf32, #tpu.memory_space<vmem>>, vector<1x16xf32>,
        %get3A_219 = vector.shape_cast %get3A_218 : vector<1x16xf32> to vector<16xf32>
        %get3A_220 = arith.index_cast %add3A_201 : i32 to index
        %get3A_221 = arith.constant 0 : index
        %get3A_222 = tpu.vector_load %arg12[%get3A_220, %get3A_221] {strides = array<i32>} : memref<128x16xf32, #tpu.memory_space<vmem>>, vector<1x16xf32>,
        %get3A_223 = vector.shape_cast %get3A_222 : vector<1x16xf32> to vector<16xf32>
        %mul3A_224 = arith.mulf %get3A_219, %get3A_223 : vector<16xf32>
        %swap3A_225 = arith.index_cast %add3A_201 : i32 to index
        %swap3A_226 = arith.constant 0 : index
        %swap3A_227 = tpu.vector_load %arg15[%swap3A_225, %swap3A_226] {strides = array<i32>} : memref<128x16xf32, #tpu.memory_space<vmem>>, vector<1x16xf32>,
        %swap3A_228 = vector.shape_cast %swap3A_227 : vector<1x16xf32> to vector<16xf32>
        %swap3A_229 = vector.shape_cast %mul3A_224 : vector<16xf32> to vector<1x16xf32>
        tpu.vector_store %arg15[%swap3A_225, %swap3A_226], %swap3A_229 {strides = array<i32>} : memref<128x16xf32, #tpu.memory_space<vmem>>, vector<1x16xf32>,
        %mul3A_230 = arith.constant 8 : i32
        %mul3A_231 = arith.muli %scan3A_70, %mul3A_230 : i32
        %add3A_232 = arith.constant 5 : i32
        %add3A_233 = arith.addi %mul3A_231, %add3A_232 : i32
        %get3A_234 = arith.index_cast %add3A_233 : i32 to index
        %get3A_235 = arith.constant 0 : index
        %get3A_236 = tpu.vector_load %arg11[%get3A_234, %get3A_235] {strides = array<i32>} : memref<128x16xf32, #tpu.memory_space<vmem>>, vector<1x16xf32>,
        %get3A_237 = vector.shape_cast %get3A_236 : vector<1x16xf32> to vector<16xf32>
        %get3A_238 = arith.index_cast %add3A_233 : i32 to index
        %get3A_239 = arith.constant 0 : index
        %get3A_240 = tpu.vector_load %arg13[%get3A_238, %get3A_239] {strides = array<i32>} : memref<128x16xf32, #tpu.memory_space<vmem>>, vector<1x16xf32>,
        %get3A_241 = vector.shape_cast %get3A_240 : vector<1x16xf32> to vector<16xf32>
        %mul3A_242 = arith.mulf %get3A_237, %get3A_241 : vector<16xf32>
        %swap3A_243 = arith.index_cast %add3A_233 : i32 to index
        %swap3A_244 = arith.constant 0 : index
        %swap3A_245 = tpu.vector_load %arg14[%swap3A_243, %swap3A_244] {strides = array<i32>} : memref<128x16xf32, #tpu.memory_space<vmem>>, vector<1x16xf32>,
        %swap3A_246 = vector.shape_cast %swap3A_245 : vector<1x16xf32> to vector<16xf32>
        %swap3A_247 = vector.shape_cast %mul3A_242 : vector<16xf32> to vector<1x16xf32>
        tpu.vector_store %arg14[%swap3A_243, %swap3A_244], %swap3A_247 {strides = array<i32>} : memref<128x16xf32, #tpu.memory_space<vmem>>, vector<1x16xf32>,
        %get3A_248 = arith.index_cast %add3A_233 : i32 to index
        %get3A_249 = arith.constant 0 : index
        %get3A_250 = tpu.vector_load %arg11[%get3A_248, %get3A_249] {strides = array<i32>} : memref<128x16xf32, #tpu.memory_space<vmem>>, vector<1x16xf32>,
        %get3A_251 = vector.shape_cast %get3A_250 : vector<1x16xf32> to vector<16xf32>
        %get3A_252 = arith.index_cast %add3A_233 : i32 to index
        %get3A_253 = arith.constant 0 : index
        %get3A_254 = tpu.vector_load %arg12[%get3A_252, %get3A_253] {strides = array<i32>} : memref<128x16xf32, #tpu.memory_space<vmem>>, vector<1x16xf32>,
        %get3A_255 = vector.shape_cast %get3A_254 : vector<1x16xf32> to vector<16xf32>
        %mul3A_256 = arith.mulf %get3A_251, %get3A_255 : vector<16xf32>
        %swap3A_257 = arith.index_cast %add3A_233 : i32 to index
        %swap3A_258 = arith.constant 0 : index
        %swap3A_259 = tpu.vector_load %arg15[%swap3A_257, %swap3A_258] {strides = array<i32>} : memref<128x16xf32, #tpu.memory_space<vmem>>, vector<1x16xf32>,
        %swap3A_260 = vector.shape_cast %swap3A_259 : vector<1x16xf32> to vector<16xf32>
        %swap3A_261 = vector.shape_cast %mul3A_256 : vector<16xf32> to vector<1x16xf32>
        tpu.vector_store %arg15[%swap3A_257, %swap3A_258], %swap3A_261 {strides = array<i32>} : memref<128x16xf32, #tpu.memory_space<vmem>>, vector<1x16xf32>,
        %mul3A_262 = arith.constant 8 : i32
        %mul3A_263 = arith.muli %scan3A_70, %mul3A_262 : i32
        %add3A_264 = arith.constant 6 : i32
        %add3A_265 = arith.addi %mul3A_263, %add3A_264 : i32
        %get3A_266 = arith.index_cast %add3A_265 : i32 to index
        %get3A_267 = arith.constant 0 : index
        %get3A_268 = tpu.vector_load %arg11[%get3A_266, %get3A_267] {strides = array<i32>} : memref<128x16xf32, #tpu.memory_space<vmem>>, vector<1x16xf32>,
        %get3A_269 = vector.shape_cast %get3A_268 : vector<1x16xf32> to vector<16xf32>
        %get3A_270 = arith.index_cast %add3A_265 : i32 to index
        %get3A_271 = arith.constant 0 : index
        %get3A_272 = tpu.vector_load %arg13[%get3A_270, %get3A_271] {strides = array<i32>} : memref<128x16xf32, #tpu.memory_space<vmem>>, vector<1x16xf32>,
        %get3A_273 = vector.shape_cast %get3A_272 : vector<1x16xf32> to vector<16xf32>
        %mul3A_274 = arith.mulf %get3A_269, %get3A_273 : vector<16xf32>
        %swap3A_275 = arith.index_cast %add3A_265 : i32 to index
        %swap3A_276 = arith.constant 0 : index
        %swap3A_277 = tpu.vector_load %arg14[%swap3A_275, %swap3A_276] {strides = array<i32>} : memref<128x16xf32, #tpu.memory_space<vmem>>, vector<1x16xf32>,
        %swap3A_278 = vector.shape_cast %swap3A_277 : vector<1x16xf32> to vector<16xf32>
        %swap3A_279 = vector.shape_cast %mul3A_274 : vector<16xf32> to vector<1x16xf32>
        tpu.vector_store %arg14[%swap3A_275, %swap3A_276], %swap3A_279 {strides = array<i32>} : memref<128x16xf32, #tpu.memory_space<vmem>>, vector<1x16xf32>,
        %get3A_280 = arith.index_cast %add3A_265 : i32 to index
        %get3A_281 = arith.constant 0 : index
        %get3A_282 = tpu.vector_load %arg11[%get3A_280, %get3A_281] {strides = array<i32>} : memref<128x16xf32, #tpu.memory_space<vmem>>, vector<1x16xf32>,
        %get3A_283 = vector.shape_cast %get3A_282 : vector<1x16xf32> to vector<16xf32>
        %get3A_284 = arith.index_cast %add3A_265 : i32 to index
        %get3A_285 = arith.constant 0 : index
        %get3A_286 = tpu.vector_load %arg12[%get3A_284, %get3A_285] {strides = array<i32>} : memref<128x16xf32, #tpu.memory_space<vmem>>, vector<1x16xf32>,
        %get3A_287 = vector.shape_cast %get3A_286 : vector<1x16xf32> to vector<16xf32>
        %mul3A_288 = arith.mulf %get3A_283, %get3A_287 : vector<16xf32>
        %swap3A_289 = arith.index_cast %add3A_265 : i32 to index
        %swap3A_290 = arith.constant 0 : index
        %swap3A_291 = tpu.vector_load %arg15[%swap3A_289, %swap3A_290] {strides = array<i32>} : memref<128x16xf32, #tpu.memory_space<vmem>>, vector<1x16xf32>,
        %swap3A_292 = vector.shape_cast %swap3A_291 : vector<1x16xf32> to vector<16xf32>
        %swap3A_293 = vector.shape_cast %mul3A_288 : vector<16xf32> to vector<1x16xf32>
        tpu.vector_store %arg15[%swap3A_289, %swap3A_290], %swap3A_293 {strides = array<i32>} : memref<128x16xf32, #tpu.memory_space<vmem>>, vector<1x16xf32>,
        %mul3A_294 = arith.constant 8 : i32
        %mul3A_295 = arith.muli %scan3A_70, %mul3A_294 : i32
        %add3A_296 = arith.constant 7 : i32
        %add3A_297 = arith.addi %mul3A_295, %add3A_296 : i32
        %get3A_298 = arith.index_cast %add3A_297 : i32 to index
        %get3A_299 = arith.constant 0 : index
        %get3A_300 = tpu.vector_load %arg11[%get3A_298, %get3A_299] {strides = array<i32>} : memref<128x16xf32, #tpu.memory_space<vmem>>, vector<1x16xf32>,
        %get3A_301 = vector.shape_cast %get3A_300 : vector<1x16xf32> to vector<16xf32>
        %get3A_302 = arith.index_cast %add3A_297 : i32 to index
        %get3A_303 = arith.constant 0 : index
        %get3A_304 = tpu.vector_load %arg13[%get3A_302, %get3A_303] {strides = array<i32>} : memref<128x16xf32, #tpu.memory_space<vmem>>, vector<1x16xf32>,
        %get3A_305 = vector.shape_cast %get3A_304 : vector<1x16xf32> to vector<16xf32>
        %mul3A_306 = arith.mulf %get3A_301, %get3A_305 : vector<16xf32>
        %swap3A_307 = arith.index_cast %add3A_297 : i32 to index
        %swap3A_308 = arith.constant 0 : index
        %swap3A_309 = tpu.vector_load %arg14[%swap3A_307, %swap3A_308] {strides = array<i32>} : memref<128x16xf32, #tpu.memory_space<vmem>>, vector<1x16xf32>,
        %swap3A_310 = vector.shape_cast %swap3A_309 : vector<1x16xf32> to vector<16xf32>
        %swap3A_311 = vector.shape_cast %mul3A_306 : vector<16xf32> to vector<1x16xf32>
        tpu.vector_store %arg14[%swap3A_307, %swap3A_308], %swap3A_311 {strides = array<i32>} : memref<128x16xf32, #tpu.memory_space<vmem>>, vector<1x16xf32>,
        %get3A_312 = arith.index_cast %add3A_297 : i32 to index
        %get3A_313 = arith.constant 0 : index
        %get3A_314 = tpu.vector_load %arg11[%get3A_312, %get3A_313] {strides = array<i32>} : memref<128x16xf32, #tpu.memory_space<vmem>>, vector<1x16xf32>,
        %get3A_315 = vector.shape_cast %get3A_314 : vector<1x16xf32> to vector<16xf32>
        %get3A_316 = arith.index_cast %add3A_297 : i32 to index
        %get3A_317 = arith.constant 0 : index
        %get3A_318 = tpu.vector_load %arg12[%get3A_316, %get3A_317] {strides = array<i32>} : memref<128x16xf32, #tpu.memory_space<vmem>>, vector<1x16xf32>,
        %get3A_319 = vector.shape_cast %get3A_318 : vector<1x16xf32> to vector<16xf32>
        %mul3A_320 = arith.mulf %get3A_315, %get3A_319 : vector<16xf32>
        %swap3A_321 = arith.index_cast %add3A_297 : i32 to index
        %swap3A_322 = arith.constant 0 : index
        %swap3A_323 = tpu.vector_load %arg15[%swap3A_321, %swap3A_322] {strides = array<i32>} : memref<128x16xf32, #tpu.memory_space<vmem>>, vector<1x16xf32>,
        %swap3A_324 = vector.shape_cast %swap3A_323 : vector<1x16xf32> to vector<16xf32>
        %swap3A_325 = vector.shape_cast %mul3A_320 : vector<16xf32> to vector<1x16xf32>
        tpu.vector_store %arg15[%swap3A_321, %swap3A_322], %swap3A_325 {strides = array<i32>} : memref<128x16xf32, #tpu.memory_space<vmem>>, vector<1x16xf32>,
        %scan3A_326 = arith.constant 0 : i32
        scf.yield %scan3A_326 : i32
      }
      %scan3A_68 = arith.constant 16 : i32
      "tpu.region"() ({
        %run_scoped3A = tpu.sem_alloc : memref<!tpu.dma_semaphore, #tpu.memory_space<semaphore_mem>>
        %dma_start3A_70 = arith.constant 0 : i32
        %dma_start3A_71 = arith.constant 0 : i32
        %dma_start3A_72 = tpu.memref_slice %arg17[%dma_start3A_70, %dma_start3A_71] : memref<100352x16xf32, #tpu.memory_space<vmem_shared>> -> memref<100352x16xf32, #tpu.memory_space<vmem_shared>>
        tpu.enqueue_indirect_dma source(%arg14 : memref<128x16xf32, #tpu.memory_space<vmem>>) target(%dma_start3A_72 : memref<100352x16xf32, #tpu.memory_space<vmem_shared>>) offsets(%arg9 : memref<128xi32, #tpu.memory_space<vmem>>) semaphore(%run_scoped3A : memref<!tpu.dma_semaphore, #tpu.memory_space<semaphore_mem>>) {add = true}
        %dma_wait3A_73 = arith.constant 0 : i32
        %dma_wait3A_74 = arith.constant 0 : i32
        %dma_wait3A_75 = tpu.memref_slice %arg17[%dma_wait3A_73, %dma_wait3A_74] : memref<100352x16xf32, #tpu.memory_space<vmem_shared>> -> memref<100352x16xf32, #tpu.memory_space<vmem_shared>>
        tpu.wait_indirect_dma semaphore(%run_scoped3A : memref<!tpu.dma_semaphore, #tpu.memory_space<semaphore_mem>>) src(%arg14 : memref<128x16xf32, #tpu.memory_space<vmem>>) dst(%dma_wait3A_75 : memref<100352x16xf32, #tpu.memory_space<vmem_shared>>)
        tpu.yield
      }) : () -> ()
      "tpu.region"() ({
        %run_scoped3A = tpu.sem_alloc : memref<!tpu.dma_semaphore, #tpu.memory_space<semaphore_mem>>
        %dma_start3A_70 = arith.constant 0 : i32
        %dma_start3A_71 = tpu.memref_slice %arg8[%arg0, %add3A_35, %dma_start3A_70] : memref<2x1638400x16xf32, #tpu.memory_space<hbm>> -> memref<1x128x16xf32, #tpu.memory_space<hbm>>
        %dma_start3A_72 = tpu.memref_squeeze %dma_start3A_71 : memref<1x128x16xf32, #tpu.memory_space<hbm>> -> memref<128x16xf32, #tpu.memory_space<hbm>>
        %dma_start3A_73 = arith.constant 0 : i32
        %dma_start3A_74 = tpu.memref_slice %arg8[%arg0, %add3A_35, %dma_start3A_73] : memref<2x1638400x16xf32, #tpu.memory_space<hbm>> -> memref<1x128x16xf32, #tpu.memory_space<hbm>>
        %dma_start3A_75 = tpu.memref_squeeze %dma_start3A_74 : memref<1x128x16xf32, #tpu.memory_space<hbm>> -> memref<128x16xf32, #tpu.memory_space<hbm>>
        tpu.enqueue_dma source(%arg15 : memref<128x16xf32, #tpu.memory_space<vmem>>) target(%dma_start3A_75 : memref<128x16xf32, #tpu.memory_space<hbm>>) target_semaphore(%run_scoped3A : memref<!tpu.dma_semaphore, #tpu.memory_space<semaphore_mem>>)
        %dma_wait3A_76 = arith.constant 0 : i32
        %dma_wait3A_77 = tpu.memref_slice %arg8[%arg0, %add3A_35, %dma_wait3A_76] : memref<2x1638400x16xf32, #tpu.memory_space<hbm>> -> memref<1x128x16xf32, #tpu.memory_space<hbm>>
        %dma_wait3A_78 = tpu.memref_squeeze %dma_wait3A_77 : memref<1x128x16xf32, #tpu.memory_space<hbm>> -> memref<128x16xf32, #tpu.memory_space<hbm>>
        %dma_wait3A_79 = arith.constant 0 : i32
        %dma_wait3A_80 = tpu.memref_slice %arg8[%arg0, %add3A_35, %dma_wait3A_79] : memref<2x1638400x16xf32, #tpu.memory_space<hbm>> -> memref<1x128x16xf32, #tpu.memory_space<hbm>>
        %dma_wait3A_81 = tpu.memref_squeeze %dma_wait3A_80 : memref<1x128x16xf32, #tpu.memory_space<hbm>> -> memref<128x16xf32, #tpu.memory_space<hbm>>
        tpu.wait_dma2 semaphore(%run_scoped3A : memref<!tpu.dma_semaphore, #tpu.memory_space<semaphore_mem>>) src(%arg15 : memref<128x16xf32, #tpu.memory_space<vmem>>) dst(%dma_wait3A_81 : memref<128x16xf32, #tpu.memory_space<hbm>>)
        tpu.yield
      }) : () -> ()
      %scan3A_69 = arith.constant 0 : i32
      scf.yield %scan3A_69 : i32
    }
    %scan3A_22 = arith.constant 400 : i32
    %barrier3A_23 = arith.constant 0 : index
    tpu.barrier barrier_id(%barrier3A_23)
    %scan3A_24 = arith.constant 0 : i32
    %scan3A_25 = arith.constant 0 : i32
    %scan3A_26 = arith.constant 49 : i32
    %scan3A_27 = arith.addi %scan3A_25, %scan3A_26 : i32
    %scan3A_28 = arith.constant 1 : i32
    %scan3A_29 = scf.for %scan3A_31 = %scan3A_25 to %scan3A_27 step %scan3A_28 iter_args(%scan3A_32 = %scan3A_24) -> (i32)  : i32 {
      %mul3A_33 = arith.constant 6272 : i32
      %mul3A_34 = arith.muli %arg1, %mul3A_33 : i32
      %mul3A_35 = arith.constant 128 : i32
      %mul3A_36 = arith.muli %scan3A_31, %mul3A_35 : i32
      %add3A_37 = arith.addi %mul3A_34, %mul3A_36 : i32
      "tpu.region"() ({
        %run_scoped3A = tpu.sem_alloc : memref<!tpu.dma_semaphore, #tpu.memory_space<semaphore_mem>>
        %dma_start3A = arith.constant 0 : i32
        %dma_start3A_39 = tpu.memref_slice %arg7[%arg0, %add3A_37, %dma_start3A] : memref<2x100352x16xf32, #tpu.memory_space<hbm>> -> memref<1x128x16xf32, #tpu.memory_space<hbm>>
        %dma_start3A_40 = tpu.memref_squeeze %dma_start3A_39 : memref<1x128x16xf32, #tpu.memory_space<hbm>> -> memref<128x16xf32, #tpu.memory_space<hbm>>
        %dma_start3A_41 = arith.constant 0 : i32
        %dma_start3A_42 = tpu.memref_slice %arg17[%add3A_37, %dma_start3A_41] : memref<100352x16xf32, #tpu.memory_space<vmem_shared>> -> memref<128x16xf32, #tpu.memory_space<vmem_shared>>
        tpu.enqueue_dma source(%dma_start3A_42 : memref<128x16xf32, #tpu.memory_space<vmem_shared>>) target(%dma_start3A_40 : memref<128x16xf32, #tpu.memory_space<hbm>>) target_semaphore(%run_scoped3A : memref<!tpu.dma_semaphore, #tpu.memory_space<semaphore_mem>>)
        %dma_wait3A = arith.constant 0 : i32
        %dma_wait3A_43 = tpu.memref_slice %arg7[%arg0, %add3A_37, %dma_wait3A] : memref<2x100352x16xf32, #tpu.memory_space<hbm>> -> memref<1x128x16xf32, #tpu.memory_space<hbm>>
        %dma_wait3A_44 = tpu.memref_squeeze %dma_wait3A_43 : memref<1x128x16xf32, #tpu.memory_space<hbm>> -> memref<128x16xf32, #tpu.memory_space<hbm>>
        %dma_wait3A_45 = arith.constant 0 : i32
        %dma_wait3A_46 = tpu.memref_slice %arg17[%add3A_37, %dma_wait3A_45] : memref<100352x16xf32, #tpu.memory_space<vmem_shared>> -> memref<128x16xf32, #tpu.memory_space<vmem_shared>>
        tpu.wait_dma2 semaphore(%run_scoped3A : memref<!tpu.dma_semaphore, #tpu.memory_space<semaphore_mem>>) src(%dma_wait3A_46 : memref<128x16xf32, #tpu.memory_space<vmem_shared>>) dst(%dma_wait3A_44 : memref<128x16xf32, #tpu.memory_space<hbm>>)
        tpu.yield
      }) : () -> ()
      %scan3A_38 = arith.constant 0 : i32
      scf.yield %scan3A_38 : i32
    }
    %scan3A_30 = arith.constant 49 : i32
    return
  }
}

module attributes {stable_mosaic.version = 14 : i64} {
  func.func @_tc_h0_body(%arg0: i32, %arg1: memref<512x1xi32, #tpu.memory_space<vmem>>, %arg2: memref<4x32xf32, #tpu.memory_space<vmem>>, %arg3: memref<512x16xf32, #tpu.memory_space<vmem>>, %arg4: memref<512x16xf32, #tpu.memory_space<vmem>>) attributes {dimension_semantics = [#tpu.dimension_semantics<arbitrary>], iteration_bounds = array<i64: 196>, scalar_prefetch = 0 : i64, scratch_operands = 0 : i64, tpu.core_type = #tpu.core_type<tc>, window_params = [{transform_indices = @transform_0, window_bounds = array<i64: 512, 1>}, {pipeline_mode = #tpu.pipeline_mode<synchronous>, transform_indices = @transform_1, window_bounds = array<i64: 4, 32>}, {transform_indices = @transform_2, window_bounds = array<i64: 512, 16>}, {transform_indices = @transform_3, window_bounds = array<i64: 512, 16>}]} {
    %get3A = arith.constant 0 : index
    %get3A_0 = arith.constant 0 : index
    %get3A_1 = vector.load %arg1[%get3A, %get3A_0] : memref<512x1xi32, #tpu.memory_space<vmem>>, vector<512x1xi32>
    %iota3A = tpu.iota {dimensions = array<i32: 1>} : vector<1x4xi32>
    %eq3A = vector.broadcast %get3A_1 : vector<512x1xi32> to vector<512x4xi32>
    %eq3A_2 = vector.broadcast %iota3A : vector<1x4xi32> to vector<512x4xi32>
    %eq3A_3 = arith.cmpi eq, %eq3A, %eq3A_2 : vector<512x4xi32>
    %jit3A = arith.constant 1.000000e+00 : f32
    %jit3A_4 = arith.constant 0.000000e+00 : f32
    %broadcast_in_dim3A = vector.broadcast %jit3A : f32 to vector<512x4xf32>
    %broadcast_in_dim3A_5 = vector.broadcast %jit3A_4 : f32 to vector<512x4xf32>
    %select_n3A = arith.select %eq3A_3, %broadcast_in_dim3A, %broadcast_in_dim3A_5 : vector<512x4xi1>, vector<512x4xf32>
    %get3A_6 = arith.constant 0 : index
    %get3A_7 = arith.constant 0 : index
    %get3A_8 = vector.load %arg2[%get3A_6, %get3A_7] : memref<4x32xf32, #tpu.memory_space<vmem>>, vector<4x32xf32>
    %dot_general3A = arith.constant dense<0.000000e+00> : vector<512x32xf32>
    %dot_general3A_9 = tpu.matmul %select_n3A, %get3A_8, %dot_general3A {dimension_numbers = #tpu.dot_dimension_numbers<[1], [0], [0], [1], [0, 0, 1, 1], [], []>, transpose_lhs_hint = false} : vector<512x4xf32>, vector<4x32xf32>, vector<512x32xf32> -> vector<512x32xf32>
    %slice3A = vector.extract_strided_slice %dot_general3A_9 {offsets = [0, 0], sizes = [512, 16], strides = [1, 1]} : vector<512x32xf32> to vector<512x16xf32>
    %swap3A = arith.constant 0 : index
    %swap3A_10 = arith.constant 0 : index
    %swap3A_11 = vector.load %arg3[%swap3A, %swap3A_10] : memref<512x16xf32, #tpu.memory_space<vmem>>, vector<512x16xf32>
    tpu.vector_store %arg3[%swap3A, %swap3A_10], %slice3A {strides = array<i32>} : memref<512x16xf32, #tpu.memory_space<vmem>>, vector<512x16xf32>,
    %slice3A_12 = vector.extract_strided_slice %dot_general3A_9 {offsets = [0, 16], sizes = [512, 16], strides = [1, 1]} : vector<512x32xf32> to vector<512x16xf32>
    %swap3A_13 = arith.constant 0 : index
    %swap3A_14 = arith.constant 0 : index
    %swap3A_15 = vector.load %arg4[%swap3A_13, %swap3A_14] : memref<512x16xf32, #tpu.memory_space<vmem>>, vector<512x16xf32>
    tpu.vector_store %arg4[%swap3A_13, %swap3A_14], %slice3A_12 {strides = array<i32>} : memref<512x16xf32, #tpu.memory_space<vmem>>, vector<512x16xf32>,
    return
  }
  func.func @transform_0(%arg0: i32) -> (i32, i32) {
    %c0_i32 = arith.constant 0 : i32
    %c0_i32_0 = arith.constant 0 : i32
    return %arg0, %c0_i32 : i32, i32
  }
  func.func @transform_1(%arg0: i32) -> (i32, i32) {
    %c0_i32 = arith.constant 0 : i32
    %c0_i32_0 = arith.constant 0 : i32
    %c0_i32_1 = arith.constant 0 : i32
    return %c0_i32, %c0_i32_0 : i32, i32
  }
  func.func @transform_2(%arg0: i32) -> (i32, i32) {
    %c0_i32 = arith.constant 0 : i32
    %c0_i32_0 = arith.constant 0 : i32
    return %arg0, %c0_i32 : i32, i32
  }
  func.func @transform_3(%arg0: i32) -> (i32, i32) {
    %c0_i32 = arith.constant 0 : i32
    %c0_i32_0 = arith.constant 0 : i32
    return %arg0, %c0_i32 : i32, i32
  }
}

module attributes {stable_mosaic.version = 14 : i64} {
  func.func @_tc_filters_body(%arg0: i32, %arg1: memref<16x2048xf32, #tpu.memory_space<vmem>>, %arg2: memref<32x8xf32, #tpu.memory_space<vmem>>, %arg3: memref<32x8xf32, #tpu.memory_space<vmem>>, %arg4: memref<32x2048xf32, #tpu.memory_space<vmem>>, %arg5: memref<32x2048xf32, #tpu.memory_space<vmem>>) attributes {dimension_semantics = [#tpu.dimension_semantics<arbitrary>], iteration_bounds = array<i64: 800>, scalar_prefetch = 0 : i64, scratch_operands = 0 : i64, tpu.core_type = #tpu.core_type<tc>, window_params = [{transform_indices = @transform_0, window_bounds = array<i64: 16, 2048>}, {pipeline_mode = #tpu.pipeline_mode<synchronous>, transform_indices = @transform_1, window_bounds = array<i64: 32, 8>}, {pipeline_mode = #tpu.pipeline_mode<synchronous>, transform_indices = @transform_2, window_bounds = array<i64: 32, 8>}, {transform_indices = @transform_3, window_bounds = array<i64: 32, 2048>}, {transform_indices = @transform_4, window_bounds = array<i64: 32, 2048>}]} {
    %get3A = arith.constant 0 : index
    %get3A_0 = arith.constant 0 : index
    %get3A_1 = vector.load %arg1[%get3A, %get3A_0] : memref<16x2048xf32, #tpu.memory_space<vmem>>, vector<16x2048xf32>
    %slice3A = vector.extract_strided_slice %get3A_1 {offsets = [0, 0], sizes = [1, 2048], strides = [1, 1]} : vector<16x2048xf32> to vector<1x2048xf32>
    %slice3A_2 = vector.extract_strided_slice %get3A_1 {offsets = [1, 0], sizes = [1, 2048], strides = [1, 1]} : vector<16x2048xf32> to vector<1x2048xf32>
    %slice3A_3 = vector.extract_strided_slice %get3A_1 {offsets = [2, 0], sizes = [1, 2048], strides = [1, 1]} : vector<16x2048xf32> to vector<1x2048xf32>
    %mul3A = arith.mulf %slice3A, %slice3A : vector<1x2048xf32>
    %mul3A_4 = arith.mulf %slice3A_2, %slice3A_2 : vector<1x2048xf32>
    %add3A = arith.addf %mul3A, %mul3A_4 : vector<1x2048xf32>
    %mul3A_5 = arith.mulf %slice3A_3, %slice3A_3 : vector<1x2048xf32>
    %add3A_6 = arith.addf %add3A, %mul3A_5 : vector<1x2048xf32>
    %add3A_7 = arith.constant 9.99999996E-13 : f32
    %add3A_8 = vector.broadcast %add3A_7 : f32 to vector<1x2048xf32>
    %add3A_9 = arith.addf %add3A_6, %add3A_8 : vector<1x2048xf32>
    %sqrt3A = math.sqrt %add3A_9 : vector<1x2048xf32>
    %div3A = arith.constant 1.000000e+00 : f32
    %div3A_10 = vector.broadcast %div3A : f32 to vector<1x2048xf32>
    %div3A_11 = arith.divf %div3A_10, %sqrt3A : vector<1x2048xf32>
    %iota3A = tpu.iota {dimensions = array<i32: 0>} : vector<8x1xi32>
    %convert_element_type3A = arith.sitofp %iota3A : vector<8x1xi32> to vector<8x1xf32>
    %add3A_12 = arith.constant 1.000000e+00 : f32
    %add3A_13 = vector.broadcast %add3A_12 : f32 to vector<8x1xf32>
    %add3A_14 = arith.addf %convert_element_type3A, %add3A_13 : vector<8x1xf32>
    %mul3A_15 = arith.constant 0.628318548 : f32
    %mul3A_16 = vector.broadcast %mul3A_15 : f32 to vector<8x1xf32>
    %mul3A_17 = arith.mulf %add3A_14, %mul3A_16 : vector<8x1xf32>
    %mul3A_18 = vector.broadcast %mul3A_17 : vector<8x1xf32> to vector<8x2048xf32>
    %mul3A_19 = vector.broadcast %sqrt3A : vector<1x2048xf32> to vector<8x2048xf32>
    %mul3A_20 = arith.mulf %mul3A_18, %mul3A_19 : vector<8x2048xf32>
    %sin3A = math.sin %mul3A_20 : vector<8x2048xf32>
    %mul3A_21 = arith.constant 2.000000e-01 : f32
    %mul3A_22 = vector.broadcast %mul3A_21 : f32 to vector<1x2048xf32>
    %mul3A_23 = arith.mulf %sqrt3A, %mul3A_22 : vector<1x2048xf32>
    %mul3A_24 = arith.mulf %mul3A_23, %mul3A_23 : vector<1x2048xf32>
    %mul3A_25 = arith.mulf %mul3A_24, %mul3A_24 : vector<1x2048xf32>
    %mul3A_26 = arith.mulf %mul3A_25, %mul3A_23 : vector<1x2048xf32>
    %mul3A_27 = arith.mulf %mul3A_26, %mul3A_23 : vector<1x2048xf32>
    %mul3A_28 = arith.mulf %mul3A_27, %mul3A_23 : vector<1x2048xf32>
    %mul3A_29 = arith.mulf %mul3A_28, %mul3A_23 : vector<1x2048xf32>
    %lt3A = arith.constant 1.000000e+00 : f32
    %lt3A_30 = vector.broadcast %lt3A : f32 to vector<1x2048xf32>
    %lt3A_31 = arith.cmpf olt, %mul3A_23, %lt3A_30 : vector<1x2048xf32>
    %mul3A_32 = arith.constant 2.800000e+01 : f32
    %mul3A_33 = vector.broadcast %mul3A_32 : f32 to vector<1x2048xf32>
    %mul3A_34 = arith.mulf %mul3A_33, %mul3A_27 : vector<1x2048xf32>
    %sub3A = arith.constant 1.000000e+00 : f32
    %sub3A_35 = vector.broadcast %sub3A : f32 to vector<1x2048xf32>
    %sub3A_36 = arith.subf %sub3A_35, %mul3A_34 : vector<1x2048xf32>
    %mul3A_37 = arith.constant 4.800000e+01 : f32
    %mul3A_38 = vector.broadcast %mul3A_37 : f32 to vector<1x2048xf32>
    %mul3A_39 = arith.mulf %mul3A_38, %mul3A_28 : vector<1x2048xf32>
    %add3A_40 = arith.addf %sub3A_36, %mul3A_39 : vector<1x2048xf32>
    %mul3A_41 = arith.constant 2.100000e+01 : f32
    %mul3A_42 = vector.broadcast %mul3A_41 : f32 to vector<1x2048xf32>
    %mul3A_43 = arith.mulf %mul3A_42, %mul3A_29 : vector<1x2048xf32>
    %sub3A_44 = arith.subf %add3A_40, %mul3A_43 : vector<1x2048xf32>
    %jit3A = arith.constant 0.000000e+00 : f32
    %broadcast_in_dim3A = vector.broadcast %jit3A : f32 to vector<1x2048xf32>
    %select_n3A = arith.select %lt3A_31, %sub3A_44, %broadcast_in_dim3A : vector<1x2048xi1>, vector<1x2048xf32>
    %mul3A_45 = arith.constant 0.632455527 : f32
    %mul3A_46 = vector.broadcast %mul3A_45 : f32 to vector<8x2048xf32>
    %mul3A_47 = arith.mulf %mul3A_46, %sin3A : vector<8x2048xf32>
    %mul3A_48 = vector.broadcast %div3A_11 : vector<1x2048xf32> to vector<8x2048xf32>
    %mul3A_49 = arith.mulf %mul3A_47, %mul3A_48 : vector<8x2048xf32>
    %iota3A_50 = tpu.iota {dimensions = array<i32: 1>} : vector<1x2048xi32>
    %mul3A_51 = arith.constant 2048 : i32
    %mul3A_52 = arith.muli %arg0, %mul3A_51 : i32
    %add3A_53 = vector.broadcast %mul3A_52 : i32 to vector<1x2048xi32>
    %add3A_54 = arith.addi %iota3A_50, %add3A_53 : vector<1x2048xi32>
    %lt3A_55 = arith.constant 1600000 : i32
    %lt3A_56 = vector.broadcast %lt3A_55 : i32 to vector<1x2048xi32>
    %lt3A_57 = arith.cmpi slt, %add3A_54, %lt3A_56 : vector<1x2048xi32>
    %jit3A_58 = arith.constant 1.000000e+00 : f32
    %jit3A_59 = arith.constant 0.000000e+00 : f32
    %broadcast_in_dim3A_60 = vector.broadcast %jit3A_58 : f32 to vector<1x2048xf32>
    %broadcast_in_dim3A_61 = vector.broadcast %jit3A_59 : f32 to vector<1x2048xf32>
    %select_n3A_62 = arith.select %lt3A_57, %broadcast_in_dim3A_60, %broadcast_in_dim3A_61 : vector<1x2048xi1>, vector<1x2048xf32>
    %mul3A_63 = vector.broadcast %select_n3A : vector<1x2048xf32> to vector<8x2048xf32>
    %mul3A_64 = arith.mulf %mul3A_49, %mul3A_63 : vector<8x2048xf32>
    %mul3A_65 = vector.broadcast %select_n3A_62 : vector<1x2048xf32> to vector<8x2048xf32>
    %mul3A_66 = arith.mulf %mul3A_64, %mul3A_65 : vector<8x2048xf32>
    %get3A_67 = arith.constant 0 : index
    %get3A_68 = arith.constant 0 : index
    %get3A_69 = vector.load %arg2[%get3A_67, %get3A_68] : memref<32x8xf32, #tpu.memory_space<vmem>>, vector<32x8xf32>
    %dot_general3A = arith.constant dense<0.000000e+00> : vector<32x2048xf32>
    %dot_general3A_70 = tpu.matmul %get3A_69, %mul3A_66, %dot_general3A {dimension_numbers = #tpu.dot_dimension_numbers<[1], [0], [0], [1], [0, 0, 1, 1], [], []>, transpose_lhs_hint = false} : vector<32x8xf32>, vector<8x2048xf32>, vector<32x2048xf32> -> vector<32x2048xf32>
    %swap3A = arith.constant 0 : index
    %swap3A_71 = arith.constant 0 : index
    %swap3A_72 = vector.load %arg4[%swap3A, %swap3A_71] : memref<32x2048xf32, #tpu.memory_space<vmem>>, vector<32x2048xf32>
    tpu.vector_store %arg4[%swap3A, %swap3A_71], %dot_general3A_70 {strides = array<i32>} : memref<32x2048xf32, #tpu.memory_space<vmem>>, vector<32x2048xf32>,
    %get3A_73 = arith.constant 0 : index
    %get3A_74 = arith.constant 0 : index
    %get3A_75 = vector.load %arg3[%get3A_73, %get3A_74] : memref<32x8xf32, #tpu.memory_space<vmem>>, vector<32x8xf32>
    %dot_general3A_76 = arith.constant dense<0.000000e+00> : vector<32x2048xf32>
    %dot_general3A_77 = tpu.matmul %get3A_75, %mul3A_66, %dot_general3A_76 {dimension_numbers = #tpu.dot_dimension_numbers<[1], [0], [0], [1], [0, 0, 1, 1], [], []>, transpose_lhs_hint = false} : vector<32x8xf32>, vector<8x2048xf32>, vector<32x2048xf32> -> vector<32x2048xf32>
    %swap3A_78 = arith.constant 0 : index
    %swap3A_79 = arith.constant 0 : index
    %swap3A_80 = vector.load %arg5[%swap3A_78, %swap3A_79] : memref<32x2048xf32, #tpu.memory_space<vmem>>, vector<32x2048xf32>
    tpu.vector_store %arg5[%swap3A_78, %swap3A_79], %dot_general3A_77 {strides = array<i32>} : memref<32x2048xf32, #tpu.memory_space<vmem>>, vector<32x2048xf32>,
    return
  }
  func.func @transform_0(%arg0: i32) -> (i32, i32) {
    %c0_i32 = arith.constant 0 : i32
    %c0_i32_0 = arith.constant 0 : i32
    return %c0_i32, %arg0 : i32, i32
  }
  func.func @transform_1(%arg0: i32) -> (i32, i32) {
    %c0_i32 = arith.constant 0 : i32
    %c0_i32_0 = arith.constant 0 : i32
    %c0_i32_1 = arith.constant 0 : i32
    return %c0_i32, %c0_i32_0 : i32, i32
  }
  func.func @transform_2(%arg0: i32) -> (i32, i32) {
    %c0_i32 = arith.constant 0 : i32
    %c0_i32_0 = arith.constant 0 : i32
    %c0_i32_1 = arith.constant 0 : i32
    return %c0_i32, %c0_i32_0 : i32, i32
  }
  func.func @transform_3(%arg0: i32) -> (i32, i32) {
    %c0_i32 = arith.constant 0 : i32
    %c0_i32_0 = arith.constant 0 : i32
    return %c0_i32, %arg0 : i32, i32
  }
  func.func @transform_4(%arg0: i32) -> (i32, i32) {
    %c0_i32 = arith.constant 0 : i32
    %c0_i32_0 = arith.constant 0 : i32
    return %c0_i32, %arg0 : i32, i32
  }
}

module attributes {stable_mosaic.version = 14 : i64} {
  func.func @_tc_node_fwd_body(%arg0: i32, %arg1: memref<512x16xf32, #tpu.memory_space<vmem>>, %arg2: memref<512x16xf32, #tpu.memory_space<vmem>>, %arg3: memref<512x16xf32, #tpu.memory_space<vmem>>, %arg4: memref<512x16xf32, #tpu.memory_space<vmem>>, %arg5: memref<32x32xf32, #tpu.memory_space<vmem>>, %arg6: memref<32x32xf32, #tpu.memory_space<vmem>>, %arg7: memref<512x16xf32, #tpu.memory_space<vmem>>, %arg8: memref<512x16xf32, #tpu.memory_space<vmem>>, %arg9: memref<512x32xf32, #tpu.memory_space<vmem>>) attributes {dimension_semantics = [#tpu.dimension_semantics<arbitrary>], iteration_bounds = array<i64: 196>, scalar_prefetch = 0 : i64, scratch_operands = 0 : i64, tpu.core_type = #tpu.core_type<tc>, window_params = [{transform_indices = @transform_0, window_bounds = array<i64: 512, 16>}, {transform_indices = @transform_1, window_bounds = array<i64: 512, 16>}, {transform_indices = @transform_2, window_bounds = array<i64: 512, 16>}, {transform_indices = @transform_3, window_bounds = array<i64: 512, 16>}, {pipeline_mode = #tpu.pipeline_mode<synchronous>, transform_indices = @transform_4, window_bounds = array<i64: 32, 32>}, {pipeline_mode = #tpu.pipeline_mode<synchronous>, transform_indices = @transform_5, window_bounds = array<i64: 32, 32>}, {transform_indices = @transform_6, window_bounds = array<i64: 512, 16>}, {transform_indices = @transform_7, window_bounds = array<i64: 512, 16>}, {transform_indices = @transform_8, window_bounds = array<i64: 512, 32>}]} {
    %get3A = arith.constant 0 : index
    %get3A_0 = arith.constant 0 : index
    %get3A_1 = vector.load %arg1[%get3A, %get3A_0] : memref<512x16xf32, #tpu.memory_space<vmem>>, vector<512x16xf32>
    %get3A_2 = arith.constant 0 : index
    %get3A_3 = arith.constant 0 : index
    %get3A_4 = vector.load %arg2[%get3A_2, %get3A_3] : memref<512x16xf32, #tpu.memory_space<vmem>>, vector<512x16xf32>
    %concatenate3A = tpu.concatenate %get3A_1, %get3A_4 in 1 : vector<512x16xf32>, vector<512x16xf32> -> vector<512x32xf32>
    %get3A_5 = arith.constant 0 : index
    %get3A_6 = arith.constant 0 : index
    %get3A_7 = vector.load %arg3[%get3A_5, %get3A_6] : memref<512x16xf32, #tpu.memory_space<vmem>>, vector<512x16xf32>
    %get3A_8 = arith.constant 0 : index
    %get3A_9 = arith.constant 0 : index
    %get3A_10 = vector.load %arg4[%get3A_8, %get3A_9] : memref<512x16xf32, #tpu.memory_space<vmem>>, vector<512x16xf32>
    %concatenate3A_11 = tpu.concatenate %get3A_7, %get3A_10 in 1 : vector<512x16xf32>, vector<512x16xf32> -> vector<512x32xf32>
    %get3A_12 = arith.constant 0 : index
    %get3A_13 = arith.constant 0 : index
    %get3A_14 = vector.load %arg5[%get3A_12, %get3A_13] : memref<32x32xf32, #tpu.memory_space<vmem>>, vector<32x32xf32>
    %dot_general3A = arith.constant dense<0.000000e+00> : vector<512x32xf32>
    %dot_general3A_15 = tpu.matmul %concatenate3A, %get3A_14, %dot_general3A {dimension_numbers = #tpu.dot_dimension_numbers<[1], [0], [0], [1], [0, 0, 1, 1], [], []>, transpose_lhs_hint = false} : vector<512x32xf32>, vector<32x32xf32>, vector<512x32xf32> -> vector<512x32xf32>
    %get3A_16 = arith.constant 0 : index
    %get3A_17 = arith.constant 0 : index
    %get3A_18 = vector.load %arg6[%get3A_16, %get3A_17] : memref<32x32xf32, #tpu.memory_space<vmem>>, vector<32x32xf32>
    %dot_general3A_19 = arith.constant dense<0.000000e+00> : vector<512x32xf32>
    %dot_general3A_20 = tpu.matmul %concatenate3A_11, %get3A_18, %dot_general3A_19 {dimension_numbers = #tpu.dot_dimension_numbers<[1], [0], [0], [1], [0, 0, 1, 1], [], []>, transpose_lhs_hint = false} : vector<512x32xf32>, vector<32x32xf32>, vector<512x32xf32> -> vector<512x32xf32>
    %add3A = arith.addf %dot_general3A_15, %dot_general3A_20 : vector<512x32xf32>
    %logistic3A = arith.negf %add3A : vector<512x32xf32>
    %logistic3A_21 = math.exp %logistic3A : vector<512x32xf32>
    %logistic3A_22 = arith.constant 1.000000e+00 : f32
    %logistic3A_23 = vector.broadcast %logistic3A_22 : f32 to vector<512x32xf32>
    %logistic3A_24 = arith.addf %logistic3A_23, %logistic3A_21 : vector<512x32xf32>
    %logistic3A_25 = arith.divf %logistic3A_23, %logistic3A_24 : vector<512x32xf32>
    %mul3A = arith.mulf %add3A, %logistic3A_25 : vector<512x32xf32>
    %swap3A = arith.constant 0 : index
    %swap3A_26 = arith.constant 0 : index
    %swap3A_27 = vector.load %arg9[%swap3A, %swap3A_26] : memref<512x32xf32, #tpu.memory_space<vmem>>, vector<512x32xf32>
    tpu.vector_store %arg9[%swap3A, %swap3A_26], %add3A {strides = array<i32>} : memref<512x32xf32, #tpu.memory_space<vmem>>, vector<512x32xf32>,
    %slice3A = vector.extract_strided_slice %mul3A {offsets = [0, 0], sizes = [512, 16], strides = [1, 1]} : vector<512x32xf32> to vector<512x16xf32>
    %swap3A_28 = arith.constant 0 : index
    %swap3A_29 = arith.constant 0 : index
    %swap3A_30 = vector.load %arg7[%swap3A_28, %swap3A_29] : memref<512x16xf32, #tpu.memory_space<vmem>>, vector<512x16xf32>
    tpu.vector_store %arg7[%swap3A_28, %swap3A_29], %slice3A {strides = array<i32>} : memref<512x16xf32, #tpu.memory_space<vmem>>, vector<512x16xf32>,
    %slice3A_31 = vector.extract_strided_slice %mul3A {offsets = [0, 16], sizes = [512, 16], strides = [1, 1]} : vector<512x32xf32> to vector<512x16xf32>
    %swap3A_32 = arith.constant 0 : index
    %swap3A_33 = arith.constant 0 : index
    %swap3A_34 = vector.load %arg8[%swap3A_32, %swap3A_33] : memref<512x16xf32, #tpu.memory_space<vmem>>, vector<512x16xf32>
    tpu.vector_store %arg8[%swap3A_32, %swap3A_33], %slice3A_31 {strides = array<i32>} : memref<512x16xf32, #tpu.memory_space<vmem>>, vector<512x16xf32>,
    return
  }
  func.func @transform_0(%arg0: i32) -> (i32, i32) {
    %c0_i32 = arith.constant 0 : i32
    %c0_i32_0 = arith.constant 0 : i32
    return %arg0, %c0_i32 : i32, i32
  }
  func.func @transform_1(%arg0: i32) -> (i32, i32) {
    %c0_i32 = arith.constant 0 : i32
    %c0_i32_0 = arith.constant 0 : i32
    return %arg0, %c0_i32 : i32, i32
  }
  func.func @transform_2(%arg0: i32) -> (i32, i32) {
    %c0_i32 = arith.constant 0 : i32
    %c0_i32_0 = arith.constant 0 : i32
    return %arg0, %c0_i32 : i32, i32
  }
  func.func @transform_3(%arg0: i32) -> (i32, i32) {
    %c0_i32 = arith.constant 0 : i32
    %c0_i32_0 = arith.constant 0 : i32
    return %arg0, %c0_i32 : i32, i32
  }
  func.func @transform_4(%arg0: i32) -> (i32, i32) {
    %c0_i32 = arith.constant 0 : i32
    %c0_i32_0 = arith.constant 0 : i32
    %c0_i32_1 = arith.constant 0 : i32
    return %c0_i32, %c0_i32_0 : i32, i32
  }
  func.func @transform_5(%arg0: i32) -> (i32, i32) {
    %c0_i32 = arith.constant 0 : i32
    %c0_i32_0 = arith.constant 0 : i32
    %c0_i32_1 = arith.constant 0 : i32
    return %c0_i32, %c0_i32_0 : i32, i32
  }
  func.func @transform_6(%arg0: i32) -> (i32, i32) {
    %c0_i32 = arith.constant 0 : i32
    %c0_i32_0 = arith.constant 0 : i32
    return %arg0, %c0_i32 : i32, i32
  }
  func.func @transform_7(%arg0: i32) -> (i32, i32) {
    %c0_i32 = arith.constant 0 : i32
    %c0_i32_0 = arith.constant 0 : i32
    return %arg0, %c0_i32 : i32, i32
  }
  func.func @transform_8(%arg0: i32) -> (i32, i32) {
    %c0_i32 = arith.constant 0 : i32
    %c0_i32_0 = arith.constant 0 : i32
    return %arg0, %c0_i32 : i32, i32
  }
}

module attributes {stable_mosaic.version = 14 : i64} {
  func.func @_tc_node_top_body(%arg0: i32, %arg1: memref<512x16xf32, #tpu.memory_space<vmem>>, %arg2: memref<512x16xf32, #tpu.memory_space<vmem>>, %arg3: memref<512x16xf32, #tpu.memory_space<vmem>>, %arg4: memref<512x16xf32, #tpu.memory_space<vmem>>, %arg5: memref<512x1xi32, #tpu.memory_space<vmem>>, %arg6: memref<32x32xf32, #tpu.memory_space<vmem>>, %arg7: memref<32x32xf32, #tpu.memory_space<vmem>>, %arg8: memref<32x32xf32, #tpu.memory_space<vmem>>, %arg9: memref<32x32xf32, #tpu.memory_space<vmem>>, %arg10: memref<1x32xf32, #tpu.memory_space<vmem>>, %arg11: memref<4x1xf32, #tpu.memory_space<vmem>>, %arg12: memref<512x16xf32, #tpu.memory_space<vmem>>, %arg13: memref<512x16xf32, #tpu.memory_space<vmem>>, %arg14: memref<512x32xf32, #tpu.memory_space<vmem>>) attributes {dimension_semantics = [#tpu.dimension_semantics<arbitrary>], iteration_bounds = array<i64: 196>, scalar_prefetch = 0 : i64, scratch_operands = 0 : i64, tpu.core_type = #tpu.core_type<tc>, window_params = [{transform_indices = @transform_0, window_bounds = array<i64: 512, 16>}, {transform_indices = @transform_1, window_bounds = array<i64: 512, 16>}, {transform_indices = @transform_2, window_bounds = array<i64: 512, 16>}, {transform_indices = @transform_3, window_bounds = array<i64: 512, 16>}, {transform_indices = @transform_4, window_bounds = array<i64: 512, 1>}, {pipeline_mode = #tpu.pipeline_mode<synchronous>, transform_indices = @transform_5, window_bounds = array<i64: 32, 32>}, {pipeline_mode = #tpu.pipeline_mode<synchronous>, transform_indices = @transform_6, window_bounds = array<i64: 32, 32>}, {pipeline_mode = #tpu.pipeline_mode<synchronous>, transform_indices = @transform_7, window_bounds = array<i64: 32, 32>}, {pipeline_mode = #tpu.pipeline_mode<synchronous>, transform_indices = @transform_8, window_bounds = array<i64: 32, 32>}, {pipeline_mode = #tpu.pipeline_mode<synchronous>, transform_indices = @transform_9, window_bounds = array<i64: 1, 32>}, {pipeline_mode = #tpu.pipeline_mode<synchronous>, transform_indices = @transform_10, window_bounds = array<i64: 4, 1>}, {transform_indices = @transform_11, window_bounds = array<i64: 512, 16>}, {transform_indices = @transform_12, window_bounds = array<i64: 512, 16>}, {transform_indices = @transform_13, window_bounds = array<i64: 512, 32>}]} {
    %get3A = arith.constant 0 : index
    %get3A_0 = arith.constant 0 : index
    %get3A_1 = vector.load %arg1[%get3A, %get3A_0] : memref<512x16xf32, #tpu.memory_space<vmem>>, vector<512x16xf32>
    %get3A_2 = arith.constant 0 : index
    %get3A_3 = arith.constant 0 : index
    %get3A_4 = vector.load %arg2[%get3A_2, %get3A_3] : memref<512x16xf32, #tpu.memory_space<vmem>>, vector<512x16xf32>
    %concatenate3A = tpu.concatenate %get3A_1, %get3A_4 in 1 : vector<512x16xf32>, vector<512x16xf32> -> vector<512x32xf32>
    %get3A_5 = arith.constant 0 : index
    %get3A_6 = arith.constant 0 : index
    %get3A_7 = vector.load %arg3[%get3A_5, %get3A_6] : memref<512x16xf32, #tpu.memory_space<vmem>>, vector<512x16xf32>
    %get3A_8 = arith.constant 0 : index
    %get3A_9 = arith.constant 0 : index
    %get3A_10 = vector.load %arg4[%get3A_8, %get3A_9] : memref<512x16xf32, #tpu.memory_space<vmem>>, vector<512x16xf32>
    %concatenate3A_11 = tpu.concatenate %get3A_7, %get3A_10 in 1 : vector<512x16xf32>, vector<512x16xf32> -> vector<512x32xf32>
    %get3A_12 = arith.constant 0 : index
    %get3A_13 = arith.constant 0 : index
    %get3A_14 = vector.load %arg6[%get3A_12, %get3A_13] : memref<32x32xf32, #tpu.memory_space<vmem>>, vector<32x32xf32>
    %dot_general3A = arith.constant dense<0.000000e+00> : vector<512x32xf32>
    %dot_general3A_15 = tpu.matmul %concatenate3A, %get3A_14, %dot_general3A {dimension_numbers = #tpu.dot_dimension_numbers<[1], [0], [0], [1], [0, 0, 1, 1], [], []>, transpose_lhs_hint = false} : vector<512x32xf32>, vector<32x32xf32>, vector<512x32xf32> -> vector<512x32xf32>
    %get3A_16 = arith.constant 0 : index
    %get3A_17 = arith.constant 0 : index
    %get3A_18 = vector.load %arg7[%get3A_16, %get3A_17] : memref<32x32xf32, #tpu.memory_space<vmem>>, vector<32x32xf32>
    %dot_general3A_19 = arith.constant dense<0.000000e+00> : vector<512x32xf32>
    %dot_general3A_20 = tpu.matmul %concatenate3A_11, %get3A_18, %dot_general3A_19 {dimension_numbers = #tpu.dot_dimension_numbers<[1], [0], [0], [1], [0, 0, 1, 1], [], []>, transpose_lhs_hint = false} : vector<512x32xf32>, vector<32x32xf32>, vector<512x32xf32> -> vector<512x32xf32>
    %add3A = arith.addf %dot_general3A_15, %dot_general3A_20 : vector<512x32xf32>
    %get3A_21 = arith.constant 0 : index
    %get3A_22 = arith.constant 0 : index
    %get3A_23 = vector.load %arg5[%get3A_21, %get3A_22] : memref<512x1xi32, #tpu.memory_space<vmem>>, vector<512x1xi32>
    %iota3A = tpu.iota {dimensions = array<i32: 1>} : vector<1x4xi32>
    %eq3A = vector.broadcast %get3A_23 : vector<512x1xi32> to vector<512x4xi32>
    %eq3A_24 = vector.broadcast %iota3A : vector<1x4xi32> to vector<512x4xi32>
    %eq3A_25 = arith.cmpi eq, %eq3A, %eq3A_24 : vector<512x4xi32>
    %jit3A = arith.constant 1.000000e+00 : f32
    %jit3A_26 = arith.constant 0.000000e+00 : f32
    %broadcast_in_dim3A = vector.broadcast %jit3A : f32 to vector<512x4xf32>
    %broadcast_in_dim3A_27 = vector.broadcast %jit3A_26 : f32 to vector<512x4xf32>
    %select_n3A = arith.select %eq3A_25, %broadcast_in_dim3A, %broadcast_in_dim3A_27 : vector<512x4xi1>, vector<512x4xf32>
    %get3A_28 = arith.constant 0 : index
    %get3A_29 = arith.constant 0 : index
    %get3A_30 = vector.load %arg11[%get3A_28, %get3A_29] : memref<4x1xf32, #tpu.memory_space<vmem>>, vector<4x1xf32>
    %dot_general3A_31 = arith.constant dense<0.000000e+00> : vector<512x1xf32>
    %dot_general3A_32 = tpu.matmul %select_n3A, %get3A_30, %dot_general3A_31 {dimension_numbers = #tpu.dot_dimension_numbers<[1], [0], [0], [1], [0, 0, 1, 1], [], []>, transpose_lhs_hint = false} : vector<512x4xf32>, vector<4x1xf32>, vector<512x1xf32> -> vector<512x1xf32>
    %get3A_33 = arith.constant 0 : index
    %get3A_34 = arith.constant 0 : index
    %get3A_35 = vector.load %arg10[%get3A_33, %get3A_34] : memref<1x32xf32, #tpu.memory_space<vmem>>, vector<1x32xf32>
    %mul3A = vector.broadcast %dot_general3A_32 : vector<512x1xf32> to vector<512x32xf32>
    %mul3A_36 = vector.broadcast %get3A_35 : vector<1x32xf32> to vector<512x32xf32>
    %mul3A_37 = arith.mulf %mul3A, %mul3A_36 : vector<512x32xf32>
    %logistic3A = arith.negf %add3A : vector<512x32xf32>
    %logistic3A_38 = math.exp %logistic3A : vector<512x32xf32>
    %logistic3A_39 = arith.constant 1.000000e+00 : f32
    %logistic3A_40 = vector.broadcast %logistic3A_39 : f32 to vector<512x32xf32>
    %logistic3A_41 = arith.addf %logistic3A_40, %logistic3A_38 : vector<512x32xf32>
    %logistic3A_42 = arith.divf %logistic3A_40, %logistic3A_41 : vector<512x32xf32>
    %sub3A = arith.constant 1.000000e+00 : f32
    %sub3A_43 = vector.broadcast %sub3A : f32 to vector<512x32xf32>
    %sub3A_44 = arith.subf %sub3A_43, %logistic3A_42 : vector<512x32xf32>
    %mul3A_45 = arith.mulf %add3A, %sub3A_44 : vector<512x32xf32>
    %add3A_46 = arith.constant 1.000000e+00 : f32
    %add3A_47 = vector.broadcast %add3A_46 : f32 to vector<512x32xf32>
    %add3A_48 = arith.addf %add3A_47, %mul3A_45 : vector<512x32xf32>
    %mul3A_49 = arith.mulf %logistic3A_42, %add3A_48 : vector<512x32xf32>
    %mul3A_50 = arith.mulf %mul3A_37, %mul3A_49 : vector<512x32xf32>
    %get3A_51 = arith.constant 0 : index
    %get3A_52 = arith.constant 0 : index
    %get3A_53 = vector.load %arg8[%get3A_51, %get3A_52] : memref<32x32xf32, #tpu.memory_space<vmem>>, vector<32x32xf32>
    %dot_general3A_54 = arith.constant dense<0.000000e+00> : vector<512x32xf32>
    %dot_general3A_55 = tpu.matmul %mul3A_50, %get3A_53, %dot_general3A_54 {dimension_numbers = #tpu.dot_dimension_numbers<[1], [0], [0], [1], [0, 0, 1, 1], [], []>, transpose_lhs_hint = false} : vector<512x32xf32>, vector<32x32xf32>, vector<512x32xf32> -> vector<512x32xf32>
    %get3A_56 = arith.constant 0 : index
    %get3A_57 = arith.constant 0 : index
    %get3A_58 = vector.load %arg9[%get3A_56, %get3A_57] : memref<32x32xf32, #tpu.memory_space<vmem>>, vector<32x32xf32>
    %dot_general3A_59 = arith.constant dense<0.000000e+00> : vector<512x32xf32>
    %dot_general3A_60 = tpu.matmul %mul3A_50, %get3A_58, %dot_general3A_59 {dimension_numbers = #tpu.dot_dimension_numbers<[1], [0], [0], [1], [0, 0, 1, 1], [], []>, transpose_lhs_hint = false} : vector<512x32xf32>, vector<32x32xf32>, vector<512x32xf32> -> vector<512x32xf32>
    %swap3A = arith.constant 0 : index
    %swap3A_61 = arith.constant 0 : index
    %swap3A_62 = vector.load %arg14[%swap3A, %swap3A_61] : memref<512x32xf32, #tpu.memory_space<vmem>>, vector<512x32xf32>
    tpu.vector_store %arg14[%swap3A, %swap3A_61], %dot_general3A_60 {strides = array<i32>} : memref<512x32xf32, #tpu.memory_space<vmem>>, vector<512x32xf32>,
    %slice3A = vector.extract_strided_slice %dot_general3A_55 {offsets = [0, 0], sizes = [512, 16], strides = [1, 1]} : vector<512x32xf32> to vector<512x16xf32>
    %swap3A_63 = arith.constant 0 : index
    %swap3A_64 = arith.constant 0 : index
    %swap3A_65 = vector.load %arg12[%swap3A_63, %swap3A_64] : memref<512x16xf32, #tpu.memory_space<vmem>>, vector<512x16xf32>
    tpu.vector_store %arg12[%swap3A_63, %swap3A_64], %slice3A {strides = array<i32>} : memref<512x16xf32, #tpu.memory_space<vmem>>, vector<512x16xf32>,
    %slice3A_66 = vector.extract_strided_slice %dot_general3A_55 {offsets = [0, 16], sizes = [512, 16], strides = [1, 1]} : vector<512x32xf32> to vector<512x16xf32>
    %swap3A_67 = arith.constant 0 : index
    %swap3A_68 = arith.constant 0 : index
    %swap3A_69 = vector.load %arg13[%swap3A_67, %swap3A_68] : memref<512x16xf32, #tpu.memory_space<vmem>>, vector<512x16xf32>
    tpu.vector_store %arg13[%swap3A_67, %swap3A_68], %slice3A_66 {strides = array<i32>} : memref<512x16xf32, #tpu.memory_space<vmem>>, vector<512x16xf32>,
    return
  }
  func.func @transform_0(%arg0: i32) -> (i32, i32) {
    %c0_i32 = arith.constant 0 : i32
    %c0_i32_0 = arith.constant 0 : i32
    return %arg0, %c0_i32 : i32, i32
  }
  func.func @transform_1(%arg0: i32) -> (i32, i32) {
    %c0_i32 = arith.constant 0 : i32
    %c0_i32_0 = arith.constant 0 : i32
    return %arg0, %c0_i32 : i32, i32
  }
  func.func @transform_2(%arg0: i32) -> (i32, i32) {
    %c0_i32 = arith.constant 0 : i32
    %c0_i32_0 = arith.constant 0 : i32
    return %arg0, %c0_i32 : i32, i32
  }
  func.func @transform_3(%arg0: i32) -> (i32, i32) {
    %c0_i32 = arith.constant 0 : i32
    %c0_i32_0 = arith.constant 0 : i32
    return %arg0, %c0_i32 : i32, i32
  }
  func.func @transform_4(%arg0: i32) -> (i32, i32) {
    %c0_i32 = arith.constant 0 : i32
    %c0_i32_0 = arith.constant 0 : i32
    return %arg0, %c0_i32 : i32, i32
  }
  func.func @transform_5(%arg0: i32) -> (i32, i32) {
    %c0_i32 = arith.constant 0 : i32
    %c0_i32_0 = arith.constant 0 : i32
    %c0_i32_1 = arith.constant 0 : i32
    return %c0_i32, %c0_i32_0 : i32, i32
  }
  func.func @transform_6(%arg0: i32) -> (i32, i32) {
    %c0_i32 = arith.constant 0 : i32
    %c0_i32_0 = arith.constant 0 : i32
    %c0_i32_1 = arith.constant 0 : i32
    return %c0_i32, %c0_i32_0 : i32, i32
  }
  func.func @transform_7(%arg0: i32) -> (i32, i32) {
    %c0_i32 = arith.constant 0 : i32
    %c0_i32_0 = arith.constant 0 : i32
    %c0_i32_1 = arith.constant 0 : i32
    return %c0_i32, %c0_i32_0 : i32, i32
  }
  func.func @transform_8(%arg0: i32) -> (i32, i32) {
    %c0_i32 = arith.constant 0 : i32
    %c0_i32_0 = arith.constant 0 : i32
    %c0_i32_1 = arith.constant 0 : i32
    return %c0_i32, %c0_i32_0 : i32, i32
  }
  func.func @transform_9(%arg0: i32) -> (i32, i32) {
    %c0_i32 = arith.constant 0 : i32
    %c0_i32_0 = arith.constant 0 : i32
    %c0_i32_1 = arith.constant 0 : i32
    return %c0_i32, %c0_i32_0 : i32, i32
  }
  func.func @transform_10(%arg0: i32) -> (i32, i32) {
    %c0_i32 = arith.constant 0 : i32
    %c0_i32_0 = arith.constant 0 : i32
    %c0_i32_1 = arith.constant 0 : i32
    return %c0_i32, %c0_i32_0 : i32, i32
  }
  func.func @transform_11(%arg0: i32) -> (i32, i32) {
    %c0_i32 = arith.constant 0 : i32
    %c0_i32_0 = arith.constant 0 : i32
    return %arg0, %c0_i32 : i32, i32
  }
  func.func @transform_12(%arg0: i32) -> (i32, i32) {
    %c0_i32 = arith.constant 0 : i32
    %c0_i32_0 = arith.constant 0 : i32
    return %arg0, %c0_i32 : i32, i32
  }
  func.func @transform_13(%arg0: i32) -> (i32, i32) {
    %c0_i32 = arith.constant 0 : i32
    %c0_i32_0 = arith.constant 0 : i32
    return %arg0, %c0_i32 : i32, i32
  }
}

module attributes {stable_mosaic.version = 14 : i64} {
  func.func @_tc_node_bwd1_body(%arg0: i32, %arg1: memref<512x32xf32, #tpu.memory_space<vmem>>, %arg2: memref<512x16xf32, #tpu.memory_space<vmem>>, %arg3: memref<512x16xf32, #tpu.memory_space<vmem>>, %arg4: memref<512x32xf32, #tpu.memory_space<vmem>>, %arg5: memref<32x32xf32, #tpu.memory_space<vmem>>, %arg6: memref<512x16xf32, #tpu.memory_space<vmem>>, %arg7: memref<512x16xf32, #tpu.memory_space<vmem>>) attributes {dimension_semantics = [#tpu.dimension_semantics<arbitrary>], iteration_bounds = array<i64: 196>, scalar_prefetch = 0 : i64, scratch_operands = 0 : i64, tpu.core_type = #tpu.core_type<tc>, window_params = [{transform_indices = @transform_0, window_bounds = array<i64: 512, 32>}, {transform_indices = @transform_1, window_bounds = array<i64: 512, 16>}, {transform_indices = @transform_2, window_bounds = array<i64: 512, 16>}, {transform_indices = @transform_3, window_bounds = array<i64: 512, 32>}, {pipeline_mode = #tpu.pipeline_mode<synchronous>, transform_indices = @transform_4, window_bounds = array<i64: 32, 32>}, {transform_indices = @transform_5, window_bounds = array<i64: 512, 16>}, {transform_indices = @transform_6, window_bounds = array<i64: 512, 16>}]} {
    %get3A = arith.constant 0 : index
    %get3A_0 = arith.constant 0 : index
    %get3A_1 = vector.load %arg1[%get3A, %get3A_0] : memref<512x32xf32, #tpu.memory_space<vmem>>, vector<512x32xf32>
    %get3A_2 = arith.constant 0 : index
    %get3A_3 = arith.constant 0 : index
    %get3A_4 = vector.load %arg2[%get3A_2, %get3A_3] : memref<512x16xf32, #tpu.memory_space<vmem>>, vector<512x16xf32>
    %get3A_5 = arith.constant 0 : index
    %get3A_6 = arith.constant 0 : index
    %get3A_7 = vector.load %arg3[%get3A_5, %get3A_6] : memref<512x16xf32, #tpu.memory_space<vmem>>, vector<512x16xf32>
    %concatenate3A = tpu.concatenate %get3A_4, %get3A_7 in 1 : vector<512x16xf32>, vector<512x16xf32> -> vector<512x32xf32>
    %add3A = arith.addf %get3A_1, %concatenate3A : vector<512x32xf32>
    %get3A_8 = arith.constant 0 : index
    %get3A_9 = arith.constant 0 : index
    %get3A_10 = vector.load %arg4[%get3A_8, %get3A_9] : memref<512x32xf32, #tpu.memory_space<vmem>>, vector<512x32xf32>
    %logistic3A = arith.negf %get3A_10 : vector<512x32xf32>
    %logistic3A_11 = math.exp %logistic3A : vector<512x32xf32>
    %logistic3A_12 = arith.constant 1.000000e+00 : f32
    %logistic3A_13 = vector.broadcast %logistic3A_12 : f32 to vector<512x32xf32>
    %logistic3A_14 = arith.addf %logistic3A_13, %logistic3A_11 : vector<512x32xf32>
    %logistic3A_15 = arith.divf %logistic3A_13, %logistic3A_14 : vector<512x32xf32>
    %sub3A = arith.constant 1.000000e+00 : f32
    %sub3A_16 = vector.broadcast %sub3A : f32 to vector<512x32xf32>
    %sub3A_17 = arith.subf %sub3A_16, %logistic3A_15 : vector<512x32xf32>
    %mul3A = arith.mulf %get3A_10, %sub3A_17 : vector<512x32xf32>
    %add3A_18 = arith.constant 1.000000e+00 : f32
    %add3A_19 = vector.broadcast %add3A_18 : f32 to vector<512x32xf32>
    %add3A_20 = arith.addf %add3A_19, %mul3A : vector<512x32xf32>
    %mul3A_21 = arith.mulf %logistic3A_15, %add3A_20 : vector<512x32xf32>
    %mul3A_22 = arith.mulf %add3A, %mul3A_21 : vector<512x32xf32>
    %get3A_23 = arith.constant 0 : index
    %get3A_24 = arith.constant 0 : index
    %get3A_25 = vector.load %arg5[%get3A_23, %get3A_24] : memref<32x32xf32, #tpu.memory_space<vmem>>, vector<32x32xf32>
    %dot_general3A = arith.constant dense<0.000000e+00> : vector<512x32xf32>
    %dot_general3A_26 = tpu.matmul %mul3A_22, %get3A_25, %dot_general3A {dimension_numbers = #tpu.dot_dimension_numbers<[1], [0], [0], [1], [0, 0, 1, 1], [], []>, transpose_lhs_hint = false} : vector<512x32xf32>, vector<32x32xf32>, vector<512x32xf32> -> vector<512x32xf32>
    %slice3A = vector.extract_strided_slice %dot_general3A_26 {offsets = [0, 0], sizes = [512, 16], strides = [1, 1]} : vector<512x32xf32> to vector<512x16xf32>
    %swap3A = arith.constant 0 : index
    %swap3A_27 = arith.constant 0 : index
    %swap3A_28 = vector.load %arg6[%swap3A, %swap3A_27] : memref<512x16xf32, #tpu.memory_space<vmem>>, vector<512x16xf32>
    tpu.vector_store %arg6[%swap3A, %swap3A_27], %slice3A {strides = array<i32>} : memref<512x16xf32, #tpu.memory_space<vmem>>, vector<512x16xf32>,
    %slice3A_29 = vector.extract_strided_slice %dot_general3A_26 {offsets = [0, 16], sizes = [512, 16], strides = [1, 1]} : vector<512x32xf32> to vector<512x16xf32>
    %swap3A_30 = arith.constant 0 : index
    %swap3A_31 = arith.constant 0 : index
    %swap3A_32 = vector.load %arg7[%swap3A_30, %swap3A_31] : memref<512x16xf32, #tpu.memory_space<vmem>>, vector<512x16xf32>
    tpu.vector_store %arg7[%swap3A_30, %swap3A_31], %slice3A_29 {strides = array<i32>} : memref<512x16xf32, #tpu.memory_space<vmem>>, vector<512x16xf32>,
    return
  }
  func.func @transform_0(%arg0: i32) -> (i32, i32) {
    %c0_i32 = arith.constant 0 : i32
    %c0_i32_0 = arith.constant 0 : i32
    return %arg0, %c0_i32 : i32, i32
  }
  func.func @transform_1(%arg0: i32) -> (i32, i32) {
    %c0_i32 = arith.constant 0 : i32
    %c0_i32_0 = arith.constant 0 : i32
    return %arg0, %c0_i32 : i32, i32
  }
  func.func @transform_2(%arg0: i32) -> (i32, i32) {
    %c0_i32 = arith.constant 0 : i32
    %c0_i32_0 = arith.constant 0 : i32
    return %arg0, %c0_i32 : i32, i32
  }
  func.func @transform_3(%arg0: i32) -> (i32, i32) {
    %c0_i32 = arith.constant 0 : i32
    %c0_i32_0 = arith.constant 0 : i32
    return %arg0, %c0_i32 : i32, i32
  }
  func.func @transform_4(%arg0: i32) -> (i32, i32) {
    %c0_i32 = arith.constant 0 : i32
    %c0_i32_0 = arith.constant 0 : i32
    %c0_i32_1 = arith.constant 0 : i32
    return %c0_i32, %c0_i32_0 : i32, i32
  }
  func.func @transform_5(%arg0: i32) -> (i32, i32) {
    %c0_i32 = arith.constant 0 : i32
    %c0_i32_0 = arith.constant 0 : i32
    return %arg0, %c0_i32 : i32, i32
  }
  func.func @transform_6(%arg0: i32) -> (i32, i32) {
    %c0_i32 = arith.constant 0 : i32
    %c0_i32_0 = arith.constant 0 : i32
    return %arg0, %c0_i32 : i32, i32
  }
}

module attributes {stable_mosaic.version = 14 : i64} {
  func.func @_tc_dvec_body(%arg0: i32, %arg1: memref<16x2048xf32, #tpu.memory_space<vmem>>, %arg2: memref<32x2048xf32, #tpu.memory_space<vmem>>, %arg3: memref<32x2048xf32, #tpu.memory_space<vmem>>, %arg4: memref<8x32xf32, #tpu.memory_space<vmem>>, %arg5: memref<8x32xf32, #tpu.memory_space<vmem>>, %arg6: memref<16x2048xf32, #tpu.memory_space<vmem>>, %arg7: memref<16x2048xf32, #tpu.memory_space<vmem>>) attributes {dimension_semantics = [#tpu.dimension_semantics<arbitrary>], iteration_bounds = array<i64: 800>, scalar_prefetch = 0 : i64, scratch_operands = 0 : i64, tpu.core_type = #tpu.core_type<tc>, window_params = [{transform_indices = @transform_0, window_bounds = array<i64: 16, 2048>}, {transform_indices = @transform_1, window_bounds = array<i64: 32, 2048>}, {transform_indices = @transform_2, window_bounds = array<i64: 32, 2048>}, {pipeline_mode = #tpu.pipeline_mode<synchronous>, transform_indices = @transform_3, window_bounds = array<i64: 8, 32>}, {pipeline_mode = #tpu.pipeline_mode<synchronous>, transform_indices = @transform_4, window_bounds = array<i64: 8, 32>}, {transform_indices = @transform_5, window_bounds = array<i64: 16, 2048>}, {transform_indices = @transform_6, window_bounds = array<i64: 16, 2048>}]} {
    %get3A = arith.constant 0 : index
    %get3A_0 = arith.constant 0 : index
    %get3A_1 = vector.load %arg1[%get3A, %get3A_0] : memref<16x2048xf32, #tpu.memory_space<vmem>>, vector<16x2048xf32>
    %slice3A = vector.extract_strided_slice %get3A_1 {offsets = [0, 0], sizes = [1, 2048], strides = [1, 1]} : vector<16x2048xf32> to vector<1x2048xf32>
    %slice3A_2 = vector.extract_strided_slice %get3A_1 {offsets = [1, 0], sizes = [1, 2048], strides = [1, 1]} : vector<16x2048xf32> to vector<1x2048xf32>
    %slice3A_3 = vector.extract_strided_slice %get3A_1 {offsets = [2, 0], sizes = [1, 2048], strides = [1, 1]} : vector<16x2048xf32> to vector<1x2048xf32>
    %mul3A = arith.mulf %slice3A, %slice3A : vector<1x2048xf32>
    %mul3A_4 = arith.mulf %slice3A_2, %slice3A_2 : vector<1x2048xf32>
    %add3A = arith.addf %mul3A, %mul3A_4 : vector<1x2048xf32>
    %mul3A_5 = arith.mulf %slice3A_3, %slice3A_3 : vector<1x2048xf32>
    %add3A_6 = arith.addf %add3A, %mul3A_5 : vector<1x2048xf32>
    %add3A_7 = arith.constant 9.99999996E-13 : f32
    %add3A_8 = vector.broadcast %add3A_7 : f32 to vector<1x2048xf32>
    %add3A_9 = arith.addf %add3A_6, %add3A_8 : vector<1x2048xf32>
    %sqrt3A = math.sqrt %add3A_9 : vector<1x2048xf32>
    %div3A = arith.constant 1.000000e+00 : f32
    %div3A_10 = vector.broadcast %div3A : f32 to vector<1x2048xf32>
    %div3A_11 = arith.divf %div3A_10, %sqrt3A : vector<1x2048xf32>
    %iota3A = tpu.iota {dimensions = array<i32: 0>} : vector<8x1xi32>
    %convert_element_type3A = arith.sitofp %iota3A : vector<8x1xi32> to vector<8x1xf32>
    %add3A_12 = arith.constant 1.000000e+00 : f32
    %add3A_13 = vector.broadcast %add3A_12 : f32 to vector<8x1xf32>
    %add3A_14 = arith.addf %convert_element_type3A, %add3A_13 : vector<8x1xf32>
    %mul3A_15 = arith.constant 0.628318548 : f32
    %mul3A_16 = vector.broadcast %mul3A_15 : f32 to vector<8x1xf32>
    %mul3A_17 = arith.mulf %add3A_14, %mul3A_16 : vector<8x1xf32>
    %mul3A_18 = vector.broadcast %mul3A_17 : vector<8x1xf32> to vector<8x2048xf32>
    %mul3A_19 = vector.broadcast %sqrt3A : vector<1x2048xf32> to vector<8x2048xf32>
    %mul3A_20 = arith.mulf %mul3A_18, %mul3A_19 : vector<8x2048xf32>
    %sin3A = math.sin %mul3A_20 : vector<8x2048xf32>
    %mul3A_21 = arith.constant 2.000000e-01 : f32
    %mul3A_22 = vector.broadcast %mul3A_21 : f32 to vector<1x2048xf32>
    %mul3A_23 = arith.mulf %sqrt3A, %mul3A_22 : vector<1x2048xf32>
    %mul3A_24 = arith.mulf %mul3A_23, %mul3A_23 : vector<1x2048xf32>
    %mul3A_25 = arith.mulf %mul3A_24, %mul3A_24 : vector<1x2048xf32>
    %mul3A_26 = arith.mulf %mul3A_25, %mul3A_23 : vector<1x2048xf32>
    %mul3A_27 = arith.mulf %mul3A_26, %mul3A_23 : vector<1x2048xf32>
    %mul3A_28 = arith.mulf %mul3A_27, %mul3A_23 : vector<1x2048xf32>
    %mul3A_29 = arith.mulf %mul3A_28, %mul3A_23 : vector<1x2048xf32>
    %lt3A = arith.constant 1.000000e+00 : f32
    %lt3A_30 = vector.broadcast %lt3A : f32 to vector<1x2048xf32>
    %lt3A_31 = arith.cmpf olt, %mul3A_23, %lt3A_30 : vector<1x2048xf32>
    %mul3A_32 = arith.constant 2.800000e+01 : f32
    %mul3A_33 = vector.broadcast %mul3A_32 : f32 to vector<1x2048xf32>
    %mul3A_34 = arith.mulf %mul3A_33, %mul3A_27 : vector<1x2048xf32>
    %sub3A = arith.constant 1.000000e+00 : f32
    %sub3A_35 = vector.broadcast %sub3A : f32 to vector<1x2048xf32>
    %sub3A_36 = arith.subf %sub3A_35, %mul3A_34 : vector<1x2048xf32>
    %mul3A_37 = arith.constant 4.800000e+01 : f32
    %mul3A_38 = vector.broadcast %mul3A_37 : f32 to vector<1x2048xf32>
    %mul3A_39 = arith.mulf %mul3A_38, %mul3A_28 : vector<1x2048xf32>
    %add3A_40 = arith.addf %sub3A_36, %mul3A_39 : vector<1x2048xf32>
    %mul3A_41 = arith.constant 2.100000e+01 : f32
    %mul3A_42 = vector.broadcast %mul3A_41 : f32 to vector<1x2048xf32>
    %mul3A_43 = arith.mulf %mul3A_42, %mul3A_29 : vector<1x2048xf32>
    %sub3A_44 = arith.subf %add3A_40, %mul3A_43 : vector<1x2048xf32>
    %jit3A = arith.constant 0.000000e+00 : f32
    %broadcast_in_dim3A = vector.broadcast %jit3A : f32 to vector<1x2048xf32>
    %select_n3A = arith.select %lt3A_31, %sub3A_44, %broadcast_in_dim3A : vector<1x2048xi1>, vector<1x2048xf32>
    %mul3A_45 = arith.constant -1.680000e+02 : f32
    %mul3A_46 = vector.broadcast %mul3A_45 : f32 to vector<1x2048xf32>
    %mul3A_47 = arith.mulf %mul3A_46, %mul3A_26 : vector<1x2048xf32>
    %mul3A_48 = arith.constant 3.360000e+02 : f32
    %mul3A_49 = vector.broadcast %mul3A_48 : f32 to vector<1x2048xf32>
    %mul3A_50 = arith.mulf %mul3A_49, %mul3A_27 : vector<1x2048xf32>
    %add3A_51 = arith.addf %mul3A_47, %mul3A_50 : vector<1x2048xf32>
    %mul3A_52 = arith.constant 1.680000e+02 : f32
    %mul3A_53 = vector.broadcast %mul3A_52 : f32 to vector<1x2048xf32>
    %mul3A_54 = arith.mulf %mul3A_53, %mul3A_28 : vector<1x2048xf32>
    %sub3A_55 = arith.subf %add3A_51, %mul3A_54 : vector<1x2048xf32>
    %mul3A_56 = arith.constant 2.000000e-01 : f32
    %mul3A_57 = vector.broadcast %mul3A_56 : f32 to vector<1x2048xf32>
    %mul3A_58 = arith.mulf %sub3A_55, %mul3A_57 : vector<1x2048xf32>
    %jit3A_59 = arith.constant 0.000000e+00 : f32
    %broadcast_in_dim3A_60 = vector.broadcast %jit3A_59 : f32 to vector<1x2048xf32>
    %select_n3A_61 = arith.select %lt3A_31, %mul3A_58, %broadcast_in_dim3A_60 : vector<1x2048xi1>, vector<1x2048xf32>
    %mul3A_62 = arith.constant 0.632455527 : f32
    %mul3A_63 = vector.broadcast %mul3A_62 : f32 to vector<8x2048xf32>
    %mul3A_64 = arith.mulf %mul3A_63, %sin3A : vector<8x2048xf32>
    %mul3A_65 = vector.broadcast %div3A_11 : vector<1x2048xf32> to vector<8x2048xf32>
    %mul3A_66 = arith.mulf %mul3A_64, %mul3A_65 : vector<8x2048xf32>
    %cos3A = math.cos %mul3A_20 : vector<8x2048xf32>
    %mul3A_67 = vector.broadcast %mul3A_17 : vector<8x1xf32> to vector<8x2048xf32>
    %mul3A_68 = arith.mulf %mul3A_67, %cos3A : vector<8x2048xf32>
    %mul3A_69 = vector.broadcast %div3A_11 : vector<1x2048xf32> to vector<8x2048xf32>
    %mul3A_70 = arith.mulf %sin3A, %mul3A_69 : vector<8x2048xf32>
    %sub3A_71 = arith.subf %mul3A_68, %mul3A_70 : vector<8x2048xf32>
    %mul3A_72 = arith.constant 0.632455527 : f32
    %mul3A_73 = vector.broadcast %mul3A_72 : f32 to vector<8x2048xf32>
    %mul3A_74 = arith.mulf %mul3A_73, %sub3A_71 : vector<8x2048xf32>
    %mul3A_75 = vector.broadcast %div3A_11 : vector<1x2048xf32> to vector<8x2048xf32>
    %mul3A_76 = arith.mulf %mul3A_74, %mul3A_75 : vector<8x2048xf32>
    %mul3A_77 = vector.broadcast %select_n3A : vector<1x2048xf32> to vector<8x2048xf32>
    %mul3A_78 = arith.mulf %mul3A_76, %mul3A_77 : vector<8x2048xf32>
    %mul3A_79 = vector.broadcast %select_n3A_61 : vector<1x2048xf32> to vector<8x2048xf32>
    %mul3A_80 = arith.mulf %mul3A_66, %mul3A_79 : vector<8x2048xf32>
    %add3A_81 = arith.addf %mul3A_78, %mul3A_80 : vector<8x2048xf32>
    %get3A_82 = arith.constant 0 : index
    %get3A_83 = arith.constant 0 : index
    %get3A_84 = vector.load %arg4[%get3A_82, %get3A_83] : memref<8x32xf32, #tpu.memory_space<vmem>>, vector<8x32xf32>
    %get3A_85 = arith.constant 0 : index
    %get3A_86 = arith.constant 0 : index
    %get3A_87 = vector.load %arg2[%get3A_85, %get3A_86] : memref<32x2048xf32, #tpu.memory_space<vmem>>, vector<32x2048xf32>
    %dot_general3A = arith.constant dense<0.000000e+00> : vector<8x2048xf32>
    %dot_general3A_88 = tpu.matmul %get3A_84, %get3A_87, %dot_general3A {dimension_numbers = #tpu.dot_dimension_numbers<[1], [0], [0], [1], [0, 0, 1, 1], [], []>, transpose_lhs_hint = false} : vector<8x32xf32>, vector<32x2048xf32>, vector<8x2048xf32> -> vector<8x2048xf32>
    %get3A_89 = arith.constant 0 : index
    %get3A_90 = arith.constant 0 : index
    %get3A_91 = vector.load %arg5[%get3A_89, %get3A_90] : memref<8x32xf32, #tpu.memory_space<vmem>>, vector<8x32xf32>
    %get3A_92 = arith.constant 0 : index
    %get3A_93 = arith.constant 0 : index
    %get3A_94 = vector.load %arg3[%get3A_92, %get3A_93] : memref<32x2048xf32, #tpu.memory_space<vmem>>, vector<32x2048xf32>
    %dot_general3A_95 = arith.constant dense<0.000000e+00> : vector<8x2048xf32>
    %dot_general3A_96 = tpu.matmul %get3A_91, %get3A_94, %dot_general3A_95 {dimension_numbers = #tpu.dot_dimension_numbers<[1], [0], [0], [1], [0, 0, 1, 1], [], []>, transpose_lhs_hint = false} : vector<8x32xf32>, vector<32x2048xf32>, vector<8x2048xf32> -> vector<8x2048xf32>
    %add3A_97 = arith.addf %dot_general3A_88, %dot_general3A_96 : vector<8x2048xf32>
    %mul3A_98 = arith.mulf %add3A_97, %add3A_81 : vector<8x2048xf32>
    %reduce_sum3A = arith.constant dense<0.000000e+00> : vector<2048xf32>
    %reduce_sum3A_99 = vector.multi_reduction <add>, %mul3A_98, %reduce_sum3A [0] : vector<8x2048xf32> to vector<2048xf32>
    %broadcast_in_dim3A_100 = vector.shape_cast %reduce_sum3A_99 : vector<2048xf32> to vector<1x2048xf32>
    %mul3A_101 = arith.mulf %broadcast_in_dim3A_100, %div3A_11 : vector<1x2048xf32>
    %slice3A_102 = vector.extract_strided_slice %get3A_1 {offsets = [0, 0], sizes = [3, 2048], strides = [1, 1]} : vector<16x2048xf32> to vector<3x2048xf32>
    %mul3A_103 = vector.broadcast %mul3A_101 : vector<1x2048xf32> to vector<3x2048xf32>
    %mul3A_104 = arith.mulf %mul3A_103, %slice3A_102 : vector<3x2048xf32>
    %broadcast_in_dim3A_105 = arith.constant 0.000000e+00 : f32
    %broadcast_in_dim3A_106 = vector.broadcast %broadcast_in_dim3A_105 : f32 to vector<13x2048xf32>
    %concatenate3A = tpu.concatenate %mul3A_104, %broadcast_in_dim3A_106 in 0 : vector<3x2048xf32>, vector<13x2048xf32> -> vector<16x2048xf32>
    %swap3A = arith.constant 0 : index
    %swap3A_107 = arith.constant 0 : index
    %swap3A_108 = vector.load %arg6[%swap3A, %swap3A_107] : memref<16x2048xf32, #tpu.memory_space<vmem>>, vector<16x2048xf32>
    tpu.vector_store %arg6[%swap3A, %swap3A_107], %concatenate3A {strides = array<i32>} : memref<16x2048xf32, #tpu.memory_space<vmem>>, vector<16x2048xf32>,
    %neg3A = arith.constant 0.000000e+00 : f32
    %neg3A_109 = vector.broadcast %neg3A : f32 to vector<16x2048xf32>
    %neg3A_110 = arith.subf %neg3A_109, %concatenate3A : vector<16x2048xf32>
    %swap3A_111 = arith.constant 0 : index
    %swap3A_112 = arith.constant 0 : index
    %swap3A_113 = vector.load %arg7[%swap3A_111, %swap3A_112] : memref<16x2048xf32, #tpu.memory_space<vmem>>, vector<16x2048xf32>
    tpu.vector_store %arg7[%swap3A_111, %swap3A_112], %neg3A_110 {strides = array<i32>} : memref<16x2048xf32, #tpu.memory_space<vmem>>, vector<16x2048xf32>,
    return
  }
  func.func @transform_0(%arg0: i32) -> (i32, i32) {
    %c0_i32 = arith.constant 0 : i32
    %c0_i32_0 = arith.constant 0 : i32
    return %c0_i32, %arg0 : i32, i32
  }
  func.func @transform_1(%arg0: i32) -> (i32, i32) {
    %c0_i32 = arith.constant 0 : i32
    %c0_i32_0 = arith.constant 0 : i32
    return %c0_i32, %arg0 : i32, i32
  }
  func.func @transform_2(%arg0: i32) -> (i32, i32) {
    %c0_i32 = arith.constant 0 : i32
    %c0_i32_0 = arith.constant 0 : i32
    return %c0_i32, %arg0 : i32, i32
  }
  func.func @transform_3(%arg0: i32) -> (i32, i32) {
    %c0_i32 = arith.constant 0 : i32
    %c0_i32_0 = arith.constant 0 : i32
    %c0_i32_1 = arith.constant 0 : i32
    return %c0_i32, %c0_i32_0 : i32, i32
  }
  func.func @transform_4(%arg0: i32) -> (i32, i32) {
    %c0_i32 = arith.constant 0 : i32
    %c0_i32_0 = arith.constant 0 : i32
    %c0_i32_1 = arith.constant 0 : i32
    return %c0_i32, %c0_i32_0 : i32, i32
  }
  func.func @transform_5(%arg0: i32) -> (i32, i32) {
    %c0_i32 = arith.constant 0 : i32
    %c0_i32_0 = arith.constant 0 : i32
    return %c0_i32, %arg0 : i32, i32
  }
  func.func @transform_6(%arg0: i32) -> (i32, i32) {
    %c0_i32 = arith.constant 0 : i32
    %c0_i32_0 = arith.constant 0 : i32
    return %c0_i32, %arg0 : i32, i32
  }
}

module attributes {stable_mosaic.version = 14 : i64} {
  func.func @_tc_combine_body(%arg0: i32, %arg1: memref<512x16xf32, #tpu.memory_space<vmem>>, %arg2: memref<512x16xf32, #tpu.memory_space<vmem>>, %arg3: memref<512x3xf32, #tpu.memory_space<vmem>>) attributes {dimension_semantics = [#tpu.dimension_semantics<arbitrary>], iteration_bounds = array<i64: 196>, scalar_prefetch = 0 : i64, scratch_operands = 0 : i64, tpu.core_type = #tpu.core_type<tc>, window_params = [{transform_indices = @transform_0, window_bounds = array<i64: 512, 16>}, {transform_indices = @transform_1, window_bounds = array<i64: 512, 16>}, {transform_indices = @transform_2, window_bounds = array<i64: 512, 3>}]} {
    %get3A = arith.constant 0 : index
    %get3A_0 = arith.constant 0 : index
    %get3A_1 = vector.load %arg1[%get3A, %get3A_0] : memref<512x16xf32, #tpu.memory_space<vmem>>, vector<512x16xf32>
    %get3A_2 = arith.constant 0 : index
    %get3A_3 = arith.constant 0 : index
    %get3A_4 = vector.load %arg2[%get3A_2, %get3A_3] : memref<512x16xf32, #tpu.memory_space<vmem>>, vector<512x16xf32>
    %add3A = arith.addf %get3A_1, %get3A_4 : vector<512x16xf32>
    %slice3A = vector.extract_strided_slice %add3A {offsets = [0, 0], sizes = [512, 3], strides = [1, 1]} : vector<512x16xf32> to vector<512x3xf32>
    %swap3A = arith.constant 0 : index
    %swap3A_5 = arith.constant 0 : index
    %swap3A_6 = vector.load %arg3[%swap3A, %swap3A_5] : memref<512x3xf32, #tpu.memory_space<vmem>>, vector<512x3xf32>
    tpu.vector_store %arg3[%swap3A, %swap3A_5], %slice3A {strides = array<i32>} : memref<512x3xf32, #tpu.memory_space<vmem>>, vector<512x3xf32>,
    return
  }
  func.func @transform_0(%arg0: i32) -> (i32, i32) {
    %c0_i32 = arith.constant 0 : i32
    %c0_i32_0 = arith.constant 0 : i32
    return %arg0, %c0_i32 : i32, i32
  }
  func.func @transform_1(%arg0: i32) -> (i32, i32) {
    %c0_i32 = arith.constant 0 : i32
    %c0_i32_0 = arith.constant 0 : i32
    return %arg0, %c0_i32 : i32, i32
  }
  func.func @transform_2(%arg0: i32) -> (i32, i32) {
    %c0_i32 = arith.constant 0 : i32
    %c0_i32_0 = arith.constant 0 : i32
    return %arg0, %c0_i32 : i32, i32
  }
}

</mosaic_0001>

<sc_bundles>
// kernel: kernel.15.cloned.1.call-start
scs
__scs_entry_jumppad:
0x0: {  	(pc) =	sbr.rel $0x88, $3  }
0x1: {  	(tag) =	ssettag $0x0;
	lr =	simm.s32 $0x1  }
0x2: {  	[smem:$0x3F95] =	sst lr;
	_ =	strace $0xD0000000  }
0x3: {  	_ = 	snop  }
0x4: {  	_ = 	snop  }
0x5: {  	_ = 	snop  }
0x6: {  	_ = 	snop  }
0x7: {  	_ = 	snop  }
__scs_overlays_trampoline_lowered:
0x8: {  	[smem:$0x3FA4] =	sst s0  }
0x9: {  	[smem:$0x3FA5] =	sst s1  }
0xa: {  	[smem:$0x3FA6] =	sst s2  }
0xb: {  	[smem:$0x3FA7] =	sst s3  }
0xc: {  	[smem:$0x3FA8] =	sst s4  }
0xd: {  	[smem:$0x3FA9] =	sst s5  }
0xe: {  	[smem:$0x3FAA] =	sst s6  }
0xf: {  	[smem:$0x3FAB] =	sst s7  }
0x10: {  	[smem:$0x3FAC] =	sst s8  }
0x11: {  	[smem:$0x3FAD] =	sst s9;
	s0 =	simm.s32 @!p0 $0x0  }
0x12: {  	s1 =	sld [smem:$0x3F93];
	s0 =	simm.s32 @p0 $0x1  }
0x13: {  	[smem:$0x3FAE] =	sst s0;
	s0 =	simm.s32 @!p1 $0x0  }
0x14: {  	s2 =	sld [smem:$0x3F92];
	s0 =	simm.s32 @p1 $0x1  }
0x15: {  	[smem:$0x3FAF] =	sst s0;
	s0 =	simm.s32 @!p2 $0x0  }
0x16: {  	s3 =	sld [smem:$0x3FDB];
	s0 =	simm.s32 @p2 $0x1  }
0x17: {  	s4 =	simm.s32 $0x1BF5;
	[smem:$0x3FB1] =	sst s0  }
0x18: {  	s0 =	sld [smem:$0x3F94];
	_ =	swait.ge [sflag:s4], $0x0  }
0x19: {  	s7 =	sld [smem:$0x3F95]  }
0x1a: {  	s8 =	sadd.s32 $0xFFFFE003, lr  }
0x1b: {  	s9 =	sadd.s32 $0xFFFFFEF7, lr;
	s5 =	simm.s32 $0xFFFFFFFF;
	p2 =	slt.u32 s8, $0xFFFFF086  }
0x1c: {  	p1 =	slt.u32 s9, $0xF7A;
	s5 =	simm.s32 @!p2 $0x0  }
0x1d: {  	s5 =	simm.s32 @p1 $0x1;
	p0 =	seq.s32 s7, s2  }
0x1e: {  	s7 =	smul.u32 @!p0 $0xF7A, s2;
	p2 =	seq.s32 @!p0 s5, $0x0  }
0x1f: {  	s9 =	smul.u32 $0xF7A, s1;
	s8 =	simm.s32 @!p0 $0x1BF5;
	p2 =	por !p2, p0  }
0x20: {  	[sflag:s8] =	ssyncset.s32 @!p0 $0xFFFFF086;
	s6 =	sadd.s32 @!p0 s3, s7;
	s7 =	simm.s32 @!p0 $0x108  }
0x21: {  	s3 =	sadd.s32 s3, s9;
	s6 =	sadd.s32 @!p0 $0x88, s6;
	s7 =	simm.s32 @p2 $0x1082  }
0x22: {  	[simem:s7], [sflag:s8] =	dma.local @!p0 [hbm:s6], $0xF7A  }
0x23: {  	s9 =	sor.u32 $0xD0000000, s2;
	s6 =	simm.s32 $0x108;
	_ =	swait.ge @!p0 [sflag:s8], $0x0  }
0x24: {  	s3 =	sadd.s32 $0x88, s3;
	s6 =	simm.s32 @!p1 $0x1082;
	[sflag:s4] =	ssyncset.s32 $0xFFFFF086  }
0x25: {  	[simem:s6], [sflag:s4] =	dma.local [hbm:s3], $0xF7A  }
0x26: {  	[smem:$0x3F95] =	sst s1;
	(tag) =	ssettag s2;
	_ =	strace s9  }
0x27: {  	s1 =	sld [smem:$0x3FA5]  }
0x28: {  	s2 =	sld [smem:$0x3FA6]  }
0x29: {  	s4 =	sld [smem:$0x3FA8]  }
0x2a: {  	p0 =	seq.s32 s5, $0x0;
	s5 =	sld [smem:$0x3FA9]  }
0x2b: {  	s6 =	sld [smem:$0x3FAA]  }
0x2c: {  	s7 =	sld [smem:$0x3FAB]  }
0x2d: {  	s3 =	simm.s32 $0x108;
	s8 =	sld [smem:$0x3FAC]  }
0x2e: {  	s3 =	simm.s32 @!p0 $0x1082;
	s9 =	sld [smem:$0x3FAD]  }
0x2f: {  	lr =	sadd.s32 s0, s3;
	s0 =	sld [smem:$0x3FA4]  }
0x30: {  	s3 =	sld [smem:$0x3FA7]  }
0x31: {  	[smem:$0x3FB0] =	sst s10  }
0x32: {  	s10 =	sld [smem:$0x3FAE];
	_ =	sdelay $0x3  }
0x33: {  	p0 =	seq.s32 s10, $0x1;
	s10 =	sld [smem:$0x3FB0];
	_ =	sdelay $0x3  }
0x34: {  	[smem:$0x3FB0] =	sst s10  }
0x35: {  	s10 =	sld [smem:$0x3FAF];
	_ =	sdelay $0x3  }
0x36: {  	p1 =	seq.s32 s10, $0x1;
	s10 =	sld [smem:$0x3FB0];
	_ =	sdelay $0x3  }
0x37: {  	[smem:$0x3FB0] =	sst s10  }
0x38: {  	s10 =	sld [smem:$0x3FB1]  }
0x39: {  	_ = 	snop;
	(pc) =	sbr.ind lr, $3  }
0x3a: {  	_ = 	snop  }
0x3b: {  	_ = 	snop  }
0x3c: {  	p2 =	seq.s32 s10, $0x1;
	s10 =	sld [smem:$0x3FB0]  }
0x3d: {  	_ =	shalt  }
0x3e: {  	_ =	shalt  }
0x3f: {  	_ =	shalt  }
0x40: {  	_ =	shalt  }
0x41: {  	_ =	shalt  }
0x42: {  	_ =	shalt  }
0x43: {  	_ =	shalt  }
0x44: {  	_ =	shalt  }
0x45: {  	_ =	shalt  }
0x46: {  	_ =	shalt  }
0x47: {  	_ =	shalt  }
0x48: {  	_ =	shalt  }
0x49: {  	_ =	shalt  }
0x4a: {  	_ =	shalt  }
0x4b: {  	_ =	shalt  }
0x4c: {  	_ =	shalt  }
0x4d: {  	_ =	shalt  }
0x4e: {  	_ =	shalt  }
0x4f: {  	_ =	shalt  }
0x50: {  	_ =	shalt  }
0x51: {  	_ =	shalt  }
0x52: {  	_ =	shalt  }
0x53: {  	_ =	shalt  }
0x54: {  	_ =	shalt  }
0x55: {  	_ =	shalt  }
0x56: {  	_ =	shalt  }
0x57: {  	_ =	shalt  }
0x58: {  	_ =	shalt  }
0x59: {  	_ =	shalt  }
0x5a: {  	_ =	shalt  }
0x5b: {  	_ =	shalt  }
0x5c: {  	_ =	shalt  }
0x5d: {  	_ =	shalt  }
0x5e: {  	_ =	shalt  }
0x5f: {  	_ =	shalt  }
0x60: {  	_ =	shalt  }
0x61: {  	_ =	shalt  }
0x62: {  	_ =	shalt  }
0x63: {  	_ =	shalt  }
0x64: {  	_ =	shalt  }
0x65: {  	_ =	shalt  }
0x66: {  	_ =	shalt  }
0x67: {  	_ =	shalt  }
0x68: {  	_ =	shalt  }
0x69: {  	_ =	shalt  }
0x6a: {  	_ =	shalt  }
0x6b: {  	_ =	shalt  }
0x6c: {  	_ =	shalt  }
0x6d: {  	_ =	shalt  }
0x6e: {  	_ =	shalt  }
0x6f: {  	_ =	shalt  }
0x70: {  	_ =	shalt  }
0x71: {  	_ =	shalt  }
0x72: {  	_ =	shalt  }
0x73: {  	_ =	shalt  }
0x74: {  	_ =	shalt  }
0x75: {  	_ =	shalt  }
0x76: {  	_ =	shalt  }
0x77: {  	_ =	shalt  }
0x78: {  	_ =	shalt  }
0x79: {  	_ =	shalt  }
0x7a: {  	_ =	shalt  }
0x7b: {  	_ =	shalt  }
0x7c: {  	_ =	shalt  }
0x7d: {  	_ =	shalt  }
0x7e: {  	_ =	shalt  }
0x7f: {  	_ =	shalt  }
0x80: {  	_ =	shalt  }
0x81: {  	_ =	shalt  }
0x82: {  	_ =	shalt  }
0x83: {  	_ =	shalt  }
0x84: {  	_ =	shalt  }
0x85: {  	_ =	shalt  }
0x86: {  	_ =	shalt  }
0x87: {  	_ =	shalt  }
.Lfunc_end0:
.L_simem_size_0:
called_computation.3_lowered:
.L_overlay_start_0:
0x88: {  	s2 =	sld [smem:$0x3FD9]  }
0x89: {  	s3 =	sld [smem:$0x3FFE];
	_ =	sdelay $0x1  }
0x8a: {  	s1 =	srdreg.scid  }
0x8b: {  	s0 =	sand.u32 $0x1, s1  }
0x8c: {  	s16 =	sshll.u32 s0, $0xA;
	s2 =	sadd.s32 s3, s2  }
0x8d: {  	s2 =	sadd.s32 s2, s16  }
0x8e: {  	[smem:$0x3FBC] =	sst s2  }
0x8f: {  	_ = 	snop  }
0x90: {  	(tm) =	ssettm $0x1  }
0x91: {  	s17 =	sld [smem:$0x3FFB];
	_ =	sdelay $0x3  }
0x92: {  	_ =	strace s17  }
0x93: {  	s2 =	sld [smem:$0x3FFC];
	_ =	sdelay $0x3  }
0x94: {  	_ =	strace s2  }
0x95: {  	s2 =	sld [smem:$0x3FFD];
	_ =	sdelay $0x3  }
0x96: {  	_ =	strace s2  }
0x97: {  	_ =	strace $0x8FFFFFFF  }
0x98: {  	s18 =	sld [smem:$0x3FDB];
	_ =	sdelay $0x1  }
0x99: {  	s19 =	simm.s32 $_scs_section_size  }
0x9a: {  	s4 =	simm.s32 $_size__tile_overlayer_lowered;
	s5 =	simm.s32 $_tile_overlayer_lowered  }
0x9b: {  	s22 =	simm.s32 $0x1BFF;
	s21 =	sshll.u32 s5, $0x1;
	s2 =	sadd.s32 s19, s18  }
0x9c: {  	s6 =	simm.s32 $0x0;
	s20 =	sshll.u32 s4, $0x1;
	s4 =	sadd.s32 s21, s2  }
0x9d: {  	[timem:s6], [sflag:s22] =	dma.local [hbm:s4], s20  }
0x9e: {  	_ =	swait.ge [sflag:s22], s20  }
0x9f: {  	s3 =	ssub.s32 $0x0, s20;
	[sflag:s22] =	ssyncset.done $0x0  }
0xa0: {  	[sflag:s22] =	ssyncadd.s32 s3;
	_ =	sdelay $0x1  }
0xa1: {  	s23 =	simm.s32 $0x1B8B  }
0xa2: {  	_ =	swait.ge [sflag:s23], $0x1  }
0xa3: {  	[sflag:s23] =	ssyncset.done $0x0  }
0xa4: {  	s25 =	simm.s32 $0x1B8E;
	s24 =	sld [smem:$0x3FFE];
	[sflag:s23] =	ssyncadd.s32 $0xFFFFFFFF  }
0xa5: {  	s26 =	simm.s32 $execute0_lowered;
	[smem:$0x3FD2] =	sst s25  }
0xa6: {  	s4 =	sshll.u32 s26, $0x1;
	_ =	strace $0x80000046;
	[dreg:$0x1] =	wrdreg $0xFFFFFFFF  }
0xa7: {  	s28 =	simm.s32 $_size_execute0_lowered;
	s2 =	sadd.s32 s2, s4;
	[dreg:$0x0] =	wrdreg $0x0  }
0xa8: {  	s4 =	sshll.u32 s28, $0x1;
	[dreg:$0x2] =	wrdreg s2  }
0xa9: {  	[dreg:$0x3] =	wrdreg s4  }
0xaa: {  	[dreg:$0x4] =	wrdreg $0xC0  }
0xab: {  	_ =	task [dreg:s6], $0x5FFFF  }
0xac: {  	[dreg:$0x1] =	wrdreg $0xFFFFFFFF  }
0xad: {  	[dreg:$0x0] =	wrdreg $0x60  }
0xae: {  	[dreg:$0x2] =	wrdreg s24  }
0xaf: {  	[dreg:$0x3] =	wrdreg $0x9  }
0xb0: {  	_ =	task.clear_ibuf [dreg:s6], $0x4FFFF;
	_ =	strace $0x90000046  }
0xb1: {  	s29 =	simm.s32 $0x9;
	_ =	strace $0x80000048  }
0xb2: {  	_ =	swait.ge [sflag:s29], $0x1  }
0xb3: {  	[sflag:s29] =	ssyncadd.s32 $0xFFFFFFFF  }
0xb4: {  	_ =	strace $0x90000048  }
0xb5: {  	_ =	sfence  }
0xb6: {  	s30 =	sld [smem:$0x0];
	_ =	sdelay $0x2  }
0xb7: {  	s31 =	sshll.u32 s1, $0xD;
	s1 =	sshrl.u32 s1, $0x2  }
0xb8: {  	s3 =	sand.u32 $0x4000, s31;
	s1 =	sadd.s32 s1, s30  }
0xb9: {  	s0 =	sor.u32 s3, s0;
	s1 =	sshll.u32 s1, $0x11  }
0xba: {  	s0 =	sor.u32 s1, s0  }
0xbb: {  	s0 =	sadd.s32 $0x8F2B, s0  }
0xbc: {  	[sflag:s0] =	ssyncadd.remote.s32 $0x1  }
0xbd: {  	_ =	sfence.sel $0xFFFF  }
0xbe: {  	[dreg:$0x0] =	wrdreg $0xFFFFFFFF;
	(pc) =	sbr.abs _section_cstart, $3  }
0xbf: {  	[dreg:$0x1] =	wrdreg $0xFFFFFFFF  }
0xc0: {  	_ =	task.clear_ibuf [dreg:s6], $0x2FFFF;
	_ =	strace $0x9FFFFFFF  }
0xc1: {  	(tm) =	ssettm $0x7FFFFFFF  }
tec
execute0_lowered:
.L_overlay_start_1:
0x0: {  	(tag) =	ssettag $0x1  }
0x1: {  	s6 =	rddreg [dreg:$0x0]  }
0x2: {  	s0 =	rddreg [dreg:$0x1];
	s1 =	simm.s32 $0x0  }
0x3: {  	s4 =	srdreg.scid;
	s2 =	stileid.u32;
	s11 =	simm.s32 $0x100  }
0x4: {  	s12 =	simm.s32 $0x900;
	s13 =	simm.s32 $0x1;
	s14 =	simm.s32 $0x2  }
0x5: {  	s15 =	simm.s32 $0x1100;
	s16 =	simm.s32 $0x0;
	[smem:$0x7FF] =	sst s1  }
0x6: {  	s3 =	sadd.s32 $0x69400, s6;
	s7 =	sand.u32 $0x1, s4;
	s4 =	sadd.s32 $0x37400, s6  }
0x7: {  	s9 =	sshll.u32 s2, $0x1;
	s5 =	sadd.s32 $0x5400, s6;
	s8 =	ssub.s32 $0x2, s7  }
0x8: {  	s6 =	sadd.s32 $0x9A200, s6;
	_ =	strace $0x80000047;
	s10 =	sshrl.u32 s8, $0x1  }
0x9: {  	s7 =	sor.u32 s7, s9;
	s9 =	simm.s32 $0x3;
	s8 =	ssub.s32 s8, s10  }
0xa: {  	s7 =	smul.u32 $0xC800, s7;
	s10 =	simm.s32 $0x80;
	s8 =	smax.u32 s8, $0x1  }
.LBB2_1:
0xb: {  	s17 =	simm.s32 $0x0  }
.LBB2_2:
0xc: {  	s18 =	sshll.u32 s17, $0x7  }
0xd: {  	s18 =	sadd.s32 s7, s18  }
0xe: {  	s19 =	sshrl.u32 s18, $0x3  }
0xf: {  	s21 =	simm.s32 $0x0;
	s20 =	sadd.s32 s4, s19  }
0x10: {  	[tilespmem:s21], [sflag:$0x3] =	stream.linear.gather [hbm4b:s20+s21], $0x80, $0x38;
	[tilespmem:$0x1900] =	vst v63  }
0x11: {  	_ =	swait.ge [sflag:s9], $0x80  }
0x12: {  	[sflag:s9] =	ssyncset.done $0x0  }
0x13: {  	s19 =	sadd.s32 s5, s19;
	[sflag:s9] =	ssyncadd.s32 $0xFFFFFF80  }
0x14: {  	[tilespmem:s10], [sflag:$0x3] =	stream.linear.gather [hbm4b:s19+s21], $0x80, $0x38;
	[tilespmem:$0x1900] =	vst v63  }
0x15: {  	_ =	swait.ge [sflag:s9], $0x80  }
0x16: {  	[sflag:s9] =	ssyncset.done $0x0  }
0x17: {  	[sflag:s9] =	ssyncadd.s32 $0xFFFFFF80  }
0x18: {  	[tilespmem:s11], [sflag:$0x1] =	stream.indirect.gather [hbm4b:s3+s10], $0x10, s21, s10, $0xb8;
	[tilespmem:$0x1900] =	vst v63  }
0x19: {  	_ = 	snop  }
0x1a: {  	[tilespmem:s12], [sflag:$0x2] =	stream.indirect.gather [hbm4b:s3+s10], $0x10, s10, s10, $0xb8;
	[tilespmem:$0x1900] =	vst v63  }
0x1b: {  	_ =	swait.ge [sflag:s13], $0x800  }
0x1c: {  	[sflag:s13] =	ssyncset.done $0x0  }
0x1d: {  	[sflag:s13] =	ssyncadd.s32 $0xFFFFF800  }
0x1e: {  	_ =	swait.ge [sflag:s14], $0x800  }
0x1f: {  	[sflag:s14] =	ssyncset.done $0x0  }
0x20: {  	s19 =	simm.s32 $0x0;
	[sflag:s14] =	ssyncadd.s32 $0xFFFFF800  }
0x21: {  	v0 =	vld [tilespmem:s19+$0x970]  }
0x22: {  	v1 =	vld [tilespmem:s19+$0x170]  }
0x23: {  	v2 =	vld [tilespmem:s19+$0x900]  }
0x24: {  	v3 =	vld [tilespmem:s19+$0x100]  }
0x25: {  	v4 =	vld [tilespmem:s19+$0x910]  }
0x26: {  	v5 =	vld [tilespmem:s19+$0x110]  }
0x27: {  	v6 =	vld [tilespmem:s19+$0x920]  }
0x28: {  	v7 =	vld [tilespmem:s19+$0x930]  }
0x29: {  	v0 =	vsub.f32 v0, v1;
	v1 =	vld [tilespmem:s19+$0x120]  }
0x2a: {  	v8 =	vld [tilespmem:s19+$0x130]  }
0x2b: {  	v9 =	vld [tilespmem:s19+$0x140];
	v2 =	vsub.f32 v2, v3  }
0x2c: {  	[tilespmem:s19+$0x1170] =	vst v0;
	v0 =	vsub.f32 v4, v5;
	v5 =	vld [tilespmem:s19+$0x940]  }
0x2d: {  	v3 =	vld [tilespmem:s19+$0x150];
	[tilespmem:s19+$0x1100] =	vst v2  }
0x2e: {  	v2 =	vld [tilespmem:s19+$0x950];
	[tilespmem:s19+$0x1110] =	vst v0;
	v0 =	vsub.f32 v6, v1  }
0x2f: {  	v4 =	vld [tilespmem:s19+$0x160];
	v6 =	vsub.f32 v7, v8  }
0x30: {  	s20 =	simm.s32 $0x80;
	[tilespmem:s19+$0x1120] =	vst v0;
	v0 =	vld [tilespmem:s19+$0x960]  }
0x31: {  	s21 =	simm.s32 $0x400;
	v5 =	vsub.f32 v5, v9;
	v1 =	vld [tilespmem:s20+$0x970];
	[tilespmem:s19+$0x1130] =	vst v6  }
.LBB2_3:
0x32: {  	p0 =	sne.s32 s21, $0x1E00;
	v6 =	vld [tilespmem:s20+$0x170]  }
0x33: {  	v7 =	vld [tilespmem:s20+$0x900];
	[tilespmem:s19+$0x1140] =	vst v5;
	v2 =	vsub.f32 v2, v3  }
0x34: {  	v3 =	vld [tilespmem:s20+$0x100]  }
0x35: {  	v5 =	vld [tilespmem:s20+$0x910];
	[tilespmem:s19+$0x1150] =	vst v2;
	v0 =	vsub.f32 v0, v4  }
0x36: {  	v2 =	vld [tilespmem:s20+$0x110]  }
0x37: {  	v4 =	vld [tilespmem:s20+$0x920];
	v1 =	vsub.f32 v1, v6;
	[tilespmem:s19+$0x1160] =	vst v0;
	s19 =	smov.u32 s20  }
0x38: {  	v0 =	vld [tilespmem:s19+$0x120]  }
0x39: {  	v3 =	vsub.f32 v7, v3;
	v6 =	vld [tilespmem:s19+$0x930];
	[tilespmem:s19+$0x1170] =	vst v1  }
0x3a: {  	v1 =	vld [tilespmem:s19+$0x130]  }
0x3b: {  	[tilespmem:s19+$0x1100] =	vst v3;
	v2 =	vsub.f32 v5, v2;
	v5 =	vld [tilespmem:s19+$0x940]  }
0x3c: {  	v7 =	vld [tilespmem:s19+$0x140]  }
.Ltmp0:
0x3d: {  	[tilespmem:s19+$0x1110] =	vst v2;
	v0 =	vsub.f32 v4, v0;
	v2 =	vld [tilespmem:s19+$0x950];
	(pc) =	sbr.rel @p0 .LBB2_3-.Ltmp0, $4  }
0x3e: {  	v3 =	vld [tilespmem:s19+$0x150]  }
0x3f: {  	[tilespmem:s19+$0x1120] =	vst v0;
	v6 =	vsub.f32 v6, v1;
	v0 =	vld [tilespmem:s19+$0x960]  }
0x40: {  	s20 =	sshra.s32 s21, $0x2;
	v4 =	vld [tilespmem:s19+$0x160]  }
0x41: {  	s21 =	sadd.s32 $0x200, s21;
	v1 =	vld [tilespmem:s20+$0x970];
	[tilespmem:s19+$0x1130] =	vst v6;
	v5 =	vsub.f32 v5, v7  }
0x42: {  	v6 =	vld [tilespmem:s20+$0x170]  }
0x43: {  	v7 =	vld [tilespmem:s20+$0x900];
	[tilespmem:s19+$0x1140] =	vst v5;
	v2 =	vsub.f32 v2, v3  }
0x44: {  	v51 =	vld [tilespmem:s20+$0x100]  }
0x45: {  	v5 =	vld [tilespmem:s20+$0x910];
	[tilespmem:s19+$0x1150] =	vst v2;
	v0 =	vsub.f32 v0, v4  }
0x46: {  	v2 =	vld [tilespmem:s20+$0x110]  }
0x47: {  	v52 =	vld [tilespmem:s20+$0x920];
	[tilespmem:s19+$0x1160] =	vst v0  }
0x48: {  	v54 =	vld [tilespmem:s20+$0x120]  }
0x49: {  	v55 =	vld [tilespmem:s20+$0x930]  }
0x4a: {  	v56 =	vld [tilespmem:s20+$0x130]  }
0x4b: {  	v57 =	vld [tilespmem:s20+$0x940]  }
0x4c: {  	v58 =	vld [tilespmem:s20+$0x140]  }
0x4d: {  	v59 =	vld [tilespmem:s20+$0x950]  }
0x4e: {  	v53 =	vsub.f32 v1, v6;
	v60 =	vld [tilespmem:s20+$0x150]  }
0x4f: {  	v61 =	vld [tilespmem:s20+$0x960];
	v3 =	vsub.f32 v7, v51  }
0x50: {  	v62 =	vld [tilespmem:s20+$0x160];
	[tilespmem:s20+$0x1170] =	vst v53;
	v2 =	vsub.f32 v5, v2  }
0x51: {  	[tilespmem:s20+$0x1100] =	vst v3;
	v1 =	vsub.f32 v52, v54  }
0x52: {  	[tilespmem:s20+$0x1110] =	vst v2;
	v0 =	vsub.f32 v55, v56  }
0x53: {  	v3 =	vsub.f32 v57, v58;
	[tilespmem:s20+$0x1120] =	vst v1  }
0x54: {  	v63 =	vsub.f32 v59, v60;
	[tilespmem:s20+$0x1130] =	vst v0  }
0x55: {  	s17 =	sadd.s32 $0x1, s17;
	[tilespmem:s20+$0x1140] =	vst v3;
	v1 =	vsub.f32 v61, v62  }
0x56: {  	s18 =	sshll.u32 s18, $0x1;
	p0 =	sne.s32 s17, $0x190;
	[tilespmem:s20+$0x1150] =	vst v63  }
.Ltmp1:
0x57: {  	s18 =	sadd.s32 s6, s18;
	[tilespmem:s20+$0x1160] =	vst v1;
	(pc) =	sbr.rel @p0 .LBB2_2-.Ltmp1, $4  }
0x58: {  	[hbm4b:s18+s1] =	stream.linear.scatter [tilespmem:s15], [sflag:$0x3], $0x800, $0x38;
	[tilespmem:$0x1900] =	vst v63  }
0x59: {  	_ =	swait.ge [sflag:s9], $0x800  }
0x5a: {  	[sflag:s9] =	ssyncset.done $0x0  }
0x5b: {  	[sflag:s9] =	ssyncadd.s32 $0xFFFFF800  }
0x5c: {  	s16 =	sadd.s32 $0x1, s16  }
0x5d: {  	p0 =	sne.s32 s16, s8  }
.Ltmp2:
0x5e: {  	_ = 	snop;
	(pc) =	sbr.rel @p0 .LBB2_1-.Ltmp2, $1  }
0x5f: {  	_ =	sdelay $0x3  }
0x60: {  	_ =	sfence.sel $0x180000  }
0x61: {  	[bflag:$0x0] =	sbarrier.arrive $0xFFFF  }
0x62: {  	p0 =	sne.s32 s2, $0x0;
	_ =	strace $0x90000047  }
0x63: {  	s0 =	sadd.s32 @!p0 $0x100000, s0;
	[bflag:$0x2] =	sbarrier.arrive $0xFFFF  }
0x64: {  	[sflag:s0] =	ssyncadd.tile.s32 @!p0 $0x1;
	_ =	shalt  }
.Lfunc_end2:
_tile_overlayer_lowered:
.L_overlay_start_2:
0x65: {  	(tag) =	ssettag $0x2  }
0x66: {  	s0 =	rddreg [dreg:$0x0];
	s2 =	stileid.u32  }
0x67: {  	s1 =	rddreg [dreg:$0x1];
	p0 =	sne.s32 s2, $0x0  }
0x68: {  	s3 =	rddreg [dreg:$0x2];
	[bflag:$0x3] =	sbarrier.arrive $0xFFFF;
	s2 =	simm.s32 @!p0 $0x1C03  }
0x69: {  	[timem:s3], [sflag:s2] =	dma.local @!p0 [hbm:s0], s1  }
0x6a: {  	s0 =	simm.s32 @!p0 $0x3  }
0x6b: {  	_ =	swait.ge @!p0 [sflag:s0], s1  }
0x6c: {  	s1 =	ssub.s32 @!p0 $0x0, s1;
	[sflag:s0] =	ssyncset.done @!p0 $0x0  }
0x6d: {  	[sflag:s0] =	ssyncadd.s32 @!p0 s1  }
0x6e: {  	[bflag:$0x3] =	sbarrier.arrive $0xFFFF  }
0x6f: {  	_ =	shalt  }

// kernel: kernel.18.cloned.1.call-start
scs
__scs_entry_jumppad:
0x0: {  	(pc) =	sbr.rel $0x88, $3  }
0x1: {  	(tag) =	ssettag $0x0;
	lr =	simm.s32 $0x1  }
0x2: {  	[smem:$0x3F95] =	sst lr;
	_ =	strace $0xD0000000  }
0x3: {  	_ = 	snop  }
0x4: {  	_ = 	snop  }
0x5: {  	_ = 	snop  }
0x6: {  	_ = 	snop  }
0x7: {  	_ = 	snop  }
__scs_overlays_trampoline_lowered:
0x8: {  	[smem:$0x3FA4] =	sst s0  }
0x9: {  	[smem:$0x3FA5] =	sst s1  }
0xa: {  	[smem:$0x3FA6] =	sst s2  }
0xb: {  	[smem:$0x3FA7] =	sst s3  }
0xc: {  	[smem:$0x3FA8] =	sst s4  }
0xd: {  	[smem:$0x3FA9] =	sst s5  }
0xe: {  	[smem:$0x3FAA] =	sst s6  }
0xf: {  	[smem:$0x3FAB] =	sst s7  }
0x10: {  	[smem:$0x3FAC] =	sst s8  }
0x11: {  	[smem:$0x3FAD] =	sst s9;
	s0 =	simm.s32 @!p0 $0x0  }
0x12: {  	s1 =	sld [smem:$0x3F93];
	s0 =	simm.s32 @p0 $0x1  }
0x13: {  	[smem:$0x3FAE] =	sst s0;
	s0 =	simm.s32 @!p1 $0x0  }
0x14: {  	s2 =	sld [smem:$0x3F92];
	s0 =	simm.s32 @p1 $0x1  }
0x15: {  	[smem:$0x3FAF] =	sst s0;
	s0 =	simm.s32 @!p2 $0x0  }
0x16: {  	s3 =	sld [smem:$0x3FDB];
	s0 =	simm.s32 @p2 $0x1  }
0x17: {  	s4 =	simm.s32 $0x1BF5;
	[smem:$0x3FB1] =	sst s0  }
0x18: {  	s0 =	sld [smem:$0x3F94];
	_ =	swait.ge [sflag:s4], $0x0  }
0x19: {  	s7 =	sld [smem:$0x3F95]  }
0x1a: {  	s8 =	sadd.s32 $0xFFFFE003, lr  }
0x1b: {  	s9 =	sadd.s32 $0xFFFFFEF7, lr;
	s5 =	simm.s32 $0xFFFFFFFF;
	p2 =	slt.u32 s8, $0xFFFFF086  }
0x1c: {  	p1 =	slt.u32 s9, $0xF7A;
	s5 =	simm.s32 @!p2 $0x0  }
0x1d: {  	s5 =	simm.s32 @p1 $0x1;
	p0 =	seq.s32 s7, s2  }
0x1e: {  	s7 =	smul.u32 @!p0 $0xF7A, s2;
	p2 =	seq.s32 @!p0 s5, $0x0  }
0x1f: {  	s9 =	smul.u32 $0xF7A, s1;
	s8 =	simm.s32 @!p0 $0x1BF5;
	p2 =	por !p2, p0  }
0x20: {  	[sflag:s8] =	ssyncset.s32 @!p0 $0xFFFFF086;
	s6 =	sadd.s32 @!p0 s3, s7;
	s7 =	simm.s32 @!p0 $0x108  }
0x21: {  	s3 =	sadd.s32 s3, s9;
	s6 =	sadd.s32 @!p0 $0x88, s6;
	s7 =	simm.s32 @p2 $0x1082  }
0x22: {  	[simem:s7], [sflag:s8] =	dma.local @!p0 [hbm:s6], $0xF7A  }
0x23: {  	s9 =	sor.u32 $0xD0000000, s2;
	s6 =	simm.s32 $0x108;
	_ =	swait.ge @!p0 [sflag:s8], $0x0  }
0x24: {  	s3 =	sadd.s32 $0x88, s3;
	s6 =	simm.s32 @!p1 $0x1082;
	[sflag:s4] =	ssyncset.s32 $0xFFFFF086  }
0x25: {  	[simem:s6], [sflag:s4] =	dma.local [hbm:s3], $0xF7A  }
0x26: {  	[smem:$0x3F95] =	sst s1;
	(tag) =	ssettag s2;
	_ =	strace s9  }
0x27: {  	s1 =	sld [smem:$0x3FA5]  }
0x28: {  	s2 =	sld [smem:$0x3FA6]  }
0x29: {  	s4 =	sld [smem:$0x3FA8]  }
0x2a: {  	p0 =	seq.s32 s5, $0x0;
	s5 =	sld [smem:$0x3FA9]  }
0x2b: {  	s6 =	sld [smem:$0x3FAA]  }
0x2c: {  	s7 =	sld [smem:$0x3FAB]  }
0x2d: {  	s3 =	simm.s32 $0x108;
	s8 =	sld [smem:$0x3FAC]  }
0x2e: {  	s3 =	simm.s32 @!p0 $0x1082;
	s9 =	sld [smem:$0x3FAD]  }
0x2f: {  	lr =	sadd.s32 s0, s3;
	s0 =	sld [smem:$0x3FA4]  }
0x30: {  	s3 =	sld [smem:$0x3FA7]  }
0x31: {  	[smem:$0x3FB0] =	sst s10  }
0x32: {  	s10 =	sld [smem:$0x3FAE];
	_ =	sdelay $0x3  }
0x33: {  	p0 =	seq.s32 s10, $0x1;
	s10 =	sld [smem:$0x3FB0];
	_ =	sdelay $0x3  }
0x34: {  	[smem:$0x3FB0] =	sst s10  }
0x35: {  	s10 =	sld [smem:$0x3FAF];
	_ =	sdelay $0x3  }
0x36: {  	p1 =	seq.s32 s10, $0x1;
	s10 =	sld [smem:$0x3FB0];
	_ =	sdelay $0x3  }
0x37: {  	[smem:$0x3FB0] =	sst s10  }
0x38: {  	s10 =	sld [smem:$0x3FB1]  }
0x39: {  	_ = 	snop;
	(pc) =	sbr.ind lr, $3  }
0x3a: {  	_ = 	snop  }
0x3b: {  	_ = 	snop  }
0x3c: {  	p2 =	seq.s32 s10, $0x1;
	s10 =	sld [smem:$0x3FB0]  }
0x3d: {  	_ =	shalt  }
0x3e: {  	_ =	shalt  }
0x3f: {  	_ =	shalt  }
0x40: {  	_ =	shalt  }
0x41: {  	_ =	shalt  }
0x42: {  	_ =	shalt  }
0x43: {  	_ =	shalt  }
0x44: {  	_ =	shalt  }
0x45: {  	_ =	shalt  }
0x46: {  	_ =	shalt  }
0x47: {  	_ =	shalt  }
0x48: {  	_ =	shalt  }
0x49: {  	_ =	shalt  }
0x4a: {  	_ =	shalt  }
0x4b: {  	_ =	shalt  }
0x4c: {  	_ =	shalt  }
0x4d: {  	_ =	shalt  }
0x4e: {  	_ =	shalt  }
0x4f: {  	_ =	shalt  }
0x50: {  	_ =	shalt  }
0x51: {  	_ =	shalt  }
0x52: {  	_ =	shalt  }
0x53: {  	_ =	shalt  }
0x54: {  	_ =	shalt  }
0x55: {  	_ =	shalt  }
0x56: {  	_ =	shalt  }
0x57: {  	_ =	shalt  }
0x58: {  	_ =	shalt  }
0x59: {  	_ =	shalt  }
0x5a: {  	_ =	shalt  }
0x5b: {  	_ =	shalt  }
0x5c: {  	_ =	shalt  }
0x5d: {  	_ =	shalt  }
0x5e: {  	_ =	shalt  }
0x5f: {  	_ =	shalt  }
0x60: {  	_ =	shalt  }
0x61: {  	_ =	shalt  }
0x62: {  	_ =	shalt  }
0x63: {  	_ =	shalt  }
0x64: {  	_ =	shalt  }
0x65: {  	_ =	shalt  }
0x66: {  	_ =	shalt  }
0x67: {  	_ =	shalt  }
0x68: {  	_ =	shalt  }
0x69: {  	_ =	shalt  }
0x6a: {  	_ =	shalt  }
0x6b: {  	_ =	shalt  }
0x6c: {  	_ =	shalt  }
0x6d: {  	_ =	shalt  }
0x6e: {  	_ =	shalt  }
0x6f: {  	_ =	shalt  }
0x70: {  	_ =	shalt  }
0x71: {  	_ =	shalt  }
0x72: {  	_ =	shalt  }
0x73: {  	_ =	shalt  }
0x74: {  	_ =	shalt  }
0x75: {  	_ =	shalt  }
0x76: {  	_ =	shalt  }
0x77: {  	_ =	shalt  }
0x78: {  	_ =	shalt  }
0x79: {  	_ =	shalt  }
0x7a: {  	_ =	shalt  }
0x7b: {  	_ =	shalt  }
0x7c: {  	_ =	shalt  }
0x7d: {  	_ =	shalt  }
0x7e: {  	_ =	shalt  }
0x7f: {  	_ =	shalt  }
0x80: {  	_ =	shalt  }
0x81: {  	_ =	shalt  }
0x82: {  	_ =	shalt  }
0x83: {  	_ =	shalt  }
0x84: {  	_ =	shalt  }
0x85: {  	_ =	shalt  }
0x86: {  	_ =	shalt  }
0x87: {  	_ =	shalt  }
.Lfunc_end0:
.L_simem_size_0:
called_computation.4_lowered:
.L_overlay_start_0:
0x88: {  	s2 =	sld [smem:$0x3FD9]  }
0x89: {  	s3 =	sld [smem:$0x3FFE];
	_ =	sdelay $0x1  }
0x8a: {  	s1 =	srdreg.scid  }
0x8b: {  	s0 =	sand.u32 $0x1, s1  }
0x8c: {  	s17 =	sshll.u32 s0, $0xA;
	s2 =	sadd.s32 s3, s2  }
0x8d: {  	s2 =	sadd.s32 s2, s17  }
0x8e: {  	[smem:$0x3FBC] =	sst s2  }
0x8f: {  	_ = 	snop  }
0x90: {  	(tm) =	ssettm $0x1  }
0x91: {  	s18 =	sld [smem:$0x3FFB];
	_ =	sdelay $0x3  }
0x92: {  	_ =	strace s18  }
0x93: {  	s2 =	sld [smem:$0x3FFC];
	_ =	sdelay $0x3  }
0x94: {  	_ =	strace s2  }
0x95: {  	s2 =	sld [smem:$0x3FFD];
	_ =	sdelay $0x3  }
0x96: {  	_ =	strace s2  }
0x97: {  	_ =	strace $0x8FFFFFFF  }
0x98: {  	s19 =	sld [smem:$0x3FDB];
	_ =	sdelay $0x1  }
0x99: {  	s20 =	simm.s32 $_scs_section_size  }
0x9a: {  	s4 =	simm.s32 $_size__tile_overlayer_lowered;
	s5 =	simm.s32 $_tile_overlayer_lowered  }
0x9b: {  	s6 =	simm.s32 $0x1BFF;
	s21 =	sshll.u32 s5, $0x1;
	s3 =	sadd.s32 s20, s19  }
0x9c: {  	s22 =	simm.s32 $0x0;
	s4 =	sshll.u32 s4, $0x1;
	s5 =	sadd.s32 s21, s3  }
0x9d: {  	[timem:s22], [sflag:s6] =	dma.local [hbm:s5], s4  }
0x9e: {  	_ =	swait.ge [sflag:s6], s4  }
0x9f: {  	s4 =	ssub.s32 $0x0, s4;
	[sflag:s6] =	ssyncset.done $0x0  }
0xa0: {  	[sflag:s6] =	ssyncadd.s32 s4;
	_ =	sdelay $0x1  }
0xa1: {  	s23 =	simm.s32 $0x1B8B  }
0xa2: {  	_ =	swait.ge [sflag:s23], $0x1  }
0xa3: {  	[sflag:s23] =	ssyncset.done $0x0  }
0xa4: {  	[sflag:s23] =	ssyncadd.s32 $0xFFFFFFFF  }
0xa5: {  	s4 =	sld [smem:$0x0]  }
0xa6: {  	s5 =	sand.u32 $0xFFFFFFFE, s1  }
0xa7: {  	p0 =	sne.s32 s1, s5  }
0xa8: {  	s5 =	sshll.u32 @p0 s5, $0xE  }
0xa9: {  	s5 =	sadd.s32 @p0 $0x11B8D, s5;
	s6 =	sshll.u32 @p0 s4, $0x11  }
0xaa: {  	s5 =	sor.u32 @p0 s6, s5  }
0xab: {  	[sflag:s5] =	ssyncadd.remote.s32 @p0 $0x1;
	_ =	sdelay $0x1  }
0xac: {  	s5 =	simm.s32 @p0 $0x1B8D  }
0xad: {  	_ =	swait.eq @p0 [sflag:s5], $0x1  }
0xae: {  	[sflag:s5] =	ssyncadd.s32 @p0 $0xFFFFFFFF  }
0xaf: {  	s6 =	sshll.u32 @!p0 s1, $0xE  }
0xb0: {  	s6 =	sor.u32 @!p0 $0x4000, s6;
	s5 =	simm.s32 @!p0 $0x1B8D  }
0xb1: {  	s4 =	sshll.u32 @!p0 s4, $0x11;
	s6 =	sadd.s32 @!p0 $0x11B8D, s6;
	_ =	swait.eq @!p0 [sflag:s5], $0x1  }
0xb2: {  	s4 =	sor.u32 @!p0 s4, s6;
	[sflag:s5] =	ssyncadd.s32 @!p0 $0xFFFFFFFF  }
0xb3: {  	s25 =	simm.s32 $0x1B8E;
	s24 =	sld [smem:$0x3FFE];
	[sflag:s4] =	ssyncadd.remote.s32 @!p0 $0x1  }
0xb4: {  	s26 =	simm.s32 $execute0_lowered;
	[smem:$0x3FD2] =	sst s25  }
0xb5: {  	s5 =	sshll.u32 s26, $0x1;
	_ =	strace $0x80000052;
	[dreg:$0x1] =	wrdreg $0xFFFFFFFF  }
0xb6: {  	s28 =	simm.s32 $_size_execute0_lowered;
	s3 =	sadd.s32 s3, s5;
	[dreg:$0x0] =	wrdreg $0x0  }
0xb7: {  	s5 =	sshll.u32 s28, $0x1;
	[dreg:$0x2] =	wrdreg s3  }
0xb8: {  	[dreg:$0x3] =	wrdreg s5  }
0xb9: {  	[dreg:$0x4] =	wrdreg $0xC0  }
0xba: {  	_ =	task [dreg:s22], $0x5FFFF  }
0xbb: {  	[dreg:$0x1] =	wrdreg $0xFFFFFFFF  }
0xbc: {  	[dreg:$0x0] =	wrdreg $0x60  }
0xbd: {  	[dreg:$0x2] =	wrdreg s24  }
0xbe: {  	[dreg:$0x3] =	wrdreg $0x21000  }
0xbf: {  	[dreg:$0x4] =	wrdreg $0xA  }
0xc0: {  	_ =	task.clear_ibuf [dreg:s22], $0x5FFFF;
	_ =	strace $0x90000052  }
0xc1: {  	s29 =	simm.s32 $0xA;
	_ =	strace $0x80000054  }
0xc2: {  	_ =	swait.ge [sflag:s29], $0x1  }
0xc3: {  	[sflag:s29] =	ssyncadd.s32 $0xFFFFFFFF  }
0xc4: {  	_ =	strace $0x90000054  }
0xc5: {  	_ =	sfence  }
0xc6: {  	s30 =	sld [smem:$0x0];
	_ =	sdelay $0x2  }
0xc7: {  	s31 =	sshll.u32 s1, $0xD;
	s1 =	sshrl.u32 s1, $0x2  }
0xc8: {  	s4 =	sand.u32 $0x4000, s31;
	s1 =	sadd.s32 s1, s30  }
0xc9: {  	s0 =	sor.u32 s4, s0;
	s1 =	sshll.u32 s1, $0x11  }
0xca: {  	s0 =	sor.u32 s1, s0  }
0xcb: {  	s0 =	sadd.s32 $0x8F2B, s0  }
0xcc: {  	[sflag:s0] =	ssyncadd.remote.s32 $0x1  }
0xcd: {  	_ =	sfence.sel $0xFFFF  }
0xce: {  	[dreg:$0x0] =	wrdreg $0xFFFFFFFF;
	(pc) =	sbr.abs _section_cstart, $3  }
0xcf: {  	[dreg:$0x1] =	wrdreg $0xFFFFFFFF  }
0xd0: {  	_ =	task.clear_ibuf [dreg:s22], $0x2FFFF;
	_ =	strace $0x9FFFFFFF  }
0xd1: {  	(tm) =	ssettm $0x7FFFFFFF  }
tec
execute0_lowered:
.L_overlay_start_1:
0x0: {  	(tag) =	ssettag $0x1  }
0x1: {  	s7 =	rddreg [dreg:$0x0]  }
0x2: {  	s0 =	srdreg.scid;
	s1 =	rddreg [dreg:$0x1]  }
0x3: {  	s3 =	simm.s32 $0x0;
	s2 =	stileid.u32;
	s15 =	simm.s32 $0x80  }
0x4: {  	s16 =	simm.s32 $0x100;
	s17 =	simm.s32 $0x1;
	s18 =	simm.s32 $0x900  }
0x5: {  	s10 =	sand.u32 $0x1, s0;
	s0 =	rddreg [dreg:$0x2];
	s8 =	smul.u32 $0x18800, s2  }
0x6: {  	s19 =	simm.s32 $0x1100;
	[smem:$0x7FF] =	sst s3;
	s13 =	smul.u32 $0x62000, s2  }
0x7: {  	s4 =	sadd.s32 $0x389400, s7;
	s12 =	sshll.u32 s2, $0x1;
	s5 =	smul.u32 $0x31000, s10  }
0x8: {  	s6 =	smul.u32 $0x188000, s10;
	_ =	strace $0x80000053;
	s11 =	ssub.s32 $0x2, s10  }
0x9: {  	s30 =	sor.u32 s10, s12;
	s10 =	smul.u32 $0x1900000, s10;
	s29 =	sshrl.u32 s11, $0x1  }
0xa: {  	s31 =	sshrl.u32 s13, $0x2;
	s13 =	simm.s32 $0x1900;
	s9 =	sadd.s32 s5, s7  }
0xb: {  	s8 =	sadd.s32 s8, s6;
	s5 =	sadd.s32 $0x37400, s7;
	s6 =	sadd.s32 $0x5400, s7  }
0xc: {  	s11 =	ssub.s32 s11, s29;
	s8 =	sshrl.u32 s8, $0x3;
	s9 =	sadd.s32 $0x1319400, s9  }
0xd: {  	s11 =	smax.u32 s11, $0x1;
	s14 =	sadd.s32 s8, s7;
	s7 =	smul.u32 $0xC800, s30  }
0xe: {  	v0 =	vimm.f32 $0.0e+00;
	s8 =	sadd.s32 s31, s1;
	s12 =	sadd.s32 $0x1009400, s14;
	s14 =	simm.s32 $0x2  }
.LBB2_1:
0xf: {  	s20 =	simm.s32 $0x0;
	s21 =	simm.s32 $0x200  }
.LBB2_2:
0x10: {  	p0 =	sne.s32 s21, $0x1E00;
	[tilespmem:s20+$0x1970] =	vst v0  }
0x11: {  	[tilespmem:s20+$0x1900] =	vst v0  }
0x12: {  	[tilespmem:s20+$0x1910] =	vst v0  }
.Ltmp0:
0x13: {  	[tilespmem:s20+$0x1920] =	vst v0;
	(pc) =	sbr.rel @p0 .LBB2_2-.Ltmp0, $4  }
0x14: {  	[tilespmem:s20+$0x1930] =	vst v0  }
0x15: {  	[tilespmem:s20+$0x1940] =	vst v0  }
0x16: {  	[tilespmem:s20+$0x1950] =	vst v0  }
0x17: {  	[tilespmem:s20+$0x1960] =	vst v0;
	s20 =	sshra.s32 s21, $0x2;
	s21 =	sadd.s32 $0x200, s21  }
0x18: {  	[tilespmem:s20+$0x1970] =	vst v0  }
0x19: {  	[tilespmem:s20+$0x1900] =	vst v0  }
0x1a: {  	[tilespmem:s20+$0x1910] =	vst v0  }
0x1b: {  	[tilespmem:s20+$0x1920] =	vst v0  }
0x1c: {  	[tilespmem:s20+$0x1930] =	vst v0  }
0x1d: {  	[tilespmem:s20+$0x1940] =	vst v0  }
0x1e: {  	[tilespmem:s20+$0x1950] =	vst v0  }
0x1f: {  	[tilespmem:s20+$0x1960] =	vst v0;
	s31 =	sadd.s32 $0x0, s8  }
0x20: {  	[spmem:s31] =	stream.linear.scatter [tilespmem:s13], [sflag:$0x2], $0x800, $0x38;
	[tilespmem:$0x1A900] =	vst v63  }
0x21: {  	s20 =	simm.s32 $0x2000;
	_ =	swait.ge [sflag:s14], $0x800  }
.LBB2_4:
0x22: {  	s21 =	sshra.s32 s20, $0x2;
	[sflag:s14] =	ssyncset.done $0x0;
	p0 =	sne.s32 s20, $0x60000  }
.Ltmp1:
0x23: {  	s21 =	sadd.s32 s21, s8;
	[sflag:s14] =	ssyncadd.s32 $0xFFFFF800;
	(pc) =	sbr.rel @p0 .LBB2_4-.Ltmp1, $3  }
0x24: {  	[spmem:s21] =	stream.linear.scatter [tilespmem:s13], [sflag:$0x2], $0x800, $0x38;
	[tilespmem:$0x1A900] =	vst v63  }
0x25: {  	s20 =	sadd.s32 $0x2000, s20;
	_ =	sdelay $0x1  }
0x26: {  	_ =	swait.ge [sflag:s14], $0x800  }
0x27: {  	[sflag:s14] =	ssyncset.done $0x0  }
0x28: {  	[sflag:s14] =	ssyncadd.s32 $0xFFFFF800  }
0x29: {  	s20 =	simm.s32 $0x0;
	s21 =	simm.s32 $0x0;
	[bflag:$0x0] =	sbarrier.arrive $0xFFFF  }
.LBB2_6:
0x2a: {  	s22 =	sshll.u32 s21, $0x7  }
0x2b: {  	s22 =	sadd.s32 s7, s22  }
0x2c: {  	s23 =	sshrl.u32 s22, $0x3  }
0x2d: {  	s24 =	sadd.s32 s5, s23  }
0x2e: {  	[tilespmem:s20], [sflag:$0x2] =	stream.linear.gather [hbm4b:s24+s20], $0x80, $0x38;
	[tilespmem:$0x1A900] =	vst v63  }
0x2f: {  	_ =	swait.ge [sflag:s14], $0x80  }
0x30: {  	[sflag:s14] =	ssyncset.done $0x0  }
0x31: {  	s23 =	sadd.s32 s6, s23;
	[sflag:s14] =	ssyncadd.s32 $0xFFFFFF80  }
0x32: {  	[tilespmem:s15], [sflag:$0x2] =	stream.linear.gather [hbm4b:s23+s20], $0x80, $0x38;
	[tilespmem:$0x1A900] =	vst v63  }
0x33: {  	_ =	swait.ge [sflag:s14], $0x80  }
0x34: {  	[sflag:s14] =	ssyncset.done $0x0  }
0x35: {  	s22 =	sshll.u32 s22, $0x4;
	[sflag:s14] =	ssyncadd.s32 $0xFFFFFF80  }
0x36: {  	[tilespmem:s16], [sflag:$0x1] =	stream.indirect.gather [hbm4b:s9+s15], $0x10, s20, s15, $0xb8;
	[tilespmem:$0x1A900] =	vst v63  }
0x37: {  	s22 =	sadd.s32 s10, s22;
	_ =	swait.ge [sflag:s17], $0x800  }
0x38: {  	s22 =	sshrl.u32 s22, $0x3;
	[sflag:s17] =	ssyncset.done $0x0  }
0x39: {  	s22 =	sadd.s32 s4, s22;
	[sflag:s17] =	ssyncadd.s32 $0xFFFFF800  }
0x3a: {  	[tilespmem:s18], [sflag:$0x2] =	stream.linear.gather [hbm4b:s22+s20], $0x800, $0x38;
	[tilespmem:$0x1A900] =	vst v63  }
0x3b: {  	_ =	swait.ge [sflag:s14], $0x800  }
0x3c: {  	[sflag:s14] =	ssyncset.done $0x0  }
0x3d: {  	s22 =	simm.s32 $0x0;
	[sflag:s14] =	ssyncadd.s32 $0xFFFFF800  }
0x3e: {  	v1 =	vld [tilespmem:s22+$0x170]  }
0x3f: {  	v2 =	vld [tilespmem:s22+$0x970]  }
0x40: {  	v3 =	vld [tilespmem:s22+$0x100]  }
0x41: {  	v4 =	vld [tilespmem:s22+$0x900]  }
0x42: {  	v5 =	vld [tilespmem:s22+$0x110]  }
0x43: {  	v6 =	vld [tilespmem:s22+$0x910]  }
0x44: {  	v7 =	vld [tilespmem:s22+$0x120]  }
0x45: {  	v8 =	vld [tilespmem:s22+$0x130]  }
0x46: {  	v1 =	vmul.f32 v2, v1;
	v2 =	vld [tilespmem:s22+$0x920]  }
0x47: {  	v9 =	vld [tilespmem:s22+$0x930]  }
0x48: {  	v10 =	vld [tilespmem:s22+$0x940];
	v3 =	vmul.f32 v4, v3  }
0x49: {  	[tilespmem:s22+$0x1170] =	vst v1;
	v1 =	vmul.f32 v6, v5;
	v6 =	vld [tilespmem:s22+$0x140]  }
0x4a: {  	v4 =	vld [tilespmem:s22+$0x950];
	[tilespmem:s22+$0x1100] =	vst v3  }
0x4b: {  	v3 =	vld [tilespmem:s22+$0x150];
	[tilespmem:s22+$0x1110] =	vst v1;
	v1 =	vmul.f32 v2, v7  }
0x4c: {  	v5 =	vld [tilespmem:s22+$0x960];
	v7 =	vmul.f32 v9, v8  }
0x4d: {  	s23 =	simm.s32 $0x80;
	[tilespmem:s22+$0x1120] =	vst v1;
	v1 =	vld [tilespmem:s22+$0x160]  }
0x4e: {  	s24 =	simm.s32 $0x400;
	v6 =	vmul.f32 v10, v6;
	v2 =	vld [tilespmem:s23+$0x170];
	[tilespmem:s22+$0x1130] =	vst v7  }
.LBB2_7:
0x4f: {  	p0 =	sne.s32 s24, $0x1E00;
	v7 =	vld [tilespmem:s23+$0x970]  }
0x50: {  	v8 =	vld [tilespmem:s23+$0x100];
	[tilespmem:s22+$0x1140] =	vst v6;
	v3 =	vmul.f32 v4, v3  }
0x51: {  	v4 =	vld [tilespmem:s23+$0x900]  }
0x52: {  	v6 =	vld [tilespmem:s23+$0x110];
	[tilespmem:s22+$0x1150] =	vst v3;
	v1 =	vmul.f32 v5, v1  }
0x53: {  	v3 =	vld [tilespmem:s23+$0x910]  }
0x54: {  	v5 =	vld [tilespmem:s23+$0x120];
	v2 =	vmul.f32 v7, v2;
	[tilespmem:s22+$0x1160] =	vst v1;
	s22 =	smov.u32 s23  }
0x55: {  	v1 =	vld [tilespmem:s22+$0x920]  }
0x56: {  	v4 =	vmul.f32 v4, v8;
	v7 =	vld [tilespmem:s22+$0x130];
	[tilespmem:s22+$0x1170] =	vst v2  }
0x57: {  	v2 =	vld [tilespmem:s22+$0x930]  }
0x58: {  	[tilespmem:s22+$0x1100] =	vst v4;
	v3 =	vmul.f32 v3, v6;
	v6 =	vld [tilespmem:s22+$0x140]  }
0x59: {  	v8 =	vld [tilespmem:s22+$0x940]  }
.Ltmp2:
0x5a: {  	[tilespmem:s22+$0x1110] =	vst v3;
	v1 =	vmul.f32 v1, v5;
	v3 =	vld [tilespmem:s22+$0x150];
	(pc) =	sbr.rel @p0 .LBB2_7-.Ltmp2, $4  }
0x5b: {  	v4 =	vld [tilespmem:s22+$0x950]  }
0x5c: {  	[tilespmem:s22+$0x1120] =	vst v1;
	v7 =	vmul.f32 v2, v7;
	v1 =	vld [tilespmem:s22+$0x160]  }
0x5d: {  	s23 =	sshra.s32 s24, $0x2;
	v5 =	vld [tilespmem:s22+$0x960]  }
0x5e: {  	s24 =	sadd.s32 $0x200, s24;
	v2 =	vld [tilespmem:s23+$0x170];
	[tilespmem:s22+$0x1130] =	vst v7;
	v6 =	vmul.f32 v8, v6  }
0x5f: {  	v7 =	vld [tilespmem:s23+$0x970]  }
0x60: {  	v8 =	vld [tilespmem:s23+$0x100];
	[tilespmem:s22+$0x1140] =	vst v6;
	v3 =	vmul.f32 v4, v3  }
0x61: {  	v57 =	vld [tilespmem:s23+$0x900]  }
0x62: {  	v6 =	vld [tilespmem:s23+$0x110];
	[tilespmem:s22+$0x1150] =	vst v3;
	v1 =	vmul.f32 v5, v1  }
0x63: {  	v3 =	vld [tilespmem:s23+$0x910]  }
0x64: {  	v58 =	vld [tilespmem:s23+$0x120];
	[tilespmem:s22+$0x1160] =	vst v1  }
0x65: {  	v1 =	vmul.f32 v7, v2;
	v2 =	vld [tilespmem:s23+$0x920]  }
0x66: {  	v59 =	vld [tilespmem:s23+$0x130]  }
0x67: {  	v60 =	vld [tilespmem:s23+$0x140]  }
0x68: {  	v61 =	vld [tilespmem:s23+$0x940]  }
0x69: {  	v62 =	vld [tilespmem:s23+$0x950]  }
0x6a: {  	[tilespmem:s23+$0x1170] =	vst v1;
	v1 =	vld [tilespmem:s23+$0x930];
	v3 =	vmul.f32 v3, v6  }
0x6b: {  	v63 =	vld [tilespmem:s23+$0x960];
	v2 =	vmul.f32 v2, v58  }
0x6c: {  	[tilespmem:s23+$0x1110] =	vst v3;
	v3 =	vld [tilespmem:s23+$0x150]  }
0x6d: {  	[tilespmem:s23+$0x1120] =	vst v2;
	v2 =	vld [tilespmem:s23+$0x160]  }
0x6e: {  	v4 =	vmul.f32 v57, v8  }
0x6f: {  	v1 =	vmul.f32 v1, v59  }
0x70: {  	[tilespmem:s23+$0x1100] =	vst v4;
	v4 =	vmul.f32 v61, v60  }
0x71: {  	[tilespmem:s23+$0x1130] =	vst v1;
	v1 =	vmul.f32 v62, v3  }
0x72: {  	s21 =	sadd.s32 $0x1, s21;
	[tilespmem:s23+$0x1140] =	vst v4;
	v2 =	vmul.f32 v63, v2  }
0x73: {  	p0 =	sne.s32 s21, $0x190;
	[tilespmem:s23+$0x1150] =	vst v1  }
.Ltmp3:
0x74: {  	[tilespmem:s23+$0x1160] =	vst v2;
	(pc) =	sbr.rel @p0 .LBB2_6-.Ltmp3, $4  }
0x75: {  	[spmem:s1] =	stream.indirect.scatter.add.f32 [tilespmem:s19], [sflag:$0x2], $0x10, s15, s15, $0xb8;
	[tilespmem:$0x1A900] =	vst v63  }
0x76: {  	_ =	swait.ge [sflag:s14], $0x800  }
0x77: {  	[sflag:s14] =	ssyncset.done $0x0  }
0x78: {  	[sflag:s14] =	ssyncadd.s32 $0xFFFFF800  }
0x79: {  	[bflag:$0x0] =	sbarrier.arrive $0xFFFF;
	s20 =	sshll.u32 s2, $0x6  }
0x7a: {  	s21 =	sadd.s32 $0x0, s12;
	s22 =	sshrl.u32 s8, $0x3;
	s20 =	sor.u32 $0x1C02, s20  }
0x7b: {  	[hbm:s21], [sflag:s20] =	dma.local [spmem:s22], $0x100  }
0x7c: {  	s21 =	simm.s32 $0x100;
	s22 =	sadd.s32 $0x800, s8;
	_ =	swait.ge [sflag:s14], $0x100  }
.LBB2_10:
0x7d: {  	s23 =	sadd.s32 s21, s12;
	[sflag:s14] =	ssyncset.done $0x0;
	p0 =	sne.s32 s21, $0x3000  }
.Ltmp4:
0x7e: {  	s24 =	sshrl.u32 s22, $0x3;
	[sflag:s14] =	ssyncadd.s32 $0xFFFFFF00;
	(pc) =	sbr.rel @p0 .LBB2_10-.Ltmp4, $3  }
0x7f: {  	[hbm:s23], [sflag:s20] =	dma.local [spmem:s24], $0x100  }
0x80: {  	s21 =	sadd.s32 $0x100, s21;
	_ =	sdelay $0x1  }
0x81: {  	s22 =	sadd.s32 $0x800, s22;
	_ =	swait.ge [sflag:s14], $0x100  }
0x82: {  	s3 =	sadd.s32 $0x1, s3  }
0x83: {  	p0 =	sne.s32 s3, s11  }
.Ltmp5:
0x84: {  	_ = 	snop;
	(pc) =	sbr.rel @p0 .LBB2_1-.Ltmp5, $3  }
0x85: {  	_ =	sdelay $0x1  }
0x86: {  	[sflag:s14] =	ssyncset.done $0x0  }
0x87: {  	[sflag:s14] =	ssyncadd.s32 $0xFFFFFF00  }
0x88: {  	_ =	sfence.sel $0x180000  }
0x89: {  	[bflag:$0x0] =	sbarrier.arrive $0xFFFF  }
0x8a: {  	p0 =	sne.s32 s2, $0x0;
	_ =	strace $0x90000053  }
0x8b: {  	s0 =	sadd.s32 @!p0 $0x100000, s0;
	[bflag:$0x2] =	sbarrier.arrive $0xFFFF  }
0x8c: {  	[sflag:s0] =	ssyncadd.tile.s32 @!p0 $0x1;
	_ =	shalt  }
.Lfunc_end2:
_tile_overlayer_lowered:
.L_overlay_start_2:
0x8d: {  	(tag) =	ssettag $0x2  }
0x8e: {  	s0 =	rddreg [dreg:$0x0];
	s2 =	stileid.u32  }
0x8f: {  	s1 =	rddreg [dreg:$0x1];
	p0 =	sne.s32 s2, $0x0  }
0x90: {  	s3 =	rddreg [dreg:$0x2];
	[bflag:$0x3] =	sbarrier.arrive $0xFFFF;
	s2 =	simm.s32 @!p0 $0x1C02  }
0x91: {  	[timem:s3], [sflag:s2] =	dma.local @!p0 [hbm:s0], s1  }
0x92: {  	s0 =	simm.s32 @!p0 $0x2  }
0x93: {  	_ =	swait.ge @!p0 [sflag:s0], s1  }
0x94: {  	s1 =	ssub.s32 @!p0 $0x0, s1;
	[sflag:s0] =	ssyncset.done @!p0 $0x0  }
0x95: {  	[sflag:s0] =	ssyncadd.s32 @!p0 s1  }
0x96: {  	[bflag:$0x3] =	sbarrier.arrive $0xFFFF  }
0x97: {  	_ =	shalt  }

// kernel: kernel.21.cloned.1.call-start
scs
__scs_entry_jumppad:
0x0: {  	(pc) =	sbr.rel $0x88, $3  }
0x1: {  	(tag) =	ssettag $0x0;
	lr =	simm.s32 $0x1  }
0x2: {  	[smem:$0x3F95] =	sst lr;
	_ =	strace $0xD0000000  }
0x3: {  	_ = 	snop  }
0x4: {  	_ = 	snop  }
0x5: {  	_ = 	snop  }
0x6: {  	_ = 	snop  }
0x7: {  	_ = 	snop  }
__scs_overlays_trampoline_lowered:
0x8: {  	[smem:$0x3FA4] =	sst s0  }
0x9: {  	[smem:$0x3FA5] =	sst s1  }
0xa: {  	[smem:$0x3FA6] =	sst s2  }
0xb: {  	[smem:$0x3FA7] =	sst s3  }
0xc: {  	[smem:$0x3FA8] =	sst s4  }
0xd: {  	[smem:$0x3FA9] =	sst s5  }
0xe: {  	[smem:$0x3FAA] =	sst s6  }
0xf: {  	[smem:$0x3FAB] =	sst s7  }
0x10: {  	[smem:$0x3FAC] =	sst s8  }
0x11: {  	[smem:$0x3FAD] =	sst s9;
	s0 =	simm.s32 @!p0 $0x0  }
0x12: {  	s1 =	sld [smem:$0x3F93];
	s0 =	simm.s32 @p0 $0x1  }
0x13: {  	[smem:$0x3FAE] =	sst s0;
	s0 =	simm.s32 @!p1 $0x0  }
0x14: {  	s2 =	sld [smem:$0x3F92];
	s0 =	simm.s32 @p1 $0x1  }
0x15: {  	[smem:$0x3FAF] =	sst s0;
	s0 =	simm.s32 @!p2 $0x0  }
0x16: {  	s3 =	sld [smem:$0x3FDB];
	s0 =	simm.s32 @p2 $0x1  }
0x17: {  	s4 =	simm.s32 $0x1BF5;
	[smem:$0x3FB1] =	sst s0  }
0x18: {  	s0 =	sld [smem:$0x3F94];
	_ =	swait.ge [sflag:s4], $0x0  }
0x19: {  	s7 =	sld [smem:$0x3F95]  }
0x1a: {  	s8 =	sadd.s32 $0xFFFFE003, lr  }
0x1b: {  	s9 =	sadd.s32 $0xFFFFFEF7, lr;
	s5 =	simm.s32 $0xFFFFFFFF;
	p2 =	slt.u32 s8, $0xFFFFF086  }
0x1c: {  	p1 =	slt.u32 s9, $0xF7A;
	s5 =	simm.s32 @!p2 $0x0  }
0x1d: {  	s5 =	simm.s32 @p1 $0x1;
	p0 =	seq.s32 s7, s2  }
0x1e: {  	s7 =	smul.u32 @!p0 $0xF7A, s2;
	p2 =	seq.s32 @!p0 s5, $0x0  }
0x1f: {  	s9 =	smul.u32 $0xF7A, s1;
	s8 =	simm.s32 @!p0 $0x1BF5;
	p2 =	por !p2, p0  }
0x20: {  	[sflag:s8] =	ssyncset.s32 @!p0 $0xFFFFF086;
	s6 =	sadd.s32 @!p0 s3, s7;
	s7 =	simm.s32 @!p0 $0x108  }
0x21: {  	s3 =	sadd.s32 s3, s9;
	s6 =	sadd.s32 @!p0 $0x88, s6;
	s7 =	simm.s32 @p2 $0x1082  }
0x22: {  	[simem:s7], [sflag:s8] =	dma.local @!p0 [hbm:s6], $0xF7A  }
0x23: {  	s9 =	sor.u32 $0xD0000000, s2;
	s6 =	simm.s32 $0x108;
	_ =	swait.ge @!p0 [sflag:s8], $0x0  }
0x24: {  	s3 =	sadd.s32 $0x88, s3;
	s6 =	simm.s32 @!p1 $0x1082;
	[sflag:s4] =	ssyncset.s32 $0xFFFFF086  }
0x25: {  	[simem:s6], [sflag:s4] =	dma.local [hbm:s3], $0xF7A  }
0x26: {  	[smem:$0x3F95] =	sst s1;
	(tag) =	ssettag s2;
	_ =	strace s9  }
0x27: {  	s1 =	sld [smem:$0x3FA5]  }
0x28: {  	s2 =	sld [smem:$0x3FA6]  }
0x29: {  	s4 =	sld [smem:$0x3FA8]  }
0x2a: {  	p0 =	seq.s32 s5, $0x0;
	s5 =	sld [smem:$0x3FA9]  }
0x2b: {  	s6 =	sld [smem:$0x3FAA]  }
0x2c: {  	s7 =	sld [smem:$0x3FAB]  }
0x2d: {  	s3 =	simm.s32 $0x108;
	s8 =	sld [smem:$0x3FAC]  }
0x2e: {  	s3 =	simm.s32 @!p0 $0x1082;
	s9 =	sld [smem:$0x3FAD]  }
0x2f: {  	lr =	sadd.s32 s0, s3;
	s0 =	sld [smem:$0x3FA4]  }
0x30: {  	s3 =	sld [smem:$0x3FA7]  }
0x31: {  	[smem:$0x3FB0] =	sst s10  }
0x32: {  	s10 =	sld [smem:$0x3FAE];
	_ =	sdelay $0x3  }
0x33: {  	p0 =	seq.s32 s10, $0x1;
	s10 =	sld [smem:$0x3FB0];
	_ =	sdelay $0x3  }
0x34: {  	[smem:$0x3FB0] =	sst s10  }
0x35: {  	s10 =	sld [smem:$0x3FAF];
	_ =	sdelay $0x3  }
0x36: {  	p1 =	seq.s32 s10, $0x1;
	s10 =	sld [smem:$0x3FB0];
	_ =	sdelay $0x3  }
0x37: {  	[smem:$0x3FB0] =	sst s10  }
0x38: {  	s10 =	sld [smem:$0x3FB1]  }
0x39: {  	_ = 	snop;
	(pc) =	sbr.ind lr, $3  }
0x3a: {  	_ = 	snop  }
0x3b: {  	_ = 	snop  }
0x3c: {  	p2 =	seq.s32 s10, $0x1;
	s10 =	sld [smem:$0x3FB0]  }
0x3d: {  	_ =	shalt  }
0x3e: {  	_ =	shalt  }
0x3f: {  	_ =	shalt  }
0x40: {  	_ =	shalt  }
0x41: {  	_ =	shalt  }
0x42: {  	_ =	shalt  }
0x43: {  	_ =	shalt  }
0x44: {  	_ =	shalt  }
0x45: {  	_ =	shalt  }
0x46: {  	_ =	shalt  }
0x47: {  	_ =	shalt  }
0x48: {  	_ =	shalt  }
0x49: {  	_ =	shalt  }
0x4a: {  	_ =	shalt  }
0x4b: {  	_ =	shalt  }
0x4c: {  	_ =	shalt  }
0x4d: {  	_ =	shalt  }
0x4e: {  	_ =	shalt  }
0x4f: {  	_ =	shalt  }
0x50: {  	_ =	shalt  }
0x51: {  	_ =	shalt  }
0x52: {  	_ =	shalt  }
0x53: {  	_ =	shalt  }
0x54: {  	_ =	shalt  }
0x55: {  	_ =	shalt  }
0x56: {  	_ =	shalt  }
0x57: {  	_ =	shalt  }
0x58: {  	_ =	shalt  }
0x59: {  	_ =	shalt  }
0x5a: {  	_ =	shalt  }
0x5b: {  	_ =	shalt  }
0x5c: {  	_ =	shalt  }
0x5d: {  	_ =	shalt  }
0x5e: {  	_ =	shalt  }
0x5f: {  	_ =	shalt  }
0x60: {  	_ =	shalt  }
0x61: {  	_ =	shalt  }
0x62: {  	_ =	shalt  }
0x63: {  	_ =	shalt  }
0x64: {  	_ =	shalt  }
0x65: {  	_ =	shalt  }
0x66: {  	_ =	shalt  }
0x67: {  	_ =	shalt  }
0x68: {  	_ =	shalt  }
0x69: {  	_ =	shalt  }
0x6a: {  	_ =	shalt  }
0x6b: {  	_ =	shalt  }
0x6c: {  	_ =	shalt  }
0x6d: {  	_ =	shalt  }
0x6e: {  	_ =	shalt  }
0x6f: {  	_ =	shalt  }
0x70: {  	_ =	shalt  }
0x71: {  	_ =	shalt  }
0x72: {  	_ =	shalt  }
0x73: {  	_ =	shalt  }
0x74: {  	_ =	shalt  }
0x75: {  	_ =	shalt  }
0x76: {  	_ =	shalt  }
0x77: {  	_ =	shalt  }
0x78: {  	_ =	shalt  }
0x79: {  	_ =	shalt  }
0x7a: {  	_ =	shalt  }
0x7b: {  	_ =	shalt  }
0x7c: {  	_ =	shalt  }
0x7d: {  	_ =	shalt  }
0x7e: {  	_ =	shalt  }
0x7f: {  	_ =	shalt  }
0x80: {  	_ =	shalt  }
0x81: {  	_ =	shalt  }
0x82: {  	_ =	shalt  }
0x83: {  	_ =	shalt  }
0x84: {  	_ =	shalt  }
0x85: {  	_ =	shalt  }
0x86: {  	_ =	shalt  }
0x87: {  	_ =	shalt  }
.Lfunc_end0:
.L_simem_size_0:
called_computation.5_lowered:
.L_overlay_start_0:
0x88: {  	s2 =	sld [smem:$0x3FD9]  }
0x89: {  	s3 =	sld [smem:$0x3FFE];
	_ =	sdelay $0x1  }
0x8a: {  	s1 =	srdreg.scid  }
0x8b: {  	s0 =	sand.u32 $0x1, s1  }
0x8c: {  	s16 =	sshll.u32 s0, $0xA;
	s2 =	sadd.s32 s3, s2  }
0x8d: {  	s2 =	sadd.s32 s2, s16  }
0x8e: {  	[smem:$0x3FBC] =	sst s2  }
0x8f: {  	_ = 	snop  }
0x90: {  	(tm) =	ssettm $0x1  }
0x91: {  	s17 =	sld [smem:$0x3FFB];
	_ =	sdelay $0x3  }
0x92: {  	_ =	strace s17  }
0x93: {  	s2 =	sld [smem:$0x3FFC];
	_ =	sdelay $0x3  }
0x94: {  	_ =	strace s2  }
0x95: {  	s2 =	sld [smem:$0x3FFD];
	_ =	sdelay $0x3  }
0x96: {  	_ =	strace s2  }
0x97: {  	_ =	strace $0x8FFFFFFF  }
0x98: {  	s18 =	sld [smem:$0x3FDB];
	_ =	sdelay $0x1  }
0x99: {  	s19 =	simm.s32 $_scs_section_size  }
0x9a: {  	s4 =	simm.s32 $_size__tile_overlayer_lowered;
	s5 =	simm.s32 $_tile_overlayer_lowered  }
0x9b: {  	s22 =	simm.s32 $0x1BFF;
	s21 =	sshll.u32 s5, $0x1;
	s2 =	sadd.s32 s19, s18  }
0x9c: {  	s6 =	simm.s32 $0x0;
	s20 =	sshll.u32 s4, $0x1;
	s4 =	sadd.s32 s21, s2  }
0x9d: {  	[timem:s6], [sflag:s22] =	dma.local [hbm:s4], s20  }
0x9e: {  	_ =	swait.ge [sflag:s22], s20  }
0x9f: {  	s3 =	ssub.s32 $0x0, s20;
	[sflag:s22] =	ssyncset.done $0x0  }
0xa0: {  	[sflag:s22] =	ssyncadd.s32 s3;
	_ =	sdelay $0x1  }
0xa1: {  	s23 =	simm.s32 $0x1B8B  }
0xa2: {  	_ =	swait.ge [sflag:s23], $0x1  }
0xa3: {  	[sflag:s23] =	ssyncset.done $0x0  }
0xa4: {  	s25 =	simm.s32 $0x1B8E;
	s24 =	sld [smem:$0x3FFE];
	[sflag:s23] =	ssyncadd.s32 $0xFFFFFFFF  }
0xa5: {  	s26 =	simm.s32 $execute0_lowered;
	[smem:$0x3FD2] =	sst s25  }
0xa6: {  	s4 =	sshll.u32 s26, $0x1;
	_ =	strace $0x80000055;
	[dreg:$0x1] =	wrdreg $0xFFFFFFFF  }
0xa7: {  	s28 =	simm.s32 $_size_execute0_lowered;
	s2 =	sadd.s32 s2, s4;
	[dreg:$0x0] =	wrdreg $0x0  }
0xa8: {  	s4 =	sshll.u32 s28, $0x1;
	[dreg:$0x2] =	wrdreg s2  }
0xa9: {  	[dreg:$0x3] =	wrdreg s4  }
0xaa: {  	[dreg:$0x4] =	wrdreg $0xC0  }
0xab: {  	_ =	task [dreg:s6], $0x5FFFF  }
0xac: {  	[dreg:$0x1] =	wrdreg $0xFFFFFFFF  }
0xad: {  	[dreg:$0x0] =	wrdreg $0x60  }
0xae: {  	[dreg:$0x2] =	wrdreg s24  }
0xaf: {  	[dreg:$0x3] =	wrdreg $0x21000  }
0xb0: {  	[dreg:$0x4] =	wrdreg $0x9  }
0xb1: {  	_ =	task.clear_ibuf [dreg:s6], $0x5FFFF;
	_ =	strace $0x90000055  }
0xb2: {  	s29 =	simm.s32 $0x9;
	_ =	strace $0x80000057  }
0xb3: {  	_ =	swait.ge [sflag:s29], $0x1  }
0xb4: {  	[sflag:s29] =	ssyncadd.s32 $0xFFFFFFFF  }
0xb5: {  	_ =	strace $0x90000057  }
0xb6: {  	_ =	sfence  }
0xb7: {  	s30 =	sld [smem:$0x0];
	_ =	sdelay $0x2  }
0xb8: {  	s31 =	sshll.u32 s1, $0xD;
	s1 =	sshrl.u32 s1, $0x2  }
0xb9: {  	s3 =	sand.u32 $0x4000, s31;
	s1 =	sadd.s32 s1, s30  }
0xba: {  	s0 =	sor.u32 s3, s0;
	s1 =	sshll.u32 s1, $0x11  }
0xbb: {  	s0 =	sor.u32 s1, s0  }
0xbc: {  	s0 =	sadd.s32 $0x8F2B, s0  }
0xbd: {  	[sflag:s0] =	ssyncadd.remote.s32 $0x1  }
0xbe: {  	_ =	sfence.sel $0xFFFF  }
0xbf: {  	[dreg:$0x0] =	wrdreg $0xFFFFFFFF;
	(pc) =	sbr.abs _section_cstart, $3  }
0xc0: {  	[dreg:$0x1] =	wrdreg $0xFFFFFFFF  }
0xc1: {  	_ =	task.clear_ibuf [dreg:s6], $0x2FFFF;
	_ =	strace $0x9FFFFFFF  }
0xc2: {  	(tm) =	ssettm $0x7FFFFFFF  }
0xc3: {  	_ =	shalt  }
tec
execute0_lowered:
.L_overlay_start_1:
0x0: {  	(tag) =	ssettag $0x1  }
0x1: {  	s7 =	rddreg [dreg:$0x0]  }
0x2: {  	s0 =	srdreg.scid;
	s1 =	rddreg [dreg:$0x1]  }
0x3: {  	s3 =	simm.s32 $0x0;
	s2 =	stileid.u32;
	s15 =	simm.s32 $0x80  }
0x4: {  	s16 =	simm.s32 $0x100;
	s17 =	simm.s32 $0x1;
	s18 =	simm.s32 $0x900  }
0x5: {  	s10 =	sand.u32 $0x1, s0;
	s0 =	rddreg [dreg:$0x2];
	s8 =	smul.u32 $0x18800, s2  }
0x6: {  	s19 =	simm.s32 $0x1100;
	[smem:$0x7FF] =	sst s3;
	s13 =	smul.u32 $0x62000, s2  }
0x7: {  	s4 =	sadd.s32 $0x9C9400, s7;
	s12 =	sshll.u32 s2, $0x1;
	s5 =	smul.u32 $0x31000, s10  }
0x8: {  	s6 =	smul.u32 $0x188000, s10;
	_ =	strace $0x80000056;
	s11 =	ssub.s32 $0x2, s10  }
0x9: {  	s30 =	sor.u32 s10, s12;
	s10 =	smul.u32 $0x1900000, s10;
	s29 =	sshrl.u32 s11, $0x1  }
0xa: {  	s31 =	sshrl.u32 s13, $0x2;
	s13 =	simm.s32 $0x1900;
	s9 =	sadd.s32 s5, s7  }
0xb: {  	s8 =	sadd.s32 s8, s6;
	s5 =	sadd.s32 $0x37400, s7;
	s6 =	sadd.s32 $0x5400, s7  }
0xc: {  	s11 =	ssub.s32 s11, s29;
	s8 =	sshrl.u32 s8, $0x3;
	s9 =	sadd.s32 $0x1813400, s9  }
0xd: {  	s11 =	smax.u32 s11, $0x1;
	s14 =	sadd.s32 s8, s7;
	s7 =	smul.u32 $0xC800, s30  }
0xe: {  	v0 =	vimm.f32 $0.0e+00;
	s8 =	sadd.s32 s31, s1;
	s12 =	sadd.s32 $0x1009400, s14;
	s14 =	simm.s32 $0x2  }
.LBB2_1:
0xf: {  	s20 =	simm.s32 $0x0;
	s21 =	simm.s32 $0x200  }
.LBB2_2:
0x10: {  	p0 =	sne.s32 s21, $0x1E00;
	[tilespmem:s20+$0x1970] =	vst v0  }
0x11: {  	[tilespmem:s20+$0x1900] =	vst v0  }
0x12: {  	[tilespmem:s20+$0x1910] =	vst v0  }
.Ltmp0:
0x13: {  	[tilespmem:s20+$0x1920] =	vst v0;
	(pc) =	sbr.rel @p0 .LBB2_2-.Ltmp0, $4  }
0x14: {  	[tilespmem:s20+$0x1930] =	vst v0  }
0x15: {  	[tilespmem:s20+$0x1940] =	vst v0  }
0x16: {  	[tilespmem:s20+$0x1950] =	vst v0  }
0x17: {  	[tilespmem:s20+$0x1960] =	vst v0;
	s20 =	sshra.s32 s21, $0x2;
	s21 =	sadd.s32 $0x200, s21  }
0x18: {  	[tilespmem:s20+$0x1970] =	vst v0  }
0x19: {  	[tilespmem:s20+$0x1900] =	vst v0  }
0x1a: {  	[tilespmem:s20+$0x1910] =	vst v0  }
0x1b: {  	[tilespmem:s20+$0x1920] =	vst v0  }
0x1c: {  	[tilespmem:s20+$0x1930] =	vst v0  }
0x1d: {  	[tilespmem:s20+$0x1940] =	vst v0  }
0x1e: {  	[tilespmem:s20+$0x1950] =	vst v0  }
0x1f: {  	[tilespmem:s20+$0x1960] =	vst v0;
	s31 =	sadd.s32 $0x0, s8  }
0x20: {  	[spmem:s31] =	stream.linear.scatter [tilespmem:s13], [sflag:$0x2], $0x800, $0x38;
	[tilespmem:$0x1A900] =	vst v63  }
0x21: {  	s20 =	simm.s32 $0x2000;
	_ =	swait.ge [sflag:s14], $0x800  }
.LBB2_4:
0x22: {  	s21 =	sshra.s32 s20, $0x2;
	[sflag:s14] =	ssyncset.done $0x0;
	p0 =	sne.s32 s20, $0x60000  }
.Ltmp1:
0x23: {  	s21 =	sadd.s32 s21, s8;
	[sflag:s14] =	ssyncadd.s32 $0xFFFFF800;
	(pc) =	sbr.rel @p0 .LBB2_4-.Ltmp1, $3  }
0x24: {  	[spmem:s21] =	stream.linear.scatter [tilespmem:s13], [sflag:$0x2], $0x800, $0x38;
	[tilespmem:$0x1A900] =	vst v63  }
0x25: {  	s20 =	sadd.s32 $0x2000, s20;
	_ =	sdelay $0x1  }
0x26: {  	_ =	swait.ge [sflag:s14], $0x800  }
0x27: {  	[sflag:s14] =	ssyncset.done $0x0  }
0x28: {  	[sflag:s14] =	ssyncadd.s32 $0xFFFFF800  }
0x29: {  	s20 =	simm.s32 $0x0;
	s21 =	simm.s32 $0x0;
	[bflag:$0x0] =	sbarrier.arrive $0xFFFF  }
.LBB2_6:
0x2a: {  	s22 =	sshll.u32 s21, $0x7  }
0x2b: {  	s22 =	sadd.s32 s7, s22  }
0x2c: {  	s23 =	sshrl.u32 s22, $0x3  }
0x2d: {  	s24 =	sadd.s32 s5, s23  }
0x2e: {  	[tilespmem:s20], [sflag:$0x2] =	stream.linear.gather [hbm4b:s24+s20], $0x80, $0x38;
	[tilespmem:$0x1A900] =	vst v63  }
0x2f: {  	_ =	swait.ge [sflag:s14], $0x80  }
0x30: {  	[sflag:s14] =	ssyncset.done $0x0  }
0x31: {  	s23 =	sadd.s32 s6, s23;
	[sflag:s14] =	ssyncadd.s32 $0xFFFFFF80  }
0x32: {  	[tilespmem:s15], [sflag:$0x2] =	stream.linear.gather [hbm4b:s23+s20], $0x80, $0x38;
	[tilespmem:$0x1A900] =	vst v63  }
0x33: {  	_ =	swait.ge [sflag:s14], $0x80  }
0x34: {  	[sflag:s14] =	ssyncset.done $0x0  }
0x35: {  	s22 =	sshll.u32 s22, $0x4;
	[sflag:s14] =	ssyncadd.s32 $0xFFFFFF80  }
0x36: {  	[tilespmem:s16], [sflag:$0x1] =	stream.indirect.gather [hbm4b:s9+s15], $0x10, s20, s15, $0xb8;
	[tilespmem:$0x1A900] =	vst v63  }
0x37: {  	s22 =	sadd.s32 s10, s22;
	_ =	swait.ge [sflag:s17], $0x800  }
0x38: {  	s22 =	sshrl.u32 s22, $0x3;
	[sflag:s17] =	ssyncset.done $0x0  }
0x39: {  	s22 =	sadd.s32 s4, s22;
	[sflag:s17] =	ssyncadd.s32 $0xFFFFF800  }
0x3a: {  	[tilespmem:s18], [sflag:$0x2] =	stream.linear.gather [hbm4b:s22+s20], $0x800, $0x38;
	[tilespmem:$0x1A900] =	vst v63  }
0x3b: {  	_ =	swait.ge [sflag:s14], $0x800  }
0x3c: {  	[sflag:s14] =	ssyncset.done $0x0  }
0x3d: {  	s22 =	simm.s32 $0x0;
	[sflag:s14] =	ssyncadd.s32 $0xFFFFF800  }
0x3e: {  	v1 =	vld [tilespmem:s22+$0x170]  }
0x3f: {  	v2 =	vld [tilespmem:s22+$0x970]  }
0x40: {  	v3 =	vld [tilespmem:s22+$0x100]  }
0x41: {  	v4 =	vld [tilespmem:s22+$0x900]  }
0x42: {  	v5 =	vld [tilespmem:s22+$0x110]  }
0x43: {  	v6 =	vld [tilespmem:s22+$0x910]  }
0x44: {  	v7 =	vld [tilespmem:s22+$0x120]  }
0x45: {  	v8 =	vld [tilespmem:s22+$0x130]  }
0x46: {  	v1 =	vmul.f32 v2, v1;
	v2 =	vld [tilespmem:s22+$0x920]  }
0x47: {  	v9 =	vld [tilespmem:s22+$0x930]  }
0x48: {  	v10 =	vld [tilespmem:s22+$0x940];
	v3 =	vmul.f32 v4, v3  }
0x49: {  	[tilespmem:s22+$0x1170] =	vst v1;
	v1 =	vmul.f32 v6, v5;
	v6 =	vld [tilespmem:s22+$0x140]  }
0x4a: {  	v4 =	vld [tilespmem:s22+$0x950];
	[tilespmem:s22+$0x1100] =	vst v3  }
0x4b: {  	v3 =	vld [tilespmem:s22+$0x150];
	[tilespmem:s22+$0x1110] =	vst v1;
	v1 =	vmul.f32 v2, v7  }
0x4c: {  	v5 =	vld [tilespmem:s22+$0x960];
	v7 =	vmul.f32 v9, v8  }
0x4d: {  	s23 =	simm.s32 $0x80;
	[tilespmem:s22+$0x1120] =	vst v1;
	v1 =	vld [tilespmem:s22+$0x160]  }
0x4e: {  	s24 =	simm.s32 $0x400;
	v6 =	vmul.f32 v10, v6;
	v2 =	vld [tilespmem:s23+$0x170];
	[tilespmem:s22+$0x1130] =	vst v7  }
.LBB2_7:
0x4f: {  	p0 =	sne.s32 s24, $0x1E00;
	v7 =	vld [tilespmem:s23+$0x970]  }
0x50: {  	v8 =	vld [tilespmem:s23+$0x100];
	[tilespmem:s22+$0x1140] =	vst v6;
	v3 =	vmul.f32 v4, v3  }
0x51: {  	v4 =	vld [tilespmem:s23+$0x900]  }
0x52: {  	v6 =	vld [tilespmem:s23+$0x110];
	[tilespmem:s22+$0x1150] =	vst v3;
	v1 =	vmul.f32 v5, v1  }
0x53: {  	v3 =	vld [tilespmem:s23+$0x910]  }
0x54: {  	v5 =	vld [tilespmem:s23+$0x120];
	v2 =	vmul.f32 v7, v2;
	[tilespmem:s22+$0x1160] =	vst v1;
	s22 =	smov.u32 s23  }
0x55: {  	v1 =	vld [tilespmem:s22+$0x920]  }
0x56: {  	v4 =	vmul.f32 v4, v8;
	v7 =	vld [tilespmem:s22+$0x130];
	[tilespmem:s22+$0x1170] =	vst v2  }
0x57: {  	v2 =	vld [tilespmem:s22+$0x930]  }
0x58: {  	[tilespmem:s22+$0x1100] =	vst v4;
	v3 =	vmul.f32 v3, v6;
	v6 =	vld [tilespmem:s22+$0x140]  }
0x59: {  	v8 =	vld [tilespmem:s22+$0x940]  }
.Ltmp2:
0x5a: {  	[tilespmem:s22+$0x1110] =	vst v3;
	v1 =	vmul.f32 v1, v5;
	v3 =	vld [tilespmem:s22+$0x150];
	(pc) =	sbr.rel @p0 .LBB2_7-.Ltmp2, $4  }
0x5b: {  	v4 =	vld [tilespmem:s22+$0x950]  }
0x5c: {  	[tilespmem:s22+$0x1120] =	vst v1;
	v7 =	vmul.f32 v2, v7;
	v1 =	vld [tilespmem:s22+$0x160]  }
0x5d: {  	s23 =	sshra.s32 s24, $0x2;
	v5 =	vld [tilespmem:s22+$0x960]  }
0x5e: {  	s24 =	sadd.s32 $0x200, s24;
	v2 =	vld [tilespmem:s23+$0x170];
	[tilespmem:s22+$0x1130] =	vst v7;
	v6 =	vmul.f32 v8, v6  }
0x5f: {  	v7 =	vld [tilespmem:s23+$0x970]  }
0x60: {  	v8 =	vld [tilespmem:s23+$0x100];
	[tilespmem:s22+$0x1140] =	vst v6;
	v3 =	vmul.f32 v4, v3  }
0x61: {  	v57 =	vld [tilespmem:s23+$0x900]  }
0x62: {  	v6 =	vld [tilespmem:s23+$0x110];
	[tilespmem:s22+$0x1150] =	vst v3;
	v1 =	vmul.f32 v5, v1  }
0x63: {  	v3 =	vld [tilespmem:s23+$0x910]  }
0x64: {  	v58 =	vld [tilespmem:s23+$0x120];
	[tilespmem:s22+$0x1160] =	vst v1  }
0x65: {  	v1 =	vmul.f32 v7, v2;
	v2 =	vld [tilespmem:s23+$0x920]  }
0x66: {  	v59 =	vld [tilespmem:s23+$0x130]  }
0x67: {  	v60 =	vld [tilespmem:s23+$0x140]  }
0x68: {  	v61 =	vld [tilespmem:s23+$0x940]  }
0x69: {  	v62 =	vld [tilespmem:s23+$0x950]  }
0x6a: {  	[tilespmem:s23+$0x1170] =	vst v1;
	v1 =	vld [tilespmem:s23+$0x930];
	v3 =	vmul.f32 v3, v6  }
0x6b: {  	v63 =	vld [tilespmem:s23+$0x960];
	v2 =	vmul.f32 v2, v58  }
0x6c: {  	[tilespmem:s23+$0x1110] =	vst v3;
	v3 =	vld [tilespmem:s23+$0x150]  }
0x6d: {  	[tilespmem:s23+$0x1120] =	vst v2;
	v2 =	vld [tilespmem:s23+$0x160]  }
0x6e: {  	v4 =	vmul.f32 v57, v8  }
0x6f: {  	v1 =	vmul.f32 v1, v59  }
0x70: {  	[tilespmem:s23+$0x1100] =	vst v4;
	v4 =	vmul.f32 v61, v60  }
0x71: {  	[tilespmem:s23+$0x1130] =	vst v1;
	v1 =	vmul.f32 v62, v3  }
0x72: {  	s21 =	sadd.s32 $0x1, s21;
	[tilespmem:s23+$0x1140] =	vst v4;
	v2 =	vmul.f32 v63, v2  }
0x73: {  	p0 =	sne.s32 s21, $0x190;
	[tilespmem:s23+$0x1150] =	vst v1  }
.Ltmp3:
0x74: {  	[tilespmem:s23+$0x1160] =	vst v2;
	(pc) =	sbr.rel @p0 .LBB2_6-.Ltmp3, $4  }
0x75: {  	[spmem:s1] =	stream.indirect.scatter.add.f32 [tilespmem:s19], [sflag:$0x2], $0x10, s15, s15, $0xb8;
	[tilespmem:$0x1A900] =	vst v63  }
0x76: {  	_ =	swait.ge [sflag:s14], $0x800  }
0x77: {  	[sflag:s14] =	ssyncset.done $0x0  }
0x78: {  	[sflag:s14] =	ssyncadd.s32 $0xFFFFF800  }
0x79: {  	[bflag:$0x0] =	sbarrier.arrive $0xFFFF;
	s20 =	sshll.u32 s2, $0x6  }
0x7a: {  	s21 =	sadd.s32 $0x0, s12;
	s22 =	sshrl.u32 s8, $0x3;
	s20 =	sor.u32 $0x1C02, s20  }
0x7b: {  	[hbm:s21], [sflag:s20] =	dma.local [spmem:s22], $0x100  }
0x7c: {  	s21 =	simm.s32 $0x100;
	s22 =	sadd.s32 $0x800, s8;
	_ =	swait.ge [sflag:s14], $0x100  }
.LBB2_10:
0x7d: {  	s23 =	sadd.s32 s21, s12;
	[sflag:s14] =	ssyncset.done $0x0;
	p0 =	sne.s32 s21, $0x3000  }
.Ltmp4:
0x7e: {  	s24 =	sshrl.u32 s22, $0x3;
	[sflag:s14] =	ssyncadd.s32 $0xFFFFFF00;
	(pc) =	sbr.rel @p0 .LBB2_10-.Ltmp4, $3  }
0x7f: {  	[hbm:s23], [sflag:s20] =	dma.local [spmem:s24], $0x100  }
0x80: {  	s21 =	sadd.s32 $0x100, s21;
	_ =	sdelay $0x1  }
0x81: {  	s22 =	sadd.s32 $0x800, s22;
	_ =	swait.ge [sflag:s14], $0x100  }
0x82: {  	s3 =	sadd.s32 $0x1, s3  }
0x83: {  	p0 =	sne.s32 s3, s11  }
.Ltmp5:
0x84: {  	_ = 	snop;
	(pc) =	sbr.rel @p0 .LBB2_1-.Ltmp5, $3  }
0x85: {  	_ =	sdelay $0x1  }
0x86: {  	[sflag:s14] =	ssyncset.done $0x0  }
0x87: {  	[sflag:s14] =	ssyncadd.s32 $0xFFFFFF00  }
0x88: {  	_ =	sfence.sel $0x180000  }
0x89: {  	[bflag:$0x0] =	sbarrier.arrive $0xFFFF  }
0x8a: {  	p0 =	sne.s32 s2, $0x0;
	_ =	strace $0x90000056  }
0x8b: {  	s0 =	sadd.s32 @!p0 $0x100000, s0;
	[bflag:$0x2] =	sbarrier.arrive $0xFFFF  }
0x8c: {  	[sflag:s0] =	ssyncadd.tile.s32 @!p0 $0x1;
	_ =	shalt  }
.Lfunc_end2:
_tile_overlayer_lowered:
.L_overlay_start_2:
0x8d: {  	(tag) =	ssettag $0x2  }
0x8e: {  	s0 =	rddreg [dreg:$0x0];
	s2 =	stileid.u32  }
0x8f: {  	s1 =	rddreg [dreg:$0x1];
	p0 =	sne.s32 s2, $0x0  }
0x90: {  	s3 =	rddreg [dreg:$0x2];
	[bflag:$0x3] =	sbarrier.arrive $0xFFFF;
	s2 =	simm.s32 @!p0 $0x1C02  }
0x91: {  	[timem:s3], [sflag:s2] =	dma.local @!p0 [hbm:s0], s1  }
0x92: {  	s0 =	simm.s32 @!p0 $0x2  }
0x93: {  	_ =	swait.ge @!p0 [sflag:s0], s1  }
0x94: {  	s1 =	ssub.s32 @!p0 $0x0, s1;
	[sflag:s0] =	ssyncset.done @!p0 $0x0  }
0x95: {  	[sflag:s0] =	ssyncadd.s32 @!p0 s1  }
0x96: {  	[bflag:$0x3] =	sbarrier.arrive $0xFFFF  }
0x97: {  	_ =	shalt  }

// kernel: kernel.24.cloned.1.call-start
scs
__scs_entry_jumppad:
0x0: {  	(pc) =	sbr.rel $0x88, $3  }
0x1: {  	(tag) =	ssettag $0x0;
	lr =	simm.s32 $0x1  }
0x2: {  	[smem:$0x3F95] =	sst lr;
	_ =	strace $0xD0000000  }
0x3: {  	_ = 	snop  }
0x4: {  	_ = 	snop  }
0x5: {  	_ = 	snop  }
0x6: {  	_ = 	snop  }
0x7: {  	_ = 	snop  }
__scs_overlays_trampoline_lowered:
0x8: {  	[smem:$0x3FA4] =	sst s0  }
0x9: {  	[smem:$0x3FA5] =	sst s1  }
0xa: {  	[smem:$0x3FA6] =	sst s2  }
0xb: {  	[smem:$0x3FA7] =	sst s3  }
0xc: {  	[smem:$0x3FA8] =	sst s4  }
0xd: {  	[smem:$0x3FA9] =	sst s5  }
0xe: {  	[smem:$0x3FAA] =	sst s6  }
0xf: {  	[smem:$0x3FAB] =	sst s7  }
0x10: {  	[smem:$0x3FAC] =	sst s8  }
0x11: {  	[smem:$0x3FAD] =	sst s9;
	s0 =	simm.s32 @!p0 $0x0  }
0x12: {  	s1 =	sld [smem:$0x3F93];
	s0 =	simm.s32 @p0 $0x1  }
0x13: {  	[smem:$0x3FAE] =	sst s0;
	s0 =	simm.s32 @!p1 $0x0  }
0x14: {  	s2 =	sld [smem:$0x3F92];
	s0 =	simm.s32 @p1 $0x1  }
0x15: {  	[smem:$0x3FAF] =	sst s0;
	s0 =	simm.s32 @!p2 $0x0  }
0x16: {  	s3 =	sld [smem:$0x3FDB];
	s0 =	simm.s32 @p2 $0x1  }
0x17: {  	s4 =	simm.s32 $0x1BF5;
	[smem:$0x3FB1] =	sst s0  }
0x18: {  	s0 =	sld [smem:$0x3F94];
	_ =	swait.ge [sflag:s4], $0x0  }
0x19: {  	s7 =	sld [smem:$0x3F95]  }
0x1a: {  	s8 =	sadd.s32 $0xFFFFE003, lr  }
0x1b: {  	s9 =	sadd.s32 $0xFFFFFEF7, lr;
	s5 =	simm.s32 $0xFFFFFFFF;
	p2 =	slt.u32 s8, $0xFFFFF086  }
0x1c: {  	p1 =	slt.u32 s9, $0xF7A;
	s5 =	simm.s32 @!p2 $0x0  }
0x1d: {  	s5 =	simm.s32 @p1 $0x1;
	p0 =	seq.s32 s7, s2  }
0x1e: {  	s7 =	smul.u32 @!p0 $0xF7A, s2;
	p2 =	seq.s32 @!p0 s5, $0x0  }
0x1f: {  	s9 =	smul.u32 $0xF7A, s1;
	s8 =	simm.s32 @!p0 $0x1BF5;
	p2 =	por !p2, p0  }
0x20: {  	[sflag:s8] =	ssyncset.s32 @!p0 $0xFFFFF086;
	s6 =	sadd.s32 @!p0 s3, s7;
	s7 =	simm.s32 @!p0 $0x108  }
0x21: {  	s3 =	sadd.s32 s3, s9;
	s6 =	sadd.s32 @!p0 $0x88, s6;
	s7 =	simm.s32 @p2 $0x1082  }
0x22: {  	[simem:s7], [sflag:s8] =	dma.local @!p0 [hbm:s6], $0xF7A  }
0x23: {  	s9 =	sor.u32 $0xD0000000, s2;
	s6 =	simm.s32 $0x108;
	_ =	swait.ge @!p0 [sflag:s8], $0x0  }
0x24: {  	s3 =	sadd.s32 $0x88, s3;
	s6 =	simm.s32 @!p1 $0x1082;
	[sflag:s4] =	ssyncset.s32 $0xFFFFF086  }
0x25: {  	[simem:s6], [sflag:s4] =	dma.local [hbm:s3], $0xF7A  }
0x26: {  	[smem:$0x3F95] =	sst s1;
	(tag) =	ssettag s2;
	_ =	strace s9  }
0x27: {  	s1 =	sld [smem:$0x3FA5]  }
0x28: {  	s2 =	sld [smem:$0x3FA6]  }
0x29: {  	s4 =	sld [smem:$0x3FA8]  }
0x2a: {  	p0 =	seq.s32 s5, $0x0;
	s5 =	sld [smem:$0x3FA9]  }
0x2b: {  	s6 =	sld [smem:$0x3FAA]  }
0x2c: {  	s7 =	sld [smem:$0x3FAB]  }
0x2d: {  	s3 =	simm.s32 $0x108;
	s8 =	sld [smem:$0x3FAC]  }
0x2e: {  	s3 =	simm.s32 @!p0 $0x1082;
	s9 =	sld [smem:$0x3FAD]  }
0x2f: {  	lr =	sadd.s32 s0, s3;
	s0 =	sld [smem:$0x3FA4]  }
0x30: {  	s3 =	sld [smem:$0x3FA7]  }
0x31: {  	[smem:$0x3FB0] =	sst s10  }
0x32: {  	s10 =	sld [smem:$0x3FAE];
	_ =	sdelay $0x3  }
0x33: {  	p0 =	seq.s32 s10, $0x1;
	s10 =	sld [smem:$0x3FB0];
	_ =	sdelay $0x3  }
0x34: {  	[smem:$0x3FB0] =	sst s10  }
0x35: {  	s10 =	sld [smem:$0x3FAF];
	_ =	sdelay $0x3  }
0x36: {  	p1 =	seq.s32 s10, $0x1;
	s10 =	sld [smem:$0x3FB0];
	_ =	sdelay $0x3  }
0x37: {  	[smem:$0x3FB0] =	sst s10  }
0x38: {  	s10 =	sld [smem:$0x3FB1]  }
0x39: {  	_ = 	snop;
	(pc) =	sbr.ind lr, $3  }
0x3a: {  	_ = 	snop  }
0x3b: {  	_ = 	snop  }
0x3c: {  	p2 =	seq.s32 s10, $0x1;
	s10 =	sld [smem:$0x3FB0]  }
0x3d: {  	_ =	shalt  }
0x3e: {  	_ =	shalt  }
0x3f: {  	_ =	shalt  }
0x40: {  	_ =	shalt  }
0x41: {  	_ =	shalt  }
0x42: {  	_ =	shalt  }
0x43: {  	_ =	shalt  }
0x44: {  	_ =	shalt  }
0x45: {  	_ =	shalt  }
0x46: {  	_ =	shalt  }
0x47: {  	_ =	shalt  }
0x48: {  	_ =	shalt  }
0x49: {  	_ =	shalt  }
0x4a: {  	_ =	shalt  }
0x4b: {  	_ =	shalt  }
0x4c: {  	_ =	shalt  }
0x4d: {  	_ =	shalt  }
0x4e: {  	_ =	shalt  }
0x4f: {  	_ =	shalt  }
0x50: {  	_ =	shalt  }
0x51: {  	_ =	shalt  }
0x52: {  	_ =	shalt  }
0x53: {  	_ =	shalt  }
0x54: {  	_ =	shalt  }
0x55: {  	_ =	shalt  }
0x56: {  	_ =	shalt  }
0x57: {  	_ =	shalt  }
0x58: {  	_ =	shalt  }
0x59: {  	_ =	shalt  }
0x5a: {  	_ =	shalt  }
0x5b: {  	_ =	shalt  }
0x5c: {  	_ =	shalt  }
0x5d: {  	_ =	shalt  }
0x5e: {  	_ =	shalt  }
0x5f: {  	_ =	shalt  }
0x60: {  	_ =	shalt  }
0x61: {  	_ =	shalt  }
0x62: {  	_ =	shalt  }
0x63: {  	_ =	shalt  }
0x64: {  	_ =	shalt  }
0x65: {  	_ =	shalt  }
0x66: {  	_ =	shalt  }
0x67: {  	_ =	shalt  }
0x68: {  	_ =	shalt  }
0x69: {  	_ =	shalt  }
0x6a: {  	_ =	shalt  }
0x6b: {  	_ =	shalt  }
0x6c: {  	_ =	shalt  }
0x6d: {  	_ =	shalt  }
0x6e: {  	_ =	shalt  }
0x6f: {  	_ =	shalt  }
0x70: {  	_ =	shalt  }
0x71: {  	_ =	shalt  }
0x72: {  	_ =	shalt  }
0x73: {  	_ =	shalt  }
0x74: {  	_ =	shalt  }
0x75: {  	_ =	shalt  }
0x76: {  	_ =	shalt  }
0x77: {  	_ =	shalt  }
0x78: {  	_ =	shalt  }
0x79: {  	_ =	shalt  }
0x7a: {  	_ =	shalt  }
0x7b: {  	_ =	shalt  }
0x7c: {  	_ =	shalt  }
0x7d: {  	_ =	shalt  }
0x7e: {  	_ =	shalt  }
0x7f: {  	_ =	shalt  }
0x80: {  	_ =	shalt  }
0x81: {  	_ =	shalt  }
0x82: {  	_ =	shalt  }
0x83: {  	_ =	shalt  }
0x84: {  	_ =	shalt  }
0x85: {  	_ =	shalt  }
0x86: {  	_ =	shalt  }
0x87: {  	_ =	shalt  }
.Lfunc_end0:
.L_simem_size_0:
called_computation.6_lowered:
.L_overlay_start_0:
0x88: {  	s2 =	sld [smem:$0x3FD9]  }
0x89: {  	s3 =	sld [smem:$0x3FFE];
	_ =	sdelay $0x1  }
0x8a: {  	s1 =	srdreg.scid  }
0x8b: {  	s0 =	sand.u32 $0x1, s1  }
0x8c: {  	s16 =	sshll.u32 s0, $0xA;
	s2 =	sadd.s32 s3, s2  }
0x8d: {  	s2 =	sadd.s32 s2, s16  }
0x8e: {  	[smem:$0x3FBC] =	sst s2  }
0x8f: {  	_ = 	snop  }
0x90: {  	(tm) =	ssettm $0x1  }
0x91: {  	s17 =	sld [smem:$0x3FFB];
	_ =	sdelay $0x3  }
0x92: {  	_ =	strace s17  }
0x93: {  	s2 =	sld [smem:$0x3FFC];
	_ =	sdelay $0x3  }
0x94: {  	_ =	strace s2  }
0x95: {  	s2 =	sld [smem:$0x3FFD];
	_ =	sdelay $0x3  }
0x96: {  	_ =	strace s2  }
0x97: {  	_ =	strace $0x8FFFFFFF  }
0x98: {  	s18 =	sld [smem:$0x3FDB];
	_ =	sdelay $0x1  }
0x99: {  	s19 =	simm.s32 $_scs_section_size  }
0x9a: {  	s4 =	simm.s32 $_size__tile_overlayer_lowered;
	s5 =	simm.s32 $_tile_overlayer_lowered  }
0x9b: {  	s22 =	simm.s32 $0x1BFF;
	s21 =	sshll.u32 s5, $0x1;
	s2 =	sadd.s32 s19, s18  }
0x9c: {  	s6 =	simm.s32 $0x0;
	s20 =	sshll.u32 s4, $0x1;
	s4 =	sadd.s32 s21, s2  }
0x9d: {  	[timem:s6], [sflag:s22] =	dma.local [hbm:s4], s20  }
0x9e: {  	_ =	swait.ge [sflag:s22], s20  }
0x9f: {  	s3 =	ssub.s32 $0x0, s20;
	[sflag:s22] =	ssyncset.done $0x0  }
0xa0: {  	[sflag:s22] =	ssyncadd.s32 s3;
	_ =	sdelay $0x1  }
0xa1: {  	s23 =	simm.s32 $0x1B8B  }
0xa2: {  	_ =	swait.ge [sflag:s23], $0x1  }
0xa3: {  	[sflag:s23] =	ssyncset.done $0x0  }
0xa4: {  	s25 =	simm.s32 $0x1B8E;
	s24 =	sld [smem:$0x3FFE];
	[sflag:s23] =	ssyncadd.s32 $0xFFFFFFFF  }
0xa5: {  	s26 =	simm.s32 $execute0_lowered;
	[smem:$0x3FD2] =	sst s25  }
0xa6: {  	s4 =	sshll.u32 s26, $0x1;
	_ =	strace $0x80000058;
	[dreg:$0x1] =	wrdreg $0xFFFFFFFF  }
0xa7: {  	s28 =	simm.s32 $_size_execute0_lowered;
	s2 =	sadd.s32 s2, s4;
	[dreg:$0x0] =	wrdreg $0x0  }
0xa8: {  	s4 =	sshll.u32 s28, $0x1;
	[dreg:$0x2] =	wrdreg s2  }
0xa9: {  	[dreg:$0x3] =	wrdreg s4  }
0xaa: {  	[dreg:$0x4] =	wrdreg $0xC0  }
0xab: {  	_ =	task [dreg:s6], $0x5FFFF  }
0xac: {  	[dreg:$0x1] =	wrdreg $0xFFFFFFFF  }
0xad: {  	[dreg:$0x0] =	wrdreg $0x60  }
0xae: {  	[dreg:$0x2] =	wrdreg s24  }
0xaf: {  	[dreg:$0x3] =	wrdreg $0x31000  }
0xb0: {  	[dreg:$0x4] =	wrdreg $0x9  }
0xb1: {  	_ =	task.clear_ibuf [dreg:s6], $0x5FFFF;
	_ =	strace $0x90000058  }
0xb2: {  	s29 =	simm.s32 $0x9;
	_ =	strace $0x8000005A  }
0xb3: {  	_ =	swait.ge [sflag:s29], $0x1  }
0xb4: {  	[sflag:s29] =	ssyncadd.s32 $0xFFFFFFFF  }
0xb5: {  	_ =	strace $0x9000005A  }
0xb6: {  	_ =	sfence  }
0xb7: {  	s30 =	sld [smem:$0x0];
	_ =	sdelay $0x2  }
0xb8: {  	s31 =	sshll.u32 s1, $0xD;
	s1 =	sshrl.u32 s1, $0x2  }
0xb9: {  	s3 =	sand.u32 $0x4000, s31;
	s1 =	sadd.s32 s1, s30  }
0xba: {  	s0 =	sor.u32 s3, s0;
	s1 =	sshll.u32 s1, $0x11  }
0xbb: {  	s0 =	sor.u32 s1, s0  }
0xbc: {  	s0 =	sadd.s32 $0x8F2B, s0  }
0xbd: {  	[sflag:s0] =	ssyncadd.remote.s32 $0x1  }
0xbe: {  	_ =	sfence.sel $0xFFFF  }
0xbf: {  	[dreg:$0x0] =	wrdreg $0xFFFFFFFF;
	(pc) =	sbr.abs _section_cstart, $3  }
0xc0: {  	[dreg:$0x1] =	wrdreg $0xFFFFFFFF  }
0xc1: {  	_ =	task.clear_ibuf [dreg:s6], $0x2FFFF;
	_ =	strace $0x9FFFFFFF  }
0xc2: {  	(tm) =	ssettm $0x7FFFFFFF  }
0xc3: {  	_ =	shalt  }
tec
execute0_lowered:
.L_overlay_start_1:
0x0: {  	(tag) =	ssettag $0x1  }
0x1: {  	s0 =	rddreg [dreg:$0x0];
	s2 =	srdreg.scid  }
0x2: {  	s1 =	rddreg [dreg:$0x1];
	s3 =	simm.s32 $0x0;
	s15 =	simm.s32 $0x2900  }
0x3: {  	s16 =	simm.s32 $0x3;
	s17 =	simm.s32 $0x80;
	s18 =	simm.s32 $0x100  }
0x4: {  	s19 =	simm.s32 $0x900;
	s20 =	simm.s32 $0x1;
	s21 =	simm.s32 $0x2  }
0x5: {  	s22 =	simm.s32 $0x1100;
	s23 =	simm.s32 $0x1900;
	s12 =	sand.u32 $0x1, s2  }
0x6: {  	s24 =	simm.s32 $0x2100;
	s2 =	stileid.u32;
	s5 =	smul.u32 $0x31000, s12  }
0x7: {  	[smem:$0x7FF] =	sst s3;
	s4 =	sadd.s32 $0x9C9400, s0;
	s6 =	smul.u32 $0x188000, s12  }
0x8: {  	s25 =	simm.s32 $0x0;
	s7 =	smul.u32 $0x18800, s2;
	_ =	strace $0x80000059  }
0x9: {  	s8 =	ssub.s32 $0x2, s12;
	s9 =	smul.u32 $0x62000, s2;
	s10 =	sshll.u32 s2, $0x1  }
0xa: {  	s30 =	sshrl.u32 s8, $0x1;
	s10 =	sor.u32 s12, s10;
	s12 =	smul.u32 $0x1900000, s12  }
0xb: {  	s11 =	sadd.s32 s5, s0;
	s7 =	sadd.s32 s7, s6;
	s5 =	sadd.s32 $0x37400, s0  }
0xc: {  	s6 =	sadd.s32 $0x5400, s0;
	s31 =	sshrl.u32 s9, $0x2;
	s9 =	smul.u32 $0xC800, s10  }
0xd: {  	s7 =	sshrl.u32 s7, $0x3;
	s10 =	sadd.s32 $0x137B400, s11;
	s11 =	sadd.s32 $0x1813400, s11  }
0xe: {  	s14 =	sadd.s32 s7, s0;
	s7 =	sadd.s32 $0x1FCA200, s0;
	s0 =	ssub.s32 s8, s30  }
0xf: {  	v0 =	vimm.f32 $0.0e+00;
	s8 =	sadd.s32 s31, s1;
	s13 =	smax.u32 s0, $0x1;
	s14 =	sadd.s32 $0x13DD400, s14  }
.LBB2_1:
0x10: {  	s0 =	simm.s32 $0x0;
	s26 =	simm.s32 $0x200  }
.LBB2_2:
0x11: {  	p0 =	sne.s32 s26, $0x1E00;
	[tilespmem:s0+$0x2970] =	vst v0  }
0x12: {  	[tilespmem:s0+$0x2900] =	vst v0  }
0x13: {  	[tilespmem:s0+$0x2910] =	vst v0  }
.Ltmp0:
0x14: {  	[tilespmem:s0+$0x2920] =	vst v0;
	(pc) =	sbr.rel @p0 .LBB2_2-.Ltmp0, $4  }
0x15: {  	[tilespmem:s0+$0x2930] =	vst v0  }
0x16: {  	[tilespmem:s0+$0x2940] =	vst v0  }
0x17: {  	[tilespmem:s0+$0x2950] =	vst v0  }
0x18: {  	[tilespmem:s0+$0x2960] =	vst v0;
	s0 =	sshra.s32 s26, $0x2;
	s26 =	sadd.s32 $0x200, s26  }
0x19: {  	[tilespmem:s0+$0x2970] =	vst v0  }
0x1a: {  	[tilespmem:s0+$0x2900] =	vst v0  }
0x1b: {  	[tilespmem:s0+$0x2910] =	vst v0  }
0x1c: {  	[tilespmem:s0+$0x2920] =	vst v0  }
0x1d: {  	[tilespmem:s0+$0x2930] =	vst v0  }
0x1e: {  	[tilespmem:s0+$0x2940] =	vst v0  }
0x1f: {  	[tilespmem:s0+$0x2950] =	vst v0  }
0x20: {  	[tilespmem:s0+$0x2960] =	vst v0;
	s31 =	sadd.s32 $0x0, s8  }
0x21: {  	[spmem:s31] =	stream.linear.scatter [tilespmem:s15], [sflag:$0x3], $0x800, $0x38;
	[tilespmem:$0x1B900] =	vst v63  }
0x22: {  	s0 =	simm.s32 $0x2000;
	_ =	swait.ge [sflag:s16], $0x800  }
.LBB2_4:
0x23: {  	s26 =	sshra.s32 s0, $0x2;
	[sflag:s16] =	ssyncset.done $0x0;
	p0 =	sne.s32 s0, $0x60000  }
.Ltmp1:
0x24: {  	s26 =	sadd.s32 s26, s8;
	[sflag:s16] =	ssyncadd.s32 $0xFFFFF800;
	(pc) =	sbr.rel @p0 .LBB2_4-.Ltmp1, $3  }
0x25: {  	[spmem:s26] =	stream.linear.scatter [tilespmem:s15], [sflag:$0x3], $0x800, $0x38;
	[tilespmem:$0x1B900] =	vst v63  }
0x26: {  	s0 =	sadd.s32 $0x2000, s0;
	_ =	sdelay $0x1  }
0x27: {  	_ =	swait.ge [sflag:s16], $0x800  }
0x28: {  	[sflag:s16] =	ssyncset.done $0x0  }
0x29: {  	[sflag:s16] =	ssyncadd.s32 $0xFFFFF800  }
0x2a: {  	s26 =	simm.s32 $0x0;
	s28 =	simm.s32 $0x0;
	[bflag:$0x0] =	sbarrier.arrive $0xFFFF  }
.LBB2_6:
0x2b: {  	s0 =	sshll.u32 s28, $0x7  }
0x2c: {  	s0 =	sadd.s32 s9, s0  }
0x2d: {  	s29 =	sshrl.u32 s0, $0x3  }
0x2e: {  	s30 =	sadd.s32 s5, s29  }
0x2f: {  	[tilespmem:s26], [sflag:$0x3] =	stream.linear.gather [hbm4b:s30+s26], $0x80, $0x38;
	[tilespmem:$0x1B900] =	vst v63  }
0x30: {  	_ =	swait.ge [sflag:s16], $0x80  }
0x31: {  	[sflag:s16] =	ssyncset.done $0x0  }
0x32: {  	s29 =	sadd.s32 s6, s29;
	[sflag:s16] =	ssyncadd.s32 $0xFFFFFF80  }
0x33: {  	[tilespmem:s17], [sflag:$0x3] =	stream.linear.gather [hbm4b:s29+s26], $0x80, $0x38;
	[tilespmem:$0x1B900] =	vst v63  }
0x34: {  	_ =	swait.ge [sflag:s16], $0x80  }
0x35: {  	[sflag:s16] =	ssyncset.done $0x0  }
0x36: {  	[sflag:s16] =	ssyncadd.s32 $0xFFFFFF80  }
0x37: {  	[tilespmem:s18], [sflag:$0x1] =	stream.indirect.gather [hbm4b:s10+s17], $0x10, s17, s17, $0xb8;
	[tilespmem:$0x1B900] =	vst v63  }
0x38: {  	_ = 	snop  }
0x39: {  	[tilespmem:s19], [sflag:$0x2] =	stream.indirect.gather [hbm4b:s11+s17], $0x10, s26, s17, $0xb8;
	[tilespmem:$0x1B900] =	vst v63  }
0x3a: {  	_ =	swait.ge [sflag:s20], $0x800  }
0x3b: {  	[sflag:s20] =	ssyncset.done $0x0  }
0x3c: {  	s0 =	sshll.u32 s0, $0x4;
	[sflag:s20] =	ssyncadd.s32 $0xFFFFF800  }
0x3d: {  	s0 =	sadd.s32 s12, s0;
	_ =	swait.ge [sflag:s21], $0x800  }
0x3e: {  	s29 =	sshrl.u32 s0, $0x3;
	[sflag:s21] =	ssyncset.done $0x0  }
0x3f: {  	s0 =	sadd.s32 s4, s29;
	[sflag:s21] =	ssyncadd.s32 $0xFFFFF800  }
0x40: {  	[tilespmem:s22], [sflag:$0x3] =	stream.linear.gather [hbm4b:s0+s26], $0x800, $0x38;
	[tilespmem:$0x1B900] =	vst v63  }
0x41: {  	_ =	swait.ge [sflag:s16], $0x800  }
0x42: {  	[sflag:s16] =	ssyncset.done $0x0  }
0x43: {  	s30 =	simm.s32 $0x0;
	[sflag:s16] =	ssyncadd.s32 $0xFFFFF800  }
0x44: {  	v1 =	vld [tilespmem:s30+$0x170]  }
0x45: {  	v2 =	vld [tilespmem:s30+$0x970]  }
0x46: {  	v3 =	vld [tilespmem:s30+$0x100]  }
0x47: {  	v4 =	vld [tilespmem:s30+$0x1100]  }
0x48: {  	v5 =	vld [tilespmem:s30+$0x900]  }
0x49: {  	v6 =	vld [tilespmem:s30+$0x1110]  }
0x4a: {  	v7 =	vld [tilespmem:s30+$0x110]  }
0x4b: {  	v8 =	vld [tilespmem:s30+$0x910];
	v2 =	vmul.f32 v2, v1  }
0x4c: {  	v9 =	vld [tilespmem:s30+$0x120];
	v4 =	vmul.f32 v4, v3  }
0x4d: {  	v3 =	vmul.f32 v5, v3;
	[tilespmem:s30+$0x2170] =	vst v2;
	v2 =	vld [tilespmem:s30+$0x1120]  }
0x4e: {  	[tilespmem:s30+$0x1900] =	vst v4;
	v4 =	vld [tilespmem:s30+$0x920]  }
0x4f: {  	v5 =	vld [tilespmem:s30+$0x130];
	[tilespmem:s30+$0x2100] =	vst v3;
	v3 =	vmul.f32 v6, v7  }
0x50: {  	v6 =	vld [tilespmem:s30+$0x1130];
	v7 =	vmul.f32 v8, v7  }
0x51: {  	[tilespmem:s30+$0x1910] =	vst v3;
	v3 =	vld [tilespmem:s30+$0x130]  }
0x52: {  	[tilespmem:s30+$0x2110] =	vst v7;
	v7 =	vld [tilespmem:s30+$0x930];
	v2 =	vmul.f32 v2, v9  }
0x53: {  	v8 =	vld [tilespmem:s30+$0x140];
	v4 =	vmul.f32 v4, v9  }
0x54: {  	[tilespmem:s30+$0x1920] =	vst v2;
	v2 =	vld [tilespmem:s30+$0x1140]  }
0x55: {  	[tilespmem:s30+$0x2120] =	vst v4;
	v4 =	vmul.f32 v6, v5;
	v5 =	vld [tilespmem:s30+$0x940]  }
0x56: {  	v9 =	vld [tilespmem:s30+$0x150]  }
0x57: {  	v3 =	vmul.f32 v7, v3;
	v7 =	vld [tilespmem:s30+$0x1150]  }
0x58: {  	v10 =	vld [tilespmem:s30+$0x950]  }
0x59: {  	[tilespmem:s30+$0x1930] =	vst v4;
	v4 =	vld [tilespmem:s30+$0x1160];
	v2 =	vmul.f32 v2, v8  }
0x5a: {  	[tilespmem:s30+$0x2130] =	vst v3;
	v3 =	vld [tilespmem:s30+$0x160];
	v6 =	vmul.f32 v5, v8  }
0x5b: {  	v5 =	vld [tilespmem:s30+$0x960];
	[tilespmem:s30+$0x1940] =	vst v2  }
0x5c: {  	s31 =	simm.s32 $0x80;
	v7 =	vmul.f32 v7, v9;
	[tilespmem:s30+$0x2140] =	vst v6;
	v6 =	vld [tilespmem:s30+$0x1170]  }
0x5d: {  	s0 =	simm.s32 $0x400;
	v8 =	vmul.f32 v10, v9;
	v2 =	vld [tilespmem:s31+$0x170]  }
.LBB2_7:
0x5e: {  	p0 =	sne.s32 s0, $0x1E00;
	v9 =	vld [tilespmem:s31+$0x970];
	[tilespmem:s30+$0x1950] =	vst v7  }
0x5f: {  	v7 =	vld [tilespmem:s31+$0x100];
	[tilespmem:s30+$0x2150] =	vst v8;
	v4 =	vmul.f32 v4, v3  }
0x60: {  	v8 =	vld [tilespmem:s31+$0x1100];
	v3 =	vmul.f32 v5, v3  }
0x61: {  	v5 =	vld [tilespmem:s31+$0x900];
	[tilespmem:s30+$0x1960] =	vst v4;
	v4 =	vmul.f32 v6, v1  }
0x62: {  	v6 =	vld [tilespmem:s31+$0x1110];
	[tilespmem:s30+$0x2160] =	vst v3;
	v1 =	vmov v2  }
0x63: {  	v2 =	vld [tilespmem:s31+$0x110];
	v3 =	vmul.f32 v9, v1;
	[tilespmem:s30+$0x1970] =	vst v4;
	s30 =	smov.u32 s31  }
0x64: {  	v4 =	vld [tilespmem:s30+$0x910]  }
0x65: {  	v8 =	vmul.f32 v8, v7;
	v9 =	vld [tilespmem:s30+$0x120];
	[tilespmem:s30+$0x2170] =	vst v3  }
0x66: {  	v3 =	vmul.f32 v5, v7;
	v5 =	vld [tilespmem:s30+$0x1120]  }
0x67: {  	[tilespmem:s30+$0x1900] =	vst v8;
	v7 =	vld [tilespmem:s30+$0x920]  }
0x68: {  	[tilespmem:s30+$0x2100] =	vst v3;
	v3 =	vmul.f32 v6, v2;
	v6 =	vld [tilespmem:s30+$0x130]  }
0x69: {  	v2 =	vmul.f32 v4, v2;
	v4 =	vld [tilespmem:s30+$0x1130]  }
0x6a: {  	[tilespmem:s30+$0x1910] =	vst v3;
	v3 =	vld [tilespmem:s30+$0x130]  }
0x6b: {  	[tilespmem:s30+$0x2110] =	vst v2;
	v2 =	vmul.f32 v5, v9;
	v5 =	vld [tilespmem:s30+$0x930]  }
0x6c: {  	v7 =	vmul.f32 v7, v9;
	v8 =	vld [tilespmem:s30+$0x140]  }
0x6d: {  	[tilespmem:s30+$0x1920] =	vst v2;
	v2 =	vld [tilespmem:s30+$0x1140]  }
0x6e: {  	[tilespmem:s30+$0x2120] =	vst v7;
	v4 =	vmul.f32 v4, v6;
	v6 =	vld [tilespmem:s30+$0x940]  }
0x6f: {  	v9 =	vld [tilespmem:s30+$0x150]  }
0x70: {  	[tilespmem:s30+$0x1930] =	vst v4;
	v3 =	vmul.f32 v5, v3;
	v7 =	vld [tilespmem:s30+$0x1150]  }
0x71: {  	v10 =	vld [tilespmem:s30+$0x950]  }
.Ltmp2:
0x72: {  	[tilespmem:s30+$0x2130] =	vst v3;
	v2 =	vmul.f32 v2, v8;
	v4 =	vld [tilespmem:s30+$0x1160];
	(pc) =	sbr.rel @p0 .LBB2_7-.Ltmp2, $4  }
0x73: {  	v6 =	vmul.f32 v6, v8;
	v3 =	vld [tilespmem:s30+$0x160]  }
0x74: {  	[tilespmem:s30+$0x1940] =	vst v2;
	v5 =	vld [tilespmem:s30+$0x960]  }
0x75: {  	s31 =	sshra.s32 s0, $0x2;
	[tilespmem:s30+$0x2140] =	vst v6;
	v7 =	vmul.f32 v7, v9;
	v6 =	vld [tilespmem:s30+$0x1170]  }
0x76: {  	s0 =	sadd.s32 $0x200, s0;
	v2 =	vld [tilespmem:s31+$0x170];
	v8 =	vmul.f32 v10, v9  }
0x77: {  	v9 =	vld [tilespmem:s31+$0x970];
	[tilespmem:s30+$0x1950] =	vst v7  }
0x78: {  	v7 =	vld [tilespmem:s31+$0x100];
	[tilespmem:s30+$0x2150] =	vst v8;
	v4 =	vmul.f32 v4, v3  }
0x79: {  	v8 =	vld [tilespmem:s31+$0x1100];
	v3 =	vmul.f32 v5, v3  }
0x7a: {  	v10 =	vld [tilespmem:s31+$0x900];
	[tilespmem:s30+$0x1960] =	vst v4;
	v1 =	vmul.f32 v6, v1  }
0x7b: {  	v4 =	vld [tilespmem:s31+$0x1110];
	[tilespmem:s30+$0x2160] =	vst v3  }
0x7c: {  	v3 =	vld [tilespmem:s31+$0x110];
	[tilespmem:s30+$0x1970] =	vst v1  }
0x7d: {  	v50 =	vld [tilespmem:s31+$0x910]  }
0x7e: {  	v1 =	vmul.f32 v9, v2;
	v51 =	vld [tilespmem:s31+$0x120]  }
0x7f: {  	v52 =	vld [tilespmem:s31+$0x920]  }
0x80: {  	[tilespmem:s31+$0x2170] =	vst v1;
	v1 =	vld [tilespmem:s31+$0x1120]  }
0x81: {  	v53 =	vld [tilespmem:s31+$0x130]  }
0x82: {  	v54 =	vld [tilespmem:s31+$0x1130]  }
0x83: {  	v55 =	vld [tilespmem:s31+$0x130]  }
0x84: {  	v56 =	vld [tilespmem:s31+$0x140];
	v4 =	vmul.f32 v4, v3;
	v3 =	vmul.f32 v50, v3  }
0x85: {  	v58 =	vld [tilespmem:s31+$0x940];
	v1 =	vmul.f32 v1, v51  }
0x86: {  	[tilespmem:s31+$0x2110] =	vst v3;
	v3 =	vld [tilespmem:s31+$0x930]  }
0x87: {  	v8 =	vmul.f32 v8, v7;
	[tilespmem:s31+$0x1920] =	vst v1;
	v1 =	vld [tilespmem:s31+$0x1140]  }
0x88: {  	v59 =	vld [tilespmem:s31+$0x150];
	v7 =	vmul.f32 v10, v7  }
0x89: {  	v60 =	vld [tilespmem:s31+$0x1150];
	[tilespmem:s31+$0x1900] =	vst v8  }
0x8a: {  	v63 =	vld [tilespmem:s31+$0x1170];
	[tilespmem:s31+$0x2100] =	vst v7;
	v6 =	vmul.f32 v52, v51  }
0x8b: {  	v61 =	vld [tilespmem:s31+$0x950];
	[tilespmem:s31+$0x1910] =	vst v4;
	v3 =	vmul.f32 v3, v55  }
0x8c: {  	v62 =	vld [tilespmem:s31+$0x160];
	[tilespmem:s31+$0x2120] =	vst v6;
	v1 =	vmul.f32 v1, v56  }
0x8d: {  	v57 =	vmul.f32 v54, v53;
	[tilespmem:s31+$0x2130] =	vst v3;
	v3 =	vld [tilespmem:s31+$0x1160]  }
0x8e: {  	v5 =	vmul.f32 v58, v56;
	[tilespmem:s31+$0x1940] =	vst v1;
	v1 =	vld [tilespmem:s31+$0x960]  }
0x8f: {  	v2 =	vmul.f32 v63, v2;
	[tilespmem:s31+$0x1930] =	vst v57  }
0x90: {  	v4 =	vmul.f32 v60, v59;
	[tilespmem:s31+$0x2140] =	vst v5  }
0x91: {  	v6 =	vmul.f32 v61, v59;
	[tilespmem:s31+$0x1970] =	vst v2  }
0x92: {  	[tilespmem:s31+$0x1950] =	vst v4;
	v3 =	vmul.f32 v3, v62  }
0x93: {  	[tilespmem:s31+$0x2150] =	vst v6;
	v1 =	vmul.f32 v1, v62  }
0x94: {  	[tilespmem:s31+$0x1960] =	vst v3  }
0x95: {  	[tilespmem:s31+$0x2160] =	vst v1  }
0x96: {  	[spmem:s1] =	stream.indirect.scatter.add.f32 [tilespmem:s23], [sflag:$0x3], $0x10, s3, s17, $0xb8;
	[tilespmem:$0x1B900] =	vst v63  }
0x97: {  	s28 =	sadd.s32 $0x1, s28;
	_ =	swait.ge [sflag:s16], $0x800  }
0x98: {  	p0 =	sne.s32 s28, $0x190;
	[sflag:s16] =	ssyncset.done $0x0  }
.Ltmp3:
0x99: {  	s0 =	sadd.s32 s7, s29;
	[sflag:s16] =	ssyncadd.s32 $0xFFFFF800;
	(pc) =	sbr.rel @p0 .LBB2_6-.Ltmp3, $4  }
0x9a: {  	[hbm4b:s0+s3] =	stream.linear.scatter [tilespmem:s24], [sflag:$0x3], $0x800, $0x38;
	[tilespmem:$0x1B900] =	vst v63  }
0x9b: {  	_ =	swait.ge [sflag:s16], $0x800  }
0x9c: {  	[sflag:s16] =	ssyncset.done $0x0  }
0x9d: {  	[sflag:s16] =	ssyncadd.s32 $0xFFFFF800  }
0x9e: {  	[bflag:$0x0] =	sbarrier.arrive $0xFFFF;
	s0 =	sshll.u32 s2, $0x6  }
0x9f: {  	s26 =	sadd.s32 $0x0, s14;
	s28 =	sshrl.u32 s8, $0x3;
	s0 =	sor.u32 $0x1C03, s0  }
0xa0: {  	[hbm:s26], [sflag:s0] =	dma.local [spmem:s28], $0x100  }
0xa1: {  	s26 =	simm.s32 $0x100;
	s28 =	sadd.s32 $0x800, s8;
	_ =	swait.ge [sflag:s16], $0x100  }
.LBB2_10:
0xa2: {  	s29 =	sadd.s32 s26, s14;
	[sflag:s16] =	ssyncset.done $0x0;
	p0 =	sne.s32 s26, $0x3000  }
.Ltmp4:
0xa3: {  	s30 =	sshrl.u32 s28, $0x3;
	[sflag:s16] =	ssyncadd.s32 $0xFFFFFF00;
	(pc) =	sbr.rel @p0 .LBB2_10-.Ltmp4, $3  }
0xa4: {  	[hbm:s29], [sflag:s0] =	dma.local [spmem:s30], $0x100  }
0xa5: {  	s26 =	sadd.s32 $0x100, s26;
	_ =	sdelay $0x1  }
0xa6: {  	s28 =	sadd.s32 $0x800, s28;
	_ =	swait.ge [sflag:s16], $0x100  }
0xa7: {  	s25 =	sadd.s32 $0x1, s25  }
0xa8: {  	p0 =	sne.s32 s25, s13  }
.Ltmp5:
0xa9: {  	_ = 	snop;
	(pc) =	sbr.rel @p0 .LBB2_1-.Ltmp5, $3  }
0xaa: {  	_ =	sdelay $0x1  }
0xab: {  	[sflag:s16] =	ssyncset.done $0x0  }
0xac: {  	[sflag:s16] =	ssyncadd.s32 $0xFFFFFF00  }
0xad: {  	_ =	sfence.sel $0x180000  }
0xae: {  	[bflag:$0x0] =	sbarrier.arrive $0xFFFF  }
0xaf: {  	_ =	strace $0x90000059  }
0xb0: {  	[bflag:$0x2] =	sbarrier.arrive $0xFFFF  }
0xb1: {  	p0 =	sne.s32 s2, $0x0;
	s0 =	rddreg [dreg:$0x2]  }
0xb2: {  	s0 =	sadd.s32 @!p0 $0x100000, s0  }
0xb3: {  	[sflag:s0] =	ssyncadd.tile.s32 @!p0 $0x1;
	_ =	shalt  }
.Lfunc_end2:
_tile_overlayer_lowered:
.L_overlay_start_2:
0xb4: {  	(tag) =	ssettag $0x2  }
0xb5: {  	s0 =	rddreg [dreg:$0x0];
	s2 =	stileid.u32  }
0xb6: {  	s1 =	rddreg [dreg:$0x1];
	p0 =	sne.s32 s2, $0x0  }
0xb7: {  	s3 =	rddreg [dreg:$0x2];
	[bflag:$0x3] =	sbarrier.arrive $0xFFFF;
	s2 =	simm.s32 @!p0 $0x1C03  }
0xb8: {  	[timem:s3], [sflag:s2] =	dma.local @!p0 [hbm:s0], s1  }
0xb9: {  	s0 =	simm.s32 @!p0 $0x3  }
0xba: {  	_ =	swait.ge @!p0 [sflag:s0], s1  }
0xbb: {  	s1 =	ssub.s32 @!p0 $0x0, s1;
	[sflag:s0] =	ssyncset.done @!p0 $0x0  }
0xbc: {  	[sflag:s0] =	ssyncadd.s32 @!p0 s1  }
0xbd: {  	[bflag:$0x3] =	sbarrier.arrive $0xFFFF  }
0xbe: {  	_ =	shalt  }

// kernel: kernel.27.cloned.1.call-start
scs
__scs_entry_jumppad:
0x0: {  	(pc) =	sbr.rel $0x88, $3  }
0x1: {  	(tag) =	ssettag $0x0;
	lr =	simm.s32 $0x1  }
0x2: {  	[smem:$0x3F95] =	sst lr;
	_ =	strace $0xD0000000  }
0x3: {  	_ = 	snop  }
0x4: {  	_ = 	snop  }
0x5: {  	_ = 	snop  }
0x6: {  	_ = 	snop  }
0x7: {  	_ = 	snop  }
__scs_overlays_trampoline_lowered:
0x8: {  	[smem:$0x3FA4] =	sst s0  }
0x9: {  	[smem:$0x3FA5] =	sst s1  }
0xa: {  	[smem:$0x3FA6] =	sst s2  }
0xb: {  	[smem:$0x3FA7] =	sst s3  }
0xc: {  	[smem:$0x3FA8] =	sst s4  }
0xd: {  	[smem:$0x3FA9] =	sst s5  }
0xe: {  	[smem:$0x3FAA] =	sst s6  }
0xf: {  	[smem:$0x3FAB] =	sst s7  }
0x10: {  	[smem:$0x3FAC] =	sst s8  }
0x11: {  	[smem:$0x3FAD] =	sst s9;
	s0 =	simm.s32 @!p0 $0x0  }
0x12: {  	s1 =	sld [smem:$0x3F93];
	s0 =	simm.s32 @p0 $0x1  }
0x13: {  	[smem:$0x3FAE] =	sst s0;
	s0 =	simm.s32 @!p1 $0x0  }
0x14: {  	s2 =	sld [smem:$0x3F92];
	s0 =	simm.s32 @p1 $0x1  }
0x15: {  	[smem:$0x3FAF] =	sst s0;
	s0 =	simm.s32 @!p2 $0x0  }
0x16: {  	s3 =	sld [smem:$0x3FDB];
	s0 =	simm.s32 @p2 $0x1  }
0x17: {  	s4 =	simm.s32 $0x1BF5;
	[smem:$0x3FB1] =	sst s0  }
0x18: {  	s0 =	sld [smem:$0x3F94];
	_ =	swait.ge [sflag:s4], $0x0  }
0x19: {  	s7 =	sld [smem:$0x3F95]  }
0x1a: {  	s8 =	sadd.s32 $0xFFFFE003, lr  }
0x1b: {  	s9 =	sadd.s32 $0xFFFFFEF7, lr;
	s5 =	simm.s32 $0xFFFFFFFF;
	p2 =	slt.u32 s8, $0xFFFFF086  }
0x1c: {  	p1 =	slt.u32 s9, $0xF7A;
	s5 =	simm.s32 @!p2 $0x0  }
0x1d: {  	s5 =	simm.s32 @p1 $0x1;
	p0 =	seq.s32 s7, s2  }
0x1e: {  	s7 =	smul.u32 @!p0 $0xF7A, s2;
	p2 =	seq.s32 @!p0 s5, $0x0  }
0x1f: {  	s9 =	smul.u32 $0xF7A, s1;
	s8 =	simm.s32 @!p0 $0x1BF5;
	p2 =	por !p2, p0  }
0x20: {  	[sflag:s8] =	ssyncset.s32 @!p0 $0xFFFFF086;
	s6 =	sadd.s32 @!p0 s3, s7;
	s7 =	simm.s32 @!p0 $0x108  }
0x21: {  	s3 =	sadd.s32 s3, s9;
	s6 =	sadd.s32 @!p0 $0x88, s6;
	s7 =	simm.s32 @p2 $0x1082  }
0x22: {  	[simem:s7], [sflag:s8] =	dma.local @!p0 [hbm:s6], $0xF7A  }
0x23: {  	s9 =	sor.u32 $0xD0000000, s2;
	s6 =	simm.s32 $0x108;
	_ =	swait.ge @!p0 [sflag:s8], $0x0  }
0x24: {  	s3 =	sadd.s32 $0x88, s3;
	s6 =	simm.s32 @!p1 $0x1082;
	[sflag:s4] =	ssyncset.s32 $0xFFFFF086  }
0x25: {  	[simem:s6], [sflag:s4] =	dma.local [hbm:s3], $0xF7A  }
0x26: {  	[smem:$0x3F95] =	sst s1;
	(tag) =	ssettag s2;
	_ =	strace s9  }
0x27: {  	s1 =	sld [smem:$0x3FA5]  }
0x28: {  	s2 =	sld [smem:$0x3FA6]  }
0x29: {  	s4 =	sld [smem:$0x3FA8]  }
0x2a: {  	p0 =	seq.s32 s5, $0x0;
	s5 =	sld [smem:$0x3FA9]  }
0x2b: {  	s6 =	sld [smem:$0x3FAA]  }
0x2c: {  	s7 =	sld [smem:$0x3FAB]  }
0x2d: {  	s3 =	simm.s32 $0x108;
	s8 =	sld [smem:$0x3FAC]  }
0x2e: {  	s3 =	simm.s32 @!p0 $0x1082;
	s9 =	sld [smem:$0x3FAD]  }
0x2f: {  	lr =	sadd.s32 s0, s3;
	s0 =	sld [smem:$0x3FA4]  }
0x30: {  	s3 =	sld [smem:$0x3FA7]  }
0x31: {  	[smem:$0x3FB0] =	sst s10  }
0x32: {  	s10 =	sld [smem:$0x3FAE];
	_ =	sdelay $0x3  }
0x33: {  	p0 =	seq.s32 s10, $0x1;
	s10 =	sld [smem:$0x3FB0];
	_ =	sdelay $0x3  }
0x34: {  	[smem:$0x3FB0] =	sst s10  }
0x35: {  	s10 =	sld [smem:$0x3FAF];
	_ =	sdelay $0x3  }
0x36: {  	p1 =	seq.s32 s10, $0x1;
	s10 =	sld [smem:$0x3FB0];
	_ =	sdelay $0x3  }
0x37: {  	[smem:$0x3FB0] =	sst s10  }
0x38: {  	s10 =	sld [smem:$0x3FB1]  }
0x39: {  	_ = 	snop;
	(pc) =	sbr.ind lr, $3  }
0x3a: {  	_ = 	snop  }
0x3b: {  	_ = 	snop  }
0x3c: {  	p2 =	seq.s32 s10, $0x1;
	s10 =	sld [smem:$0x3FB0]  }
0x3d: {  	_ =	shalt  }
0x3e: {  	_ =	shalt  }
0x3f: {  	_ =	shalt  }
0x40: {  	_ =	shalt  }
0x41: {  	_ =	shalt  }
0x42: {  	_ =	shalt  }
0x43: {  	_ =	shalt  }
0x44: {  	_ =	shalt  }
0x45: {  	_ =	shalt  }
0x46: {  	_ =	shalt  }
0x47: {  	_ =	shalt  }
0x48: {  	_ =	shalt  }
0x49: {  	_ =	shalt  }
0x4a: {  	_ =	shalt  }
0x4b: {  	_ =	shalt  }
0x4c: {  	_ =	shalt  }
0x4d: {  	_ =	shalt  }
0x4e: {  	_ =	shalt  }
0x4f: {  	_ =	shalt  }
0x50: {  	_ =	shalt  }
0x51: {  	_ =	shalt  }
0x52: {  	_ =	shalt  }
0x53: {  	_ =	shalt  }
0x54: {  	_ =	shalt  }
0x55: {  	_ =	shalt  }
0x56: {  	_ =	shalt  }
0x57: {  	_ =	shalt  }
0x58: {  	_ =	shalt  }
0x59: {  	_ =	shalt  }
0x5a: {  	_ =	shalt  }
0x5b: {  	_ =	shalt  }
0x5c: {  	_ =	shalt  }
0x5d: {  	_ =	shalt  }
0x5e: {  	_ =	shalt  }
0x5f: {  	_ =	shalt  }
0x60: {  	_ =	shalt  }
0x61: {  	_ =	shalt  }
0x62: {  	_ =	shalt  }
0x63: {  	_ =	shalt  }
0x64: {  	_ =	shalt  }
0x65: {  	_ =	shalt  }
0x66: {  	_ =	shalt  }
0x67: {  	_ =	shalt  }
0x68: {  	_ =	shalt  }
0x69: {  	_ =	shalt  }
0x6a: {  	_ =	shalt  }
0x6b: {  	_ =	shalt  }
0x6c: {  	_ =	shalt  }
0x6d: {  	_ =	shalt  }
0x6e: {  	_ =	shalt  }
0x6f: {  	_ =	shalt  }
0x70: {  	_ =	shalt  }
0x71: {  	_ =	shalt  }
0x72: {  	_ =	shalt  }
0x73: {  	_ =	shalt  }
0x74: {  	_ =	shalt  }
0x75: {  	_ =	shalt  }
0x76: {  	_ =	shalt  }
0x77: {  	_ =	shalt  }
0x78: {  	_ =	shalt  }
0x79: {  	_ =	shalt  }
0x7a: {  	_ =	shalt  }
0x7b: {  	_ =	shalt  }
0x7c: {  	_ =	shalt  }
0x7d: {  	_ =	shalt  }
0x7e: {  	_ =	shalt  }
0x7f: {  	_ =	shalt  }
0x80: {  	_ =	shalt  }
0x81: {  	_ =	shalt  }
0x82: {  	_ =	shalt  }
0x83: {  	_ =	shalt  }
0x84: {  	_ =	shalt  }
0x85: {  	_ =	shalt  }
0x86: {  	_ =	shalt  }
0x87: {  	_ =	shalt  }
.Lfunc_end0:
.L_simem_size_0:
called_computation.7_lowered:
.L_overlay_start_0:
0x88: {  	s2 =	sld [smem:$0x3FD9]  }
0x89: {  	s3 =	sld [smem:$0x3FFE];
	_ =	sdelay $0x1  }
0x8a: {  	s1 =	srdreg.scid  }
0x8b: {  	s0 =	sand.u32 $0x1, s1  }
0x8c: {  	s16 =	sshll.u32 s0, $0xA;
	s2 =	sadd.s32 s3, s2  }
0x8d: {  	s2 =	sadd.s32 s2, s16  }
0x8e: {  	[smem:$0x3FBC] =	sst s2  }
0x8f: {  	_ = 	snop  }
0x90: {  	(tm) =	ssettm $0x1  }
0x91: {  	s17 =	sld [smem:$0x3FFB];
	_ =	sdelay $0x3  }
0x92: {  	_ =	strace s17  }
0x93: {  	s2 =	sld [smem:$0x3FFC];
	_ =	sdelay $0x3  }
0x94: {  	_ =	strace s2  }
0x95: {  	s2 =	sld [smem:$0x3FFD];
	_ =	sdelay $0x3  }
0x96: {  	_ =	strace s2  }
0x97: {  	_ =	strace $0x8FFFFFFF  }
0x98: {  	s18 =	sld [smem:$0x3FDB];
	_ =	sdelay $0x1  }
0x99: {  	s19 =	simm.s32 $_scs_section_size  }
0x9a: {  	s4 =	simm.s32 $_size__tile_overlayer_lowered;
	s5 =	simm.s32 $_tile_overlayer_lowered  }
0x9b: {  	s22 =	simm.s32 $0x1BFF;
	s21 =	sshll.u32 s5, $0x1;
	s2 =	sadd.s32 s19, s18  }
0x9c: {  	s6 =	simm.s32 $0x0;
	s20 =	sshll.u32 s4, $0x1;
	s4 =	sadd.s32 s21, s2  }
0x9d: {  	[timem:s6], [sflag:s22] =	dma.local [hbm:s4], s20  }
0x9e: {  	_ =	swait.ge [sflag:s22], s20  }
0x9f: {  	s3 =	ssub.s32 $0x0, s20;
	[sflag:s22] =	ssyncset.done $0x0  }
0xa0: {  	[sflag:s22] =	ssyncadd.s32 s3;
	_ =	sdelay $0x1  }
0xa1: {  	s23 =	simm.s32 $0x1B8B  }
0xa2: {  	_ =	swait.ge [sflag:s23], $0x1  }
0xa3: {  	[sflag:s23] =	ssyncset.done $0x0  }
0xa4: {  	s25 =	simm.s32 $0x1B8E;
	s24 =	sld [smem:$0x3FFE];
	[sflag:s23] =	ssyncadd.s32 $0xFFFFFFFF  }
0xa5: {  	s26 =	simm.s32 $execute0_lowered;
	[smem:$0x3FD2] =	sst s25  }
0xa6: {  	s4 =	sshll.u32 s26, $0x1;
	_ =	strace $0x8000005B;
	[dreg:$0x1] =	wrdreg $0xFFFFFFFF  }
0xa7: {  	s28 =	simm.s32 $_size_execute0_lowered;
	s2 =	sadd.s32 s2, s4;
	[dreg:$0x0] =	wrdreg $0x0  }
0xa8: {  	s4 =	sshll.u32 s28, $0x1;
	[dreg:$0x2] =	wrdreg s2  }
0xa9: {  	[dreg:$0x3] =	wrdreg s4  }
0xaa: {  	[dreg:$0x4] =	wrdreg $0xC0  }
0xab: {  	_ =	task [dreg:s6], $0x5FFFF  }
0xac: {  	[dreg:$0x1] =	wrdreg $0xFFFFFFFF  }
0xad: {  	[dreg:$0x0] =	wrdreg $0x60  }
0xae: {  	[dreg:$0x2] =	wrdreg s24  }
0xaf: {  	[dreg:$0x3] =	wrdreg $0x9  }
0xb0: {  	_ =	task.clear_ibuf [dreg:s6], $0x4FFFF;
	_ =	strace $0x9000005B  }
0xb1: {  	s29 =	simm.s32 $0x9;
	_ =	strace $0x8000005D  }
0xb2: {  	_ =	swait.ge [sflag:s29], $0x1  }
0xb3: {  	[sflag:s29] =	ssyncadd.s32 $0xFFFFFFFF  }
0xb4: {  	_ =	strace $0x9000005D  }
0xb5: {  	_ =	sfence  }
0xb6: {  	s30 =	sld [smem:$0x0];
	_ =	sdelay $0x2  }
0xb7: {  	s31 =	sshll.u32 s1, $0xD;
	s1 =	sshrl.u32 s1, $0x2  }
0xb8: {  	s3 =	sand.u32 $0x4000, s31;
	s1 =	sadd.s32 s1, s30  }
0xb9: {  	s0 =	sor.u32 s3, s0;
	s1 =	sshll.u32 s1, $0x11  }
0xba: {  	s0 =	sor.u32 s1, s0  }
0xbb: {  	s0 =	sadd.s32 $0x8F2B, s0  }
0xbc: {  	[sflag:s0] =	ssyncadd.remote.s32 $0x1  }
0xbd: {  	_ =	sfence.sel $0xFFFF  }
0xbe: {  	[dreg:$0x0] =	wrdreg $0xFFFFFFFF;
	(pc) =	sbr.abs _section_cstart, $3  }
0xbf: {  	[dreg:$0x1] =	wrdreg $0xFFFFFFFF  }
0xc0: {  	_ =	task.clear_ibuf [dreg:s6], $0x2FFFF;
	_ =	strace $0x9FFFFFFF  }
0xc1: {  	(tm) =	ssettm $0x7FFFFFFF  }
tec
execute0_lowered:
.L_overlay_start_1:
0x0: {  	(tag) =	ssettag $0x1  }
0x1: {  	s6 =	rddreg [dreg:$0x0]  }
0x2: {  	s2 =	srdreg.scid;
	s0 =	rddreg [dreg:$0x1]  }
0x3: {  	s1 =	simm.s32 $0x0;
	s12 =	simm.s32 $0x3;
	s13 =	simm.s32 $0x80  }
0x4: {  	s14 =	simm.s32 $0x100;
	s15 =	simm.s32 $0x900;
	s16 =	simm.s32 $0x1  }
0x5: {  	s17 =	simm.s32 $0x2;
	s18 =	simm.s32 $0x1100;
	s10 =	sand.u32 $0x1, s2  }
0x6: {  	s19 =	simm.s32 $0x1900;
	s20 =	simm.s32 $0x0;
	s2 =	smul.u32 $0x31000, s10  }
0x7: {  	[smem:$0x7FF] =	sst s1;
	s3 =	sadd.s32 $0x389400, s6;
	s4 =	sadd.s32 $0x37400, s6  }
0x8: {  	s5 =	sadd.s32 $0x5400, s6;
	s9 =	sadd.s32 s2, s6;
	s2 =	stileid.u32  }
0x9: {  	_ =	strace $0x8000005C;
	s7 =	ssub.s32 $0x2, s10;
	s8 =	sshll.u32 s2, $0x1  }
0xa: {  	s11 =	sshrl.u32 s7, $0x1;
	s8 =	sor.u32 s10, s8;
	s10 =	smul.u32 $0x1900000, s10  }
0xb: {  	s6 =	sadd.s32 $0x16ED400, s6;
	s11 =	ssub.s32 s7, s11;
	s7 =	smul.u32 $0xC800, s8  }
0xc: {  	s11 =	smax.u32 s11, $0x1;
	s8 =	sadd.s32 $0x168B400, s9;
	s9 =	sadd.s32 $0x1319400, s9  }
.LBB2_1:
0xd: {  	s21 =	simm.s32 $0x0  }
.LBB2_2:
0xe: {  	s22 =	sshll.u32 s21, $0x7  }
0xf: {  	s22 =	sadd.s32 s7, s22  }
0x10: {  	s23 =	sshrl.u32 s22, $0x3  }
0x11: {  	s25 =	simm.s32 $0x0;
	s24 =	sadd.s32 s4, s23  }
0x12: {  	[tilespmem:s25], [sflag:$0x3] =	stream.linear.gather [hbm4b:s24+s25], $0x80, $0x38;
	[tilespmem:$0x2100] =	vst v63  }
0x13: {  	_ =	swait.ge [sflag:s12], $0x80  }
0x14: {  	[sflag:s12] =	ssyncset.done $0x0  }
0x15: {  	s23 =	sadd.s32 s5, s23;
	[sflag:s12] =	ssyncadd.s32 $0xFFFFFF80  }
0x16: {  	[tilespmem:s13], [sflag:$0x3] =	stream.linear.gather [hbm4b:s23+s25], $0x80, $0x38;
	[tilespmem:$0x2100] =	vst v63  }
0x17: {  	_ =	swait.ge [sflag:s12], $0x80  }
0x18: {  	[sflag:s12] =	ssyncset.done $0x0  }
0x19: {  	[sflag:s12] =	ssyncadd.s32 $0xFFFFFF80  }
0x1a: {  	[tilespmem:s14], [sflag:$0x1] =	stream.indirect.gather [hbm4b:s8+s13], $0x10, s13, s13, $0xb8;
	[tilespmem:$0x2100] =	vst v63  }
0x1b: {  	_ = 	snop  }
0x1c: {  	[tilespmem:s15], [sflag:$0x2] =	stream.indirect.gather [hbm4b:s9+s13], $0x10, s25, s13, $0xb8;
	[tilespmem:$0x2100] =	vst v63  }
0x1d: {  	_ =	swait.ge [sflag:s16], $0x800  }
0x1e: {  	[sflag:s16] =	ssyncset.done $0x0  }
0x1f: {  	s22 =	sshll.u32 s22, $0x4;
	[sflag:s16] =	ssyncadd.s32 $0xFFFFF800  }
0x20: {  	s22 =	sadd.s32 s10, s22;
	_ =	swait.ge [sflag:s17], $0x800  }
0x21: {  	s22 =	sshrl.u32 s22, $0x3;
	[sflag:s17] =	ssyncset.done $0x0  }
0x22: {  	s31 =	sadd.s32 s3, s22;
	[sflag:s17] =	ssyncadd.s32 $0xFFFFF800  }
0x23: {  	[tilespmem:s18], [sflag:$0x3] =	stream.linear.gather [hbm4b:s31+s25], $0x800, $0x38;
	[tilespmem:$0x2100] =	vst v63  }
0x24: {  	_ =	swait.ge [sflag:s12], $0x800  }
0x25: {  	[sflag:s12] =	ssyncset.done $0x0  }
0x26: {  	s23 =	simm.s32 $0x0;
	[sflag:s12] =	ssyncadd.s32 $0xFFFFF800  }
0x27: {  	v0 =	vld [tilespmem:s23+$0x170]  }
0x28: {  	v1 =	vld [tilespmem:s23+$0x970]  }
0x29: {  	v2 =	vld [tilespmem:s23+$0x100]  }
0x2a: {  	v3 =	vld [tilespmem:s23+$0x900]  }
0x2b: {  	v4 =	vld [tilespmem:s23+$0x110]  }
0x2c: {  	v5 =	vld [tilespmem:s23+$0x910]  }
0x2d: {  	v6 =	vld [tilespmem:s23+$0x120]  }
0x2e: {  	v7 =	vld [tilespmem:s23+$0x130]  }
0x2f: {  	v0 =	vmul.f32 v1, v0;
	v1 =	vld [tilespmem:s23+$0x920]  }
0x30: {  	v8 =	vld [tilespmem:s23+$0x930]  }
0x31: {  	v9 =	vld [tilespmem:s23+$0x940];
	v2 =	vmul.f32 v3, v2  }
0x32: {  	[tilespmem:s23+$0x1970] =	vst v0;
	v0 =	vmul.f32 v5, v4;
	v5 =	vld [tilespmem:s23+$0x140]  }
0x33: {  	v3 =	vld [tilespmem:s23+$0x950];
	[tilespmem:s23+$0x1900] =	vst v2  }
0x34: {  	v2 =	vld [tilespmem:s23+$0x150];
	[tilespmem:s23+$0x1910] =	vst v0;
	v0 =	vmul.f32 v1, v6  }
0x35: {  	v4 =	vld [tilespmem:s23+$0x960];
	v6 =	vmul.f32 v8, v7  }
0x36: {  	s24 =	simm.s32 $0x80;
	[tilespmem:s23+$0x1920] =	vst v0;
	v0 =	vld [tilespmem:s23+$0x160]  }
0x37: {  	s25 =	simm.s32 $0x400;
	v5 =	vmul.f32 v9, v5;
	v1 =	vld [tilespmem:s24+$0x170];
	[tilespmem:s23+$0x1930] =	vst v6  }
.LBB2_3:
0x38: {  	p0 =	sne.s32 s25, $0x1E00;
	v6 =	vld [tilespmem:s24+$0x970]  }
0x39: {  	v7 =	vld [tilespmem:s24+$0x100];
	[tilespmem:s23+$0x1940] =	vst v5;
	v2 =	vmul.f32 v3, v2  }
0x3a: {  	v3 =	vld [tilespmem:s24+$0x900]  }
0x3b: {  	v5 =	vld [tilespmem:s24+$0x110];
	[tilespmem:s23+$0x1950] =	vst v2;
	v0 =	vmul.f32 v4, v0  }
0x3c: {  	v2 =	vld [tilespmem:s24+$0x910]  }
0x3d: {  	v4 =	vld [tilespmem:s24+$0x120];
	v1 =	vmul.f32 v6, v1;
	[tilespmem:s23+$0x1960] =	vst v0;
	s23 =	smov.u32 s24  }
0x3e: {  	v0 =	vld [tilespmem:s23+$0x920]  }
0x3f: {  	v3 =	vmul.f32 v3, v7;
	v6 =	vld [tilespmem:s23+$0x130];
	[tilespmem:s23+$0x1970] =	vst v1  }
0x40: {  	v1 =	vld [tilespmem:s23+$0x930]  }
0x41: {  	[tilespmem:s23+$0x1900] =	vst v3;
	v2 =	vmul.f32 v2, v5;
	v5 =	vld [tilespmem:s23+$0x140]  }
0x42: {  	v7 =	vld [tilespmem:s23+$0x940]  }
.Ltmp0:
0x43: {  	[tilespmem:s23+$0x1910] =	vst v2;
	v0 =	vmul.f32 v0, v4;
	v2 =	vld [tilespmem:s23+$0x150];
	(pc) =	sbr.rel @p0 .LBB2_3-.Ltmp0, $4  }
0x44: {  	v3 =	vld [tilespmem:s23+$0x950]  }
0x45: {  	[tilespmem:s23+$0x1920] =	vst v0;
	v6 =	vmul.f32 v1, v6;
	v0 =	vld [tilespmem:s23+$0x160]  }
0x46: {  	s24 =	sshra.s32 s25, $0x2;
	v4 =	vld [tilespmem:s23+$0x960]  }
0x47: {  	s25 =	sadd.s32 $0x200, s25;
	v1 =	vld [tilespmem:s24+$0x170];
	[tilespmem:s23+$0x1930] =	vst v6;
	v5 =	vmul.f32 v7, v5  }
0x48: {  	v6 =	vld [tilespmem:s24+$0x970]  }
0x49: {  	v7 =	vld [tilespmem:s24+$0x100];
	[tilespmem:s23+$0x1940] =	vst v5;
	v2 =	vmul.f32 v3, v2  }
0x4a: {  	v51 =	vld [tilespmem:s24+$0x900]  }
0x4b: {  	v5 =	vld [tilespmem:s24+$0x110];
	[tilespmem:s23+$0x1950] =	vst v2;
	v0 =	vmul.f32 v4, v0  }
0x4c: {  	v2 =	vld [tilespmem:s24+$0x910]  }
0x4d: {  	v52 =	vld [tilespmem:s24+$0x120];
	[tilespmem:s23+$0x1960] =	vst v0  }
0x4e: {  	v54 =	vld [tilespmem:s24+$0x920]  }
0x4f: {  	v55 =	vld [tilespmem:s24+$0x130]  }
0x50: {  	v56 =	vld [tilespmem:s24+$0x930]  }
0x51: {  	v57 =	vld [tilespmem:s24+$0x140]  }
0x52: {  	v58 =	vld [tilespmem:s24+$0x940]  }
0x53: {  	v59 =	vld [tilespmem:s24+$0x150]  }
0x54: {  	v53 =	vmul.f32 v6, v1;
	v60 =	vld [tilespmem:s24+$0x950]  }
0x55: {  	v61 =	vld [tilespmem:s24+$0x160];
	v3 =	vmul.f32 v51, v7  }
0x56: {  	v62 =	vld [tilespmem:s24+$0x960];
	[tilespmem:s24+$0x1970] =	vst v53;
	v2 =	vmul.f32 v2, v5  }
0x57: {  	[tilespmem:s24+$0x1900] =	vst v3;
	v1 =	vmul.f32 v54, v52  }
0x58: {  	[tilespmem:s24+$0x1910] =	vst v2;
	v0 =	vmul.f32 v56, v55  }
0x59: {  	v3 =	vmul.f32 v58, v57;
	[tilespmem:s24+$0x1920] =	vst v1  }
0x5a: {  	v63 =	vmul.f32 v60, v59;
	[tilespmem:s24+$0x1930] =	vst v0  }
0x5b: {  	s21 =	sadd.s32 $0x1, s21;
	[tilespmem:s24+$0x1940] =	vst v3;
	v1 =	vmul.f32 v62, v61  }
0x5c: {  	p0 =	sne.s32 s21, $0x190;
	[tilespmem:s24+$0x1950] =	vst v63  }
.Ltmp1:
0x5d: {  	s22 =	sadd.s32 s6, s22;
	[tilespmem:s24+$0x1960] =	vst v1;
	(pc) =	sbr.rel @p0 .LBB2_2-.Ltmp1, $4  }
0x5e: {  	[hbm4b:s22+s1] =	stream.linear.scatter [tilespmem:s19], [sflag:$0x3], $0x800, $0x38;
	[tilespmem:$0x2100] =	vst v63  }
0x5f: {  	_ =	swait.ge [sflag:s12], $0x800  }
0x60: {  	[sflag:s12] =	ssyncset.done $0x0  }
0x61: {  	[sflag:s12] =	ssyncadd.s32 $0xFFFFF800  }
0x62: {  	s20 =	sadd.s32 $0x1, s20  }
0x63: {  	p0 =	sne.s32 s20, s11  }
.Ltmp2:
0x64: {  	_ = 	snop;
	(pc) =	sbr.rel @p0 .LBB2_1-.Ltmp2, $1  }
0x65: {  	_ =	sdelay $0x3  }
0x66: {  	_ =	sfence.sel $0x180000  }
0x67: {  	[bflag:$0x0] =	sbarrier.arrive $0xFFFF  }
0x68: {  	p0 =	sne.s32 s2, $0x0;
	_ =	strace $0x9000005C  }
0x69: {  	s0 =	sadd.s32 @!p0 $0x100000, s0;
	[bflag:$0x2] =	sbarrier.arrive $0xFFFF  }
0x6a: {  	[sflag:s0] =	ssyncadd.tile.s32 @!p0 $0x1;
	_ =	shalt  }
.Lfunc_end2:
_tile_overlayer_lowered:
.L_overlay_start_2:
0x6b: {  	(tag) =	ssettag $0x2  }
0x6c: {  	s0 =	rddreg [dreg:$0x0];
	s2 =	stileid.u32  }
0x6d: {  	s1 =	rddreg [dreg:$0x1];
	p0 =	sne.s32 s2, $0x0  }
0x6e: {  	s3 =	rddreg [dreg:$0x2];
	[bflag:$0x3] =	sbarrier.arrive $0xFFFF;
	s2 =	simm.s32 @!p0 $0x1C03  }
0x6f: {  	[timem:s3], [sflag:s2] =	dma.local @!p0 [hbm:s0], s1  }
0x70: {  	s0 =	simm.s32 @!p0 $0x3  }
0x71: {  	_ =	swait.ge @!p0 [sflag:s0], s1  }
0x72: {  	s1 =	ssub.s32 @!p0 $0x0, s1;
	[sflag:s0] =	ssyncset.done @!p0 $0x0  }
0x73: {  	[sflag:s0] =	ssyncadd.s32 @!p0 s1  }
0x74: {  	[bflag:$0x3] =	sbarrier.arrive $0xFFFF  }
0x75: {  	_ =	shalt  }

// kernel: kernel.30.cloned.1.call-start
scs
__scs_entry_jumppad:
0x0: {  	(pc) =	sbr.rel $0x88, $3  }
0x1: {  	(tag) =	ssettag $0x0;
	lr =	simm.s32 $0x1  }
0x2: {  	[smem:$0x3F95] =	sst lr;
	_ =	strace $0xD0000000  }
0x3: {  	_ = 	snop  }
0x4: {  	_ = 	snop  }
0x5: {  	_ = 	snop  }
0x6: {  	_ = 	snop  }
0x7: {  	_ = 	snop  }
__scs_overlays_trampoline_lowered:
0x8: {  	[smem:$0x3FA4] =	sst s0  }
0x9: {  	[smem:$0x3FA5] =	sst s1  }
0xa: {  	[smem:$0x3FA6] =	sst s2  }
0xb: {  	[smem:$0x3FA7] =	sst s3  }
0xc: {  	[smem:$0x3FA8] =	sst s4  }
0xd: {  	[smem:$0x3FA9] =	sst s5  }
0xe: {  	[smem:$0x3FAA] =	sst s6  }
0xf: {  	[smem:$0x3FAB] =	sst s7  }
0x10: {  	[smem:$0x3FAC] =	sst s8  }
0x11: {  	[smem:$0x3FAD] =	sst s9;
	s0 =	simm.s32 @!p0 $0x0  }
0x12: {  	s1 =	sld [smem:$0x3F93];
	s0 =	simm.s32 @p0 $0x1  }
0x13: {  	[smem:$0x3FAE] =	sst s0;
	s0 =	simm.s32 @!p1 $0x0  }
0x14: {  	s2 =	sld [smem:$0x3F92];
	s0 =	simm.s32 @p1 $0x1  }
0x15: {  	[smem:$0x3FAF] =	sst s0;
	s0 =	simm.s32 @!p2 $0x0  }
0x16: {  	s3 =	sld [smem:$0x3FDB];
	s0 =	simm.s32 @p2 $0x1  }
0x17: {  	s4 =	simm.s32 $0x1BF5;
	[smem:$0x3FB1] =	sst s0  }
0x18: {  	s0 =	sld [smem:$0x3F94];
	_ =	swait.ge [sflag:s4], $0x0  }
0x19: {  	s7 =	sld [smem:$0x3F95]  }
0x1a: {  	s8 =	sadd.s32 $0xFFFFE003, lr  }
0x1b: {  	s9 =	sadd.s32 $0xFFFFFEF7, lr;
	s5 =	simm.s32 $0xFFFFFFFF;
	p2 =	slt.u32 s8, $0xFFFFF086  }
0x1c: {  	p1 =	slt.u32 s9, $0xF7A;
	s5 =	simm.s32 @!p2 $0x0  }
0x1d: {  	s5 =	simm.s32 @p1 $0x1;
	p0 =	seq.s32 s7, s2  }
0x1e: {  	s7 =	smul.u32 @!p0 $0xF7A, s2;
	p2 =	seq.s32 @!p0 s5, $0x0  }
0x1f: {  	s9 =	smul.u32 $0xF7A, s1;
	s8 =	simm.s32 @!p0 $0x1BF5;
	p2 =	por !p2, p0  }
0x20: {  	[sflag:s8] =	ssyncset.s32 @!p0 $0xFFFFF086;
	s6 =	sadd.s32 @!p0 s3, s7;
	s7 =	simm.s32 @!p0 $0x108  }
0x21: {  	s3 =	sadd.s32 s3, s9;
	s6 =	sadd.s32 @!p0 $0x88, s6;
	s7 =	simm.s32 @p2 $0x1082  }
0x22: {  	[simem:s7], [sflag:s8] =	dma.local @!p0 [hbm:s6], $0xF7A  }
0x23: {  	s9 =	sor.u32 $0xD0000000, s2;
	s6 =	simm.s32 $0x108;
	_ =	swait.ge @!p0 [sflag:s8], $0x0  }
0x24: {  	s3 =	sadd.s32 $0x88, s3;
	s6 =	simm.s32 @!p1 $0x1082;
	[sflag:s4] =	ssyncset.s32 $0xFFFFF086  }
0x25: {  	[simem:s6], [sflag:s4] =	dma.local [hbm:s3], $0xF7A  }
0x26: {  	[smem:$0x3F95] =	sst s1;
	(tag) =	ssettag s2;
	_ =	strace s9  }
0x27: {  	s1 =	sld [smem:$0x3FA5]  }
0x28: {  	s2 =	sld [smem:$0x3FA6]  }
0x29: {  	s4 =	sld [smem:$0x3FA8]  }
0x2a: {  	p0 =	seq.s32 s5, $0x0;
	s5 =	sld [smem:$0x3FA9]  }
0x2b: {  	s6 =	sld [smem:$0x3FAA]  }
0x2c: {  	s7 =	sld [smem:$0x3FAB]  }
0x2d: {  	s3 =	simm.s32 $0x108;
	s8 =	sld [smem:$0x3FAC]  }
0x2e: {  	s3 =	simm.s32 @!p0 $0x1082;
	s9 =	sld [smem:$0x3FAD]  }
0x2f: {  	lr =	sadd.s32 s0, s3;
	s0 =	sld [smem:$0x3FA4]  }
0x30: {  	s3 =	sld [smem:$0x3FA7]  }
0x31: {  	[smem:$0x3FB0] =	sst s10  }
0x32: {  	s10 =	sld [smem:$0x3FAE];
	_ =	sdelay $0x3  }
0x33: {  	p0 =	seq.s32 s10, $0x1;
	s10 =	sld [smem:$0x3FB0];
	_ =	sdelay $0x3  }
0x34: {  	[smem:$0x3FB0] =	sst s10  }
0x35: {  	s10 =	sld [smem:$0x3FAF];
	_ =	sdelay $0x3  }
0x36: {  	p1 =	seq.s32 s10, $0x1;
	s10 =	sld [smem:$0x3FB0];
	_ =	sdelay $0x3  }
0x37: {  	[smem:$0x3FB0] =	sst s10  }
0x38: {  	s10 =	sld [smem:$0x3FB1]  }
0x39: {  	_ = 	snop;
	(pc) =	sbr.ind lr, $3  }
0x3a: {  	_ = 	snop  }
0x3b: {  	_ = 	snop  }
0x3c: {  	p2 =	seq.s32 s10, $0x1;
	s10 =	sld [smem:$0x3FB0]  }
0x3d: {  	_ =	shalt  }
0x3e: {  	_ =	shalt  }
0x3f: {  	_ =	shalt  }
0x40: {  	_ =	shalt  }
0x41: {  	_ =	shalt  }
0x42: {  	_ =	shalt  }
0x43: {  	_ =	shalt  }
0x44: {  	_ =	shalt  }
0x45: {  	_ =	shalt  }
0x46: {  	_ =	shalt  }
0x47: {  	_ =	shalt  }
0x48: {  	_ =	shalt  }
0x49: {  	_ =	shalt  }
0x4a: {  	_ =	shalt  }
0x4b: {  	_ =	shalt  }
0x4c: {  	_ =	shalt  }
0x4d: {  	_ =	shalt  }
0x4e: {  	_ =	shalt  }
0x4f: {  	_ =	shalt  }
0x50: {  	_ =	shalt  }
0x51: {  	_ =	shalt  }
0x52: {  	_ =	shalt  }
0x53: {  	_ =	shalt  }
0x54: {  	_ =	shalt  }
0x55: {  	_ =	shalt  }
0x56: {  	_ =	shalt  }
0x57: {  	_ =	shalt  }
0x58: {  	_ =	shalt  }
0x59: {  	_ =	shalt  }
0x5a: {  	_ =	shalt  }
0x5b: {  	_ =	shalt  }
0x5c: {  	_ =	shalt  }
0x5d: {  	_ =	shalt  }
0x5e: {  	_ =	shalt  }
0x5f: {  	_ =	shalt  }
0x60: {  	_ =	shalt  }
0x61: {  	_ =	shalt  }
0x62: {  	_ =	shalt  }
0x63: {  	_ =	shalt  }
0x64: {  	_ =	shalt  }
0x65: {  	_ =	shalt  }
0x66: {  	_ =	shalt  }
0x67: {  	_ =	shalt  }
0x68: {  	_ =	shalt  }
0x69: {  	_ =	shalt  }
0x6a: {  	_ =	shalt  }
0x6b: {  	_ =	shalt  }
0x6c: {  	_ =	shalt  }
0x6d: {  	_ =	shalt  }
0x6e: {  	_ =	shalt  }
0x6f: {  	_ =	shalt  }
0x70: {  	_ =	shalt  }
0x71: {  	_ =	shalt  }
0x72: {  	_ =	shalt  }
0x73: {  	_ =	shalt  }
0x74: {  	_ =	shalt  }
0x75: {  	_ =	shalt  }
0x76: {  	_ =	shalt  }
0x77: {  	_ =	shalt  }
0x78: {  	_ =	shalt  }
0x79: {  	_ =	shalt  }
0x7a: {  	_ =	shalt  }
0x7b: {  	_ =	shalt  }
0x7c: {  	_ =	shalt  }
0x7d: {  	_ =	shalt  }
0x7e: {  	_ =	shalt  }
0x7f: {  	_ =	shalt  }
0x80: {  	_ =	shalt  }
0x81: {  	_ =	shalt  }
0x82: {  	_ =	shalt  }
0x83: {  	_ =	shalt  }
0x84: {  	_ =	shalt  }
0x85: {  	_ =	shalt  }
0x86: {  	_ =	shalt  }
0x87: {  	_ =	shalt  }
.Lfunc_end0:
.L_simem_size_0:
called_computation.8_lowered:
.L_overlay_start_0:
0x88: {  	s2 =	sld [smem:$0x3FD9]  }
0x89: {  	s3 =	sld [smem:$0x3FFE];
	_ =	sdelay $0x1  }
0x8a: {  	s1 =	srdreg.scid  }
0x8b: {  	s0 =	sand.u32 $0x1, s1  }
0x8c: {  	s16 =	sshll.u32 s0, $0xA;
	s2 =	sadd.s32 s3, s2  }
0x8d: {  	s2 =	sadd.s32 s2, s16  }
0x8e: {  	[smem:$0x3FBC] =	sst s2  }
0x8f: {  	_ = 	snop  }
0x90: {  	(tm) =	ssettm $0x1  }
0x91: {  	s17 =	sld [smem:$0x3FFB];
	_ =	sdelay $0x3  }
0x92: {  	_ =	strace s17  }
0x93: {  	s2 =	sld [smem:$0x3FFC];
	_ =	sdelay $0x3  }
0x94: {  	_ =	strace s2  }
0x95: {  	s2 =	sld [smem:$0x3FFD];
	_ =	sdelay $0x3  }
0x96: {  	_ =	strace s2  }
0x97: {  	_ =	strace $0x8FFFFFFF  }
0x98: {  	s18 =	sld [smem:$0x3FDB];
	_ =	sdelay $0x1  }
0x99: {  	s19 =	simm.s32 $_scs_section_size  }
0x9a: {  	s4 =	simm.s32 $_size__tile_overlayer_lowered;
	s5 =	simm.s32 $_tile_overlayer_lowered  }
0x9b: {  	s22 =	simm.s32 $0x1BFF;
	s21 =	sshll.u32 s5, $0x1;
	s2 =	sadd.s32 s19, s18  }
0x9c: {  	s6 =	simm.s32 $0x0;
	s20 =	sshll.u32 s4, $0x1;
	s4 =	sadd.s32 s21, s2  }
0x9d: {  	[timem:s6], [sflag:s22] =	dma.local [hbm:s4], s20  }
0x9e: {  	_ =	swait.ge [sflag:s22], s20  }
0x9f: {  	s3 =	ssub.s32 $0x0, s20;
	[sflag:s22] =	ssyncset.done $0x0  }
0xa0: {  	[sflag:s22] =	ssyncadd.s32 s3;
	_ =	sdelay $0x1  }
0xa1: {  	s23 =	simm.s32 $0x1B8B  }
0xa2: {  	_ =	swait.ge [sflag:s23], $0x1  }
0xa3: {  	[sflag:s23] =	ssyncset.done $0x0  }
0xa4: {  	s25 =	simm.s32 $0x1B8E;
	s24 =	sld [smem:$0x3FFE];
	[sflag:s23] =	ssyncadd.s32 $0xFFFFFFFF  }
0xa5: {  	s26 =	simm.s32 $execute0_lowered;
	[smem:$0x3FD2] =	sst s25  }
0xa6: {  	s4 =	sshll.u32 s26, $0x1;
	_ =	strace $0x8000005E;
	[dreg:$0x1] =	wrdreg $0xFFFFFFFF  }
0xa7: {  	s28 =	simm.s32 $_size_execute0_lowered;
	s2 =	sadd.s32 s2, s4;
	[dreg:$0x0] =	wrdreg $0x0  }
0xa8: {  	s4 =	sshll.u32 s28, $0x1;
	[dreg:$0x2] =	wrdreg s2  }
0xa9: {  	[dreg:$0x3] =	wrdreg s4  }
0xaa: {  	[dreg:$0x4] =	wrdreg $0xC0  }
0xab: {  	_ =	task [dreg:s6], $0x5FFFF  }
0xac: {  	[dreg:$0x1] =	wrdreg $0xFFFFFFFF  }
0xad: {  	[dreg:$0x0] =	wrdreg $0x60  }
0xae: {  	[dreg:$0x2] =	wrdreg s24  }
0xaf: {  	[dreg:$0x3] =	wrdreg $0x19000  }
0xb0: {  	[dreg:$0x4] =	wrdreg $0x9  }
0xb1: {  	_ =	task.clear_ibuf [dreg:s6], $0x5FFFF;
	_ =	strace $0x9000005E  }
0xb2: {  	s29 =	simm.s32 $0x9;
	_ =	strace $0x80000060  }
0xb3: {  	_ =	swait.ge [sflag:s29], $0x1  }
0xb4: {  	[sflag:s29] =	ssyncadd.s32 $0xFFFFFFFF  }
0xb5: {  	_ =	strace $0x90000060  }
0xb6: {  	_ =	sfence  }
0xb7: {  	s30 =	sld [smem:$0x0];
	_ =	sdelay $0x2  }
0xb8: {  	s31 =	sshll.u32 s1, $0xD;
	s1 =	sshrl.u32 s1, $0x2  }
0xb9: {  	s3 =	sand.u32 $0x4000, s31;
	s1 =	sadd.s32 s1, s30  }
0xba: {  	s0 =	sor.u32 s3, s0;
	s1 =	sshll.u32 s1, $0x11  }
0xbb: {  	s0 =	sor.u32 s1, s0  }
0xbc: {  	s0 =	sadd.s32 $0x8F2B, s0  }
0xbd: {  	[sflag:s0] =	ssyncadd.remote.s32 $0x1  }
0xbe: {  	_ =	sfence.sel $0xFFFF  }
0xbf: {  	[dreg:$0x0] =	wrdreg $0xFFFFFFFF;
	(pc) =	sbr.abs _section_cstart, $3  }
0xc0: {  	[dreg:$0x1] =	wrdreg $0xFFFFFFFF  }
0xc1: {  	_ =	task.clear_ibuf [dreg:s6], $0x2FFFF;
	_ =	strace $0x9FFFFFFF  }
0xc2: {  	(tm) =	ssettm $0x7FFFFFFF  }
0xc3: {  	_ =	shalt  }
tec
execute0_lowered:
.L_overlay_start_1:
0x0: {  	(tag) =	ssettag $0x1  }
0x1: {  	s0 =	stileid.u32  }
0x2: {  	s1 =	srdreg.scid;
	s5 =	rddreg [dreg:$0x0]  }
0x3: {  	s2 =	rddreg [dreg:$0x1];
	s4 =	smul.u32 $0x32000, s0  }
0x4: {  	s3 =	simm.s32 $0x0;
	s13 =	simm.s32 $0x80;
	s7 =	smul.u32 $0x19000, s0  }
0x5: {  	s14 =	simm.s32 $0x100;
	s15 =	simm.s32 $0x900;
	s22 =	smul.u32 $0x18800, s0  }
0x6: {  	s6 =	sand.u32 $0x1, s1;
	s1 =	rddreg [dreg:$0x2];
	s25 =	smul.u32 $0x62000, s0  }
0x7: {  	s16 =	simm.s32 $0x0;
	[smem:$0x7FF] =	sst s3;
	s8 =	smul.u32 $0xC800, s6  }
0x8: {  	s9 =	smul.u32 $0x188000, s6;
	_ =	strace $0x8000005F;
	s26 =	ssub.s32 $0x2, s6  }
0x9: {  	s6 =	smul.u32 $0x19000, s6;
	s10 =	sadd.s32 s4, s5;
	s28 =	sshrl.u32 s26, $0x1  }
0xa: {  	s29 =	sshrl.u32 s25, $0x2;
	s7 =	sadd.s32 s8, s7;
	s24 =	sadd.s32 s22, s9  }
0xb: {  	s30 =	ssub.s32 s26, s28;
	s31 =	sadd.s32 s6, s10;
	s23 =	sshrl.u32 s7, $0x3  }
0xc: {  	s4 =	sshrl.u32 s24, $0x3;
	s6 =	sadd.s32 $0x389400, s31;
	s7 =	sadd.s32 $0x69400, s31  }
0xd: {  	s11 =	sadd.s32 s23, s5;
	s12 =	sadd.s32 s4, s5;
	s4 =	sadd.s32 s29, s2  }
0xe: {  	s5 =	smax.u32 s30, $0x1;
	s8 =	sadd.s32 $0x5400, s11;
	s9 =	sadd.s32 $0x37400, s11  }
0xf: {  	v0 =	vimm.f32 $0.0e+00;
	s10 =	sadd.s32 $0x6A9400, s12;
	s11 =	simm.s32 $0x1100;
	s12 =	simm.s32 $0x1  }
.LBB2_1:
0x10: {  	s17 =	simm.s32 $0x0;
	s18 =	simm.s32 $0x200  }
.LBB2_2:
0x11: {  	p0 =	sne.s32 s18, $0x1E00;
	[tilespmem:s17+$0x1170] =	vst v0  }
0x12: {  	[tilespmem:s17+$0x1100] =	vst v0  }
0x13: {  	[tilespmem:s17+$0x1110] =	vst v0  }
.Ltmp0:
0x14: {  	[tilespmem:s17+$0x1120] =	vst v0;
	(pc) =	sbr.rel @p0 .LBB2_2-.Ltmp0, $4  }
0x15: {  	[tilespmem:s17+$0x1130] =	vst v0  }
0x16: {  	[tilespmem:s17+$0x1140] =	vst v0  }
0x17: {  	[tilespmem:s17+$0x1150] =	vst v0  }
0x18: {  	[tilespmem:s17+$0x1160] =	vst v0;
	s17 =	sshra.s32 s18, $0x2;
	s18 =	sadd.s32 $0x200, s18  }
0x19: {  	[tilespmem:s17+$0x1170] =	vst v0  }
0x1a: {  	[tilespmem:s17+$0x1100] =	vst v0  }
0x1b: {  	[tilespmem:s17+$0x1110] =	vst v0  }
0x1c: {  	[tilespmem:s17+$0x1120] =	vst v0  }
0x1d: {  	[tilespmem:s17+$0x1130] =	vst v0  }
0x1e: {  	[tilespmem:s17+$0x1140] =	vst v0  }
0x1f: {  	[tilespmem:s17+$0x1150] =	vst v0  }
0x20: {  	[tilespmem:s17+$0x1160] =	vst v0;
	s31 =	sadd.s32 $0x0, s4  }
0x21: {  	[spmem:s31] =	stream.linear.scatter [tilespmem:s11], [sflag:$0x1], $0x800, $0x38;
	[tilespmem:$0x1A100] =	vst v63  }
0x22: {  	s17 =	simm.s32 $0x2000;
	_ =	swait.ge [sflag:s12], $0x800  }
.LBB2_4:
0x23: {  	s18 =	sshra.s32 s17, $0x2;
	[sflag:s12] =	ssyncset.done $0x0;
	p0 =	sne.s32 s17, $0x60000  }
.Ltmp1:
0x24: {  	s18 =	sadd.s32 s18, s4;
	[sflag:s12] =	ssyncadd.s32 $0xFFFFF800;
	(pc) =	sbr.rel @p0 .LBB2_4-.Ltmp1, $3  }
0x25: {  	[spmem:s18] =	stream.linear.scatter [tilespmem:s11], [sflag:$0x1], $0x800, $0x38;
	[tilespmem:$0x1A100] =	vst v63  }
0x26: {  	s17 =	sadd.s32 $0x2000, s17;
	_ =	sdelay $0x1  }
0x27: {  	_ =	swait.ge [sflag:s12], $0x800  }
0x28: {  	[sflag:s12] =	ssyncset.done $0x0  }
0x29: {  	[sflag:s12] =	ssyncadd.s32 $0xFFFFF800  }
0x2a: {  	s17 =	sadd.s32 $0x0, s9;
	[bflag:$0x0] =	sbarrier.arrive $0xFFFF  }
0x2b: {  	[tilespmem:s3], [sflag:$0x1] =	stream.linear.gather [hbm4b:s17+s3], $0x80, $0x38;
	[tilespmem:$0x1A100] =	vst v63  }
0x2c: {  	_ =	swait.ge [sflag:s12], $0x80  }
0x2d: {  	[sflag:s12] =	ssyncset.done $0x0  }
0x2e: {  	s31 =	sadd.s32 $0x0, s8;
	[sflag:s12] =	ssyncadd.s32 $0xFFFFFF80  }
0x2f: {  	[tilespmem:s13], [sflag:$0x1] =	stream.linear.gather [hbm4b:s31+s3], $0x80, $0x38;
	[tilespmem:$0x1A100] =	vst v63  }
0x30: {  	_ =	swait.ge [sflag:s12], $0x80  }
0x31: {  	[sflag:s12] =	ssyncset.done $0x0  }
0x32: {  	[sflag:s12] =	ssyncadd.s32 $0xFFFFFF80  }
0x33: {  	[tilespmem:s14], [sflag:$0x1] =	stream.linear.gather [hbm4b:s7+s3], $0x800, $0x38;
	[tilespmem:$0x1A100] =	vst v63  }
0x34: {  	_ =	swait.ge [sflag:s12], $0x800  }
0x35: {  	[sflag:s12] =	ssyncset.done $0x0  }
0x36: {  	[sflag:s12] =	ssyncadd.s32 $0xFFFFF800  }
0x37: {  	[tilespmem:s15], [sflag:$0x1] =	stream.linear.gather [hbm4b:s6+s3], $0x800, $0x38;
	[tilespmem:$0x1A100] =	vst v63  }
0x38: {  	_ =	swait.ge [sflag:s12], $0x800  }
0x39: {  	[sflag:s12] =	ssyncset.done $0x0  }
0x3a: {  	[sflag:s12] =	ssyncadd.s32 $0xFFFFF800  }
0x3b: {  	[spmem:s2] =	stream.indirect.scatter.add.f32 [tilespmem:s14], [sflag:$0x1], $0x10, s3, s13, $0xb8;
	[tilespmem:$0x1A100] =	vst v63  }
0x3c: {  	_ =	swait.ge [sflag:s12], $0x800  }
0x3d: {  	[sflag:s12] =	ssyncset.done $0x0  }
0x3e: {  	[sflag:s12] =	ssyncadd.s32 $0xFFFFF800  }
0x3f: {  	[spmem:s2] =	stream.indirect.scatter.add.f32 [tilespmem:s15], [sflag:$0x1], $0x10, s13, s13, $0xb8;
	[tilespmem:$0x1A100] =	vst v63  }
0x40: {  	s19 =	simm.s32 $0x10;
	s20 =	simm.s32 $0x20;
	_ =	swait.ge [sflag:s12], $0x800  }
0x41: {  	s18 =	sadd.s32 $0x100, s7;
	s17 =	sadd.s32 $0x100, s6;
	[sflag:s12] =	ssyncset.done $0x0  }
.LBB2_6:
0x42: {  	s21 =	sadd.s32 s19, s9  }
0x43: {  	[sflag:s12] =	ssyncadd.s32 $0xFFFFF800;
	s22 =	smov.u32 s20;
	s23 =	sadd.s32 $0x10, s20  }
0x44: {  	[tilespmem:s3], [sflag:$0x1] =	stream.linear.gather [hbm4b:s21+s3], $0x80, $0x38;
	[tilespmem:$0x1A100] =	vst v63  }
0x45: {  	p0 =	sne.s32 s20, $0x18F0;
	_ =	swait.ge [sflag:s12], $0x80  }
0x46: {  	[sflag:s12] =	ssyncset.done $0x0  }
0x47: {  	s20 =	sadd.s32 s19, s8;
	s19 =	smov.u32 s22;
	[sflag:s12] =	ssyncadd.s32 $0xFFFFFF80  }
0x48: {  	[tilespmem:s13], [sflag:$0x1] =	stream.linear.gather [hbm4b:s20+s3], $0x80, $0x38;
	[tilespmem:$0x1A100] =	vst v63  }
0x49: {  	_ =	swait.ge [sflag:s12], $0x80  }
0x4a: {  	[sflag:s12] =	ssyncset.done $0x0  }
0x4b: {  	[sflag:s12] =	ssyncadd.s32 $0xFFFFFF80  }
0x4c: {  	[tilespmem:s14], [sflag:$0x1] =	stream.linear.gather [hbm4b:s18+s3], $0x800, $0x38;
	[tilespmem:$0x1A100] =	vst v63  }
0x4d: {  	_ =	swait.ge [sflag:s12], $0x800  }
0x4e: {  	[sflag:s12] =	ssyncset.done $0x0  }
0x4f: {  	[sflag:s12] =	ssyncadd.s32 $0xFFFFF800  }
0x50: {  	[tilespmem:s15], [sflag:$0x1] =	stream.linear.gather [hbm4b:s17+s3], $0x800, $0x38;
	[tilespmem:$0x1A100] =	vst v63  }
0x51: {  	_ =	swait.ge [sflag:s12], $0x800  }
0x52: {  	[sflag:s12] =	ssyncset.done $0x0  }
0x53: {  	[sflag:s12] =	ssyncadd.s32 $0xFFFFF800  }
0x54: {  	[spmem:s2] =	stream.indirect.scatter.add.f32 [tilespmem:s14], [sflag:$0x1], $0x10, s3, s13, $0xb8;
	[tilespmem:$0x1A100] =	vst v63  }
0x55: {  	_ =	swait.ge [sflag:s12], $0x800  }
.Ltmp2:
0x56: {  	[sflag:s12] =	ssyncset.done $0x0;
	(pc) =	sbr.rel @p0 .LBB2_6-.Ltmp2, $4  }
0x57: {  	[sflag:s12] =	ssyncadd.s32 $0xFFFFF800  }
0x58: {  	[spmem:s2] =	stream.indirect.scatter.add.f32 [tilespmem:s15], [sflag:$0x1], $0x10, s13, s13, $0xb8;
	[tilespmem:$0x1A100] =	vst v63  }
0x59: {  	s20 =	smov.u32 s23;
	_ =	swait.ge [sflag:s12], $0x800  }
0x5a: {  	s18 =	sadd.s32 $0x100, s18;
	s17 =	sadd.s32 $0x100, s17;
	[sflag:s12] =	ssyncset.done $0x0  }
0x5b: {  	s20 =	sadd.s32 s19, s9;
	[sflag:s12] =	ssyncadd.s32 $0xFFFFF800  }
0x5c: {  	[tilespmem:s3], [sflag:$0x1] =	stream.linear.gather [hbm4b:s20+s3], $0x80, $0x38;
	[tilespmem:$0x1A100] =	vst v63  }
0x5d: {  	_ =	swait.ge [sflag:s12], $0x80  }
0x5e: {  	[sflag:s12] =	ssyncset.done $0x0  }
0x5f: {  	s28 =	sadd.s32 s19, s8;
	[sflag:s12] =	ssyncadd.s32 $0xFFFFFF80  }
0x60: {  	[tilespmem:s13], [sflag:$0x1] =	stream.linear.gather [hbm4b:s28+s3], $0x80, $0x38;
	[tilespmem:$0x1A100] =	vst v63  }
0x61: {  	_ =	swait.ge [sflag:s12], $0x80  }
0x62: {  	[sflag:s12] =	ssyncset.done $0x0  }
0x63: {  	[sflag:s12] =	ssyncadd.s32 $0xFFFFFF80  }
0x64: {  	[tilespmem:s14], [sflag:$0x1] =	stream.linear.gather [hbm4b:s18+s3], $0x800, $0x38;
	[tilespmem:$0x1A100] =	vst v63  }
0x65: {  	_ =	swait.ge [sflag:s12], $0x800  }
0x66: {  	[sflag:s12] =	ssyncset.done $0x0  }
0x67: {  	[sflag:s12] =	ssyncadd.s32 $0xFFFFF800  }
0x68: {  	[tilespmem:s15], [sflag:$0x1] =	stream.linear.gather [hbm4b:s17+s3], $0x800, $0x38;
	[tilespmem:$0x1A100] =	vst v63  }
0x69: {  	_ =	swait.ge [sflag:s12], $0x800  }
0x6a: {  	[sflag:s12] =	ssyncset.done $0x0  }
0x6b: {  	[sflag:s12] =	ssyncadd.s32 $0xFFFFF800  }
0x6c: {  	[spmem:s2] =	stream.indirect.scatter.add.f32 [tilespmem:s14], [sflag:$0x1], $0x10, s3, s13, $0xb8;
	[tilespmem:$0x1A100] =	vst v63  }
0x6d: {  	_ =	swait.ge [sflag:s12], $0x800  }
0x6e: {  	[sflag:s12] =	ssyncset.done $0x0  }
0x6f: {  	[sflag:s12] =	ssyncadd.s32 $0xFFFFF800  }
0x70: {  	[spmem:s2] =	stream.indirect.scatter.add.f32 [tilespmem:s15], [sflag:$0x1], $0x10, s13, s13, $0xb8;
	[tilespmem:$0x1A100] =	vst v63  }
0x71: {  	_ =	swait.ge [sflag:s12], $0x800  }
0x72: {  	[sflag:s12] =	ssyncset.done $0x0  }
0x73: {  	s29 =	sshll.u32 s0, $0x6;
	s30 =	sadd.s32 $0x0, s10;
	[sflag:s12] =	ssyncadd.s32 $0xFFFFF800  }
0x74: {  	s31 =	sshrl.u32 s4, $0x3;
	s17 =	sor.u32 $0x1C01, s29;
	[bflag:$0x0] =	sbarrier.arrive $0xFFFF  }
0x75: {  	[hbm:s30], [sflag:s17] =	dma.local [spmem:s31], $0x100  }
0x76: {  	s19 =	sadd.s32 $0x800, s4;
	s18 =	simm.s32 $0x100;
	_ =	swait.ge [sflag:s12], $0x100  }
.LBB2_8:
0x77: {  	s20 =	sadd.s32 s18, s10;
	[sflag:s12] =	ssyncset.done $0x0;
	p0 =	sne.s32 s18, $0x3000  }
.Ltmp3:
0x78: {  	s21 =	sshrl.u32 s19, $0x3;
	[sflag:s12] =	ssyncadd.s32 $0xFFFFFF00;
	(pc) =	sbr.rel @p0 .LBB2_8-.Ltmp3, $3  }
0x79: {  	[hbm:s20], [sflag:s17] =	dma.local [spmem:s21], $0x100  }
0x7a: {  	s18 =	sadd.s32 $0x100, s18;
	_ =	sdelay $0x1  }
0x7b: {  	s19 =	sadd.s32 $0x800, s19;
	_ =	swait.ge [sflag:s12], $0x100  }
0x7c: {  	s16 =	sadd.s32 $0x1, s16  }
0x7d: {  	p0 =	sne.s32 s16, s5  }
.Ltmp4:
0x7e: {  	_ = 	snop;
	(pc) =	sbr.rel @p0 .LBB2_1-.Ltmp4, $3  }
0x7f: {  	_ =	sdelay $0x1  }
0x80: {  	[sflag:s12] =	ssyncset.done $0x0  }
0x81: {  	[sflag:s12] =	ssyncadd.s32 $0xFFFFFF00  }
0x82: {  	_ =	sfence.sel $0x180000  }
0x83: {  	[bflag:$0x0] =	sbarrier.arrive $0xFFFF  }
0x84: {  	p0 =	sne.s32 s0, $0x0;
	_ =	strace $0x9000005F  }
0x85: {  	s0 =	sadd.s32 @!p0 $0x100000, s1;
	[bflag:$0x2] =	sbarrier.arrive $0xFFFF  }
0x86: {  	[sflag:s0] =	ssyncadd.tile.s32 @!p0 $0x1;
	_ =	shalt  }
.Lfunc_end2:
_tile_overlayer_lowered:
.L_overlay_start_2:
0x87: {  	(tag) =	ssettag $0x2  }
0x88: {  	s0 =	rddreg [dreg:$0x0];
	s2 =	stileid.u32  }
0x89: {  	s1 =	rddreg [dreg:$0x1];
	p0 =	sne.s32 s2, $0x0  }
0x8a: {  	s3 =	rddreg [dreg:$0x2];
	[bflag:$0x3] =	sbarrier.arrive $0xFFFF;
	s2 =	simm.s32 @!p0 $0x1C01  }
0x8b: {  	[timem:s3], [sflag:s2] =	dma.local @!p0 [hbm:s0], s1  }
0x8c: {  	s0 =	simm.s32 @!p0 $0x1  }
0x8d: {  	_ =	swait.ge @!p0 [sflag:s0], s1  }
0x8e: {  	s1 =	ssub.s32 @!p0 $0x0, s1;
	[sflag:s0] =	ssyncset.done @!p0 $0x0  }
0x8f: {  	[sflag:s0] =	ssyncadd.s32 @!p0 s1  }
0x90: {  	[bflag:$0x3] =	sbarrier.arrive $0xFFFF  }
0x91: {  	_ =	shalt  }

// kernel: sparse-core-data-format-call.1.cloned.1.call-start
scs
called_computation.1_lowered:
.L_overlay_start_0:
0x0: {  	s1 =	sld [smem:$0x3FD9]  }
0x1: {  	s2 =	sld [smem:$0x3FFE];
	_ =	sdelay $0x1  }
0x2: {  	s3 =	srdreg.scid  }
0x3: {  	s0 =	sand.u32 $0x1, s3  }
0x4: {  	s17 =	sshll.u32 s0, $0xA;
	s1 =	sadd.s32 s2, s1  }
0x5: {  	s1 =	sadd.s32 s1, s17  }
0x6: {  	[smem:$0x3FBC] =	sst s1  }
0x7: {  	_ = 	snop  }
0x8: {  	(tm) =	ssettm $0x1  }
0x9: {  	s18 =	sld [smem:$0x3FFB];
	_ =	sdelay $0x3  }
0xa: {  	_ =	strace s18  }
0xb: {  	s1 =	sld [smem:$0x3FFC];
	_ =	sdelay $0x3  }
0xc: {  	_ =	strace s1  }
0xd: {  	s1 =	sld [smem:$0x3FFD];
	_ =	sdelay $0x3  }
0xe: {  	_ =	strace s1  }
0xf: {  	_ =	strace $0x8FFFFFFF  }
0x10: {  	s19 =	sld [smem:$0x3FDB];
	_ =	sdelay $0x1  }
0x11: {  	s20 =	simm.s32 $_scs_section_size  }
0x12: {  	s4 =	simm.s32 $_size__tile_overlayer_lowered;
	s5 =	simm.s32 $_tile_overlayer_lowered  }
0x13: {  	s23 =	simm.s32 $0x1BFF;
	s22 =	sshll.u32 s5, $0x1;
	s1 =	sadd.s32 s20, s19  }
0x14: {  	s6 =	simm.s32 $0x0;
	s21 =	sshll.u32 s4, $0x1;
	s4 =	sadd.s32 s22, s1  }
0x15: {  	[timem:s6], [sflag:s23] =	dma.local [hbm:s4], s21  }
0x16: {  	_ =	swait.ge [sflag:s23], s21  }
0x17: {  	s2 =	ssub.s32 $0x0, s21;
	[sflag:s23] =	ssyncset.done $0x0  }
0x18: {  	[sflag:s23] =	ssyncadd.s32 s2;
	_ =	sdelay $0x1  }
0x19: {  	s24 =	simm.s32 $0x1B8B  }
0x1a: {  	_ =	swait.ge [sflag:s24], $0x1  }
0x1b: {  	[sflag:s24] =	ssyncset.done $0x0  }
0x1c: {  	s26 =	simm.s32 $0x1B8E;
	s25 =	sld [smem:$0x3FFE];
	[sflag:s24] =	ssyncadd.s32 $0xFFFFFFFF  }
0x1d: {  	s27 =	simm.s32 $execute0_lowered;
	[smem:$0x3FD2] =	sst s26  }
0x1e: {  	s4 =	sshll.u32 s27, $0x1;
	_ =	strace $0x8000004C;
	[dreg:$0x1] =	wrdreg $0xFFFFFFFF  }
0x1f: {  	s28 =	simm.s32 $_size_execute0_lowered;
	s1 =	sadd.s32 s1, s4;
	[dreg:$0x0] =	wrdreg $0x0  }
0x20: {  	s4 =	sshll.u32 s28, $0x1;
	[dreg:$0x2] =	wrdreg s1  }
0x21: {  	[dreg:$0x3] =	wrdreg s4  }
0x22: {  	[dreg:$0x4] =	wrdreg $0xC0  }
0x23: {  	_ =	task [dreg:s6], $0x5FFFF  }
0x24: {  	[dreg:$0x1] =	wrdreg $0xFFFFFFFF  }
0x25: {  	[dreg:$0x0] =	wrdreg $0x60  }
0x26: {  	[dreg:$0x2] =	wrdreg s25  }
0x27: {  	[dreg:$0x3] =	wrdreg $0xA  }
0x28: {  	_ =	task.clear_ibuf [dreg:s6], $0x4FFFF;
	_ =	strace $0x9000004C  }
0x29: {  	s29 =	simm.s32 $0xA;
	_ =	strace $0x8000004E  }
0x2a: {  	_ =	swait.ge [sflag:s29], $0x1  }
0x2b: {  	[sflag:s29] =	ssyncadd.s32 $0xFFFFFFFF  }
0x2c: {  	_ =	strace $0x9000004E  }
0x2d: {  	_ =	sfence  }
0x2e: {  	s30 =	sld [smem:$0x0];
	_ =	sdelay $0x2  }
0x2f: {  	s31 =	sshll.u32 s3, $0xD;
	s3 =	sshrl.u32 s3, $0x2  }
0x30: {  	s2 =	sand.u32 $0x4000, s31;
	s1 =	sadd.s32 s3, s30  }
0x31: {  	s0 =	sor.u32 s2, s0;
	s1 =	sshll.u32 s1, $0x11  }
0x32: {  	s0 =	sor.u32 s1, s0  }
0x33: {  	s0 =	sadd.s32 $0x8F2B, s0  }
0x34: {  	[sflag:s0] =	ssyncadd.remote.s32 $0x1  }
0x35: {  	_ =	sfence.sel $0xFFFF  }
0x36: {  	[dreg:$0x0] =	wrdreg $0xFFFFFFFF;
	(pc) =	sbr.abs _section_cstart, $3  }
0x37: {  	[dreg:$0x1] =	wrdreg $0xFFFFFFFF  }
0x38: {  	_ =	task.clear_ibuf [dreg:s6], $0x2FFFF;
	_ =	strace $0x9FFFFFFF  }
0x39: {  	(tm) =	ssettm $0x7FFFFFFF  }
tec
execute0_lowered:
.L_overlay_start_1:
0x0: {  	(tag) =	ssettag $0x1  }
0x1: {  	s2 =	stileid.u32  }
0x2: {  	s0 =	srdreg.scid;
	s29 =	rddreg [dreg:$0x0]  }
0x3: {  	_ =	strace $0x8000004D;
	s30 =	simm.s32 $0x1;
	s31 =	simm.s32 $0x2  }
0x4: {  	s17 =	simm.s32 $0x0;
	s1 =	sshll.u32 s2, $0x9;
	s0 =	sshll.u32 s0, $0xD  }
0x5: {  	s15 =	simm.s32 $0x0;
	s16 =	simm.s32 $0x0;
	s0 =	sor.u32 s1, s0  }
0x6: {  	s8 =	sand.u32 $0x1, s2;
	s9 =	sadd.s32 $0x389400, s29;
	s7 =	sand.u32 $0x3C00, s0  }
0x7: {  	s3 =	ssub.s32 $0x2, s8;
	[dreg:$0x3] =	wrdreg s8;
	s0 =	ssub.s32 $0x190000, s7  }
0x8: {  	s1 =	sadd.s32 $0x2152200, s29;
	[dreg:$0x5] =	wrdreg s9;
	s4 =	sand.u32 $0x3C00, s0  }
0x9: {  	s5 =	sshrl.u32 s3, $0x1;
	p0 =	sne.s32 s4, $0x0;
	s4 =	simm.s32 $0x1  }
0xa: {  	s3 =	sand.u32 $0x1, s3;
	s0 =	sshrl.u32 s0, $0xE;
	s4 =	simm.s32 @!p0 $0x0  }
.Ltmp0:
0xb: {  	s3 =	sadd.s32 s3, s5;
	s0 =	sadd.s32 s4, s0;
	(pc) =	sbr.rel .LBB1_1-.Ltmp0, $4  }
0xc: {  	s11 =	simm.s32 $0x0;
	[dreg:$0x6] =	wrdreg s1;
	s5 =	smul.u32 s3, s0  }
0xd: {  	s13 =	simm.s32 $0x0;
	[sflag:s30] =	ssyncpa.u1 $0x0;
	[dreg:$0x2] =	wrdreg s7  }
0xe: {  	[sflag:s31] =	ssyncpa.u1 $0x0;
	s10 =	sadd.s32 $0x1, s5;
	[dreg:$0x4] =	wrdreg s5  }
0xf: {  	s12 =	smov.u32 s8;
	s14 =	smov.u32 s7;
	[dreg:$0x7] =	wrdreg s10  }
.LBB1_7:
0x10: {  	s0 =	sadd.s32 $0x4000, s14  }
0x11: {  	s1 =	sadd.s32 $0x10, s11;
	s2 =	smov.u32 s11;
	p1 =	sgt.s32 s0, $0x18FFFF  }
0x12: {  	s2 =	smov.u32 @p1 s1  }
0x13: {  	s3 =	sadd.s32 $0x2, s12;
	s4 =	smov.u32 s12;
	p2 =	sgt.s32 s2, $0xF  }
0x14: {  	s4 =	smov.u32 @p2 s3  }
0x15: {  	s0 =	smov.u32 @p1 s7;
	p1 =	sgt.s32 s4, $0x1  }
0x16: {  	p0 =	slt.u32 s13, $0x2;
	s4 =	smov.u32 @p1 s8;
	p1 =	sne.s32 s13, s10  }
.Ltmp1:
0x17: {  	s1 =	simm.s32 @!p0 $0x2;
	(pc) =	sbr.rel @!p1 .LBB1_8-.Ltmp1, $4  }
0x18: {  	s17 =	smov.u32 s14;
	_ =	swait.ge @!p0 [sflag:s1], $0x4000  }
0x19: {  	s15 =	smov.u32 s11;
	s16 =	smov.u32 s12;
	[sflag:s1] =	ssyncset.done @!p0 $0x0  }
0x1a: {  	s14 =	smov.u32 s0;
	s2 =	simm.s32 @p2 $0x0;
	[sflag:s1] =	ssyncadd.s32 @!p0 $0xFFFFC000  }
0x1b: {  	s11 =	smov.u32 s2;
	s13 =	sadd.s32 $0x1, s13;
	s12 =	smov.u32 s4  }
.LBB1_1:
0x1c: {  	p0 =	sge.u32 s13, s5  }
0x1d: {  	s0 =	sshrl.u32 @!p0 s11, $0x3  }
0x1e: {  	s1 =	sshll.u32 @!p0 s14, $0x3;
	s3 =	sshll.u32 @!p0 s11, $0x7;
	s0 =	smul.u32 @!p0 $0xC80000, s0  }
0x1f: {  	s4 =	sand.u32 @!p0 $0x7F, s14;
	s1 =	sand.u32 @!p0 $0xFFFFFC00, s1;
	s3 =	sand.u32 @!p0 $0x380, s3  }
0x20: {  	s0 =	sadd.s32 @!p0 s0, s1;
	s1 =	sor.u32 @!p0 s4, s3  }
0x21: {  	s1 =	sor.u32 @!p0 s0, s1  }
0x22: {  	s3 =	smulhi.u32 @!p0 $0x51EB851F, s1  }
0x23: {  	s0 =	smulhi.u32 @!p0 $0x51EB851F, s0  }
0x24: {  	s3 =	sshrl.u32 @!p0 s3, $0x13  }
0x25: {  	s31 =	sadd.s32 $0xFFFFFFFF, s13;
	s0 =	sshrl.u32 @!p0 s0, $0x13;
	s3 =	smul.u32 @!p0 $0x190000, s3  }
0x26: {  	s6 =	smul.u32 @!p0 $0x320000, s12;
	s4 =	sxor.u32 @!p0 $0xFFFFFFFF, s13;
	s0 =	sand.u32 @!p0 $0xF, s0  }
0x27: {  	s4 =	sshll.u32 @!p0 s4, $0xE;
	s0 =	smul.u32 @!p0 $0x32000, s0;
	s1 =	ssub.s32 @!p0 s1, s3  }
0x28: {  	s3 =	sand.u32 @!p0 $0x4000, s4;
	s4 =	sadd.s32 @!p0 s9, s6;
	s6 =	sand.u32 @!p0 $0x7, s1  }
0x29: {  	s1 =	sshrl.u32 @!p0 s1, $0x3;
	s0 =	sadd.s32 @!p0 s0, s4;
	s4 =	sshll.u32 @!p0 s6, $0x12  }
0x2a: {  	s0 =	sadd.s32 @!p0 s1, s0;
	s1 =	sor.u32 @!p0 $0x2000, s4;
	s4 =	simm.s32 @!p0 $0xC80000  }
0x2b: {  	[tilespmem:s3], [sflag:$0x1] =	stream.strided.gather @!p0 [hbm4b:s0+s1], $0x4000, s4, s1, $0x38;
	[tilespmem:$0x10800] =	vst v63  }
0x2c: {  	p0 =	sge.u32 s31, s5  }
.Ltmp2:
0x2d: {  	_ = 	snop;
	(pc) =	sbr.rel @p0 .LBB1_7-.Ltmp2, $1  }
0x2e: {  	_ =	sdelay $0x3  }
0x2f: {  	[dreg:$0xb] =	wrdreg s17  }
0x30: {  	[dreg:$0xa] =	wrdreg s16  }
0x31: {  	[dreg:$0x9] =	wrdreg s15;
	s0 =	sand.u32 $0x1, s13  }
0x32: {  	[dreg:$0x8] =	wrdreg s14;
	s2 =	simm.s32 $0x1;
	s1 =	smul.u32 $0x11000, s0  }
0x33: {  	_ =	swait.ge [sflag:s2], $0x4000  }
0x34: {  	s19 =	simm.s32 $0x0;
	[sflag:s2] =	ssyncset.done $0x0;
	s1 =	sshrl.u32 s1, $0x2  }
0x35: {  	s18 =	sshll.u32 s0, $0xE;
	[sflag:s2] =	ssyncadd.s32 $0xFFFFC000;
	s17 =	sor.u32 $0x8000, s1  }
.LBB1_3:
0x36: {  	s0 =	sshll.u32 s19, $0xA  }
0x37: {  	s1 =	sshll.u32 s19, $0x7;
	s0 =	sand.u32 $0x2000, s0  }
0x38: {  	s1 =	sand.u32 $0x380, s1;
	s0 =	sadd.s32 s0, s18  }
0x39: {  	s0 =	sadd.s32 s1, s0  }
0x3a: {  	s20 =	sadd.s32 s19, s17;
	p0 =	por $0x1, $0x1;
	s21 =	simm.s32 $0x0;
	v0 =	vmov s0  }
.LBB1_4:
0x3b: {  	s0 =	smul.u32 $0x44, s21;
	s1 =	sshll.u32 s21, $0x3;
	s4 =	sor.u32 $0x80, s21  }
0x3c: {  	s5 =	sor.u32 $0x90, s21;
	s8 =	sor.u32 $0xA0, s21;
	s16 =	sor.u32 $0xB0, s21  }
0x3d: {  	s30 =	sor.u32 $0xD0, s21;
	p1 =	por p0, p0;
	s2 =	smul.u32 $0x44, s4  }
0x3e: {  	s3 =	sand.u32 $0x3FFFFFF8, s1;
	s4 =	sshll.u32 s4, $0x3;
	s6 =	smul.u32 $0x44, s5  }
0x3f: {  	s7 =	sshll.u32 s5, $0x3;
	s14 =	smul.u32 $0x44, s8;
	s15 =	sshll.u32 s8, $0x3  }
0x40: {  	s26 =	smul.u32 $0x44, s16;
	s27 =	sshll.u32 s16, $0x3;
	s8 =	sor.u32 $0xC0, s21  }
0x41: {  	s0 =	sshra.s32 s0, $0x2;
	s9 =	sand.u32 $0x1400, s7;
	s7 =	sand.u32 $0x1400, s15  }
0x42: {  	s29 =	sshll.u32 s8, $0x3;
	s0 =	sadd.s32 s0, s17;
	s1 =	sshra.s32 s2, $0x2  }
0x43: {  	s10 =	sshra.s32 s6, $0x2;
	s25 =	sshra.s32 s14, $0x2;
	s28 =	sshra.s32 s26, $0x2  }
0x44: {  	s6 =	sand.u32 $0x1400, s29;
	s2 =	sshll.u32 s30, $0x3;
	s29 =	sor.u32 $0xE0, s21  }
0x45: {  	v1 =	vld.idx.msk [tilespmem:v0+s3+$0x0 ss:$0x1], $0xffff;
	s22 =	sadd.s32 s19, s0;
	s0 =	sand.u32 $0x3FFFFFF8, s4;
	s23 =	sadd.s32 s1, s20  }
0x46: {  	v2 =	vld.idx.msk [tilespmem:v0+s3+$0x10 ss:$0x1], $0xffff;
	s24 =	sadd.s32 s10, s20;
	s4 =	sand.u32 $0x1400, s27;
	s27 =	smul.u32 $0x44, s8  }
0x47: {  	v3 =	vld.idx.msk [tilespmem:v0+s3+$0x20 ss:$0x1], $0xffff;
	s26 =	sadd.s32 s28, s20;
	s28 =	smul.u32 $0x44, s30;
	s8 =	sand.u32 $0x1400, s2  }
0x48: {  	v4 =	vld.idx.msk [tilespmem:v0+s3+$0x30 ss:$0x1], $0xffff;
	s30 =	smul.u32 $0x44, s29;
	s10 =	sshll.u32 s29, $0x3;
	s2 =	sor.u32 $0x100, s21  }
0x49: {  	v5 =	vld.idx.msk [tilespmem:v0+s3+$0x40 ss:$0x1], $0xffff;
	s25 =	sadd.s32 s25, s20;
	s1 =	sand.u32 $0x1400, s10;
	s16 =	smul.u32 $0x44, s2  }
0x4a: {  	s2 =	sshll.u32 s2, $0x3;
	v54 =	vld.idx.msk [tilespmem:v0+s0+$0x0 ss:$0x1], $0xffff;
	s31 =	sshra.s32 s27, $0x2;
	s5 =	sshra.s32 s28, $0x2  }
0x4b: {  	s14 =	sshra.s32 s30, $0x2;
	s27 =	sadd.s32 s31, s20;
	s31 =	sor.u32 $0xF0, s21;
	[tilespmem:s22+$0x0 ss:$0x11] =	vst.msk $0xffff, v1;
	v1 =	vld.idx.msk [tilespmem:v0+s3+$0x50 ss:$0x1], $0xffff  }
0x4c: {  	s29 =	sadd.s32 s14, s20;
	s14 =	sor.u32 $0x120, s21;
	[tilespmem:s22+$0x110 ss:$0x11] =	vst.msk $0xffff, v2;
	v2 =	vld.idx.msk [tilespmem:v0+s3+$0x60 ss:$0x1], $0xffff;
	s15 =	smul.u32 $0x44, s31  }
0x4d: {  	s28 =	sadd.s32 s5, s20;
	[tilespmem:s22+$0x220 ss:$0x11] =	vst.msk $0xffff, v3;
	v3 =	vld.idx.msk [tilespmem:v0+s3+$0x70 ss:$0x1], $0xffff;
	s31 =	sshll.u32 s31, $0x3;
	s10 =	smul.u32 $0x44, s14  }
0x4e: {  	v57 =	vld.idx.msk [tilespmem:v0+s1+$0x60 ss:$0x1], $0xffff;
	s14 =	sshll.u32 s14, $0x3;
	s30 =	sshra.s32 s15, $0x2;
	s15 =	sor.u32 $0x110, s21  }
0x4f: {  	v56 =	vld.idx.msk [tilespmem:v0+s8+$0x50 ss:$0x1], $0xffff;
	[tilespmem:s22+$0x330 ss:$0x11] =	vst.msk $0xffff, v4;
	s5 =	sand.u32 $0x1400, s31;
	s31 =	sshra.s32 s16, $0x2;
	s16 =	smul.u32 $0x44, s15  }
0x50: {  	s2 =	sand.u32 $0x3FFFFFF8, s2;
	s14 =	sand.u32 $0x1800, s14;
	s31 =	sadd.s32 s31, s20;
	[tilespmem:s22+$0x550 ss:$0x11] =	vst.msk $0xffff, v1;
	v1 =	vld.idx.msk [tilespmem:v0+s7+$0x20 ss:$0x1], $0xffff  }
0x51: {  	s0 =	sshra.s32 s10, $0x2;
	s30 =	sadd.s32 s30, s20;
	[tilespmem:s22+$0x660 ss:$0x11] =	vst.msk $0xffff, v2;
	v2 =	vld.idx.msk [tilespmem:v0+s4+$0x30 ss:$0x1], $0xffff;
	s16 =	sshra.s32 s16, $0x2  }
0x52: {  	s15 =	sshll.u32 s15, $0x3;
	[tilespmem:s22+$0x770 ss:$0x11] =	vst.msk $0xffff, v3;
	v3 =	vld.idx.msk [tilespmem:v0+s6+$0x40 ss:$0x1], $0xffff;
	s3 =	sadd.s32 s16, s20;
	s16 =	sor.u32 $0x130, s21  }
0x53: {  	s0 =	sadd.s32 s0, s20;
	[tilespmem:s29+$0x0 ss:$0x11] =	vst.msk $0xffff, v57;
	s29 =	sor.u32 $0x190, s21;
	s10 =	smul.u32 $0x44, s16  }
0x54: {  	v55 =	vld.idx.msk [tilespmem:v0+s9+$0x10 ss:$0x1], $0xffff;
	[tilespmem:s28+$0x0 ss:$0x11] =	vst.msk $0xffff, v56;
	s15 =	sand.u32 $0x1800, s15;
	s9 =	sshll.u32 s16, $0x3;
	s16 =	sor.u32 $0x140, s21  }
0x55: {  	s7 =	sand.u32 $0x1800, s9;
	s9 =	sshra.s32 s10, $0x2;
	s10 =	smul.u32 $0x44, s16;
	[tilespmem:s25+$0x0 ss:$0x11] =	vst.msk $0xffff, v1  }
0x56: {  	[tilespmem:s26+$0x0 ss:$0x11] =	vst.msk $0xffff, v2;
	s26 =	sor.u32 $0x180, s21;
	s4 =	sadd.s32 s9, s20;
	s9 =	sshll.u32 s16, $0x3  }
0x57: {  	v1 =	vld.idx.msk [tilespmem:v0+s5+$0x70 ss:$0x1], $0xffff;
	[tilespmem:s27+$0x0 ss:$0x11] =	vst.msk $0xffff, v3;
	s16 =	sor.u32 $0x150, s21;
	s27 =	smul.u32 $0x44, s26;
	s28 =	sshll.u32 s26, $0x3  }
0x58: {  	[tilespmem:s22+$0x440 ss:$0x11] =	vst.msk $0xffff, v5;
	v2 =	vld.idx.msk [tilespmem:v0+s2+$0x0 ss:$0x1], $0xffff;
	s26 =	sor.u32 $0x1A0, s21;
	s22 =	sshra.s32 s10, $0x2;
	s10 =	smul.u32 $0x44, s16  }
0x59: {  	s6 =	sand.u32 $0x1800, s9;
	s16 =	sshll.u32 s16, $0x3;
	s8 =	sadd.s32 s22, s20  }
0x5a: {  	[tilespmem:s23+$0x0 ss:$0x11] =	vst.msk $0xffff, v54;
	v3 =	vld.idx.msk [tilespmem:v0+s15+$0x10 ss:$0x1], $0xffff;
	s22 =	sor.u32 $0x160, s21;
	s1 =	sand.u32 $0x1800, s16;
	s23 =	sshra.s32 s10, $0x2  }
0x5b: {  	[tilespmem:s24+$0x0 ss:$0x11] =	vst.msk $0xffff, v55;
	s24 =	smul.u32 $0x44, s22;
	s16 =	sshll.u32 s22, $0x3;
	s22 =	sor.u32 $0x170, s21  }
0x5c: {  	v58 =	vld.idx.msk [tilespmem:v0+s14+$0x20 ss:$0x1], $0xffff;
	s5 =	sadd.s32 s23, s20;
	s2 =	sand.u32 $0x1800, s16;
	s25 =	sshll.u32 s22, $0x3;
	[tilespmem:s30+$0x0 ss:$0x11] =	vst.msk $0xffff, v1  }
0x5d: {  	v59 =	vld.idx.msk [tilespmem:v0+s7+$0x30 ss:$0x1], $0xffff;
	[tilespmem:s31+$0x0 ss:$0x11] =	vst.msk $0xffff, v2;
	s30 =	sshll.u32 s26, $0x3;
	s31 =	sor.u32 $0x1B0, s21;
	s23 =	sshra.s32 s24, $0x2  }
0x5e: {  	v1 =	vld.idx.msk [tilespmem:v0+s6+$0x40 ss:$0x1], $0xffff;
	s24 =	smul.u32 $0x44, s22;
	s14 =	sand.u32 $0x1800, s25;
	s22 =	sand.u32 $0x3FFFFFF8, s28  }
0x5f: {  	v2 =	vld.idx.msk [tilespmem:v0+s1+$0x50 ss:$0x1], $0xffff;
	[tilespmem:s3+$0x0 ss:$0x11] =	vst.msk $0xffff, v3;
	s25 =	sshll.u32 s29, $0x3;
	s3 =	sand.u32 $0x1C00, s30;
	s15 =	sshll.u32 s31, $0x3  }
0x60: {  	v3 =	vld.idx.msk [tilespmem:v0+s2+$0x60 ss:$0x1], $0xffff;
	s9 =	sadd.s32 s23, s20;
	s23 =	sshra.s32 s27, $0x2;
	s27 =	sand.u32 $0x1C00, s25  }
0x61: {  	v60 =	vld.idx.msk [tilespmem:v0+s14+$0x70 ss:$0x1], $0xffff;
	s16 =	sand.u32 $0x1C00, s15;
	s10 =	sshra.s32 s24, $0x2;
	s24 =	smul.u32 $0x44, s29  }
0x62: {  	[tilespmem:s0+$0x0 ss:$0x11] =	vst.msk $0xffff, v58;
	v61 =	vld.idx.msk [tilespmem:v0+s22+$0x0 ss:$0x1], $0xffff;
	s22 =	sor.u32 $0x1C0, s21;
	s25 =	sor.u32 $0x1D0, s21;
	s29 =	smul.u32 $0x44, s26  }
0x63: {  	[tilespmem:s4+$0x0 ss:$0x11] =	vst.msk $0xffff, v59;
	s1 =	sadd.s32 s23, s20;
	s23 =	smul.u32 $0x44, s31;
	s31 =	sor.u32 $0x1F0, s21  }
0x64: {  	s7 =	sadd.s32 s10, s20;
	s28 =	sshra.s32 s24, $0x2;
	s10 =	sshra.s32 s29, $0x2;
	[tilespmem:s8+$0x0 ss:$0x11] =	vst.msk $0xffff, v1;
	v1 =	vld.idx.msk [tilespmem:v0+s27+$0x10 ss:$0x1], $0xffff  }
0x65: {  	[tilespmem:s5+$0x0 ss:$0x11] =	vst.msk $0xffff, v2;
	v2 =	vld.idx.msk [tilespmem:v0+s3+$0x20 ss:$0x1], $0xffff;
	s24 =	sshll.u32 s22, $0x3;
	s27 =	sshll.u32 s25, $0x3;
	s0 =	sadd.s32 s28, s20  }
0x66: {  	s2 =	sadd.s32 s10, s20;
	[tilespmem:s9+$0x0 ss:$0x11] =	vst.msk $0xffff, v3;
	v3 =	vld.idx.msk [tilespmem:v0+s16+$0x30 ss:$0x1], $0xffff;
	s26 =	sand.u32 $0x1C00, s24;
	s28 =	sor.u32 $0x1E0, s21  }
0x67: {  	s29 =	sand.u32 $0x1C00, s27;
	s10 =	smul.u32 $0x44, s22;
	[tilespmem:s7+$0x0 ss:$0x11] =	vst.msk $0xffff, v60;
	v62 =	vld.idx.msk [tilespmem:v0+s26+$0x40 ss:$0x1], $0xffff;
	s30 =	sshll.u32 s28, $0x3  }
0x68: {  	s15 =	sshll.u32 s31, $0x3;
	s21 =	smul.u32 $0x44, s25;
	[tilespmem:s1+$0x0 ss:$0x11] =	vst.msk $0xffff, v61;
	v63 =	vld.idx.msk [tilespmem:v0+s29+$0x50 ss:$0x1], $0xffff;
	s14 =	sand.u32 $0x1C00, s30  }
0x69: {  	s16 =	sshra.s32 s23, $0x2;
	s22 =	sand.u32 $0x1C00, s15;
	s23 =	smul.u32 $0x44, s28;
	[tilespmem:s0+$0x0 ss:$0x11] =	vst.msk $0xffff, v1;
	v1 =	vld.idx.msk [tilespmem:v0+s14+$0x60 ss:$0x1], $0xffff  }
0x6a: {  	s26 =	smul.u32 $0x44, s31;
	s1 =	sshra.s32 s10, $0x2;
	[tilespmem:s2+$0x0 ss:$0x11] =	vst.msk $0xffff, v2;
	v2 =	vld.idx.msk [tilespmem:v0+s22+$0x70 ss:$0x1], $0xffff;
	s0 =	sadd.s32 s16, s20  }
.Ltmp3:
0x6b: {  	s25 =	sshra.s32 s21, $0x2;
	s24 =	sadd.s32 s1, s20;
	[tilespmem:s0+$0x0 ss:$0x11] =	vst.msk $0xffff, v3;
	(pc) =	sbr.rel @p1 .LBB1_4-.Ltmp3, $4  }
0x6c: {  	s27 =	sadd.s32 s25, s20;
	s28 =	sshra.s32 s23, $0x2;
	[tilespmem:s24+$0x0 ss:$0x11] =	vst.msk $0xffff, v62  }
0x6d: {  	s30 =	sshra.s32 s26, $0x2;
	s29 =	sadd.s32 s28, s20;
	[tilespmem:s27+$0x0 ss:$0x11] =	vst.msk $0xffff, v63  }
0x6e: {  	s31 =	sadd.s32 s30, s20;
	[tilespmem:s29+$0x0 ss:$0x11] =	vst.msk $0xffff, v1  }
0x6f: {  	p0 =	por $0x0, $0x0;
	s21 =	simm.s32 $0x200;
	[tilespmem:s31+$0x0 ss:$0x11] =	vst.msk $0xffff, v2  }
0x70: {  	s19 =	sadd.s32 $0x1, s19  }
0x71: {  	p0 =	sne.s32 s19, $0x10  }
.Ltmp4:
0x72: {  	_ = 	snop;
	(pc) =	sbr.rel @p0 .LBB1_3-.Ltmp4, $1  }
0x73: {  	_ =	sdelay $0x3  }
0x74: {  	s0 =	rddreg [dreg:$0xb]  }
0x75: {  	s4 =	rddreg [dreg:$0x9]  }
0x76: {  	s0 =	sshll.u32 s0, $0x7;
	s1 =	sshll.u32 s4, $0x3  }
0x77: {  	s2 =	sand.u32 $0xFFFFFC00, s0;
	s1 =	sand.u32 $0xFFFFFC00, s1  }
0x78: {  	s26 =	rddreg [dreg:$0xa];
	s0 =	sand.u32 $0x380, s0;
	s1 =	sadd.s32 s1, s2  }
0x79: {  	s3 =	rddreg [dreg:$0x6];
	s0 =	sor.u32 s0, s1  }
0x7a: {  	s7 =	rddreg [dreg:$0x2];
	s0 =	sshrl.u32 s0, $0x7  }
0x7b: {  	s8 =	rddreg [dreg:$0x3];
	s25 =	smulhi.u32 $0x147AE15, s0  }
0x7c: {  	s5 =	rddreg [dreg:$0x4]  }
0x7d: {  	s9 =	rddreg [dreg:$0x5];
	s2 =	smul.u32 $0x1900000, s26;
	s1 =	sshrl.u32 s25, $0xD  }
0x7e: {  	s31 =	simm.s32 $0x80;
	s10 =	rddreg [dreg:$0x7];
	s1 =	smul.u32 $0x190000, s1  }
.Ltmp5:
0x7f: {  	s27 =	sshrl.u32 s4, $0x3;
	s28 =	sand.u32 $0x7, s4;
	(pc) =	sbr.rel .LBB1_7-.Ltmp5, $4  }
0x80: {  	s2 =	sadd.s32 s3, s2;
	s0 =	ssub.s32 s0, s1;
	s1 =	sand.u32 $0xF, s27  }
0x81: {  	s29 =	sshll.u32 s28, $0x12;
	s0 =	sshll.u32 s0, $0x4;
	s1 =	sadd.s32 s1, s2  }
0x82: {  	s14 =	rddreg [dreg:$0x8];
	s30 =	sor.u32 $0x10, s29;
	s0 =	sadd.s32 s0, s1  }
0x83: {  	[hbm4b:s0+s30] =	stream.strided.scatter [tilespmem:s17], [sflag:$0x2], $0x4000, s31, s30, $0x8;
	[tilespmem:$0x10800] =	vst v63  }
.LBB1_8:
0x84: {  	_ =	sfence.sel $0x180000  }
0x85: {  	s0 =	simm.s32 $0x1;
	[bflag:$0x0] =	sbarrier.arrive $0xFFFF  }
0x86: {  	s30 =	simm.s32 $0x2;
	[sflag:s0] =	ssyncpa.u1 $0x1  }
0x87: {  	[sflag:s30] =	ssyncpa.u1 $0x1  }
0x88: {  	_ =	strace $0x9000004D  }
0x89: {  	s31 =	stileid.u32;
	[bflag:$0x2] =	sbarrier.arrive $0xFFFF  }
0x8a: {  	p0 =	sne.s32 s31, $0x0;
	s0 =	rddreg [dreg:$0x1]  }
0x8b: {  	s0 =	sadd.s32 @!p0 $0x100000, s0  }
0x8c: {  	[sflag:s0] =	ssyncadd.tile.s32 @!p0 $0x1;
	_ =	shalt  }
.Lfunc_end1:
_tile_overlayer_lowered:
.L_overlay_start_2:
0x8d: {  	(tag) =	ssettag $0x2  }
0x8e: {  	s0 =	rddreg [dreg:$0x0];
	s2 =	stileid.u32  }
0x8f: {  	s1 =	rddreg [dreg:$0x1];
	p0 =	sne.s32 s2, $0x0  }
0x90: {  	s3 =	rddreg [dreg:$0x2];
	[bflag:$0x3] =	sbarrier.arrive $0xFFFF;
	s2 =	simm.s32 @!p0 $0x1C01  }
0x91: {  	[timem:s3], [sflag:s2] =	dma.local @!p0 [hbm:s0], s1  }
0x92: {  	s0 =	simm.s32 @!p0 $0x1  }
0x93: {  	_ =	swait.ge @!p0 [sflag:s0], s1  }
0x94: {  	s1 =	ssub.s32 @!p0 $0x0, s1;
	[sflag:s0] =	ssyncset.done @!p0 $0x0  }
0x95: {  	[sflag:s0] =	ssyncadd.s32 @!p0 s1  }
0x96: {  	[bflag:$0x3] =	sbarrier.arrive $0xFFFF  }
0x97: {  	_ =	shalt  }

// kernel: sparse-core-data-format-call.2.cloned.1.call-start
scs
called_computation.2_lowered:
.L_overlay_start_0:
0x0: {  	s1 =	sld [smem:$0x3FD9]  }
0x1: {  	s2 =	sld [smem:$0x3FFE];
	_ =	sdelay $0x1  }
0x2: {  	s3 =	srdreg.scid  }
0x3: {  	s0 =	sand.u32 $0x1, s3  }
0x4: {  	s17 =	sshll.u32 s0, $0xA;
	s1 =	sadd.s32 s2, s1  }
0x5: {  	s1 =	sadd.s32 s1, s17  }
0x6: {  	[smem:$0x3FBC] =	sst s1  }
0x7: {  	_ = 	snop  }
0x8: {  	(tm) =	ssettm $0x1  }
0x9: {  	s18 =	sld [smem:$0x3FFB];
	_ =	sdelay $0x3  }
0xa: {  	_ =	strace s18  }
0xb: {  	s1 =	sld [smem:$0x3FFC];
	_ =	sdelay $0x3  }
0xc: {  	_ =	strace s1  }
0xd: {  	s1 =	sld [smem:$0x3FFD];
	_ =	sdelay $0x3  }
0xe: {  	_ =	strace s1  }
0xf: {  	_ =	strace $0x8FFFFFFF  }
0x10: {  	s19 =	sld [smem:$0x3FDB];
	_ =	sdelay $0x1  }
0x11: {  	s20 =	simm.s32 $_scs_section_size  }
0x12: {  	s4 =	simm.s32 $_size__tile_overlayer_lowered;
	s5 =	simm.s32 $_tile_overlayer_lowered  }
0x13: {  	s23 =	simm.s32 $0x1BFF;
	s22 =	sshll.u32 s5, $0x1;
	s1 =	sadd.s32 s20, s19  }
0x14: {  	s6 =	simm.s32 $0x0;
	s21 =	sshll.u32 s4, $0x1;
	s4 =	sadd.s32 s22, s1  }
0x15: {  	[timem:s6], [sflag:s23] =	dma.local [hbm:s4], s21  }
0x16: {  	_ =	swait.ge [sflag:s23], s21  }
0x17: {  	s2 =	ssub.s32 $0x0, s21;
	[sflag:s23] =	ssyncset.done $0x0  }
0x18: {  	[sflag:s23] =	ssyncadd.s32 s2;
	_ =	sdelay $0x1  }
0x19: {  	s24 =	simm.s32 $0x1B8B  }
0x1a: {  	_ =	swait.ge [sflag:s24], $0x1  }
0x1b: {  	[sflag:s24] =	ssyncset.done $0x0  }
0x1c: {  	s26 =	simm.s32 $0x1B8E;
	s25 =	sld [smem:$0x3FFE];
	[sflag:s24] =	ssyncadd.s32 $0xFFFFFFFF  }
0x1d: {  	s27 =	simm.s32 $execute0_lowered;
	[smem:$0x3FD2] =	sst s26  }
0x1e: {  	s4 =	sshll.u32 s27, $0x1;
	_ =	strace $0x80000049;
	[dreg:$0x1] =	wrdreg $0xFFFFFFFF  }
0x1f: {  	s28 =	simm.s32 $_size_execute0_lowered;
	s1 =	sadd.s32 s1, s4;
	[dreg:$0x0] =	wrdreg $0x0  }
0x20: {  	s4 =	sshll.u32 s28, $0x1;
	[dreg:$0x2] =	wrdreg s1  }
0x21: {  	[dreg:$0x3] =	wrdreg s4  }
0x22: {  	[dreg:$0x4] =	wrdreg $0xC0  }
0x23: {  	_ =	task [dreg:s6], $0x5FFFF  }
0x24: {  	[dreg:$0x1] =	wrdreg $0xFFFFFFFF  }
0x25: {  	[dreg:$0x0] =	wrdreg $0x60  }
0x26: {  	[dreg:$0x2] =	wrdreg s25  }
0x27: {  	[dreg:$0x3] =	wrdreg $0x9  }
0x28: {  	_ =	task.clear_ibuf [dreg:s6], $0x4FFFF;
	_ =	strace $0x90000049  }
0x29: {  	s29 =	simm.s32 $0x9;
	_ =	strace $0x8000004B  }
0x2a: {  	_ =	swait.ge [sflag:s29], $0x1  }
0x2b: {  	[sflag:s29] =	ssyncadd.s32 $0xFFFFFFFF  }
0x2c: {  	_ =	strace $0x9000004B  }
0x2d: {  	_ =	sfence  }
0x2e: {  	s30 =	sld [smem:$0x0];
	_ =	sdelay $0x2  }
0x2f: {  	s31 =	sshll.u32 s3, $0xD;
	s3 =	sshrl.u32 s3, $0x2  }
0x30: {  	s2 =	sand.u32 $0x4000, s31;
	s1 =	sadd.s32 s3, s30  }
0x31: {  	s0 =	sor.u32 s2, s0;
	s1 =	sshll.u32 s1, $0x11  }
0x32: {  	s0 =	sor.u32 s1, s0  }
0x33: {  	s0 =	sadd.s32 $0x8F2B, s0  }
0x34: {  	[sflag:s0] =	ssyncadd.remote.s32 $0x1  }
0x35: {  	_ =	sfence.sel $0xFFFF  }
0x36: {  	[dreg:$0x0] =	wrdreg $0xFFFFFFFF;
	(pc) =	sbr.abs _section_cstart, $3  }
0x37: {  	[dreg:$0x1] =	wrdreg $0xFFFFFFFF  }
0x38: {  	_ =	task.clear_ibuf [dreg:s6], $0x2FFFF;
	_ =	strace $0x9FFFFFFF  }
0x39: {  	(tm) =	ssettm $0x7FFFFFFF  }
tec
execute0_lowered:
.L_overlay_start_1:
0x0: {  	(tag) =	ssettag $0x1  }
0x1: {  	s0 =	srdreg.scid  }
0x2: {  	s1 =	sshll.u32 s0, $0x4  }
0x3: {  	s4 =	rddreg [dreg:$0x0];
	s0 =	stileid.u32;
	s1 =	sand.u32 $0x10, s1  }
0x4: {  	s7 =	simm.s32 $0x1;
	s8 =	simm.s32 $0x2;
	s2 =	sor.u32 s0, s1  }
0x5: {  	s11 =	simm.s32 $0x0;
	s10 =	simm.s32 $0x0;
	s2 =	sshll.u32 s2, $0x7  }
0x6: {  	s3 =	sadd.s32 $0x3BA200, s4;
	s4 =	sadd.s32 $0x69400, s4;
	s6 =	ssub.s32 $0x190000, s2  }
.Ltmp0:
0x7: {  	s1 =	rddreg [dreg:$0x1];
	s5 =	sand.u32 $0xF80, s6;
	(pc) =	sbr.rel .LBB1_1-.Ltmp0, $4  }
0x8: {  	_ =	strace $0x8000004A;
	s9 =	smov.u32 s2;
	p0 =	sne.s32 s5, $0x0  }
0x9: {  	s6 =	sshrl.u32 s6, $0xC;
	s5 =	simm.s32 $0x1;
	s7 =	simm.s32 @!p0 $0x0  }
0xa: {  	[sflag:s5] =	ssyncpa.u1 $0x0;
	p0 =	por $0x0, $0x0;
	s6 =	sadd.s32 s7, s6  }
0xb: {  	[sflag:s8] =	ssyncpa.u1 $0x0;
	s8 =	simm.s32 $0xC80000;
	s7 =	sadd.s32 $0x1, s6  }
.LBB1_4:
0xc: {  	s14 =	sshll.u32 s11, $0x3  }
0xd: {  	s30 =	sand.u32 $0x7F, s11;
	s15 =	sand.u32 $0xFFFFFC00, s14  }
0xe: {  	s11 =	sor.u32 s30, s15  }
0xf: {  	s15 =	smulhi.u32 $0x51EB851F, s11  }
0x10: {  	s14 =	smulhi.u32 $0x51EB851F, s14  }
0x11: {  	s15 =	sshrl.u32 s15, $0x13  }
0x12: {  	s14 =	sshrl.u32 s14, $0x13;
	s15 =	smul.u32 $0x190000, s15  }
0x13: {  	[tilespmem:s12+$0xFFFFFFFC ss:$0x81] =	vst.msk $0xffff, v1;
	s14 =	sand.u32 $0xF, s14  }
0x14: {  	[tilespmem:s12+$0xFFFFFFFD ss:$0x81] =	vst.msk $0xffff, v2;
	s14 =	smul.u32 $0x32000, s14;
	s11 =	ssub.s32 s11, s15  }
0x15: {  	[tilespmem:s12+$0xFFFFFFFE ss:$0x81] =	vst.msk $0xffff, v0;
	s15 =	sand.u32 $0x7, s11  }
0x16: {  	[tilespmem:s12+$0xFFFFFFFF ss:$0x81] =	vst.msk $0xffff, v4;
	s14 =	sadd.s32 s4, s14;
	s11 =	sshrl.u32 s11, $0x3;
	s15 =	sshll.u32 s15, $0x12  }
0x17: {  	[tilespmem:s12+$0xFFFFFFF9 ss:$0x81] =	vst.msk $0xffff, v3;
	s11 =	sadd.s32 s11, s14;
	s31 =	sor.u32 $0x400, s15  }
0x18: {  	[hbm4b:s11+s31] =	stream.strided.scatter [tilespmem:s13], [sflag:$0x2], $0x800, s8, s31, $0x20;
	[tilespmem:$0x2020] =	vst v63  }
.LBB1_5:
0x19: {  	s13 =	sadd.s32 $0x1000, s9  }
0x1a: {  	p2 =	sgt.s32 s13, $0x18FFFF  }
0x1b: {  	s13 =	smov.u32 @p2 s2;
	p2 =	sne.s32 s10, s7  }
.Ltmp1:
0x1c: {  	p1 =	slt.u32 s10, $0x2;
	(pc) =	sbr.rel @!p2 .LBB1_6-.Ltmp1, $4  }
0x1d: {  	s12 =	simm.s32 @!p1 $0x2  }
0x1e: {  	s14 =	sadd.s32 $0x1, s10;
	_ =	swait.ge @!p1 [sflag:s12], $0x800  }
0x1f: {  	s11 =	smov.u32 s9;
	p0 =	por !p0, !p0;
	[sflag:s12] =	ssyncset.done @!p1 $0x0  }
0x20: {  	s10 =	smov.u32 s14;
	s9 =	smov.u32 s13;
	[sflag:s12] =	ssyncadd.s32 @!p1 $0xFFFFF800  }
.LBB1_1:
0x21: {  	p1 =	sge.u32 s10, s6  }
0x22: {  	s12 =	sand.u32 @!p1 $0x1FFFFFF, s9  }
0x23: {  	s13 =	smulhi.u32 @!p1 $0x147AE15, s12;
	_ =	sdelay $0x1  }
0x24: {  	s13 =	sshrl.u32 @!p1 s13, $0xD  }
0x25: {  	s13 =	smul.u32 @!p1 $0x190000, s13;
	_ =	sdelay $0x1  }
0x26: {  	s31 =	sadd.s32 $0xFFFFFFFF, s10;
	s14 =	sxor.u32 @!p1 $0xFFFFFFFF, s10;
	s12 =	ssub.s32 @!p1 s12, s13  }
0x27: {  	s15 =	simm.s32 @!p1 $0x80;
	s14 =	sshll.u32 @!p1 s14, $0xB;
	s12 =	sshll.u32 @!p1 s12, $0x4  }
0x28: {  	s13 =	sand.u32 @!p1 $0x800, s14;
	s14 =	simm.s32 @!p1 $0x10;
	s12 =	sadd.s32 @!p1 s3, s12  }
0x29: {  	[tilespmem:s13], [sflag:$0x1] =	stream.strided.gather @!p1 [hbm4b:s12+s14], $0x800, s15, s14, $0x38;
	[tilespmem:$0x2020] =	vst v63  }
0x2a: {  	p1 =	sge.u32 s31, s6  }
.Ltmp2:
0x2b: {  	_ = 	snop;
	(pc) =	sbr.rel @p1 .LBB1_5-.Ltmp2, $1  }
0x2c: {  	_ =	sdelay $0x3  }
0x2d: {  	s12 =	simm.s32 $0x1  }
0x2e: {  	_ =	swait.ge [sflag:s5], $0x800;
	s12 =	simm.s32 @!p0 $0x0  }
0x2f: {  	[sflag:s5] =	ssyncset.done $0x0;
	s13 =	sshll.u32 s12, $0xB  }
0x30: {  	[sflag:s5] =	ssyncadd.s32 $0xFFFFF800;
	s15 =	sor.u32 $0x40, s13  }
0x31: {  	v3 =	vld [tilespmem:s15+$0x30]  }
0x32: {  	s12 =	smul.u32 $0x2040, s12;
	v4 =	vld [tilespmem:s15+$0xFFFFFFD0]  }
0x33: {  	v5 =	vld [tilespmem:s15+$0xFFFFFFE0]  }
0x34: {  	s31 =	sand.u32 $0x1, s10;
	s12 =	sshrl.u32 s12, $0x2;
	v1 =	vld [tilespmem:s15+$0xFFFFFFF0]  }
0x35: {  	s13 =	smul.u32 $0x2040, s31;
	v2 =	vld [tilespmem:s15+$0x0];
	s12 =	sor.u32 $0x1007, s12  }
0x36: {  	v0 =	vld [tilespmem:s15+$0x10];
	[tilespmem:s12+$0x0 ss:$0x81] =	vst.msk $0xffff, v3  }
0x37: {  	s13 =	sshrl.u32 s13, $0x2;
	[tilespmem:s12+$0xFFFFFFFA ss:$0x81] =	vst.msk $0xffff, v4;
	v4 =	vld [tilespmem:s15+$0x20]  }
0x38: {  	s14 =	simm.s32 $0x0;
	s13 =	sor.u32 $0x1000, s13;
	v3 =	vld [tilespmem:s15+$0xFFFFFFC0];
	[tilespmem:s12+$0xFFFFFFFB ss:$0x81] =	vst.msk $0xffff, v5;
	s15 =	sadd.s32 $0x80, s15  }
.LBB1_3:
0x39: {  	v5 =	vld [tilespmem:s15+$0x30];
	s14 =	sadd.s32 $0x8, s14;
	[tilespmem:s12+$0xFFFFFFFC ss:$0x81] =	vst.msk $0xffff, v1  }
0x3a: {  	v6 =	vld [tilespmem:s15+$0xFFFFFFD0];
	p1 =	slt.u32 s14, $0x78;
	[tilespmem:s12+$0xFFFFFFFD ss:$0x81] =	vst.msk $0xffff, v2  }
0x3b: {  	v7 =	vld [tilespmem:s15+$0xFFFFFFE0];
	[tilespmem:s12+$0xFFFFFFFE ss:$0x81] =	vst.msk $0xffff, v0  }
.Ltmp3:
0x3c: {  	v1 =	vld [tilespmem:s15+$0xFFFFFFF0];
	[tilespmem:s12+$0xFFFFFFFF ss:$0x81] =	vst.msk $0xffff, v4;
	(pc) =	sbr.rel @p1 .LBB1_3-.Ltmp3, $4  }
0x3d: {  	v2 =	vld [tilespmem:s15+$0x0];
	[tilespmem:s12+$0xFFFFFFF9 ss:$0x81] =	vst.msk $0xffff, v3;
	s12 =	sadd.s32 $0x8, s12  }
0x3e: {  	v0 =	vld [tilespmem:s15+$0x10];
	[tilespmem:s12+$0x0 ss:$0x81] =	vst.msk $0xffff, v5  }
0x3f: {  	[tilespmem:s12+$0xFFFFFFFA ss:$0x81] =	vst.msk $0xffff, v6;
	v4 =	vld [tilespmem:s15+$0x20]  }
0x40: {  	v3 =	vld [tilespmem:s15+$0xFFFFFFC0];
	[tilespmem:s12+$0xFFFFFFFB ss:$0x81] =	vst.msk $0xffff, v7;
	s15 =	sadd.s32 $0x80, s15  }
.Ltmp4:
0x41: {  	_ = 	snop;
	(pc) =	sbr.rel .LBB1_4-.Ltmp4, $1  }
0x42: {  	_ =	sdelay $0x3  }
.LBB1_6:
0x43: {  	_ =	sfence.sel $0x180000  }
0x44: {  	s2 =	simm.s32 $0x1;
	[bflag:$0x0] =	sbarrier.arrive $0xFFFF  }
0x45: {  	s31 =	simm.s32 $0x2;
	[sflag:s2] =	ssyncpa.u1 $0x1  }
0x46: {  	[sflag:s31] =	ssyncpa.u1 $0x1  }
0x47: {  	p0 =	sne.s32 s0, $0x0;
	_ =	strace $0x9000004A  }
0x48: {  	s0 =	sadd.s32 @!p0 $0x100000, s1;
	[bflag:$0x2] =	sbarrier.arrive $0xFFFF  }
0x49: {  	[sflag:s0] =	ssyncadd.tile.s32 @!p0 $0x1;
	_ =	shalt  }
.Lfunc_end1:
_tile_overlayer_lowered:
.L_overlay_start_2:
0x4a: {  	(tag) =	ssettag $0x2  }
0x4b: {  	s0 =	rddreg [dreg:$0x0];
	s2 =	stileid.u32  }
0x4c: {  	s1 =	rddreg [dreg:$0x1];
	p0 =	sne.s32 s2, $0x0  }
0x4d: {  	s3 =	rddreg [dreg:$0x2];
	[bflag:$0x3] =	sbarrier.arrive $0xFFFF;
	s2 =	simm.s32 @!p0 $0x1C01  }
0x4e: {  	[timem:s3], [sflag:s2] =	dma.local @!p0 [hbm:s0], s1  }
0x4f: {  	s0 =	simm.s32 @!p0 $0x1  }
0x50: {  	_ =	swait.ge @!p0 [sflag:s0], s1  }
0x51: {  	s1 =	ssub.s32 @!p0 $0x0, s1;
	[sflag:s0] =	ssyncset.done @!p0 $0x0  }
0x52: {  	[sflag:s0] =	ssyncadd.s32 @!p0 s1  }
0x53: {  	[bflag:$0x3] =	sbarrier.arrive $0xFFFF  }
0x54: {  	_ =	shalt  }

// kernel: sparse-core-data-format-call.cloned.1.call-start
scs
called_computation_lowered:
.L_overlay_start_0:
0x0: {  	s2 =	sld [smem:$0x3FD9]  }
0x1: {  	s3 =	sld [smem:$0x3FFE];
	_ =	sdelay $0x1  }
0x2: {  	s1 =	srdreg.scid  }
0x3: {  	s0 =	sand.u32 $0x1, s1  }
0x4: {  	s18 =	sshll.u32 s0, $0xA;
	s2 =	sadd.s32 s3, s2  }
0x5: {  	s2 =	sadd.s32 s2, s18  }
0x6: {  	[smem:$0x3FBC] =	sst s2  }
0x7: {  	_ = 	snop  }
0x8: {  	(tm) =	ssettm $0x1  }
0x9: {  	s19 =	sld [smem:$0x3FFB];
	_ =	sdelay $0x3  }
0xa: {  	_ =	strace s19  }
0xb: {  	s2 =	sld [smem:$0x3FFC];
	_ =	sdelay $0x3  }
0xc: {  	_ =	strace s2  }
0xd: {  	s2 =	sld [smem:$0x3FFD];
	_ =	sdelay $0x3  }
0xe: {  	_ =	strace s2  }
0xf: {  	_ =	strace $0x8FFFFFFF  }
0x10: {  	s20 =	sld [smem:$0x3FDB];
	_ =	sdelay $0x1  }
0x11: {  	s21 =	simm.s32 $_scs_section_size  }
0x12: {  	s4 =	simm.s32 $_size__tile_overlayer_lowered;
	s5 =	simm.s32 $_tile_overlayer_lowered  }
0x13: {  	s6 =	simm.s32 $0x1BFF;
	s22 =	sshll.u32 s5, $0x1;
	s3 =	sadd.s32 s21, s20  }
0x14: {  	s23 =	simm.s32 $0x0;
	s4 =	sshll.u32 s4, $0x1;
	s5 =	sadd.s32 s22, s3  }
0x15: {  	[timem:s23], [sflag:s6] =	dma.local [hbm:s5], s4  }
0x16: {  	_ =	swait.ge [sflag:s6], s4  }
0x17: {  	s4 =	ssub.s32 $0x0, s4;
	[sflag:s6] =	ssyncset.done $0x0  }
0x18: {  	[sflag:s6] =	ssyncadd.s32 s4;
	_ =	sdelay $0x1  }
0x19: {  	s24 =	simm.s32 $0x1B8B  }
0x1a: {  	_ =	swait.ge [sflag:s24], $0x1  }
0x1b: {  	[sflag:s24] =	ssyncset.done $0x0  }
0x1c: {  	[sflag:s24] =	ssyncadd.s32 $0xFFFFFFFF  }
0x1d: {  	s4 =	sld [smem:$0x0]  }
0x1e: {  	s5 =	sand.u32 $0xFFFFFFFE, s1  }
0x1f: {  	p0 =	sne.s32 s1, s5  }
0x20: {  	s5 =	sshll.u32 @p0 s5, $0xE  }
0x21: {  	s5 =	sadd.s32 @p0 $0x11B8D, s5;
	s6 =	sshll.u32 @p0 s4, $0x11  }
0x22: {  	s5 =	sor.u32 @p0 s6, s5  }
0x23: {  	[sflag:s5] =	ssyncadd.remote.s32 @p0 $0x1;
	_ =	sdelay $0x1  }
0x24: {  	s5 =	simm.s32 @p0 $0x1B8D  }
0x25: {  	_ =	swait.eq @p0 [sflag:s5], $0x1  }
0x26: {  	[sflag:s5] =	ssyncadd.s32 @p0 $0xFFFFFFFF  }
0x27: {  	s6 =	sshll.u32 @!p0 s1, $0xE  }
0x28: {  	s6 =	sor.u32 @!p0 $0x4000, s6;
	s5 =	simm.s32 @!p0 $0x1B8D  }
0x29: {  	s4 =	sshll.u32 @!p0 s4, $0x11;
	s6 =	sadd.s32 @!p0 $0x11B8D, s6;
	_ =	swait.eq @!p0 [sflag:s5], $0x1  }
0x2a: {  	s4 =	sor.u32 @!p0 s4, s6;
	[sflag:s5] =	ssyncadd.s32 @!p0 $0xFFFFFFFF  }
0x2b: {  	s26 =	simm.s32 $0x1B8E;
	s25 =	sld [smem:$0x3FFE];
	[sflag:s4] =	ssyncadd.remote.s32 @!p0 $0x1  }
0x2c: {  	s27 =	simm.s32 $execute0_lowered;
	[smem:$0x3FD2] =	sst s26  }
0x2d: {  	s5 =	sshll.u32 s27, $0x1;
	_ =	strace $0x8000004F;
	[dreg:$0x1] =	wrdreg $0xFFFFFFFF  }
0x2e: {  	s28 =	simm.s32 $_size_execute0_lowered;
	s3 =	sadd.s32 s3, s5;
	[dreg:$0x0] =	wrdreg $0x0  }
0x2f: {  	s5 =	sshll.u32 s28, $0x1;
	[dreg:$0x2] =	wrdreg s3  }
0x30: {  	[dreg:$0x3] =	wrdreg s5  }
0x31: {  	[dreg:$0x4] =	wrdreg $0xC0  }
0x32: {  	_ =	task [dreg:s23], $0x5FFFF  }
0x33: {  	[dreg:$0x1] =	wrdreg $0xFFFFFFFF  }
0x34: {  	[dreg:$0x0] =	wrdreg $0x60  }
0x35: {  	[dreg:$0x2] =	wrdreg s25  }
0x36: {  	[dreg:$0x3] =	wrdreg $0x9  }
0x37: {  	_ =	task.clear_ibuf [dreg:s23], $0x4FFFF;
	_ =	strace $0x9000004F  }
0x38: {  	s29 =	simm.s32 $0x9;
	_ =	strace $0x80000051  }
0x39: {  	_ =	swait.ge [sflag:s29], $0x1  }
0x3a: {  	[sflag:s29] =	ssyncadd.s32 $0xFFFFFFFF  }
0x3b: {  	_ =	strace $0x90000051  }
0x3c: {  	_ =	sfence  }
0x3d: {  	s30 =	sld [smem:$0x0];
	_ =	sdelay $0x2  }
0x3e: {  	s31 =	sshll.u32 s1, $0xD;
	s1 =	sshrl.u32 s1, $0x2  }
0x3f: {  	s4 =	sand.u32 $0x4000, s31;
	s1 =	sadd.s32 s1, s30  }
0x40: {  	s0 =	sor.u32 s4, s0;
	s1 =	sshll.u32 s1, $0x11  }
0x41: {  	s0 =	sor.u32 s1, s0  }
0x42: {  	s0 =	sadd.s32 $0x8F2B, s0  }
0x43: {  	[sflag:s0] =	ssyncadd.remote.s32 $0x1  }
0x44: {  	_ =	sfence.sel $0xFFFF  }
0x45: {  	[dreg:$0x0] =	wrdreg $0xFFFFFFFF;
	(pc) =	sbr.abs _section_cstart, $3  }
0x46: {  	[dreg:$0x1] =	wrdreg $0xFFFFFFFF  }
0x47: {  	_ =	task.clear_ibuf [dreg:s23], $0x2FFFF;
	_ =	strace $0x9FFFFFFF  }
0x48: {  	(tm) =	ssettm $0x7FFFFFFF  }
0x49: {  	_ =	shalt  }
tec
execute0_lowered:
.L_overlay_start_1:
0x0: {  	(tag) =	ssettag $0x1  }
0x1: {  	s2 =	stileid.u32  }
0x2: {  	s0 =	srdreg.scid;
	s29 =	rddreg [dreg:$0x0]  }
0x3: {  	_ =	strace $0x80000050;
	s30 =	simm.s32 $0x1;
	s31 =	simm.s32 $0x2  }
0x4: {  	s17 =	simm.s32 $0x0;
	s1 =	sshll.u32 s2, $0x9;
	s0 =	sshll.u32 s0, $0xD  }
0x5: {  	s15 =	simm.s32 $0x0;
	s16 =	simm.s32 $0x0;
	s0 =	sor.u32 s1, s0  }
0x6: {  	s8 =	sand.u32 $0x1, s2;
	s9 =	sadd.s32 $0x9C9400, s29;
	s7 =	sand.u32 $0x3C00, s0  }
0x7: {  	s3 =	ssub.s32 $0x2, s8;
	[dreg:$0x3] =	wrdreg s8;
	s0 =	ssub.s32 $0x190000, s7  }
0x8: {  	s1 =	sadd.s32 $0x5352200, s29;
	[dreg:$0x5] =	wrdreg s9;
	s4 =	sand.u32 $0x3C00, s0  }
0x9: {  	s5 =	sshrl.u32 s3, $0x1;
	p0 =	sne.s32 s4, $0x0;
	s4 =	simm.s32 $0x1  }
0xa: {  	s3 =	sand.u32 $0x1, s3;
	s0 =	sshrl.u32 s0, $0xE;
	s4 =	simm.s32 @!p0 $0x0  }
.Ltmp0:
0xb: {  	s3 =	sadd.s32 s3, s5;
	s0 =	sadd.s32 s4, s0;
	(pc) =	sbr.rel .LBB1_1-.Ltmp0, $4  }
0xc: {  	s11 =	simm.s32 $0x0;
	[dreg:$0x6] =	wrdreg s1;
	s5 =	smul.u32 s3, s0  }
0xd: {  	s13 =	simm.s32 $0x0;
	[sflag:s30] =	ssyncpa.u1 $0x0;
	[dreg:$0x2] =	wrdreg s7  }
0xe: {  	[sflag:s31] =	ssyncpa.u1 $0x0;
	s10 =	sadd.s32 $0x1, s5;
	[dreg:$0x4] =	wrdreg s5  }
0xf: {  	s12 =	smov.u32 s8;
	s14 =	smov.u32 s7;
	[dreg:$0x7] =	wrdreg s10  }
.LBB1_7:
0x10: {  	s0 =	sadd.s32 $0x4000, s14  }
0x11: {  	s1 =	sadd.s32 $0x10, s11;
	s2 =	smov.u32 s11;
	p1 =	sgt.s32 s0, $0x18FFFF  }
0x12: {  	s2 =	smov.u32 @p1 s1  }
0x13: {  	s3 =	sadd.s32 $0x2, s12;
	s4 =	smov.u32 s12;
	p2 =	sgt.s32 s2, $0xF  }
0x14: {  	s4 =	smov.u32 @p2 s3  }
0x15: {  	s0 =	smov.u32 @p1 s7;
	p1 =	sgt.s32 s4, $0x1  }
0x16: {  	p0 =	slt.u32 s13, $0x2;
	s4 =	smov.u32 @p1 s8;
	p1 =	sne.s32 s13, s10  }
.Ltmp1:
0x17: {  	s1 =	simm.s32 @!p0 $0x2;
	(pc) =	sbr.rel @!p1 .LBB1_8-.Ltmp1, $4  }
0x18: {  	s17 =	smov.u32 s14;
	_ =	swait.ge @!p0 [sflag:s1], $0x4000  }
0x19: {  	s15 =	smov.u32 s11;
	s16 =	smov.u32 s12;
	[sflag:s1] =	ssyncset.done @!p0 $0x0  }
0x1a: {  	s14 =	smov.u32 s0;
	s2 =	simm.s32 @p2 $0x0;
	[sflag:s1] =	ssyncadd.s32 @!p0 $0xFFFFC000  }
0x1b: {  	s11 =	smov.u32 s2;
	s13 =	sadd.s32 $0x1, s13;
	s12 =	smov.u32 s4  }
.LBB1_1:
0x1c: {  	p0 =	sge.u32 s13, s5  }
0x1d: {  	s0 =	sshrl.u32 @!p0 s11, $0x3  }
0x1e: {  	s1 =	sshll.u32 @!p0 s14, $0x3;
	s3 =	sshll.u32 @!p0 s11, $0x7;
	s0 =	smul.u32 @!p0 $0xC80000, s0  }
0x1f: {  	s4 =	sand.u32 @!p0 $0x7F, s14;
	s1 =	sand.u32 @!p0 $0xFFFFFC00, s1;
	s3 =	sand.u32 @!p0 $0x380, s3  }
0x20: {  	s0 =	sadd.s32 @!p0 s0, s1;
	s1 =	sor.u32 @!p0 s4, s3  }
0x21: {  	s1 =	sor.u32 @!p0 s0, s1  }
0x22: {  	s3 =	smulhi.u32 @!p0 $0x51EB851F, s1  }
0x23: {  	s0 =	smulhi.u32 @!p0 $0x51EB851F, s0  }
0x24: {  	s3 =	sshrl.u32 @!p0 s3, $0x13  }
0x25: {  	s31 =	sadd.s32 $0xFFFFFFFF, s13;
	s0 =	sshrl.u32 @!p0 s0, $0x13;
	s3 =	smul.u32 @!p0 $0x190000, s3  }
0x26: {  	s6 =	smul.u32 @!p0 $0x320000, s12;
	s4 =	sxor.u32 @!p0 $0xFFFFFFFF, s13;
	s0 =	sand.u32 @!p0 $0xF, s0  }
0x27: {  	s4 =	sshll.u32 @!p0 s4, $0xE;
	s0 =	smul.u32 @!p0 $0x32000, s0;
	s1 =	ssub.s32 @!p0 s1, s3  }
0x28: {  	s3 =	sand.u32 @!p0 $0x4000, s4;
	s4 =	sadd.s32 @!p0 s9, s6;
	s6 =	sand.u32 @!p0 $0x7, s1  }
0x29: {  	s1 =	sshrl.u32 @!p0 s1, $0x3;
	s0 =	sadd.s32 @!p0 s0, s4;
	s4 =	sshll.u32 @!p0 s6, $0x12  }
0x2a: {  	s0 =	sadd.s32 @!p0 s1, s0;
	s1 =	sor.u32 @!p0 $0x2000, s4;
	s4 =	simm.s32 @!p0 $0xC80000  }
0x2b: {  	[tilespmem:s3], [sflag:$0x1] =	stream.strided.gather @!p0 [hbm4b:s0+s1], $0x4000, s4, s1, $0x38;
	[tilespmem:$0x10800] =	vst v63  }
0x2c: {  	p0 =	sge.u32 s31, s5  }
.Ltmp2:
0x2d: {  	_ = 	snop;
	(pc) =	sbr.rel @p0 .LBB1_7-.Ltmp2, $1  }
0x2e: {  	_ =	sdelay $0x3  }
0x2f: {  	[dreg:$0xb] =	wrdreg s17  }
0x30: {  	[dreg:$0xa] =	wrdreg s16  }
0x31: {  	[dreg:$0x9] =	wrdreg s15;
	s0 =	sand.u32 $0x1, s13  }
0x32: {  	[dreg:$0x8] =	wrdreg s14;
	s2 =	simm.s32 $0x1;
	s1 =	smul.u32 $0x11000, s0  }
0x33: {  	_ =	swait.ge [sflag:s2], $0x4000  }
0x34: {  	s19 =	simm.s32 $0x0;
	[sflag:s2] =	ssyncset.done $0x0;
	s1 =	sshrl.u32 s1, $0x2  }
0x35: {  	s18 =	sshll.u32 s0, $0xE;
	[sflag:s2] =	ssyncadd.s32 $0xFFFFC000;
	s17 =	sor.u32 $0x8000, s1  }
.LBB1_3:
0x36: {  	s0 =	sshll.u32 s19, $0xA  }
0x37: {  	s1 =	sshll.u32 s19, $0x7;
	s0 =	sand.u32 $0x2000, s0  }
0x38: {  	s1 =	sand.u32 $0x380, s1;
	s0 =	sadd.s32 s0, s18  }
0x39: {  	s0 =	sadd.s32 s1, s0  }
0x3a: {  	s20 =	sadd.s32 s19, s17;
	p0 =	por $0x1, $0x1;
	s21 =	simm.s32 $0x0;
	v0 =	vmov s0  }
.LBB1_4:
0x3b: {  	s0 =	smul.u32 $0x44, s21;
	s1 =	sshll.u32 s21, $0x3;
	s4 =	sor.u32 $0x80, s21  }
0x3c: {  	s5 =	sor.u32 $0x90, s21;
	s8 =	sor.u32 $0xA0, s21;
	s16 =	sor.u32 $0xB0, s21  }
0x3d: {  	s30 =	sor.u32 $0xD0, s21;
	p1 =	por p0, p0;
	s2 =	smul.u32 $0x44, s4  }
0x3e: {  	s3 =	sand.u32 $0x3FFFFFF8, s1;
	s4 =	sshll.u32 s4, $0x3;
	s6 =	smul.u32 $0x44, s5  }
0x3f: {  	s7 =	sshll.u32 s5, $0x3;
	s14 =	smul.u32 $0x44, s8;
	s15 =	sshll.u32 s8, $0x3  }
0x40: {  	s26 =	smul.u32 $0x44, s16;
	s27 =	sshll.u32 s16, $0x3;
	s8 =	sor.u32 $0xC0, s21  }
0x41: {  	s0 =	sshra.s32 s0, $0x2;
	s9 =	sand.u32 $0x1400, s7;
	s7 =	sand.u32 $0x1400, s15  }
0x42: {  	s29 =	sshll.u32 s8, $0x3;
	s0 =	sadd.s32 s0, s17;
	s1 =	sshra.s32 s2, $0x2  }
0x43: {  	s10 =	sshra.s32 s6, $0x2;
	s25 =	sshra.s32 s14, $0x2;
	s28 =	sshra.s32 s26, $0x2  }
0x44: {  	s6 =	sand.u32 $0x1400, s29;
	s2 =	sshll.u32 s30, $0x3;
	s29 =	sor.u32 $0xE0, s21  }
0x45: {  	v1 =	vld.idx.msk [tilespmem:v0+s3+$0x0 ss:$0x1], $0xffff;
	s22 =	sadd.s32 s19, s0;
	s0 =	sand.u32 $0x3FFFFFF8, s4;
	s23 =	sadd.s32 s1, s20  }
0x46: {  	v2 =	vld.idx.msk [tilespmem:v0+s3+$0x10 ss:$0x1], $0xffff;
	s24 =	sadd.s32 s10, s20;
	s4 =	sand.u32 $0x1400, s27;
	s27 =	smul.u32 $0x44, s8  }
0x47: {  	v3 =	vld.idx.msk [tilespmem:v0+s3+$0x20 ss:$0x1], $0xffff;
	s26 =	sadd.s32 s28, s20;
	s28 =	smul.u32 $0x44, s30;
	s8 =	sand.u32 $0x1400, s2  }
0x48: {  	v4 =	vld.idx.msk [tilespmem:v0+s3+$0x30 ss:$0x1], $0xffff;
	s30 =	smul.u32 $0x44, s29;
	s10 =	sshll.u32 s29, $0x3;
	s2 =	sor.u32 $0x100, s21  }
0x49: {  	v5 =	vld.idx.msk [tilespmem:v0+s3+$0x40 ss:$0x1], $0xffff;
	s25 =	sadd.s32 s25, s20;
	s1 =	sand.u32 $0x1400, s10;
	s16 =	smul.u32 $0x44, s2  }
0x4a: {  	s2 =	sshll.u32 s2, $0x3;
	v54 =	vld.idx.msk [tilespmem:v0+s0+$0x0 ss:$0x1], $0xffff;
	s31 =	sshra.s32 s27, $0x2;
	s5 =	sshra.s32 s28, $0x2  }
0x4b: {  	s14 =	sshra.s32 s30, $0x2;
	s27 =	sadd.s32 s31, s20;
	s31 =	sor.u32 $0xF0, s21;
	[tilespmem:s22+$0x0 ss:$0x11] =	vst.msk $0xffff, v1;
	v1 =	vld.idx.msk [tilespmem:v0+s3+$0x50 ss:$0x1], $0xffff  }
0x4c: {  	s29 =	sadd.s32 s14, s20;
	s14 =	sor.u32 $0x120, s21;
	[tilespmem:s22+$0x110 ss:$0x11] =	vst.msk $0xffff, v2;
	v2 =	vld.idx.msk [tilespmem:v0+s3+$0x60 ss:$0x1], $0xffff;
	s15 =	smul.u32 $0x44, s31  }
0x4d: {  	s28 =	sadd.s32 s5, s20;
	[tilespmem:s22+$0x220 ss:$0x11] =	vst.msk $0xffff, v3;
	v3 =	vld.idx.msk [tilespmem:v0+s3+$0x70 ss:$0x1], $0xffff;
	s31 =	sshll.u32 s31, $0x3;
	s10 =	smul.u32 $0x44, s14  }
0x4e: {  	v57 =	vld.idx.msk [tilespmem:v0+s1+$0x60 ss:$0x1], $0xffff;
	s14 =	sshll.u32 s14, $0x3;
	s30 =	sshra.s32 s15, $0x2;
	s15 =	sor.u32 $0x110, s21  }
0x4f: {  	v56 =	vld.idx.msk [tilespmem:v0+s8+$0x50 ss:$0x1], $0xffff;
	[tilespmem:s22+$0x330 ss:$0x11] =	vst.msk $0xffff, v4;
	s5 =	sand.u32 $0x1400, s31;
	s31 =	sshra.s32 s16, $0x2;
	s16 =	smul.u32 $0x44, s15  }
0x50: {  	s2 =	sand.u32 $0x3FFFFFF8, s2;
	s14 =	sand.u32 $0x1800, s14;
	s31 =	sadd.s32 s31, s20;
	[tilespmem:s22+$0x550 ss:$0x11] =	vst.msk $0xffff, v1;
	v1 =	vld.idx.msk [tilespmem:v0+s7+$0x20 ss:$0x1], $0xffff  }
0x51: {  	s0 =	sshra.s32 s10, $0x2;
	s30 =	sadd.s32 s30, s20;
	[tilespmem:s22+$0x660 ss:$0x11] =	vst.msk $0xffff, v2;
	v2 =	vld.idx.msk [tilespmem:v0+s4+$0x30 ss:$0x1], $0xffff;
	s16 =	sshra.s32 s16, $0x2  }
0x52: {  	s15 =	sshll.u32 s15, $0x3;
	[tilespmem:s22+$0x770 ss:$0x11] =	vst.msk $0xffff, v3;
	v3 =	vld.idx.msk [tilespmem:v0+s6+$0x40 ss:$0x1], $0xffff;
	s3 =	sadd.s32 s16, s20;
	s16 =	sor.u32 $0x130, s21  }
0x53: {  	s0 =	sadd.s32 s0, s20;
	[tilespmem:s29+$0x0 ss:$0x11] =	vst.msk $0xffff, v57;
	s29 =	sor.u32 $0x190, s21;
	s10 =	smul.u32 $0x44, s16  }
0x54: {  	v55 =	vld.idx.msk [tilespmem:v0+s9+$0x10 ss:$0x1], $0xffff;
	[tilespmem:s28+$0x0 ss:$0x11] =	vst.msk $0xffff, v56;
	s15 =	sand.u32 $0x1800, s15;
	s9 =	sshll.u32 s16, $0x3;
	s16 =	sor.u32 $0x140, s21  }
0x55: {  	s7 =	sand.u32 $0x1800, s9;
	s9 =	sshra.s32 s10, $0x2;
	s10 =	smul.u32 $0x44, s16;
	[tilespmem:s25+$0x0 ss:$0x11] =	vst.msk $0xffff, v1  }
0x56: {  	[tilespmem:s26+$0x0 ss:$0x11] =	vst.msk $0xffff, v2;
	s26 =	sor.u32 $0x180, s21;
	s4 =	sadd.s32 s9, s20;
	s9 =	sshll.u32 s16, $0x3  }
0x57: {  	v1 =	vld.idx.msk [tilespmem:v0+s5+$0x70 ss:$0x1], $0xffff;
	[tilespmem:s27+$0x0 ss:$0x11] =	vst.msk $0xffff, v3;
	s16 =	sor.u32 $0x150, s21;
	s27 =	smul.u32 $0x44, s26;
	s28 =	sshll.u32 s26, $0x3  }
0x58: {  	[tilespmem:s22+$0x440 ss:$0x11] =	vst.msk $0xffff, v5;
	v2 =	vld.idx.msk [tilespmem:v0+s2+$0x0 ss:$0x1], $0xffff;
	s26 =	sor.u32 $0x1A0, s21;
	s22 =	sshra.s32 s10, $0x2;
	s10 =	smul.u32 $0x44, s16  }
0x59: {  	s6 =	sand.u32 $0x1800, s9;
	s16 =	sshll.u32 s16, $0x3;
	s8 =	sadd.s32 s22, s20  }
0x5a: {  	[tilespmem:s23+$0x0 ss:$0x11] =	vst.msk $0xffff, v54;
	v3 =	vld.idx.msk [tilespmem:v0+s15+$0x10 ss:$0x1], $0xffff;
	s22 =	sor.u32 $0x160, s21;
	s1 =	sand.u32 $0x1800, s16;
	s23 =	sshra.s32 s10, $0x2  }
0x5b: {  	[tilespmem:s24+$0x0 ss:$0x11] =	vst.msk $0xffff, v55;
	s24 =	smul.u32 $0x44, s22;
	s16 =	sshll.u32 s22, $0x3;
	s22 =	sor.u32 $0x170, s21  }
0x5c: {  	v58 =	vld.idx.msk [tilespmem:v0+s14+$0x20 ss:$0x1], $0xffff;
	s5 =	sadd.s32 s23, s20;
	s2 =	sand.u32 $0x1800, s16;
	s25 =	sshll.u32 s22, $0x3;
	[tilespmem:s30+$0x0 ss:$0x11] =	vst.msk $0xffff, v1  }
0x5d: {  	v59 =	vld.idx.msk [tilespmem:v0+s7+$0x30 ss:$0x1], $0xffff;
	[tilespmem:s31+$0x0 ss:$0x11] =	vst.msk $0xffff, v2;
	s30 =	sshll.u32 s26, $0x3;
	s31 =	sor.u32 $0x1B0, s21;
	s23 =	sshra.s32 s24, $0x2  }
0x5e: {  	v1 =	vld.idx.msk [tilespmem:v0+s6+$0x40 ss:$0x1], $0xffff;
	s24 =	smul.u32 $0x44, s22;
	s14 =	sand.u32 $0x1800, s25;
	s22 =	sand.u32 $0x3FFFFFF8, s28  }
0x5f: {  	v2 =	vld.idx.msk [tilespmem:v0+s1+$0x50 ss:$0x1], $0xffff;
	[tilespmem:s3+$0x0 ss:$0x11] =	vst.msk $0xffff, v3;
	s25 =	sshll.u32 s29, $0x3;
	s3 =	sand.u32 $0x1C00, s30;
	s15 =	sshll.u32 s31, $0x3  }
0x60: {  	v3 =	vld.idx.msk [tilespmem:v0+s2+$0x60 ss:$0x1], $0xffff;
	s9 =	sadd.s32 s23, s20;
	s23 =	sshra.s32 s27, $0x2;
	s27 =	sand.u32 $0x1C00, s25  }
0x61: {  	v60 =	vld.idx.msk [tilespmem:v0+s14+$0x70 ss:$0x1], $0xffff;
	s16 =	sand.u32 $0x1C00, s15;
	s10 =	sshra.s32 s24, $0x2;
	s24 =	smul.u32 $0x44, s29  }
0x62: {  	[tilespmem:s0+$0x0 ss:$0x11] =	vst.msk $0xffff, v58;
	v61 =	vld.idx.msk [tilespmem:v0+s22+$0x0 ss:$0x1], $0xffff;
	s22 =	sor.u32 $0x1C0, s21;
	s25 =	sor.u32 $0x1D0, s21;
	s29 =	smul.u32 $0x44, s26  }
0x63: {  	[tilespmem:s4+$0x0 ss:$0x11] =	vst.msk $0xffff, v59;
	s1 =	sadd.s32 s23, s20;
	s23 =	smul.u32 $0x44, s31;
	s31 =	sor.u32 $0x1F0, s21  }
0x64: {  	s7 =	sadd.s32 s10, s20;
	s28 =	sshra.s32 s24, $0x2;
	s10 =	sshra.s32 s29, $0x2;
	[tilespmem:s8+$0x0 ss:$0x11] =	vst.msk $0xffff, v1;
	v1 =	vld.idx.msk [tilespmem:v0+s27+$0x10 ss:$0x1], $0xffff  }
0x65: {  	[tilespmem:s5+$0x0 ss:$0x11] =	vst.msk $0xffff, v2;
	v2 =	vld.idx.msk [tilespmem:v0+s3+$0x20 ss:$0x1], $0xffff;
	s24 =	sshll.u32 s22, $0x3;
	s27 =	sshll.u32 s25, $0x3;
	s0 =	sadd.s32 s28, s20  }
0x66: {  	s2 =	sadd.s32 s10, s20;
	[tilespmem:s9+$0x0 ss:$0x11] =	vst.msk $0xffff, v3;
	v3 =	vld.idx.msk [tilespmem:v0+s16+$0x30 ss:$0x1], $0xffff;
	s26 =	sand.u32 $0x1C00, s24;
	s28 =	sor.u32 $0x1E0, s21  }
0x67: {  	s29 =	sand.u32 $0x1C00, s27;
	s10 =	smul.u32 $0x44, s22;
	[tilespmem:s7+$0x0 ss:$0x11] =	vst.msk $0xffff, v60;
	v62 =	vld.idx.msk [tilespmem:v0+s26+$0x40 ss:$0x1], $0xffff;
	s30 =	sshll.u32 s28, $0x3  }
0x68: {  	s15 =	sshll.u32 s31, $0x3;
	s21 =	smul.u32 $0x44, s25;
	[tilespmem:s1+$0x0 ss:$0x11] =	vst.msk $0xffff, v61;
	v63 =	vld.idx.msk [tilespmem:v0+s29+$0x50 ss:$0x1], $0xffff;
	s14 =	sand.u32 $0x1C00, s30  }
0x69: {  	s16 =	sshra.s32 s23, $0x2;
	s22 =	sand.u32 $0x1C00, s15;
	s23 =	smul.u32 $0x44, s28;
	[tilespmem:s0+$0x0 ss:$0x11] =	vst.msk $0xffff, v1;
	v1 =	vld.idx.msk [tilespmem:v0+s14+$0x60 ss:$0x1], $0xffff  }
0x6a: {  	s26 =	smul.u32 $0x44, s31;
	s1 =	sshra.s32 s10, $0x2;
	[tilespmem:s2+$0x0 ss:$0x11] =	vst.msk $0xffff, v2;
	v2 =	vld.idx.msk [tilespmem:v0+s22+$0x70 ss:$0x1], $0xffff;
	s0 =	sadd.s32 s16, s20  }
.Ltmp3:
0x6b: {  	s25 =	sshra.s32 s21, $0x2;
	s24 =	sadd.s32 s1, s20;
	[tilespmem:s0+$0x0 ss:$0x11] =	vst.msk $0xffff, v3;
	(pc) =	sbr.rel @p1 .LBB1_4-.Ltmp3, $4  }
0x6c: {  	s27 =	sadd.s32 s25, s20;
	s28 =	sshra.s32 s23, $0x2;
	[tilespmem:s24+$0x0 ss:$0x11] =	vst.msk $0xffff, v62  }
0x6d: {  	s30 =	sshra.s32 s26, $0x2;
	s29 =	sadd.s32 s28, s20;
	[tilespmem:s27+$0x0 ss:$0x11] =	vst.msk $0xffff, v63  }
0x6e: {  	s31 =	sadd.s32 s30, s20;
	[tilespmem:s29+$0x0 ss:$0x11] =	vst.msk $0xffff, v1  }
0x6f: {  	p0 =	por $0x0, $0x0;
	s21 =	simm.s32 $0x200;
	[tilespmem:s31+$0x0 ss:$0x11] =	vst.msk $0xffff, v2  }
0x70: {  	s19 =	sadd.s32 $0x1, s19  }
0x71: {  	p0 =	sne.s32 s19, $0x10  }
.Ltmp4:
0x72: {  	_ = 	snop;
	(pc) =	sbr.rel @p0 .LBB1_3-.Ltmp4, $1  }
0x73: {  	_ =	sdelay $0x3  }
0x74: {  	s0 =	rddreg [dreg:$0xb]  }
0x75: {  	s4 =	rddreg [dreg:$0x9]  }
0x76: {  	s0 =	sshll.u32 s0, $0x7;
	s1 =	sshll.u32 s4, $0x3  }
0x77: {  	s2 =	sand.u32 $0xFFFFFC00, s0;
	s1 =	sand.u32 $0xFFFFFC00, s1  }
0x78: {  	s26 =	rddreg [dreg:$0xa];
	s0 =	sand.u32 $0x380, s0;
	s1 =	sadd.s32 s1, s2  }
0x79: {  	s3 =	rddreg [dreg:$0x6];
	s0 =	sor.u32 s0, s1  }
0x7a: {  	s7 =	rddreg [dreg:$0x2];
	s0 =	sshrl.u32 s0, $0x7  }
0x7b: {  	s8 =	rddreg [dreg:$0x3];
	s25 =	smulhi.u32 $0x147AE15, s0  }
0x7c: {  	s5 =	rddreg [dreg:$0x4]  }
0x7d: {  	s9 =	rddreg [dreg:$0x5];
	s2 =	smul.u32 $0x1900000, s26;
	s1 =	sshrl.u32 s25, $0xD  }
0x7e: {  	s31 =	simm.s32 $0x80;
	s10 =	rddreg [dreg:$0x7];
	s1 =	smul.u32 $0x190000, s1  }
.Ltmp5:
0x7f: {  	s27 =	sshrl.u32 s4, $0x3;
	s28 =	sand.u32 $0x7, s4;
	(pc) =	sbr.rel .LBB1_7-.Ltmp5, $4  }
0x80: {  	s2 =	sadd.s32 s3, s2;
	s0 =	ssub.s32 s0, s1;
	s1 =	sand.u32 $0xF, s27  }
0x81: {  	s29 =	sshll.u32 s28, $0x12;
	s0 =	sshll.u32 s0, $0x4;
	s1 =	sadd.s32 s1, s2  }
0x82: {  	s14 =	rddreg [dreg:$0x8];
	s30 =	sor.u32 $0x10, s29;
	s0 =	sadd.s32 s0, s1  }
0x83: {  	[hbm4b:s0+s30] =	stream.strided.scatter [tilespmem:s17], [sflag:$0x2], $0x4000, s31, s30, $0x8;
	[tilespmem:$0x10800] =	vst v63  }
.LBB1_8:
0x84: {  	_ =	sfence.sel $0x180000  }
0x85: {  	s0 =	simm.s32 $0x1;
	[bflag:$0x0] =	sbarrier.arrive $0xFFFF  }
0x86: {  	s30 =	simm.s32 $0x2;
	[sflag:s0] =	ssyncpa.u1 $0x1  }
0x87: {  	[sflag:s30] =	ssyncpa.u1 $0x1  }
0x88: {  	_ =	strace $0x90000050  }
0x89: {  	s31 =	stileid.u32;
	[bflag:$0x2] =	sbarrier.arrive $0xFFFF  }
0x8a: {  	p0 =	sne.s32 s31, $0x0;
	s0 =	rddreg [dreg:$0x1]  }
0x8b: {  	s0 =	sadd.s32 @!p0 $0x100000, s0  }
0x8c: {  	[sflag:s0] =	ssyncadd.tile.s32 @!p0 $0x1;
	_ =	shalt  }
.Lfunc_end1:
_tile_overlayer_lowered:
.L_overlay_start_2:
0x8d: {  	(tag) =	ssettag $0x2  }
0x8e: {  	s0 =	rddreg [dreg:$0x0];
	s2 =	stileid.u32  }
0x8f: {  	s1 =	rddreg [dreg:$0x1];
	p0 =	sne.s32 s2, $0x0  }
0x90: {  	s3 =	rddreg [dreg:$0x2];
	[bflag:$0x3] =	sbarrier.arrive $0xFFFF;
	s2 =	simm.s32 @!p0 $0x1C01  }
0x91: {  	[timem:s3], [sflag:s2] =	dma.local @!p0 [hbm:s0], s1  }
0x92: {  	s0 =	simm.s32 @!p0 $0x1  }
0x93: {  	_ =	swait.ge @!p0 [sflag:s0], s1  }
0x94: {  	s1 =	ssub.s32 @!p0 $0x0, s1;
	[sflag:s0] =	ssyncset.done @!p0 $0x0  }
0x95: {  	[sflag:s0] =	ssyncadd.s32 @!p0 s1  }
0x96: {  	[bflag:$0x3] =	sbarrier.arrive $0xFFFF  }
0x97: {  	_ =	shalt  }

</sc_bundles>
